<compile_context>
chip_gen: v7x
topology: tpu7x:2x2x1
jax: 0.10.2.dev20260603
libtpu: 0.0.44.dev20260713+nightly
codegen_flags: <defaults>
</compile_context>

<pallas_src>
import jax
import jax.numpy as jnp
from jax import lax
from jax.experimental import pallas as pl
from jax.experimental.pallas import tpu as pltpu
from jax.experimental.pallas import tpu_sc as plsc

_NC = 2
_NS = 16
_NW = _NC * _NS

_DIM = 64
_LANE = 16
_NBUF = 4


def _make_emb(S: int, B: int, V: int):
    BB = B // _NW
    assert BB * _NW == B and BB == 128 and _DIM == 64 and S % _NBUF == 0

    mesh = plsc.VectorSubcoreMesh(core_axis_name="c", subcore_axis_name="s")

    def body(ids_hbm, w2_hbm, out_hbm, ids_v, *rest):
        jdx = rest[0:_NBUF]
        rows = rest[_NBUF:2 * _NBUF]
        obuf = rest[2 * _NBUF:3 * _NBUF]
        sg = rest[3 * _NBUF:4 * _NBUF]
        so = rest[4 * _NBUF:5 * _NBUF]

        wid = lax.axis_index("s") * _NC + lax.axis_index("c")
        b0 = wid * BB
        iota = lax.iota(jnp.int32, _LANE)

        pltpu.sync_copy(ids_hbm.at[:, pl.ds(b0, BB)], ids_v)

        def prep(s, jb):
            @pl.loop(0, BB // _LANE, unroll=True)
            def _jprep(k):
                iv = ids_v[s, pl.ds(k * _LANE, _LANE)]
                jb[pl.ds(k * _LANE, _LANE)] = lax.shift_right_logical(iv, 1)

        def transpose(s, rb, ob):
            zero = iota * 0
            bases = []
            for k in range(BB // _LANE):
                iv = ids_v[s, pl.ds(k * _LANE, _LANE)]
                bases.append((iota + k * _LANE) * 128 + (iv & 1) * _DIM)

            rowv = [iota + k * _LANE for k in range(BB // _LANE)]

            @plsc.parallel_loop(0, _DIM, unroll=2)
            def _dcol(c):
                for k in range(BB // _LANE):
                    dv = (rowv[k] + c) & (_DIM - 1)
                    vals = plsc.load_gather(rb, [zero, bases[k] + dv])
                    plsc.store_scatter(ob, [dv, rowv[k]], vals)

        _NSPLIT = 4
        _CH = BB // _NSPLIT

        def fire_gather(jb, rb, sem):
            for q in range(_NSPLIT):
                pltpu.async_copy(
                    w2_hbm.at[jb.at[pl.ds(q * _CH, _CH)]],
                    rb.at[pl.ds(q * _CH, _CH), :], sem)

        def wait_gather(jb, rb, sem):
            for q in range(_NSPLIT):
                pltpu.make_async_copy(
                    w2_hbm.at[jb.at[pl.ds(q * _CH, _CH)]],
                    rb.at[pl.ds(q * _CH, _CH), :], sem).wait()

        for p in range(_NBUF):
            prep(p, jdx[p])
            fire_gather(jdx[p], rows[p], sg[p])

        @pl.loop(0, S, step=_NBUF)
        def _outer(s0):
            for b in range(_NBUF):
                s = s0 + b

                wait_gather(jdx[b], rows[b], sg[b])

                @pl.when(s >= _NBUF)
                def _():
                    pltpu.make_async_copy(
                        obuf[b], out_hbm.at[s - _NBUF, :, pl.ds(b0, BB)], so[b]
                    ).wait()

                transpose(s, rows[b], obuf[b])
                pltpu.async_copy(
                    obuf[b], out_hbm.at[s, :, pl.ds(b0, BB)], so[b]
                )

                nxt = s + _NBUF

                @pl.when(nxt < S)
                def _():
                    prep(nxt, jdx[b])
                    fire_gather(jdx[b], rows[b], sg[b])

        for b in range(_NBUF):
            pltpu.make_async_copy(
                obuf[b], out_hbm.at[S - _NBUF + b, :, pl.ds(b0, BB)], so[b]
            ).wait()

    return pl.kernel(
        body,
        out_type=jax.ShapeDtypeStruct((S, _DIM, B), jnp.float32),
        mesh=mesh,
        compiler_params=pltpu.CompilerParams(
            use_tc_tiling_on_sc=True, needs_layout_passes=False
        ),
        scratch_types=(
            [pltpu.VMEM((S, BB), jnp.int32)]
            + [pltpu.VMEM((BB,), jnp.int32) for _ in range(_NBUF)]
            + [pltpu.VMEM((BB, 128), jnp.float32) for _ in range(_NBUF)]
            + [pltpu.VMEM((_DIM, BB), jnp.float32) for _ in range(_NBUF)]
            + [pltpu.SemaphoreType.DMA for _ in range(2 * _NBUF)]
        ),
    )


def kernel(token_ids, weight):
    B, S = token_ids.shape
    V, D = weight.shape
    ids_t = jnp.transpose(token_ids).astype(jnp.int32)
    w2 = weight.reshape(V // 2, 2 * D)
    out_p = _make_emb(S, B, V)(ids_t, w2)
    return jnp.transpose(out_p, (2, 0, 1))

# --- scband reference (transcript-rebuilt; emitter-appended) ---
"""Pipeline reference for scband-embedding-61314953117793 (READ-ONLY COPY).

The authoritative reference and input builder live on the scoring server;
editing this copy changes nothing except your own understanding.
"""

import jax, jax.numpy as jnp
import numpy as np

NUM_EMBEDDINGS = 1000000
EMBEDDING_DIM = 64

def setup_inputs(seed: int = 0) -> dict:
    key = jax.random.key(seed)
    k_idx, k_w = jax.random.split(key)
    token_ids = jax.random.randint(k_idx, (4096, 200), 0, NUM_EMBEDDINGS, dtype=jnp.int64) if jax.config.jax_enable_x64 else jax.random.randint(k_idx, (4096, 200), 0, NUM_EMBEDDINGS, dtype=jnp.int32)
    # trunc_normal_ init approximated by truncated normal in [-2, 2]
    weight = jax.random.truncated_normal(k_w, -2.0, 2.0, (NUM_EMBEDDINGS, EMBEDDING_DIM), dtype=jnp.float32)
    return {"token_ids": token_ids, "weight": weight}

def reference(token_ids, weight):
    # Embedding lookup: weight[token_ids] -> shape (..., embedding_dim)
    return jnp.take(weight, token_ids, axis=0)

if __name__ == "__main__":
    import jax
    _d = setup_inputs()
    print(jax.jit(kernel)(*tuple(_d.values())))

</pallas_src>

<mosaic_0001>
#map = affine_map<(d0, d1) -> (0, 0)>
#map1 = affine_map<(d0, d1) -> (0, 0, 0)>
module attributes {stable_mosaic.version = 14 : i64} {
  func.func @body(%arg0: i32, %arg1: i32, %arg2: memref<200x4096xi32, #tpu.memory_space<hbm>>, %arg3: memref<500000x128xf32, #tpu.memory_space<hbm>>, %arg4: memref<200x64x4096xf32, #tpu.memory_space<hbm>>, %arg5: memref<200x128xi32, #tpu.memory_space<vmem>>, %arg6: memref<128xi32, #tpu.memory_space<vmem>>, %arg7: memref<128xi32, #tpu.memory_space<vmem>>, %arg8: memref<128xi32, #tpu.memory_space<vmem>>, %arg9: memref<128xi32, #tpu.memory_space<vmem>>, %arg10: memref<128x128xf32, #tpu.memory_space<vmem>>, %arg11: memref<128x128xf32, #tpu.memory_space<vmem>>, %arg12: memref<128x128xf32, #tpu.memory_space<vmem>>, %arg13: memref<128x128xf32, #tpu.memory_space<vmem>>, %arg14: memref<64x128xf32, #tpu.memory_space<vmem>>, %arg15: memref<64x128xf32, #tpu.memory_space<vmem>>, %arg16: memref<64x128xf32, #tpu.memory_space<vmem>>, %arg17: memref<64x128xf32, #tpu.memory_space<vmem>>, %arg18: memref<!tpu.dma_semaphore, #tpu.memory_space<semaphore_mem>>, %arg19: memref<!tpu.dma_semaphore, #tpu.memory_space<semaphore_mem>>, %arg20: memref<!tpu.dma_semaphore, #tpu.memory_space<semaphore_mem>>, %arg21: memref<!tpu.dma_semaphore, #tpu.memory_space<semaphore_mem>>, %arg22: memref<!tpu.dma_semaphore, #tpu.memory_space<semaphore_mem>>, %arg23: memref<!tpu.dma_semaphore, #tpu.memory_space<semaphore_mem>>, %arg24: memref<!tpu.dma_semaphore, #tpu.memory_space<semaphore_mem>>, %arg25: memref<!tpu.dma_semaphore, #tpu.memory_space<semaphore_mem>>) attributes {dimension_semantics = [#tpu.dimension_semantics<core_parallel>, #tpu.dimension_semantics<subcore_parallel>], iteration_bounds = array<i64: 2, 16>, scalar_prefetch = 0 : i64, scratch_operands = 21 : i64, tpu.core_type = #tpu.core_type<sc_vector_subcore>, window_params = [{transform_indices = #map}, {transform_indices = #map}, {transform_indices = #map1}]} {
    %mul3A = arith.constant 2 : i32
    %mul3A_0 = arith.muli %arg1, %mul3A : i32
    %add3A = arith.addi %mul3A_0, %arg0 : i32
    %mul3A_1 = arith.constant 128 : i32
    %mul3A_2 = arith.muli %add3A, %mul3A_1 : i32
    %iota3A = tpu.iota {dimensions = array<i32: 0>} : vector<16xi32>
    "tpu.region"() ({
      %run_scoped3A = tpu.sem_alloc : memref<!tpu.dma_semaphore, #tpu.memory_space<semaphore_mem>>
      %dma_start3A_738 = arith.constant 0 : i32
      %dma_start3A_739 = tpu.memref_slice %arg2[%dma_start3A_738, %mul3A_2] : memref<200x4096xi32, #tpu.memory_space<hbm>> -> memref<200x128xi32, #tpu.memory_space<hbm>>
      %dma_start3A_740 = arith.constant 0 : i32
      %dma_start3A_741 = tpu.memref_slice %arg2[%dma_start3A_740, %mul3A_2] : memref<200x4096xi32, #tpu.memory_space<hbm>> -> memref<200x128xi32, #tpu.memory_space<hbm>>
      tpu.enqueue_dma source(%dma_start3A_741 : memref<200x128xi32, #tpu.memory_space<hbm>>) target(%arg5 : memref<200x128xi32, #tpu.memory_space<vmem>>) target_semaphore(%run_scoped3A : memref<!tpu.dma_semaphore, #tpu.memory_space<semaphore_mem>>)
      %dma_wait3A_742 = arith.constant 0 : i32
      %dma_wait3A_743 = tpu.memref_slice %arg2[%dma_wait3A_742, %mul3A_2] : memref<200x4096xi32, #tpu.memory_space<hbm>> -> memref<200x128xi32, #tpu.memory_space<hbm>>
      %dma_wait3A_744 = arith.constant 0 : i32
      %dma_wait3A_745 = tpu.memref_slice %arg2[%dma_wait3A_744, %mul3A_2] : memref<200x4096xi32, #tpu.memory_space<hbm>> -> memref<200x128xi32, #tpu.memory_space<hbm>>
      tpu.wait_dma2 semaphore(%run_scoped3A : memref<!tpu.dma_semaphore, #tpu.memory_space<semaphore_mem>>) src(%dma_wait3A_745 : memref<200x128xi32, #tpu.memory_space<hbm>>) dst(%arg5 : memref<200x128xi32, #tpu.memory_space<vmem>>)
      tpu.yield
    }) : () -> ()
    %scan3A = arith.constant 0 : i32
    %mul3A_3 = arith.constant 1 : i32
    %mul3A_4 = arith.muli %scan3A, %mul3A_3 : i32
    %add3A_5 = arith.constant 0 : i32
    %add3A_6 = arith.addi %add3A_5, %mul3A_4 : i32
    %mul3A_7 = arith.constant 16 : i32
    %mul3A_8 = arith.muli %add3A_6, %mul3A_7 : i32
    %get3A = arith.constant 0 : i32
    %get3A_9 = arith.index_cast %get3A : i32 to index
    %get3A_10 = arith.index_cast %mul3A_8 : i32 to index
    %get3A_11 = tpu.vector_load %arg5[%get3A_9, %get3A_10] {strides = array<i32>} : memref<200x128xi32, #tpu.memory_space<vmem>>, vector<16xi32>,
    %shift_right_logical3A = arith.constant 1 : i32
    %shift_right_logical3A_12 = vector.broadcast %shift_right_logical3A : i32 to vector<16xi32>
    %shift_right_logical3A_13 = arith.shrui %get3A_11, %shift_right_logical3A_12 : vector<16xi32>
    %mul3A_14 = arith.constant 16 : i32
    %mul3A_15 = arith.muli %add3A_6, %mul3A_14 : i32
    %swap3A = arith.index_cast %mul3A_15 : i32 to index
    %swap3A_16 = tpu.vector_load %arg6[%swap3A] {strides = array<i32>} : memref<128xi32, #tpu.memory_space<vmem>>, vector<16xi32>,
    tpu.vector_store %arg6[%swap3A], %shift_right_logical3A_13 {strides = array<i32>} : memref<128xi32, #tpu.memory_space<vmem>>, vector<16xi32>,
    %scan3A_17 = arith.constant 1 : i32
    %mul3A_18 = arith.constant 1 : i32
    %mul3A_19 = arith.muli %scan3A_17, %mul3A_18 : i32
    %add3A_20 = arith.constant 0 : i32
    %add3A_21 = arith.addi %add3A_20, %mul3A_19 : i32
    %mul3A_22 = arith.constant 16 : i32
    %mul3A_23 = arith.muli %add3A_21, %mul3A_22 : i32
    %get3A_24 = arith.constant 0 : i32
    %get3A_25 = arith.index_cast %get3A_24 : i32 to index
    %get3A_26 = arith.index_cast %mul3A_23 : i32 to index
    %get3A_27 = tpu.vector_load %arg5[%get3A_25, %get3A_26] {strides = array<i32>} : memref<200x128xi32, #tpu.memory_space<vmem>>, vector<16xi32>,
    %shift_right_logical3A_28 = arith.constant 1 : i32
    %shift_right_logical3A_29 = vector.broadcast %shift_right_logical3A_28 : i32 to vector<16xi32>
    %shift_right_logical3A_30 = arith.shrui %get3A_27, %shift_right_logical3A_29 : vector<16xi32>
    %mul3A_31 = arith.constant 16 : i32
    %mul3A_32 = arith.muli %add3A_21, %mul3A_31 : i32
    %swap3A_33 = arith.index_cast %mul3A_32 : i32 to index
    %swap3A_34 = tpu.vector_load %arg6[%swap3A_33] {strides = array<i32>} : memref<128xi32, #tpu.memory_space<vmem>>, vector<16xi32>,
    tpu.vector_store %arg6[%swap3A_33], %shift_right_logical3A_30 {strides = array<i32>} : memref<128xi32, #tpu.memory_space<vmem>>, vector<16xi32>,
    %scan3A_35 = arith.constant 2 : i32
    %mul3A_36 = arith.constant 1 : i32
    %mul3A_37 = arith.muli %scan3A_35, %mul3A_36 : i32
    %add3A_38 = arith.constant 0 : i32
    %add3A_39 = arith.addi %add3A_38, %mul3A_37 : i32
    %mul3A_40 = arith.constant 16 : i32
    %mul3A_41 = arith.muli %add3A_39, %mul3A_40 : i32
    %get3A_42 = arith.constant 0 : i32
    %get3A_43 = arith.index_cast %get3A_42 : i32 to index
    %get3A_44 = arith.index_cast %mul3A_41 : i32 to index
    %get3A_45 = tpu.vector_load %arg5[%get3A_43, %get3A_44] {strides = array<i32>} : memref<200x128xi32, #tpu.memory_space<vmem>>, vector<16xi32>,
    %shift_right_logical3A_46 = arith.constant 1 : i32
    %shift_right_logical3A_47 = vector.broadcast %shift_right_logical3A_46 : i32 to vector<16xi32>
    %shift_right_logical3A_48 = arith.shrui %get3A_45, %shift_right_logical3A_47 : vector<16xi32>
    %mul3A_49 = arith.constant 16 : i32
    %mul3A_50 = arith.muli %add3A_39, %mul3A_49 : i32
    %swap3A_51 = arith.index_cast %mul3A_50 : i32 to index
    %swap3A_52 = tpu.vector_load %arg6[%swap3A_51] {strides = array<i32>} : memref<128xi32, #tpu.memory_space<vmem>>, vector<16xi32>,
    tpu.vector_store %arg6[%swap3A_51], %shift_right_logical3A_48 {strides = array<i32>} : memref<128xi32, #tpu.memory_space<vmem>>, vector<16xi32>,
    %scan3A_53 = arith.constant 3 : i32
    %mul3A_54 = arith.constant 1 : i32
    %mul3A_55 = arith.muli %scan3A_53, %mul3A_54 : i32
    %add3A_56 = arith.constant 0 : i32
    %add3A_57 = arith.addi %add3A_56, %mul3A_55 : i32
    %mul3A_58 = arith.constant 16 : i32
    %mul3A_59 = arith.muli %add3A_57, %mul3A_58 : i32
    %get3A_60 = arith.constant 0 : i32
    %get3A_61 = arith.index_cast %get3A_60 : i32 to index
    %get3A_62 = arith.index_cast %mul3A_59 : i32 to index
    %get3A_63 = tpu.vector_load %arg5[%get3A_61, %get3A_62] {strides = array<i32>} : memref<200x128xi32, #tpu.memory_space<vmem>>, vector<16xi32>,
    %shift_right_logical3A_64 = arith.constant 1 : i32
    %shift_right_logical3A_65 = vector.broadcast %shift_right_logical3A_64 : i32 to vector<16xi32>
    %shift_right_logical3A_66 = arith.shrui %get3A_63, %shift_right_logical3A_65 : vector<16xi32>
    %mul3A_67 = arith.constant 16 : i32
    %mul3A_68 = arith.muli %add3A_57, %mul3A_67 : i32
    %swap3A_69 = arith.index_cast %mul3A_68 : i32 to index
    %swap3A_70 = tpu.vector_load %arg6[%swap3A_69] {strides = array<i32>} : memref<128xi32, #tpu.memory_space<vmem>>, vector<16xi32>,
    tpu.vector_store %arg6[%swap3A_69], %shift_right_logical3A_66 {strides = array<i32>} : memref<128xi32, #tpu.memory_space<vmem>>, vector<16xi32>,
    %scan3A_71 = arith.constant 4 : i32
    %mul3A_72 = arith.constant 1 : i32
    %mul3A_73 = arith.muli %scan3A_71, %mul3A_72 : i32
    %add3A_74 = arith.constant 0 : i32
    %add3A_75 = arith.addi %add3A_74, %mul3A_73 : i32
    %mul3A_76 = arith.constant 16 : i32
    %mul3A_77 = arith.muli %add3A_75, %mul3A_76 : i32
    %get3A_78 = arith.constant 0 : i32
    %get3A_79 = arith.index_cast %get3A_78 : i32 to index
    %get3A_80 = arith.index_cast %mul3A_77 : i32 to index
    %get3A_81 = tpu.vector_load %arg5[%get3A_79, %get3A_80] {strides = array<i32>} : memref<200x128xi32, #tpu.memory_space<vmem>>, vector<16xi32>,
    %shift_right_logical3A_82 = arith.constant 1 : i32
    %shift_right_logical3A_83 = vector.broadcast %shift_right_logical3A_82 : i32 to vector<16xi32>
    %shift_right_logical3A_84 = arith.shrui %get3A_81, %shift_right_logical3A_83 : vector<16xi32>
    %mul3A_85 = arith.constant 16 : i32
    %mul3A_86 = arith.muli %add3A_75, %mul3A_85 : i32
    %swap3A_87 = arith.index_cast %mul3A_86 : i32 to index
    %swap3A_88 = tpu.vector_load %arg6[%swap3A_87] {strides = array<i32>} : memref<128xi32, #tpu.memory_space<vmem>>, vector<16xi32>,
    tpu.vector_store %arg6[%swap3A_87], %shift_right_logical3A_84 {strides = array<i32>} : memref<128xi32, #tpu.memory_space<vmem>>, vector<16xi32>,
    %scan3A_89 = arith.constant 5 : i32
    %mul3A_90 = arith.constant 1 : i32
    %mul3A_91 = arith.muli %scan3A_89, %mul3A_90 : i32
    %add3A_92 = arith.constant 0 : i32
    %add3A_93 = arith.addi %add3A_92, %mul3A_91 : i32
    %mul3A_94 = arith.constant 16 : i32
    %mul3A_95 = arith.muli %add3A_93, %mul3A_94 : i32
    %get3A_96 = arith.constant 0 : i32
    %get3A_97 = arith.index_cast %get3A_96 : i32 to index
    %get3A_98 = arith.index_cast %mul3A_95 : i32 to index
    %get3A_99 = tpu.vector_load %arg5[%get3A_97, %get3A_98] {strides = array<i32>} : memref<200x128xi32, #tpu.memory_space<vmem>>, vector<16xi32>,
    %shift_right_logical3A_100 = arith.constant 1 : i32
    %shift_right_logical3A_101 = vector.broadcast %shift_right_logical3A_100 : i32 to vector<16xi32>
    %shift_right_logical3A_102 = arith.shrui %get3A_99, %shift_right_logical3A_101 : vector<16xi32>
    %mul3A_103 = arith.constant 16 : i32
    %mul3A_104 = arith.muli %add3A_93, %mul3A_103 : i32
    %swap3A_105 = arith.index_cast %mul3A_104 : i32 to index
    %swap3A_106 = tpu.vector_load %arg6[%swap3A_105] {strides = array<i32>} : memref<128xi32, #tpu.memory_space<vmem>>, vector<16xi32>,
    tpu.vector_store %arg6[%swap3A_105], %shift_right_logical3A_102 {strides = array<i32>} : memref<128xi32, #tpu.memory_space<vmem>>, vector<16xi32>,
    %scan3A_107 = arith.constant 6 : i32
    %mul3A_108 = arith.constant 1 : i32
    %mul3A_109 = arith.muli %scan3A_107, %mul3A_108 : i32
    %add3A_110 = arith.constant 0 : i32
    %add3A_111 = arith.addi %add3A_110, %mul3A_109 : i32
    %mul3A_112 = arith.constant 16 : i32
    %mul3A_113 = arith.muli %add3A_111, %mul3A_112 : i32
    %get3A_114 = arith.constant 0 : i32
    %get3A_115 = arith.index_cast %get3A_114 : i32 to index
    %get3A_116 = arith.index_cast %mul3A_113 : i32 to index
    %get3A_117 = tpu.vector_load %arg5[%get3A_115, %get3A_116] {strides = array<i32>} : memref<200x128xi32, #tpu.memory_space<vmem>>, vector<16xi32>,
    %shift_right_logical3A_118 = arith.constant 1 : i32
    %shift_right_logical3A_119 = vector.broadcast %shift_right_logical3A_118 : i32 to vector<16xi32>
    %shift_right_logical3A_120 = arith.shrui %get3A_117, %shift_right_logical3A_119 : vector<16xi32>
    %mul3A_121 = arith.constant 16 : i32
    %mul3A_122 = arith.muli %add3A_111, %mul3A_121 : i32
    %swap3A_123 = arith.index_cast %mul3A_122 : i32 to index
    %swap3A_124 = tpu.vector_load %arg6[%swap3A_123] {strides = array<i32>} : memref<128xi32, #tpu.memory_space<vmem>>, vector<16xi32>,
    tpu.vector_store %arg6[%swap3A_123], %shift_right_logical3A_120 {strides = array<i32>} : memref<128xi32, #tpu.memory_space<vmem>>, vector<16xi32>,
    %scan3A_125 = arith.constant 7 : i32
    %mul3A_126 = arith.constant 1 : i32
    %mul3A_127 = arith.muli %scan3A_125, %mul3A_126 : i32
    %add3A_128 = arith.constant 0 : i32
    %add3A_129 = arith.addi %add3A_128, %mul3A_127 : i32
    %mul3A_130 = arith.constant 16 : i32
    %mul3A_131 = arith.muli %add3A_129, %mul3A_130 : i32
    %get3A_132 = arith.constant 0 : i32
    %get3A_133 = arith.index_cast %get3A_132 : i32 to index
    %get3A_134 = arith.index_cast %mul3A_131 : i32 to index
    %get3A_135 = tpu.vector_load %arg5[%get3A_133, %get3A_134] {strides = array<i32>} : memref<200x128xi32, #tpu.memory_space<vmem>>, vector<16xi32>,
    %shift_right_logical3A_136 = arith.constant 1 : i32
    %shift_right_logical3A_137 = vector.broadcast %shift_right_logical3A_136 : i32 to vector<16xi32>
    %shift_right_logical3A_138 = arith.shrui %get3A_135, %shift_right_logical3A_137 : vector<16xi32>
    %mul3A_139 = arith.constant 16 : i32
    %mul3A_140 = arith.muli %add3A_129, %mul3A_139 : i32
    %swap3A_141 = arith.index_cast %mul3A_140 : i32 to index
    %swap3A_142 = tpu.vector_load %arg6[%swap3A_141] {strides = array<i32>} : memref<128xi32, #tpu.memory_space<vmem>>, vector<16xi32>,
    tpu.vector_store %arg6[%swap3A_141], %shift_right_logical3A_138 {strides = array<i32>} : memref<128xi32, #tpu.memory_space<vmem>>, vector<16xi32>,
    %scan3A_143 = arith.constant 8 : i32
    %dma_start3A = arith.constant 0 : i32
    %dma_start3A_144 = arith.constant 0 : i32
    %dma_start3A_145 = tpu.memref_slice %arg10[%dma_start3A, %dma_start3A_144] : memref<128x128xf32, #tpu.memory_space<vmem>> -> memref<32x128xf32, #tpu.memory_space<vmem>>
    %dma_start3A_146 = arith.constant 0 : i32
    %dma_start3A_147 = tpu.memref_slice %arg6[%dma_start3A_146] : memref<128xi32, #tpu.memory_space<vmem>> -> memref<32xi32, #tpu.memory_space<vmem>>
    %dma_start3A_148 = arith.constant 0 : i32
    %dma_start3A_149 = arith.constant 0 : i32
    %dma_start3A_150 = tpu.memref_slice %arg3[%dma_start3A_148, %dma_start3A_149] : memref<500000x128xf32, #tpu.memory_space<hbm>> -> memref<500000x128xf32, #tpu.memory_space<hbm>>
    tpu.enqueue_indirect_dma source(%dma_start3A_150 : memref<500000x128xf32, #tpu.memory_space<hbm>>) target(%dma_start3A_145 : memref<32x128xf32, #tpu.memory_space<vmem>>) offsets(%dma_start3A_147 : memref<32xi32, #tpu.memory_space<vmem>>) semaphore(%arg18 : memref<!tpu.dma_semaphore, #tpu.memory_space<semaphore_mem>>)
    %dma_start3A_151 = arith.constant 32 : i32
    %dma_start3A_152 = arith.constant 0 : i32
    %dma_start3A_153 = tpu.memref_slice %arg10[%dma_start3A_151, %dma_start3A_152] : memref<128x128xf32, #tpu.memory_space<vmem>> -> memref<32x128xf32, #tpu.memory_space<vmem>>
    %dma_start3A_154 = arith.constant 32 : i32
    %dma_start3A_155 = tpu.memref_slice %arg6[%dma_start3A_154] : memref<128xi32, #tpu.memory_space<vmem>> -> memref<32xi32, #tpu.memory_space<vmem>>
    %dma_start3A_156 = arith.constant 0 : i32
    %dma_start3A_157 = arith.constant 0 : i32
    %dma_start3A_158 = tpu.memref_slice %arg3[%dma_start3A_156, %dma_start3A_157] : memref<500000x128xf32, #tpu.memory_space<hbm>> -> memref<500000x128xf32, #tpu.memory_space<hbm>>
    tpu.enqueue_indirect_dma source(%dma_start3A_158 : memref<500000x128xf32, #tpu.memory_space<hbm>>) target(%dma_start3A_153 : memref<32x128xf32, #tpu.memory_space<vmem>>) offsets(%dma_start3A_155 : memref<32xi32, #tpu.memory_space<vmem>>) semaphore(%arg18 : memref<!tpu.dma_semaphore, #tpu.memory_space<semaphore_mem>>)
    %dma_start3A_159 = arith.constant 64 : i32
    %dma_start3A_160 = arith.constant 0 : i32
    %dma_start3A_161 = tpu.memref_slice %arg10[%dma_start3A_159, %dma_start3A_160] : memref<128x128xf32, #tpu.memory_space<vmem>> -> memref<32x128xf32, #tpu.memory_space<vmem>>
    %dma_start3A_162 = arith.constant 64 : i32
    %dma_start3A_163 = tpu.memref_slice %arg6[%dma_start3A_162] : memref<128xi32, #tpu.memory_space<vmem>> -> memref<32xi32, #tpu.memory_space<vmem>>
    %dma_start3A_164 = arith.constant 0 : i32
    %dma_start3A_165 = arith.constant 0 : i32
    %dma_start3A_166 = tpu.memref_slice %arg3[%dma_start3A_164, %dma_start3A_165] : memref<500000x128xf32, #tpu.memory_space<hbm>> -> memref<500000x128xf32, #tpu.memory_space<hbm>>
    tpu.enqueue_indirect_dma source(%dma_start3A_166 : memref<500000x128xf32, #tpu.memory_space<hbm>>) target(%dma_start3A_161 : memref<32x128xf32, #tpu.memory_space<vmem>>) offsets(%dma_start3A_163 : memref<32xi32, #tpu.memory_space<vmem>>) semaphore(%arg18 : memref<!tpu.dma_semaphore, #tpu.memory_space<semaphore_mem>>)
    %dma_start3A_167 = arith.constant 96 : i32
    %dma_start3A_168 = arith.constant 0 : i32
    %dma_start3A_169 = tpu.memref_slice %arg10[%dma_start3A_167, %dma_start3A_168] : memref<128x128xf32, #tpu.memory_space<vmem>> -> memref<32x128xf32, #tpu.memory_space<vmem>>
    %dma_start3A_170 = arith.constant 96 : i32
    %dma_start3A_171 = tpu.memref_slice %arg6[%dma_start3A_170] : memref<128xi32, #tpu.memory_space<vmem>> -> memref<32xi32, #tpu.memory_space<vmem>>
    %dma_start3A_172 = arith.constant 0 : i32
    %dma_start3A_173 = arith.constant 0 : i32
    %dma_start3A_174 = tpu.memref_slice %arg3[%dma_start3A_172, %dma_start3A_173] : memref<500000x128xf32, #tpu.memory_space<hbm>> -> memref<500000x128xf32, #tpu.memory_space<hbm>>
    tpu.enqueue_indirect_dma source(%dma_start3A_174 : memref<500000x128xf32, #tpu.memory_space<hbm>>) target(%dma_start3A_169 : memref<32x128xf32, #tpu.memory_space<vmem>>) offsets(%dma_start3A_171 : memref<32xi32, #tpu.memory_space<vmem>>) semaphore(%arg18 : memref<!tpu.dma_semaphore, #tpu.memory_space<semaphore_mem>>)
    %scan3A_175 = arith.constant 0 : i32
    %mul3A_176 = arith.constant 1 : i32
    %mul3A_177 = arith.muli %scan3A_175, %mul3A_176 : i32
    %add3A_178 = arith.constant 0 : i32
    %add3A_179 = arith.addi %add3A_178, %mul3A_177 : i32
    %mul3A_180 = arith.constant 16 : i32
    %mul3A_181 = arith.muli %add3A_179, %mul3A_180 : i32
    %get3A_182 = arith.constant 1 : i32
    %get3A_183 = arith.index_cast %get3A_182 : i32 to index
    %get3A_184 = arith.index_cast %mul3A_181 : i32 to index
    %get3A_185 = tpu.vector_load %arg5[%get3A_183, %get3A_184] {strides = array<i32>} : memref<200x128xi32, #tpu.memory_space<vmem>>, vector<16xi32>,
    %shift_right_logical3A_186 = arith.constant 1 : i32
    %shift_right_logical3A_187 = vector.broadcast %shift_right_logical3A_186 : i32 to vector<16xi32>
    %shift_right_logical3A_188 = arith.shrui %get3A_185, %shift_right_logical3A_187 : vector<16xi32>
    %mul3A_189 = arith.constant 16 : i32
    %mul3A_190 = arith.muli %add3A_179, %mul3A_189 : i32
    %swap3A_191 = arith.index_cast %mul3A_190 : i32 to index
    %swap3A_192 = tpu.vector_load %arg7[%swap3A_191] {strides = array<i32>} : memref<128xi32, #tpu.memory_space<vmem>>, vector<16xi32>,
    tpu.vector_store %arg7[%swap3A_191], %shift_right_logical3A_188 {strides = array<i32>} : memref<128xi32, #tpu.memory_space<vmem>>, vector<16xi32>,
    %scan3A_193 = arith.constant 1 : i32
    %mul3A_194 = arith.constant 1 : i32
    %mul3A_195 = arith.muli %scan3A_193, %mul3A_194 : i32
    %add3A_196 = arith.constant 0 : i32
    %add3A_197 = arith.addi %add3A_196, %mul3A_195 : i32
    %mul3A_198 = arith.constant 16 : i32
    %mul3A_199 = arith.muli %add3A_197, %mul3A_198 : i32
    %get3A_200 = arith.constant 1 : i32
    %get3A_201 = arith.index_cast %get3A_200 : i32 to index
    %get3A_202 = arith.index_cast %mul3A_199 : i32 to index
    %get3A_203 = tpu.vector_load %arg5[%get3A_201, %get3A_202] {strides = array<i32>} : memref<200x128xi32, #tpu.memory_space<vmem>>, vector<16xi32>,
    %shift_right_logical3A_204 = arith.constant 1 : i32
    %shift_right_logical3A_205 = vector.broadcast %shift_right_logical3A_204 : i32 to vector<16xi32>
    %shift_right_logical3A_206 = arith.shrui %get3A_203, %shift_right_logical3A_205 : vector<16xi32>
    %mul3A_207 = arith.constant 16 : i32
    %mul3A_208 = arith.muli %add3A_197, %mul3A_207 : i32
    %swap3A_209 = arith.index_cast %mul3A_208 : i32 to index
    %swap3A_210 = tpu.vector_load %arg7[%swap3A_209] {strides = array<i32>} : memref<128xi32, #tpu.memory_space<vmem>>, vector<16xi32>,
    tpu.vector_store %arg7[%swap3A_209], %shift_right_logical3A_206 {strides = array<i32>} : memref<128xi32, #tpu.memory_space<vmem>>, vector<16xi32>,
    %scan3A_211 = arith.constant 2 : i32
    %mul3A_212 = arith.constant 1 : i32
    %mul3A_213 = arith.muli %scan3A_211, %mul3A_212 : i32
    %add3A_214 = arith.constant 0 : i32
    %add3A_215 = arith.addi %add3A_214, %mul3A_213 : i32
    %mul3A_216 = arith.constant 16 : i32
    %mul3A_217 = arith.muli %add3A_215, %mul3A_216 : i32
    %get3A_218 = arith.constant 1 : i32
    %get3A_219 = arith.index_cast %get3A_218 : i32 to index
    %get3A_220 = arith.index_cast %mul3A_217 : i32 to index
    %get3A_221 = tpu.vector_load %arg5[%get3A_219, %get3A_220] {strides = array<i32>} : memref<200x128xi32, #tpu.memory_space<vmem>>, vector<16xi32>,
    %shift_right_logical3A_222 = arith.constant 1 : i32
    %shift_right_logical3A_223 = vector.broadcast %shift_right_logical3A_222 : i32 to vector<16xi32>
    %shift_right_logical3A_224 = arith.shrui %get3A_221, %shift_right_logical3A_223 : vector<16xi32>
    %mul3A_225 = arith.constant 16 : i32
    %mul3A_226 = arith.muli %add3A_215, %mul3A_225 : i32
    %swap3A_227 = arith.index_cast %mul3A_226 : i32 to index
    %swap3A_228 = tpu.vector_load %arg7[%swap3A_227] {strides = array<i32>} : memref<128xi32, #tpu.memory_space<vmem>>, vector<16xi32>,
    tpu.vector_store %arg7[%swap3A_227], %shift_right_logical3A_224 {strides = array<i32>} : memref<128xi32, #tpu.memory_space<vmem>>, vector<16xi32>,
    %scan3A_229 = arith.constant 3 : i32
    %mul3A_230 = arith.constant 1 : i32
    %mul3A_231 = arith.muli %scan3A_229, %mul3A_230 : i32
    %add3A_232 = arith.constant 0 : i32
    %add3A_233 = arith.addi %add3A_232, %mul3A_231 : i32
    %mul3A_234 = arith.constant 16 : i32
    %mul3A_235 = arith.muli %add3A_233, %mul3A_234 : i32
    %get3A_236 = arith.constant 1 : i32
    %get3A_237 = arith.index_cast %get3A_236 : i32 to index
    %get3A_238 = arith.index_cast %mul3A_235 : i32 to index
    %get3A_239 = tpu.vector_load %arg5[%get3A_237, %get3A_238] {strides = array<i32>} : memref<200x128xi32, #tpu.memory_space<vmem>>, vector<16xi32>,
    %shift_right_logical3A_240 = arith.constant 1 : i32
    %shift_right_logical3A_241 = vector.broadcast %shift_right_logical3A_240 : i32 to vector<16xi32>
    %shift_right_logical3A_242 = arith.shrui %get3A_239, %shift_right_logical3A_241 : vector<16xi32>
    %mul3A_243 = arith.constant 16 : i32
    %mul3A_244 = arith.muli %add3A_233, %mul3A_243 : i32
    %swap3A_245 = arith.index_cast %mul3A_244 : i32 to index
    %swap3A_246 = tpu.vector_load %arg7[%swap3A_245] {strides = array<i32>} : memref<128xi32, #tpu.memory_space<vmem>>, vector<16xi32>,
    tpu.vector_store %arg7[%swap3A_245], %shift_right_logical3A_242 {strides = array<i32>} : memref<128xi32, #tpu.memory_space<vmem>>, vector<16xi32>,
    %scan3A_247 = arith.constant 4 : i32
    %mul3A_248 = arith.constant 1 : i32
    %mul3A_249 = arith.muli %scan3A_247, %mul3A_248 : i32
    %add3A_250 = arith.constant 0 : i32
    %add3A_251 = arith.addi %add3A_250, %mul3A_249 : i32
    %mul3A_252 = arith.constant 16 : i32
    %mul3A_253 = arith.muli %add3A_251, %mul3A_252 : i32
    %get3A_254 = arith.constant 1 : i32
    %get3A_255 = arith.index_cast %get3A_254 : i32 to index
    %get3A_256 = arith.index_cast %mul3A_253 : i32 to index
    %get3A_257 = tpu.vector_load %arg5[%get3A_255, %get3A_256] {strides = array<i32>} : memref<200x128xi32, #tpu.memory_space<vmem>>, vector<16xi32>,
    %shift_right_logical3A_258 = arith.constant 1 : i32
    %shift_right_logical3A_259 = vector.broadcast %shift_right_logical3A_258 : i32 to vector<16xi32>
    %shift_right_logical3A_260 = arith.shrui %get3A_257, %shift_right_logical3A_259 : vector<16xi32>
    %mul3A_261 = arith.constant 16 : i32
    %mul3A_262 = arith.muli %add3A_251, %mul3A_261 : i32
    %swap3A_263 = arith.index_cast %mul3A_262 : i32 to index
    %swap3A_264 = tpu.vector_load %arg7[%swap3A_263] {strides = array<i32>} : memref<128xi32, #tpu.memory_space<vmem>>, vector<16xi32>,
    tpu.vector_store %arg7[%swap3A_263], %shift_right_logical3A_260 {strides = array<i32>} : memref<128xi32, #tpu.memory_space<vmem>>, vector<16xi32>,
    %scan3A_265 = arith.constant 5 : i32
    %mul3A_266 = arith.constant 1 : i32
    %mul3A_267 = arith.muli %scan3A_265, %mul3A_266 : i32
    %add3A_268 = arith.constant 0 : i32
    %add3A_269 = arith.addi %add3A_268, %mul3A_267 : i32
    %mul3A_270 = arith.constant 16 : i32
    %mul3A_271 = arith.muli %add3A_269, %mul3A_270 : i32
    %get3A_272 = arith.constant 1 : i32
    %get3A_273 = arith.index_cast %get3A_272 : i32 to index
    %get3A_274 = arith.index_cast %mul3A_271 : i32 to index
    %get3A_275 = tpu.vector_load %arg5[%get3A_273, %get3A_274] {strides = array<i32>} : memref<200x128xi32, #tpu.memory_space<vmem>>, vector<16xi32>,
    %shift_right_logical3A_276 = arith.constant 1 : i32
    %shift_right_logical3A_277 = vector.broadcast %shift_right_logical3A_276 : i32 to vector<16xi32>
    %shift_right_logical3A_278 = arith.shrui %get3A_275, %shift_right_logical3A_277 : vector<16xi32>
    %mul3A_279 = arith.constant 16 : i32
    %mul3A_280 = arith.muli %add3A_269, %mul3A_279 : i32
    %swap3A_281 = arith.index_cast %mul3A_280 : i32 to index
    %swap3A_282 = tpu.vector_load %arg7[%swap3A_281] {strides = array<i32>} : memref<128xi32, #tpu.memory_space<vmem>>, vector<16xi32>,
    tpu.vector_store %arg7[%swap3A_281], %shift_right_logical3A_278 {strides = array<i32>} : memref<128xi32, #tpu.memory_space<vmem>>, vector<16xi32>,
    %scan3A_283 = arith.constant 6 : i32
    %mul3A_284 = arith.constant 1 : i32
    %mul3A_285 = arith.muli %scan3A_283, %mul3A_284 : i32
    %add3A_286 = arith.constant 0 : i32
    %add3A_287 = arith.addi %add3A_286, %mul3A_285 : i32
    %mul3A_288 = arith.constant 16 : i32
    %mul3A_289 = arith.muli %add3A_287, %mul3A_288 : i32
    %get3A_290 = arith.constant 1 : i32
    %get3A_291 = arith.index_cast %get3A_290 : i32 to index
    %get3A_292 = arith.index_cast %mul3A_289 : i32 to index
    %get3A_293 = tpu.vector_load %arg5[%get3A_291, %get3A_292] {strides = array<i32>} : memref<200x128xi32, #tpu.memory_space<vmem>>, vector<16xi32>,
    %shift_right_logical3A_294 = arith.constant 1 : i32
    %shift_right_logical3A_295 = vector.broadcast %shift_right_logical3A_294 : i32 to vector<16xi32>
    %shift_right_logical3A_296 = arith.shrui %get3A_293, %shift_right_logical3A_295 : vector<16xi32>
    %mul3A_297 = arith.constant 16 : i32
    %mul3A_298 = arith.muli %add3A_287, %mul3A_297 : i32
    %swap3A_299 = arith.index_cast %mul3A_298 : i32 to index
    %swap3A_300 = tpu.vector_load %arg7[%swap3A_299] {strides = array<i32>} : memref<128xi32, #tpu.memory_space<vmem>>, vector<16xi32>,
    tpu.vector_store %arg7[%swap3A_299], %shift_right_logical3A_296 {strides = array<i32>} : memref<128xi32, #tpu.memory_space<vmem>>, vector<16xi32>,
    %scan3A_301 = arith.constant 7 : i32
    %mul3A_302 = arith.constant 1 : i32
    %mul3A_303 = arith.muli %scan3A_301, %mul3A_302 : i32
    %add3A_304 = arith.constant 0 : i32
    %add3A_305 = arith.addi %add3A_304, %mul3A_303 : i32
    %mul3A_306 = arith.constant 16 : i32
    %mul3A_307 = arith.muli %add3A_305, %mul3A_306 : i32
    %get3A_308 = arith.constant 1 : i32
    %get3A_309 = arith.index_cast %get3A_308 : i32 to index
    %get3A_310 = arith.index_cast %mul3A_307 : i32 to index
    %get3A_311 = tpu.vector_load %arg5[%get3A_309, %get3A_310] {strides = array<i32>} : memref<200x128xi32, #tpu.memory_space<vmem>>, vector<16xi32>,
    %shift_right_logical3A_312 = arith.constant 1 : i32
    %shift_right_logical3A_313 = vector.broadcast %shift_right_logical3A_312 : i32 to vector<16xi32>
    %shift_right_logical3A_314 = arith.shrui %get3A_311, %shift_right_logical3A_313 : vector<16xi32>
    %mul3A_315 = arith.constant 16 : i32
    %mul3A_316 = arith.muli %add3A_305, %mul3A_315 : i32
    %swap3A_317 = arith.index_cast %mul3A_316 : i32 to index
    %swap3A_318 = tpu.vector_load %arg7[%swap3A_317] {strides = array<i32>} : memref<128xi32, #tpu.memory_space<vmem>>, vector<16xi32>,
    tpu.vector_store %arg7[%swap3A_317], %shift_right_logical3A_314 {strides = array<i32>} : memref<128xi32, #tpu.memory_space<vmem>>, vector<16xi32>,
    %scan3A_319 = arith.constant 8 : i32
    %dma_start3A_320 = arith.constant 0 : i32
    %dma_start3A_321 = arith.constant 0 : i32
    %dma_start3A_322 = tpu.memref_slice %arg11[%dma_start3A_320, %dma_start3A_321] : memref<128x128xf32, #tpu.memory_space<vmem>> -> memref<32x128xf32, #tpu.memory_space<vmem>>
    %dma_start3A_323 = arith.constant 0 : i32
    %dma_start3A_324 = tpu.memref_slice %arg7[%dma_start3A_323] : memref<128xi32, #tpu.memory_space<vmem>> -> memref<32xi32, #tpu.memory_space<vmem>>
    %dma_start3A_325 = arith.constant 0 : i32
    %dma_start3A_326 = arith.constant 0 : i32
    %dma_start3A_327 = tpu.memref_slice %arg3[%dma_start3A_325, %dma_start3A_326] : memref<500000x128xf32, #tpu.memory_space<hbm>> -> memref<500000x128xf32, #tpu.memory_space<hbm>>
    tpu.enqueue_indirect_dma source(%dma_start3A_327 : memref<500000x128xf32, #tpu.memory_space<hbm>>) target(%dma_start3A_322 : memref<32x128xf32, #tpu.memory_space<vmem>>) offsets(%dma_start3A_324 : memref<32xi32, #tpu.memory_space<vmem>>) semaphore(%arg19 : memref<!tpu.dma_semaphore, #tpu.memory_space<semaphore_mem>>)
    %dma_start3A_328 = arith.constant 32 : i32
    %dma_start3A_329 = arith.constant 0 : i32
    %dma_start3A_330 = tpu.memref_slice %arg11[%dma_start3A_328, %dma_start3A_329] : memref<128x128xf32, #tpu.memory_space<vmem>> -> memref<32x128xf32, #tpu.memory_space<vmem>>
    %dma_start3A_331 = arith.constant 32 : i32
    %dma_start3A_332 = tpu.memref_slice %arg7[%dma_start3A_331] : memref<128xi32, #tpu.memory_space<vmem>> -> memref<32xi32, #tpu.memory_space<vmem>>
    %dma_start3A_333 = arith.constant 0 : i32
    %dma_start3A_334 = arith.constant 0 : i32
    %dma_start3A_335 = tpu.memref_slice %arg3[%dma_start3A_333, %dma_start3A_334] : memref<500000x128xf32, #tpu.memory_space<hbm>> -> memref<500000x128xf32, #tpu.memory_space<hbm>>
    tpu.enqueue_indirect_dma source(%dma_start3A_335 : memref<500000x128xf32, #tpu.memory_space<hbm>>) target(%dma_start3A_330 : memref<32x128xf32, #tpu.memory_space<vmem>>) offsets(%dma_start3A_332 : memref<32xi32, #tpu.memory_space<vmem>>) semaphore(%arg19 : memref<!tpu.dma_semaphore, #tpu.memory_space<semaphore_mem>>)
    %dma_start3A_336 = arith.constant 64 : i32
    %dma_start3A_337 = arith.constant 0 : i32
    %dma_start3A_338 = tpu.memref_slice %arg11[%dma_start3A_336, %dma_start3A_337] : memref<128x128xf32, #tpu.memory_space<vmem>> -> memref<32x128xf32, #tpu.memory_space<vmem>>
    %dma_start3A_339 = arith.constant 64 : i32
    %dma_start3A_340 = tpu.memref_slice %arg7[%dma_start3A_339] : memref<128xi32, #tpu.memory_space<vmem>> -> memref<32xi32, #tpu.memory_space<vmem>>
    %dma_start3A_341 = arith.constant 0 : i32
    %dma_start3A_342 = arith.constant 0 : i32
    %dma_start3A_343 = tpu.memref_slice %arg3[%dma_start3A_341, %dma_start3A_342] : memref<500000x128xf32, #tpu.memory_space<hbm>> -> memref<500000x128xf32, #tpu.memory_space<hbm>>
    tpu.enqueue_indirect_dma source(%dma_start3A_343 : memref<500000x128xf32, #tpu.memory_space<hbm>>) target(%dma_start3A_338 : memref<32x128xf32, #tpu.memory_space<vmem>>) offsets(%dma_start3A_340 : memref<32xi32, #tpu.memory_space<vmem>>) semaphore(%arg19 : memref<!tpu.dma_semaphore, #tpu.memory_space<semaphore_mem>>)
    %dma_start3A_344 = arith.constant 96 : i32
    %dma_start3A_345 = arith.constant 0 : i32
    %dma_start3A_346 = tpu.memref_slice %arg11[%dma_start3A_344, %dma_start3A_345] : memref<128x128xf32, #tpu.memory_space<vmem>> -> memref<32x128xf32, #tpu.memory_space<vmem>>
    %dma_start3A_347 = arith.constant 96 : i32
    %dma_start3A_348 = tpu.memref_slice %arg7[%dma_start3A_347] : memref<128xi32, #tpu.memory_space<vmem>> -> memref<32xi32, #tpu.memory_space<vmem>>
    %dma_start3A_349 = arith.constant 0 : i32
    %dma_start3A_350 = arith.constant 0 : i32
    %dma_start3A_351 = tpu.memref_slice %arg3[%dma_start3A_349, %dma_start3A_350] : memref<500000x128xf32, #tpu.memory_space<hbm>> -> memref<500000x128xf32, #tpu.memory_space<hbm>>
    tpu.enqueue_indirect_dma source(%dma_start3A_351 : memref<500000x128xf32, #tpu.memory_space<hbm>>) target(%dma_start3A_346 : memref<32x128xf32, #tpu.memory_space<vmem>>) offsets(%dma_start3A_348 : memref<32xi32, #tpu.memory_space<vmem>>) semaphore(%arg19 : memref<!tpu.dma_semaphore, #tpu.memory_space<semaphore_mem>>)
    %scan3A_352 = arith.constant 0 : i32
    %mul3A_353 = arith.constant 1 : i32
    %mul3A_354 = arith.muli %scan3A_352, %mul3A_353 : i32
    %add3A_355 = arith.constant 0 : i32
    %add3A_356 = arith.addi %add3A_355, %mul3A_354 : i32
    %mul3A_357 = arith.constant 16 : i32
    %mul3A_358 = arith.muli %add3A_356, %mul3A_357 : i32
    %get3A_359 = arith.constant 2 : i32
    %get3A_360 = arith.index_cast %get3A_359 : i32 to index
    %get3A_361 = arith.index_cast %mul3A_358 : i32 to index
    %get3A_362 = tpu.vector_load %arg5[%get3A_360, %get3A_361] {strides = array<i32>} : memref<200x128xi32, #tpu.memory_space<vmem>>, vector<16xi32>,
    %shift_right_logical3A_363 = arith.constant 1 : i32
    %shift_right_logical3A_364 = vector.broadcast %shift_right_logical3A_363 : i32 to vector<16xi32>
    %shift_right_logical3A_365 = arith.shrui %get3A_362, %shift_right_logical3A_364 : vector<16xi32>
    %mul3A_366 = arith.constant 16 : i32
    %mul3A_367 = arith.muli %add3A_356, %mul3A_366 : i32
    %swap3A_368 = arith.index_cast %mul3A_367 : i32 to index
    %swap3A_369 = tpu.vector_load %arg8[%swap3A_368] {strides = array<i32>} : memref<128xi32, #tpu.memory_space<vmem>>, vector<16xi32>,
    tpu.vector_store %arg8[%swap3A_368], %shift_right_logical3A_365 {strides = array<i32>} : memref<128xi32, #tpu.memory_space<vmem>>, vector<16xi32>,
    %scan3A_370 = arith.constant 1 : i32
    %mul3A_371 = arith.constant 1 : i32
    %mul3A_372 = arith.muli %scan3A_370, %mul3A_371 : i32
    %add3A_373 = arith.constant 0 : i32
    %add3A_374 = arith.addi %add3A_373, %mul3A_372 : i32
    %mul3A_375 = arith.constant 16 : i32
    %mul3A_376 = arith.muli %add3A_374, %mul3A_375 : i32
    %get3A_377 = arith.constant 2 : i32
    %get3A_378 = arith.index_cast %get3A_377 : i32 to index
    %get3A_379 = arith.index_cast %mul3A_376 : i32 to index
    %get3A_380 = tpu.vector_load %arg5[%get3A_378, %get3A_379] {strides = array<i32>} : memref<200x128xi32, #tpu.memory_space<vmem>>, vector<16xi32>,
    %shift_right_logical3A_381 = arith.constant 1 : i32
    %shift_right_logical3A_382 = vector.broadcast %shift_right_logical3A_381 : i32 to vector<16xi32>
    %shift_right_logical3A_383 = arith.shrui %get3A_380, %shift_right_logical3A_382 : vector<16xi32>
    %mul3A_384 = arith.constant 16 : i32
    %mul3A_385 = arith.muli %add3A_374, %mul3A_384 : i32
    %swap3A_386 = arith.index_cast %mul3A_385 : i32 to index
    %swap3A_387 = tpu.vector_load %arg8[%swap3A_386] {strides = array<i32>} : memref<128xi32, #tpu.memory_space<vmem>>, vector<16xi32>,
    tpu.vector_store %arg8[%swap3A_386], %shift_right_logical3A_383 {strides = array<i32>} : memref<128xi32, #tpu.memory_space<vmem>>, vector<16xi32>,
    %scan3A_388 = arith.constant 2 : i32
    %mul3A_389 = arith.constant 1 : i32
    %mul3A_390 = arith.muli %scan3A_388, %mul3A_389 : i32
    %add3A_391 = arith.constant 0 : i32
    %add3A_392 = arith.addi %add3A_391, %mul3A_390 : i32
    %mul3A_393 = arith.constant 16 : i32
    %mul3A_394 = arith.muli %add3A_392, %mul3A_393 : i32
    %get3A_395 = arith.constant 2 : i32
    %get3A_396 = arith.index_cast %get3A_395 : i32 to index
    %get3A_397 = arith.index_cast %mul3A_394 : i32 to index
    %get3A_398 = tpu.vector_load %arg5[%get3A_396, %get3A_397] {strides = array<i32>} : memref<200x128xi32, #tpu.memory_space<vmem>>, vector<16xi32>,
    %shift_right_logical3A_399 = arith.constant 1 : i32
    %shift_right_logical3A_400 = vector.broadcast %shift_right_logical3A_399 : i32 to vector<16xi32>
    %shift_right_logical3A_401 = arith.shrui %get3A_398, %shift_right_logical3A_400 : vector<16xi32>
    %mul3A_402 = arith.constant 16 : i32
    %mul3A_403 = arith.muli %add3A_392, %mul3A_402 : i32
    %swap3A_404 = arith.index_cast %mul3A_403 : i32 to index
    %swap3A_405 = tpu.vector_load %arg8[%swap3A_404] {strides = array<i32>} : memref<128xi32, #tpu.memory_space<vmem>>, vector<16xi32>,
    tpu.vector_store %arg8[%swap3A_404], %shift_right_logical3A_401 {strides = array<i32>} : memref<128xi32, #tpu.memory_space<vmem>>, vector<16xi32>,
    %scan3A_406 = arith.constant 3 : i32
    %mul3A_407 = arith.constant 1 : i32
    %mul3A_408 = arith.muli %scan3A_406, %mul3A_407 : i32
    %add3A_409 = arith.constant 0 : i32
    %add3A_410 = arith.addi %add3A_409, %mul3A_408 : i32
    %mul3A_411 = arith.constant 16 : i32
    %mul3A_412 = arith.muli %add3A_410, %mul3A_411 : i32
    %get3A_413 = arith.constant 2 : i32
    %get3A_414 = arith.index_cast %get3A_413 : i32 to index
    %get3A_415 = arith.index_cast %mul3A_412 : i32 to index
    %get3A_416 = tpu.vector_load %arg5[%get3A_414, %get3A_415] {strides = array<i32>} : memref<200x128xi32, #tpu.memory_space<vmem>>, vector<16xi32>,
    %shift_right_logical3A_417 = arith.constant 1 : i32
    %shift_right_logical3A_418 = vector.broadcast %shift_right_logical3A_417 : i32 to vector<16xi32>
    %shift_right_logical3A_419 = arith.shrui %get3A_416, %shift_right_logical3A_418 : vector<16xi32>
    %mul3A_420 = arith.constant 16 : i32
    %mul3A_421 = arith.muli %add3A_410, %mul3A_420 : i32
    %swap3A_422 = arith.index_cast %mul3A_421 : i32 to index
    %swap3A_423 = tpu.vector_load %arg8[%swap3A_422] {strides = array<i32>} : memref<128xi32, #tpu.memory_space<vmem>>, vector<16xi32>,
    tpu.vector_store %arg8[%swap3A_422], %shift_right_logical3A_419 {strides = array<i32>} : memref<128xi32, #tpu.memory_space<vmem>>, vector<16xi32>,
    %scan3A_424 = arith.constant 4 : i32
    %mul3A_425 = arith.constant 1 : i32
    %mul3A_426 = arith.muli %scan3A_424, %mul3A_425 : i32
    %add3A_427 = arith.constant 0 : i32
    %add3A_428 = arith.addi %add3A_427, %mul3A_426 : i32
    %mul3A_429 = arith.constant 16 : i32
    %mul3A_430 = arith.muli %add3A_428, %mul3A_429 : i32
    %get3A_431 = arith.constant 2 : i32
    %get3A_432 = arith.index_cast %get3A_431 : i32 to index
    %get3A_433 = arith.index_cast %mul3A_430 : i32 to index
    %get3A_434 = tpu.vector_load %arg5[%get3A_432, %get3A_433] {strides = array<i32>} : memref<200x128xi32, #tpu.memory_space<vmem>>, vector<16xi32>,
    %shift_right_logical3A_435 = arith.constant 1 : i32
    %shift_right_logical3A_436 = vector.broadcast %shift_right_logical3A_435 : i32 to vector<16xi32>
    %shift_right_logical3A_437 = arith.shrui %get3A_434, %shift_right_logical3A_436 : vector<16xi32>
    %mul3A_438 = arith.constant 16 : i32
    %mul3A_439 = arith.muli %add3A_428, %mul3A_438 : i32
    %swap3A_440 = arith.index_cast %mul3A_439 : i32 to index
    %swap3A_441 = tpu.vector_load %arg8[%swap3A_440] {strides = array<i32>} : memref<128xi32, #tpu.memory_space<vmem>>, vector<16xi32>,
    tpu.vector_store %arg8[%swap3A_440], %shift_right_logical3A_437 {strides = array<i32>} : memref<128xi32, #tpu.memory_space<vmem>>, vector<16xi32>,
    %scan3A_442 = arith.constant 5 : i32
    %mul3A_443 = arith.constant 1 : i32
    %mul3A_444 = arith.muli %scan3A_442, %mul3A_443 : i32
    %add3A_445 = arith.constant 0 : i32
    %add3A_446 = arith.addi %add3A_445, %mul3A_444 : i32
    %mul3A_447 = arith.constant 16 : i32
    %mul3A_448 = arith.muli %add3A_446, %mul3A_447 : i32
    %get3A_449 = arith.constant 2 : i32
    %get3A_450 = arith.index_cast %get3A_449 : i32 to index
    %get3A_451 = arith.index_cast %mul3A_448 : i32 to index
    %get3A_452 = tpu.vector_load %arg5[%get3A_450, %get3A_451] {strides = array<i32>} : memref<200x128xi32, #tpu.memory_space<vmem>>, vector<16xi32>,
    %shift_right_logical3A_453 = arith.constant 1 : i32
    %shift_right_logical3A_454 = vector.broadcast %shift_right_logical3A_453 : i32 to vector<16xi32>
    %shift_right_logical3A_455 = arith.shrui %get3A_452, %shift_right_logical3A_454 : vector<16xi32>
    %mul3A_456 = arith.constant 16 : i32
    %mul3A_457 = arith.muli %add3A_446, %mul3A_456 : i32
    %swap3A_458 = arith.index_cast %mul3A_457 : i32 to index
    %swap3A_459 = tpu.vector_load %arg8[%swap3A_458] {strides = array<i32>} : memref<128xi32, #tpu.memory_space<vmem>>, vector<16xi32>,
    tpu.vector_store %arg8[%swap3A_458], %shift_right_logical3A_455 {strides = array<i32>} : memref<128xi32, #tpu.memory_space<vmem>>, vector<16xi32>,
    %scan3A_460 = arith.constant 6 : i32
    %mul3A_461 = arith.constant 1 : i32
    %mul3A_462 = arith.muli %scan3A_460, %mul3A_461 : i32
    %add3A_463 = arith.constant 0 : i32
    %add3A_464 = arith.addi %add3A_463, %mul3A_462 : i32
    %mul3A_465 = arith.constant 16 : i32
    %mul3A_466 = arith.muli %add3A_464, %mul3A_465 : i32
    %get3A_467 = arith.constant 2 : i32
    %get3A_468 = arith.index_cast %get3A_467 : i32 to index
    %get3A_469 = arith.index_cast %mul3A_466 : i32 to index
    %get3A_470 = tpu.vector_load %arg5[%get3A_468, %get3A_469] {strides = array<i32>} : memref<200x128xi32, #tpu.memory_space<vmem>>, vector<16xi32>,
    %shift_right_logical3A_471 = arith.constant 1 : i32
    %shift_right_logical3A_472 = vector.broadcast %shift_right_logical3A_471 : i32 to vector<16xi32>
    %shift_right_logical3A_473 = arith.shrui %get3A_470, %shift_right_logical3A_472 : vector<16xi32>
    %mul3A_474 = arith.constant 16 : i32
    %mul3A_475 = arith.muli %add3A_464, %mul3A_474 : i32
    %swap3A_476 = arith.index_cast %mul3A_475 : i32 to index
    %swap3A_477 = tpu.vector_load %arg8[%swap3A_476] {strides = array<i32>} : memref<128xi32, #tpu.memory_space<vmem>>, vector<16xi32>,
    tpu.vector_store %arg8[%swap3A_476], %shift_right_logical3A_473 {strides = array<i32>} : memref<128xi32, #tpu.memory_space<vmem>>, vector<16xi32>,
    %scan3A_478 = arith.constant 7 : i32
    %mul3A_479 = arith.constant 1 : i32
    %mul3A_480 = arith.muli %scan3A_478, %mul3A_479 : i32
    %add3A_481 = arith.constant 0 : i32
    %add3A_482 = arith.addi %add3A_481, %mul3A_480 : i32
    %mul3A_483 = arith.constant 16 : i32
    %mul3A_484 = arith.muli %add3A_482, %mul3A_483 : i32
    %get3A_485 = arith.constant 2 : i32
    %get3A_486 = arith.index_cast %get3A_485 : i32 to index
    %get3A_487 = arith.index_cast %mul3A_484 : i32 to index
    %get3A_488 = tpu.vector_load %arg5[%get3A_486, %get3A_487] {strides = array<i32>} : memref<200x128xi32, #tpu.memory_space<vmem>>, vector<16xi32>,
    %shift_right_logical3A_489 = arith.constant 1 : i32
    %shift_right_logical3A_490 = vector.broadcast %shift_right_logical3A_489 : i32 to vector<16xi32>
    %shift_right_logical3A_491 = arith.shrui %get3A_488, %shift_right_logical3A_490 : vector<16xi32>
    %mul3A_492 = arith.constant 16 : i32
    %mul3A_493 = arith.muli %add3A_482, %mul3A_492 : i32
    %swap3A_494 = arith.index_cast %mul3A_493 : i32 to index
    %swap3A_495 = tpu.vector_load %arg8[%swap3A_494] {strides = array<i32>} : memref<128xi32, #tpu.memory_space<vmem>>, vector<16xi32>,
    tpu.vector_store %arg8[%swap3A_494], %shift_right_logical3A_491 {strides = array<i32>} : memref<128xi32, #tpu.memory_space<vmem>>, vector<16xi32>,
    %scan3A_496 = arith.constant 8 : i32
    %dma_start3A_497 = arith.constant 0 : i32
    %dma_start3A_498 = arith.constant 0 : i32
    %dma_start3A_499 = tpu.memref_slice %arg12[%dma_start3A_497, %dma_start3A_498] : memref<128x128xf32, #tpu.memory_space<vmem>> -> memref<32x128xf32, #tpu.memory_space<vmem>>
    %dma_start3A_500 = arith.constant 0 : i32
    %dma_start3A_501 = tpu.memref_slice %arg8[%dma_start3A_500] : memref<128xi32, #tpu.memory_space<vmem>> -> memref<32xi32, #tpu.memory_space<vmem>>
    %dma_start3A_502 = arith.constant 0 : i32
    %dma_start3A_503 = arith.constant 0 : i32
    %dma_start3A_504 = tpu.memref_slice %arg3[%dma_start3A_502, %dma_start3A_503] : memref<500000x128xf32, #tpu.memory_space<hbm>> -> memref<500000x128xf32, #tpu.memory_space<hbm>>
    tpu.enqueue_indirect_dma source(%dma_start3A_504 : memref<500000x128xf32, #tpu.memory_space<hbm>>) target(%dma_start3A_499 : memref<32x128xf32, #tpu.memory_space<vmem>>) offsets(%dma_start3A_501 : memref<32xi32, #tpu.memory_space<vmem>>) semaphore(%arg20 : memref<!tpu.dma_semaphore, #tpu.memory_space<semaphore_mem>>)
    %dma_start3A_505 = arith.constant 32 : i32
    %dma_start3A_506 = arith.constant 0 : i32
    %dma_start3A_507 = tpu.memref_slice %arg12[%dma_start3A_505, %dma_start3A_506] : memref<128x128xf32, #tpu.memory_space<vmem>> -> memref<32x128xf32, #tpu.memory_space<vmem>>
    %dma_start3A_508 = arith.constant 32 : i32
    %dma_start3A_509 = tpu.memref_slice %arg8[%dma_start3A_508] : memref<128xi32, #tpu.memory_space<vmem>> -> memref<32xi32, #tpu.memory_space<vmem>>
    %dma_start3A_510 = arith.constant 0 : i32
    %dma_start3A_511 = arith.constant 0 : i32
    %dma_start3A_512 = tpu.memref_slice %arg3[%dma_start3A_510, %dma_start3A_511] : memref<500000x128xf32, #tpu.memory_space<hbm>> -> memref<500000x128xf32, #tpu.memory_space<hbm>>
    tpu.enqueue_indirect_dma source(%dma_start3A_512 : memref<500000x128xf32, #tpu.memory_space<hbm>>) target(%dma_start3A_507 : memref<32x128xf32, #tpu.memory_space<vmem>>) offsets(%dma_start3A_509 : memref<32xi32, #tpu.memory_space<vmem>>) semaphore(%arg20 : memref<!tpu.dma_semaphore, #tpu.memory_space<semaphore_mem>>)
    %dma_start3A_513 = arith.constant 64 : i32
    %dma_start3A_514 = arith.constant 0 : i32
    %dma_start3A_515 = tpu.memref_slice %arg12[%dma_start3A_513, %dma_start3A_514] : memref<128x128xf32, #tpu.memory_space<vmem>> -> memref<32x128xf32, #tpu.memory_space<vmem>>
    %dma_start3A_516 = arith.constant 64 : i32
    %dma_start3A_517 = tpu.memref_slice %arg8[%dma_start3A_516] : memref<128xi32, #tpu.memory_space<vmem>> -> memref<32xi32, #tpu.memory_space<vmem>>
    %dma_start3A_518 = arith.constant 0 : i32
    %dma_start3A_519 = arith.constant 0 : i32
    %dma_start3A_520 = tpu.memref_slice %arg3[%dma_start3A_518, %dma_start3A_519] : memref<500000x128xf32, #tpu.memory_space<hbm>> -> memref<500000x128xf32, #tpu.memory_space<hbm>>
    tpu.enqueue_indirect_dma source(%dma_start3A_520 : memref<500000x128xf32, #tpu.memory_space<hbm>>) target(%dma_start3A_515 : memref<32x128xf32, #tpu.memory_space<vmem>>) offsets(%dma_start3A_517 : memref<32xi32, #tpu.memory_space<vmem>>) semaphore(%arg20 : memref<!tpu.dma_semaphore, #tpu.memory_space<semaphore_mem>>)
    %dma_start3A_521 = arith.constant 96 : i32
    %dma_start3A_522 = arith.constant 0 : i32
    %dma_start3A_523 = tpu.memref_slice %arg12[%dma_start3A_521, %dma_start3A_522] : memref<128x128xf32, #tpu.memory_space<vmem>> -> memref<32x128xf32, #tpu.memory_space<vmem>>
    %dma_start3A_524 = arith.constant 96 : i32
    %dma_start3A_525 = tpu.memref_slice %arg8[%dma_start3A_524] : memref<128xi32, #tpu.memory_space<vmem>> -> memref<32xi32, #tpu.memory_space<vmem>>
    %dma_start3A_526 = arith.constant 0 : i32
    %dma_start3A_527 = arith.constant 0 : i32
    %dma_start3A_528 = tpu.memref_slice %arg3[%dma_start3A_526, %dma_start3A_527] : memref<500000x128xf32, #tpu.memory_space<hbm>> -> memref<500000x128xf32, #tpu.memory_space<hbm>>
    tpu.enqueue_indirect_dma source(%dma_start3A_528 : memref<500000x128xf32, #tpu.memory_space<hbm>>) target(%dma_start3A_523 : memref<32x128xf32, #tpu.memory_space<vmem>>) offsets(%dma_start3A_525 : memref<32xi32, #tpu.memory_space<vmem>>) semaphore(%arg20 : memref<!tpu.dma_semaphore, #tpu.memory_space<semaphore_mem>>)
    %scan3A_529 = arith.constant 0 : i32
    %mul3A_530 = arith.constant 1 : i32
    %mul3A_531 = arith.muli %scan3A_529, %mul3A_530 : i32
    %add3A_532 = arith.constant 0 : i32
    %add3A_533 = arith.addi %add3A_532, %mul3A_531 : i32
    %mul3A_534 = arith.constant 16 : i32
    %mul3A_535 = arith.muli %add3A_533, %mul3A_534 : i32
    %get3A_536 = arith.constant 3 : i32
    %get3A_537 = arith.index_cast %get3A_536 : i32 to index
    %get3A_538 = arith.index_cast %mul3A_535 : i32 to index
    %get3A_539 = tpu.vector_load %arg5[%get3A_537, %get3A_538] {strides = array<i32>} : memref<200x128xi32, #tpu.memory_space<vmem>>, vector<16xi32>,
    %shift_right_logical3A_540 = arith.constant 1 : i32
    %shift_right_logical3A_541 = vector.broadcast %shift_right_logical3A_540 : i32 to vector<16xi32>
    %shift_right_logical3A_542 = arith.shrui %get3A_539, %shift_right_logical3A_541 : vector<16xi32>
    %mul3A_543 = arith.constant 16 : i32
    %mul3A_544 = arith.muli %add3A_533, %mul3A_543 : i32
    %swap3A_545 = arith.index_cast %mul3A_544 : i32 to index
    %swap3A_546 = tpu.vector_load %arg9[%swap3A_545] {strides = array<i32>} : memref<128xi32, #tpu.memory_space<vmem>>, vector<16xi32>,
    tpu.vector_store %arg9[%swap3A_545], %shift_right_logical3A_542 {strides = array<i32>} : memref<128xi32, #tpu.memory_space<vmem>>, vector<16xi32>,
    %scan3A_547 = arith.constant 1 : i32
    %mul3A_548 = arith.constant 1 : i32
    %mul3A_549 = arith.muli %scan3A_547, %mul3A_548 : i32
    %add3A_550 = arith.constant 0 : i32
    %add3A_551 = arith.addi %add3A_550, %mul3A_549 : i32
    %mul3A_552 = arith.constant 16 : i32
    %mul3A_553 = arith.muli %add3A_551, %mul3A_552 : i32
    %get3A_554 = arith.constant 3 : i32
    %get3A_555 = arith.index_cast %get3A_554 : i32 to index
    %get3A_556 = arith.index_cast %mul3A_553 : i32 to index
    %get3A_557 = tpu.vector_load %arg5[%get3A_555, %get3A_556] {strides = array<i32>} : memref<200x128xi32, #tpu.memory_space<vmem>>, vector<16xi32>,
    %shift_right_logical3A_558 = arith.constant 1 : i32
    %shift_right_logical3A_559 = vector.broadcast %shift_right_logical3A_558 : i32 to vector<16xi32>
    %shift_right_logical3A_560 = arith.shrui %get3A_557, %shift_right_logical3A_559 : vector<16xi32>
    %mul3A_561 = arith.constant 16 : i32
    %mul3A_562 = arith.muli %add3A_551, %mul3A_561 : i32
    %swap3A_563 = arith.index_cast %mul3A_562 : i32 to index
    %swap3A_564 = tpu.vector_load %arg9[%swap3A_563] {strides = array<i32>} : memref<128xi32, #tpu.memory_space<vmem>>, vector<16xi32>,
    tpu.vector_store %arg9[%swap3A_563], %shift_right_logical3A_560 {strides = array<i32>} : memref<128xi32, #tpu.memory_space<vmem>>, vector<16xi32>,
    %scan3A_565 = arith.constant 2 : i32
    %mul3A_566 = arith.constant 1 : i32
    %mul3A_567 = arith.muli %scan3A_565, %mul3A_566 : i32
    %add3A_568 = arith.constant 0 : i32
    %add3A_569 = arith.addi %add3A_568, %mul3A_567 : i32
    %mul3A_570 = arith.constant 16 : i32
    %mul3A_571 = arith.muli %add3A_569, %mul3A_570 : i32
    %get3A_572 = arith.constant 3 : i32
    %get3A_573 = arith.index_cast %get3A_572 : i32 to index
    %get3A_574 = arith.index_cast %mul3A_571 : i32 to index
    %get3A_575 = tpu.vector_load %arg5[%get3A_573, %get3A_574] {strides = array<i32>} : memref<200x128xi32, #tpu.memory_space<vmem>>, vector<16xi32>,
    %shift_right_logical3A_576 = arith.constant 1 : i32
    %shift_right_logical3A_577 = vector.broadcast %shift_right_logical3A_576 : i32 to vector<16xi32>
    %shift_right_logical3A_578 = arith.shrui %get3A_575, %shift_right_logical3A_577 : vector<16xi32>
    %mul3A_579 = arith.constant 16 : i32
    %mul3A_580 = arith.muli %add3A_569, %mul3A_579 : i32
    %swap3A_581 = arith.index_cast %mul3A_580 : i32 to index
    %swap3A_582 = tpu.vector_load %arg9[%swap3A_581] {strides = array<i32>} : memref<128xi32, #tpu.memory_space<vmem>>, vector<16xi32>,
    tpu.vector_store %arg9[%swap3A_581], %shift_right_logical3A_578 {strides = array<i32>} : memref<128xi32, #tpu.memory_space<vmem>>, vector<16xi32>,
    %scan3A_583 = arith.constant 3 : i32
    %mul3A_584 = arith.constant 1 : i32
    %mul3A_585 = arith.muli %scan3A_583, %mul3A_584 : i32
    %add3A_586 = arith.constant 0 : i32
    %add3A_587 = arith.addi %add3A_586, %mul3A_585 : i32
    %mul3A_588 = arith.constant 16 : i32
    %mul3A_589 = arith.muli %add3A_587, %mul3A_588 : i32
    %get3A_590 = arith.constant 3 : i32
    %get3A_591 = arith.index_cast %get3A_590 : i32 to index
    %get3A_592 = arith.index_cast %mul3A_589 : i32 to index
    %get3A_593 = tpu.vector_load %arg5[%get3A_591, %get3A_592] {strides = array<i32>} : memref<200x128xi32, #tpu.memory_space<vmem>>, vector<16xi32>,
    %shift_right_logical3A_594 = arith.constant 1 : i32
    %shift_right_logical3A_595 = vector.broadcast %shift_right_logical3A_594 : i32 to vector<16xi32>
    %shift_right_logical3A_596 = arith.shrui %get3A_593, %shift_right_logical3A_595 : vector<16xi32>
    %mul3A_597 = arith.constant 16 : i32
    %mul3A_598 = arith.muli %add3A_587, %mul3A_597 : i32
    %swap3A_599 = arith.index_cast %mul3A_598 : i32 to index
    %swap3A_600 = tpu.vector_load %arg9[%swap3A_599] {strides = array<i32>} : memref<128xi32, #tpu.memory_space<vmem>>, vector<16xi32>,
    tpu.vector_store %arg9[%swap3A_599], %shift_right_logical3A_596 {strides = array<i32>} : memref<128xi32, #tpu.memory_space<vmem>>, vector<16xi32>,
    %scan3A_601 = arith.constant 4 : i32
    %mul3A_602 = arith.constant 1 : i32
    %mul3A_603 = arith.muli %scan3A_601, %mul3A_602 : i32
    %add3A_604 = arith.constant 0 : i32
    %add3A_605 = arith.addi %add3A_604, %mul3A_603 : i32
    %mul3A_606 = arith.constant 16 : i32
    %mul3A_607 = arith.muli %add3A_605, %mul3A_606 : i32
    %get3A_608 = arith.constant 3 : i32
    %get3A_609 = arith.index_cast %get3A_608 : i32 to index
    %get3A_610 = arith.index_cast %mul3A_607 : i32 to index
    %get3A_611 = tpu.vector_load %arg5[%get3A_609, %get3A_610] {strides = array<i32>} : memref<200x128xi32, #tpu.memory_space<vmem>>, vector<16xi32>,
    %shift_right_logical3A_612 = arith.constant 1 : i32
    %shift_right_logical3A_613 = vector.broadcast %shift_right_logical3A_612 : i32 to vector<16xi32>
    %shift_right_logical3A_614 = arith.shrui %get3A_611, %shift_right_logical3A_613 : vector<16xi32>
    %mul3A_615 = arith.constant 16 : i32
    %mul3A_616 = arith.muli %add3A_605, %mul3A_615 : i32
    %swap3A_617 = arith.index_cast %mul3A_616 : i32 to index
    %swap3A_618 = tpu.vector_load %arg9[%swap3A_617] {strides = array<i32>} : memref<128xi32, #tpu.memory_space<vmem>>, vector<16xi32>,
    tpu.vector_store %arg9[%swap3A_617], %shift_right_logical3A_614 {strides = array<i32>} : memref<128xi32, #tpu.memory_space<vmem>>, vector<16xi32>,
    %scan3A_619 = arith.constant 5 : i32
    %mul3A_620 = arith.constant 1 : i32
    %mul3A_621 = arith.muli %scan3A_619, %mul3A_620 : i32
    %add3A_622 = arith.constant 0 : i32
    %add3A_623 = arith.addi %add3A_622, %mul3A_621 : i32
    %mul3A_624 = arith.constant 16 : i32
    %mul3A_625 = arith.muli %add3A_623, %mul3A_624 : i32
    %get3A_626 = arith.constant 3 : i32
    %get3A_627 = arith.index_cast %get3A_626 : i32 to index
    %get3A_628 = arith.index_cast %mul3A_625 : i32 to index
    %get3A_629 = tpu.vector_load %arg5[%get3A_627, %get3A_628] {strides = array<i32>} : memref<200x128xi32, #tpu.memory_space<vmem>>, vector<16xi32>,
    %shift_right_logical3A_630 = arith.constant 1 : i32
    %shift_right_logical3A_631 = vector.broadcast %shift_right_logical3A_630 : i32 to vector<16xi32>
    %shift_right_logical3A_632 = arith.shrui %get3A_629, %shift_right_logical3A_631 : vector<16xi32>
    %mul3A_633 = arith.constant 16 : i32
    %mul3A_634 = arith.muli %add3A_623, %mul3A_633 : i32
    %swap3A_635 = arith.index_cast %mul3A_634 : i32 to index
    %swap3A_636 = tpu.vector_load %arg9[%swap3A_635] {strides = array<i32>} : memref<128xi32, #tpu.memory_space<vmem>>, vector<16xi32>,
    tpu.vector_store %arg9[%swap3A_635], %shift_right_logical3A_632 {strides = array<i32>} : memref<128xi32, #tpu.memory_space<vmem>>, vector<16xi32>,
    %scan3A_637 = arith.constant 6 : i32
    %mul3A_638 = arith.constant 1 : i32
    %mul3A_639 = arith.muli %scan3A_637, %mul3A_638 : i32
    %add3A_640 = arith.constant 0 : i32
    %add3A_641 = arith.addi %add3A_640, %mul3A_639 : i32
    %mul3A_642 = arith.constant 16 : i32
    %mul3A_643 = arith.muli %add3A_641, %mul3A_642 : i32
    %get3A_644 = arith.constant 3 : i32
    %get3A_645 = arith.index_cast %get3A_644 : i32 to index
    %get3A_646 = arith.index_cast %mul3A_643 : i32 to index
    %get3A_647 = tpu.vector_load %arg5[%get3A_645, %get3A_646] {strides = array<i32>} : memref<200x128xi32, #tpu.memory_space<vmem>>, vector<16xi32>,
    %shift_right_logical3A_648 = arith.constant 1 : i32
    %shift_right_logical3A_649 = vector.broadcast %shift_right_logical3A_648 : i32 to vector<16xi32>
    %shift_right_logical3A_650 = arith.shrui %get3A_647, %shift_right_logical3A_649 : vector<16xi32>
    %mul3A_651 = arith.constant 16 : i32
    %mul3A_652 = arith.muli %add3A_641, %mul3A_651 : i32
    %swap3A_653 = arith.index_cast %mul3A_652 : i32 to index
    %swap3A_654 = tpu.vector_load %arg9[%swap3A_653] {strides = array<i32>} : memref<128xi32, #tpu.memory_space<vmem>>, vector<16xi32>,
    tpu.vector_store %arg9[%swap3A_653], %shift_right_logical3A_650 {strides = array<i32>} : memref<128xi32, #tpu.memory_space<vmem>>, vector<16xi32>,
    %scan3A_655 = arith.constant 7 : i32
    %mul3A_656 = arith.constant 1 : i32
    %mul3A_657 = arith.muli %scan3A_655, %mul3A_656 : i32
    %add3A_658 = arith.constant 0 : i32
    %add3A_659 = arith.addi %add3A_658, %mul3A_657 : i32
    %mul3A_660 = arith.constant 16 : i32
    %mul3A_661 = arith.muli %add3A_659, %mul3A_660 : i32
    %get3A_662 = arith.constant 3 : i32
    %get3A_663 = arith.index_cast %get3A_662 : i32 to index
    %get3A_664 = arith.index_cast %mul3A_661 : i32 to index
    %get3A_665 = tpu.vector_load %arg5[%get3A_663, %get3A_664] {strides = array<i32>} : memref<200x128xi32, #tpu.memory_space<vmem>>, vector<16xi32>,
    %shift_right_logical3A_666 = arith.constant 1 : i32
    %shift_right_logical3A_667 = vector.broadcast %shift_right_logical3A_666 : i32 to vector<16xi32>
    %shift_right_logical3A_668 = arith.shrui %get3A_665, %shift_right_logical3A_667 : vector<16xi32>
    %mul3A_669 = arith.constant 16 : i32
    %mul3A_670 = arith.muli %add3A_659, %mul3A_669 : i32
    %swap3A_671 = arith.index_cast %mul3A_670 : i32 to index
    %swap3A_672 = tpu.vector_load %arg9[%swap3A_671] {strides = array<i32>} : memref<128xi32, #tpu.memory_space<vmem>>, vector<16xi32>,
    tpu.vector_store %arg9[%swap3A_671], %shift_right_logical3A_668 {strides = array<i32>} : memref<128xi32, #tpu.memory_space<vmem>>, vector<16xi32>,
    %scan3A_673 = arith.constant 8 : i32
    %dma_start3A_674 = arith.constant 0 : i32
    %dma_start3A_675 = arith.constant 0 : i32
    %dma_start3A_676 = tpu.memref_slice %arg13[%dma_start3A_674, %dma_start3A_675] : memref<128x128xf32, #tpu.memory_space<vmem>> -> memref<32x128xf32, #tpu.memory_space<vmem>>
    %dma_start3A_677 = arith.constant 0 : i32
    %dma_start3A_678 = tpu.memref_slice %arg9[%dma_start3A_677] : memref<128xi32, #tpu.memory_space<vmem>> -> memref<32xi32, #tpu.memory_space<vmem>>
    %dma_start3A_679 = arith.constant 0 : i32
    %dma_start3A_680 = arith.constant 0 : i32
    %dma_start3A_681 = tpu.memref_slice %arg3[%dma_start3A_679, %dma_start3A_680] : memref<500000x128xf32, #tpu.memory_space<hbm>> -> memref<500000x128xf32, #tpu.memory_space<hbm>>
    tpu.enqueue_indirect_dma source(%dma_start3A_681 : memref<500000x128xf32, #tpu.memory_space<hbm>>) target(%dma_start3A_676 : memref<32x128xf32, #tpu.memory_space<vmem>>) offsets(%dma_start3A_678 : memref<32xi32, #tpu.memory_space<vmem>>) semaphore(%arg21 : memref<!tpu.dma_semaphore, #tpu.memory_space<semaphore_mem>>)
    %dma_start3A_682 = arith.constant 32 : i32
    %dma_start3A_683 = arith.constant 0 : i32
    %dma_start3A_684 = tpu.memref_slice %arg13[%dma_start3A_682, %dma_start3A_683] : memref<128x128xf32, #tpu.memory_space<vmem>> -> memref<32x128xf32, #tpu.memory_space<vmem>>
    %dma_start3A_685 = arith.constant 32 : i32
    %dma_start3A_686 = tpu.memref_slice %arg9[%dma_start3A_685] : memref<128xi32, #tpu.memory_space<vmem>> -> memref<32xi32, #tpu.memory_space<vmem>>
    %dma_start3A_687 = arith.constant 0 : i32
    %dma_start3A_688 = arith.constant 0 : i32
    %dma_start3A_689 = tpu.memref_slice %arg3[%dma_start3A_687, %dma_start3A_688] : memref<500000x128xf32, #tpu.memory_space<hbm>> -> memref<500000x128xf32, #tpu.memory_space<hbm>>
    tpu.enqueue_indirect_dma source(%dma_start3A_689 : memref<500000x128xf32, #tpu.memory_space<hbm>>) target(%dma_start3A_684 : memref<32x128xf32, #tpu.memory_space<vmem>>) offsets(%dma_start3A_686 : memref<32xi32, #tpu.memory_space<vmem>>) semaphore(%arg21 : memref<!tpu.dma_semaphore, #tpu.memory_space<semaphore_mem>>)
    %dma_start3A_690 = arith.constant 64 : i32
    %dma_start3A_691 = arith.constant 0 : i32
    %dma_start3A_692 = tpu.memref_slice %arg13[%dma_start3A_690, %dma_start3A_691] : memref<128x128xf32, #tpu.memory_space<vmem>> -> memref<32x128xf32, #tpu.memory_space<vmem>>
    %dma_start3A_693 = arith.constant 64 : i32
    %dma_start3A_694 = tpu.memref_slice %arg9[%dma_start3A_693] : memref<128xi32, #tpu.memory_space<vmem>> -> memref<32xi32, #tpu.memory_space<vmem>>
    %dma_start3A_695 = arith.constant 0 : i32
    %dma_start3A_696 = arith.constant 0 : i32
    %dma_start3A_697 = tpu.memref_slice %arg3[%dma_start3A_695, %dma_start3A_696] : memref<500000x128xf32, #tpu.memory_space<hbm>> -> memref<500000x128xf32, #tpu.memory_space<hbm>>
    tpu.enqueue_indirect_dma source(%dma_start3A_697 : memref<500000x128xf32, #tpu.memory_space<hbm>>) target(%dma_start3A_692 : memref<32x128xf32, #tpu.memory_space<vmem>>) offsets(%dma_start3A_694 : memref<32xi32, #tpu.memory_space<vmem>>) semaphore(%arg21 : memref<!tpu.dma_semaphore, #tpu.memory_space<semaphore_mem>>)
    %dma_start3A_698 = arith.constant 96 : i32
    %dma_start3A_699 = arith.constant 0 : i32
    %dma_start3A_700 = tpu.memref_slice %arg13[%dma_start3A_698, %dma_start3A_699] : memref<128x128xf32, #tpu.memory_space<vmem>> -> memref<32x128xf32, #tpu.memory_space<vmem>>
    %dma_start3A_701 = arith.constant 96 : i32
    %dma_start3A_702 = tpu.memref_slice %arg9[%dma_start3A_701] : memref<128xi32, #tpu.memory_space<vmem>> -> memref<32xi32, #tpu.memory_space<vmem>>
    %dma_start3A_703 = arith.constant 0 : i32
    %dma_start3A_704 = arith.constant 0 : i32
    %dma_start3A_705 = tpu.memref_slice %arg3[%dma_start3A_703, %dma_start3A_704] : memref<500000x128xf32, #tpu.memory_space<hbm>> -> memref<500000x128xf32, #tpu.memory_space<hbm>>
    tpu.enqueue_indirect_dma source(%dma_start3A_705 : memref<500000x128xf32, #tpu.memory_space<hbm>>) target(%dma_start3A_700 : memref<32x128xf32, #tpu.memory_space<vmem>>) offsets(%dma_start3A_702 : memref<32xi32, #tpu.memory_space<vmem>>) semaphore(%arg21 : memref<!tpu.dma_semaphore, #tpu.memory_space<semaphore_mem>>)
    %scan3A_706 = arith.constant 0 : i32
    %scan3A_707 = arith.constant 50 : i32
    %scan3A_708 = arith.addi %scan3A_706, %scan3A_707 : i32
    %scan3A_709 = arith.constant 1 : i32
    scf.for %scan3A_738 = %scan3A_706 to %scan3A_708 step %scan3A_709  : i32 {
      %mul3A_739 = arith.constant 4 : i32
      %mul3A_740 = arith.muli %scan3A_738, %mul3A_739 : i32
      %add3A_741 = arith.constant 0 : i32
      %add3A_742 = arith.addi %add3A_741, %mul3A_740 : i32
      %add3A_743 = arith.constant 0 : i32
      %add3A_744 = arith.addi %add3A_742, %add3A_743 : i32
      %dma_wait3A_745 = arith.constant 0 : i32
      %dma_wait3A_746 = arith.constant 0 : i32
      %dma_wait3A_747 = tpu.memref_slice %arg10[%dma_wait3A_745, %dma_wait3A_746] : memref<128x128xf32, #tpu.memory_space<vmem>> -> memref<32x128xf32, #tpu.memory_space<vmem>>
      %dma_wait3A_748 = arith.constant 0 : i32
      %dma_wait3A_749 = tpu.memref_slice %arg6[%dma_wait3A_748] : memref<128xi32, #tpu.memory_space<vmem>> -> memref<32xi32, #tpu.memory_space<vmem>>
      %dma_wait3A_750 = arith.constant 0 : i32
      %dma_wait3A_751 = arith.constant 0 : i32
      %dma_wait3A_752 = tpu.memref_slice %arg3[%dma_wait3A_750, %dma_wait3A_751] : memref<500000x128xf32, #tpu.memory_space<hbm>> -> memref<500000x128xf32, #tpu.memory_space<hbm>>
      tpu.wait_indirect_dma semaphore(%arg18 : memref<!tpu.dma_semaphore, #tpu.memory_space<semaphore_mem>>) src(%dma_wait3A_752 : memref<500000x128xf32, #tpu.memory_space<hbm>>) dst(%dma_wait3A_747 : memref<32x128xf32, #tpu.memory_space<vmem>>)
      %dma_wait3A_753 = arith.constant 32 : i32
      %dma_wait3A_754 = arith.constant 0 : i32
      %dma_wait3A_755 = tpu.memref_slice %arg10[%dma_wait3A_753, %dma_wait3A_754] : memref<128x128xf32, #tpu.memory_space<vmem>> -> memref<32x128xf32, #tpu.memory_space<vmem>>
      %dma_wait3A_756 = arith.constant 32 : i32
      %dma_wait3A_757 = tpu.memref_slice %arg6[%dma_wait3A_756] : memref<128xi32, #tpu.memory_space<vmem>> -> memref<32xi32, #tpu.memory_space<vmem>>
      %dma_wait3A_758 = arith.constant 0 : i32
      %dma_wait3A_759 = arith.constant 0 : i32
      %dma_wait3A_760 = tpu.memref_slice %arg3[%dma_wait3A_758, %dma_wait3A_759] : memref<500000x128xf32, #tpu.memory_space<hbm>> -> memref<500000x128xf32, #tpu.memory_space<hbm>>
      tpu.wait_indirect_dma semaphore(%arg18 : memref<!tpu.dma_semaphore, #tpu.memory_space<semaphore_mem>>) src(%dma_wait3A_760 : memref<500000x128xf32, #tpu.memory_space<hbm>>) dst(%dma_wait3A_755 : memref<32x128xf32, #tpu.memory_space<vmem>>)
      %dma_wait3A_761 = arith.constant 64 : i32
      %dma_wait3A_762 = arith.constant 0 : i32
      %dma_wait3A_763 = tpu.memref_slice %arg10[%dma_wait3A_761, %dma_wait3A_762] : memref<128x128xf32, #tpu.memory_space<vmem>> -> memref<32x128xf32, #tpu.memory_space<vmem>>
      %dma_wait3A_764 = arith.constant 64 : i32
      %dma_wait3A_765 = tpu.memref_slice %arg6[%dma_wait3A_764] : memref<128xi32, #tpu.memory_space<vmem>> -> memref<32xi32, #tpu.memory_space<vmem>>
      %dma_wait3A_766 = arith.constant 0 : i32
      %dma_wait3A_767 = arith.constant 0 : i32
      %dma_wait3A_768 = tpu.memref_slice %arg3[%dma_wait3A_766, %dma_wait3A_767] : memref<500000x128xf32, #tpu.memory_space<hbm>> -> memref<500000x128xf32, #tpu.memory_space<hbm>>
      tpu.wait_indirect_dma semaphore(%arg18 : memref<!tpu.dma_semaphore, #tpu.memory_space<semaphore_mem>>) src(%dma_wait3A_768 : memref<500000x128xf32, #tpu.memory_space<hbm>>) dst(%dma_wait3A_763 : memref<32x128xf32, #tpu.memory_space<vmem>>)
      %dma_wait3A_769 = arith.constant 96 : i32
      %dma_wait3A_770 = arith.constant 0 : i32
      %dma_wait3A_771 = tpu.memref_slice %arg10[%dma_wait3A_769, %dma_wait3A_770] : memref<128x128xf32, #tpu.memory_space<vmem>> -> memref<32x128xf32, #tpu.memory_space<vmem>>
      %dma_wait3A_772 = arith.constant 96 : i32
      %dma_wait3A_773 = tpu.memref_slice %arg6[%dma_wait3A_772] : memref<128xi32, #tpu.memory_space<vmem>> -> memref<32xi32, #tpu.memory_space<vmem>>
      %dma_wait3A_774 = arith.constant 0 : i32
      %dma_wait3A_775 = arith.constant 0 : i32
      %dma_wait3A_776 = tpu.memref_slice %arg3[%dma_wait3A_774, %dma_wait3A_775] : memref<500000x128xf32, #tpu.memory_space<hbm>> -> memref<500000x128xf32, #tpu.memory_space<hbm>>
      tpu.wait_indirect_dma semaphore(%arg18 : memref<!tpu.dma_semaphore, #tpu.memory_space<semaphore_mem>>) src(%dma_wait3A_776 : memref<500000x128xf32, #tpu.memory_space<hbm>>) dst(%dma_wait3A_771 : memref<32x128xf32, #tpu.memory_space<vmem>>)
      %ge3A = arith.constant 4 : i32
      %ge3A_777 = arith.cmpi sge, %add3A_744, %ge3A : i32
      %convert_element_type3A = arith.extui %ge3A_777 : i1 to i32
      %cond3A = arith.constant 0 : i32
      %cond3A_778 = arith.cmpi ne, %convert_element_type3A, %cond3A : i32
      scf.if %cond3A_778 {
        %sub3A = arith.constant 4 : i32
        %sub3A_1577 = arith.subi %add3A_744, %sub3A : i32
        %dma_wait3A_1578 = arith.constant 0 : i32
        %dma_wait3A_1579 = tpu.memref_slice %arg4[%sub3A_1577, %dma_wait3A_1578, %mul3A_2] : memref<200x64x4096xf32, #tpu.memory_space<hbm>> -> memref<1x64x128xf32, #tpu.memory_space<hbm>>
        %dma_wait3A_1580 = tpu.memref_squeeze %dma_wait3A_1579 : memref<1x64x128xf32, #tpu.memory_space<hbm>> -> memref<64x128xf32, #tpu.memory_space<hbm>>
        %dma_wait3A_1581 = arith.constant 0 : i32
        %dma_wait3A_1582 = tpu.memref_slice %arg4[%sub3A_1577, %dma_wait3A_1581, %mul3A_2] : memref<200x64x4096xf32, #tpu.memory_space<hbm>> -> memref<1x64x128xf32, #tpu.memory_space<hbm>>
        %dma_wait3A_1583 = tpu.memref_squeeze %dma_wait3A_1582 : memref<1x64x128xf32, #tpu.memory_space<hbm>> -> memref<64x128xf32, #tpu.memory_space<hbm>>
        tpu.wait_dma2 semaphore(%arg22 : memref<!tpu.dma_semaphore, #tpu.memory_space<semaphore_mem>>) src(%arg14 : memref<64x128xf32, #tpu.memory_space<vmem>>) dst(%dma_wait3A_1583 : memref<64x128xf32, #tpu.memory_space<hbm>>)
      } else {
      }
      %mul3A_779 = arith.constant 0 : i32
      %mul3A_780 = vector.broadcast %mul3A_779 : i32 to vector<16xi32>
      %mul3A_781 = arith.muli %iota3A, %mul3A_780 : vector<16xi32>
      %get3A_782 = arith.index_cast %add3A_744 : i32 to index
      %get3A_783 = arith.constant 0 : index
      %get3A_784 = tpu.vector_load %arg5[%get3A_782, %get3A_783] {strides = array<i32>} : memref<200x128xi32, #tpu.memory_space<vmem>>, vector<16xi32>,
      %add3A_785 = arith.constant 0 : i32
      %add3A_786 = vector.broadcast %add3A_785 : i32 to vector<16xi32>
      %add3A_787 = arith.addi %iota3A, %add3A_786 : vector<16xi32>
      %mul3A_788 = arith.constant 128 : i32
      %mul3A_789 = vector.broadcast %mul3A_788 : i32 to vector<16xi32>
      %mul3A_790 = arith.muli %add3A_787, %mul3A_789 : vector<16xi32>
      %and3A = arith.constant 1 : i32
      %and3A_791 = vector.broadcast %and3A : i32 to vector<16xi32>
      %and3A_792 = arith.andi %get3A_784, %and3A_791 : vector<16xi32>
      %mul3A_793 = arith.constant 64 : i32
      %mul3A_794 = vector.broadcast %mul3A_793 : i32 to vector<16xi32>
      %mul3A_795 = arith.muli %and3A_792, %mul3A_794 : vector<16xi32>
      %add3A_796 = arith.addi %mul3A_790, %mul3A_795 : vector<16xi32>
      %get3A_797 = arith.index_cast %add3A_744 : i32 to index
      %get3A_798 = arith.constant 16 : index
      %get3A_799 = tpu.vector_load %arg5[%get3A_797, %get3A_798] {strides = array<i32>} : memref<200x128xi32, #tpu.memory_space<vmem>>, vector<16xi32>,
      %add3A_800 = arith.constant 16 : i32
      %add3A_801 = vector.broadcast %add3A_800 : i32 to vector<16xi32>
      %add3A_802 = arith.addi %iota3A, %add3A_801 : vector<16xi32>
      %mul3A_803 = arith.constant 128 : i32
      %mul3A_804 = vector.broadcast %mul3A_803 : i32 to vector<16xi32>
      %mul3A_805 = arith.muli %add3A_802, %mul3A_804 : vector<16xi32>
      %and3A_806 = arith.constant 1 : i32
      %and3A_807 = vector.broadcast %and3A_806 : i32 to vector<16xi32>
      %and3A_808 = arith.andi %get3A_799, %and3A_807 : vector<16xi32>
      %mul3A_809 = arith.constant 64 : i32
      %mul3A_810 = vector.broadcast %mul3A_809 : i32 to vector<16xi32>
      %mul3A_811 = arith.muli %and3A_808, %mul3A_810 : vector<16xi32>
      %add3A_812 = arith.addi %mul3A_805, %mul3A_811 : vector<16xi32>
      %get3A_813 = arith.index_cast %add3A_744 : i32 to index
      %get3A_814 = arith.constant 32 : index
      %get3A_815 = tpu.vector_load %arg5[%get3A_813, %get3A_814] {strides = array<i32>} : memref<200x128xi32, #tpu.memory_space<vmem>>, vector<16xi32>,
      %add3A_816 = arith.constant 32 : i32
      %add3A_817 = vector.broadcast %add3A_816 : i32 to vector<16xi32>
      %add3A_818 = arith.addi %iota3A, %add3A_817 : vector<16xi32>
      %mul3A_819 = arith.constant 128 : i32
      %mul3A_820 = vector.broadcast %mul3A_819 : i32 to vector<16xi32>
      %mul3A_821 = arith.muli %add3A_818, %mul3A_820 : vector<16xi32>
      %and3A_822 = arith.constant 1 : i32
      %and3A_823 = vector.broadcast %and3A_822 : i32 to vector<16xi32>
      %and3A_824 = arith.andi %get3A_815, %and3A_823 : vector<16xi32>
      %mul3A_825 = arith.constant 64 : i32
      %mul3A_826 = vector.broadcast %mul3A_825 : i32 to vector<16xi32>
      %mul3A_827 = arith.muli %and3A_824, %mul3A_826 : vector<16xi32>
      %add3A_828 = arith.addi %mul3A_821, %mul3A_827 : vector<16xi32>
      %get3A_829 = arith.index_cast %add3A_744 : i32 to index
      %get3A_830 = arith.constant 48 : index
      %get3A_831 = tpu.vector_load %arg5[%get3A_829, %get3A_830] {strides = array<i32>} : memref<200x128xi32, #tpu.memory_space<vmem>>, vector<16xi32>,
      %add3A_832 = arith.constant 48 : i32
      %add3A_833 = vector.broadcast %add3A_832 : i32 to vector<16xi32>
      %add3A_834 = arith.addi %iota3A, %add3A_833 : vector<16xi32>
      %mul3A_835 = arith.constant 128 : i32
      %mul3A_836 = vector.broadcast %mul3A_835 : i32 to vector<16xi32>
      %mul3A_837 = arith.muli %add3A_834, %mul3A_836 : vector<16xi32>
      %and3A_838 = arith.constant 1 : i32
      %and3A_839 = vector.broadcast %and3A_838 : i32 to vector<16xi32>
      %and3A_840 = arith.andi %get3A_831, %and3A_839 : vector<16xi32>
      %mul3A_841 = arith.constant 64 : i32
      %mul3A_842 = vector.broadcast %mul3A_841 : i32 to vector<16xi32>
      %mul3A_843 = arith.muli %and3A_840, %mul3A_842 : vector<16xi32>
      %add3A_844 = arith.addi %mul3A_837, %mul3A_843 : vector<16xi32>
      %get3A_845 = arith.index_cast %add3A_744 : i32 to index
      %get3A_846 = arith.constant 64 : index
      %get3A_847 = tpu.vector_load %arg5[%get3A_845, %get3A_846] {strides = array<i32>} : memref<200x128xi32, #tpu.memory_space<vmem>>, vector<16xi32>,
      %add3A_848 = arith.constant 64 : i32
      %add3A_849 = vector.broadcast %add3A_848 : i32 to vector<16xi32>
      %add3A_850 = arith.addi %iota3A, %add3A_849 : vector<16xi32>
      %mul3A_851 = arith.constant 128 : i32
      %mul3A_852 = vector.broadcast %mul3A_851 : i32 to vector<16xi32>
      %mul3A_853 = arith.muli %add3A_850, %mul3A_852 : vector<16xi32>
      %and3A_854 = arith.constant 1 : i32
      %and3A_855 = vector.broadcast %and3A_854 : i32 to vector<16xi32>
      %and3A_856 = arith.andi %get3A_847, %and3A_855 : vector<16xi32>
      %mul3A_857 = arith.constant 64 : i32
      %mul3A_858 = vector.broadcast %mul3A_857 : i32 to vector<16xi32>
      %mul3A_859 = arith.muli %and3A_856, %mul3A_858 : vector<16xi32>
      %add3A_860 = arith.addi %mul3A_853, %mul3A_859 : vector<16xi32>
      %get3A_861 = arith.index_cast %add3A_744 : i32 to index
      %get3A_862 = arith.constant 80 : index
      %get3A_863 = tpu.vector_load %arg5[%get3A_861, %get3A_862] {strides = array<i32>} : memref<200x128xi32, #tpu.memory_space<vmem>>, vector<16xi32>,
      %add3A_864 = arith.constant 80 : i32
      %add3A_865 = vector.broadcast %add3A_864 : i32 to vector<16xi32>
      %add3A_866 = arith.addi %iota3A, %add3A_865 : vector<16xi32>
      %mul3A_867 = arith.constant 128 : i32
      %mul3A_868 = vector.broadcast %mul3A_867 : i32 to vector<16xi32>
      %mul3A_869 = arith.muli %add3A_866, %mul3A_868 : vector<16xi32>
      %and3A_870 = arith.constant 1 : i32
      %and3A_871 = vector.broadcast %and3A_870 : i32 to vector<16xi32>
      %and3A_872 = arith.andi %get3A_863, %and3A_871 : vector<16xi32>
      %mul3A_873 = arith.constant 64 : i32
      %mul3A_874 = vector.broadcast %mul3A_873 : i32 to vector<16xi32>
      %mul3A_875 = arith.muli %and3A_872, %mul3A_874 : vector<16xi32>
      %add3A_876 = arith.addi %mul3A_869, %mul3A_875 : vector<16xi32>
      %get3A_877 = arith.index_cast %add3A_744 : i32 to index
      %get3A_878 = arith.constant 96 : index
      %get3A_879 = tpu.vector_load %arg5[%get3A_877, %get3A_878] {strides = array<i32>} : memref<200x128xi32, #tpu.memory_space<vmem>>, vector<16xi32>,
      %add3A_880 = arith.constant 96 : i32
      %add3A_881 = vector.broadcast %add3A_880 : i32 to vector<16xi32>
      %add3A_882 = arith.addi %iota3A, %add3A_881 : vector<16xi32>
      %mul3A_883 = arith.constant 128 : i32
      %mul3A_884 = vector.broadcast %mul3A_883 : i32 to vector<16xi32>
      %mul3A_885 = arith.muli %add3A_882, %mul3A_884 : vector<16xi32>
      %and3A_886 = arith.constant 1 : i32
      %and3A_887 = vector.broadcast %and3A_886 : i32 to vector<16xi32>
      %and3A_888 = arith.andi %get3A_879, %and3A_887 : vector<16xi32>
      %mul3A_889 = arith.constant 64 : i32
      %mul3A_890 = vector.broadcast %mul3A_889 : i32 to vector<16xi32>
      %mul3A_891 = arith.muli %and3A_888, %mul3A_890 : vector<16xi32>
      %add3A_892 = arith.addi %mul3A_885, %mul3A_891 : vector<16xi32>
      %get3A_893 = arith.index_cast %add3A_744 : i32 to index
      %get3A_894 = arith.constant 112 : index
      %get3A_895 = tpu.vector_load %arg5[%get3A_893, %get3A_894] {strides = array<i32>} : memref<200x128xi32, #tpu.memory_space<vmem>>, vector<16xi32>,
      %add3A_896 = arith.constant 112 : i32
      %add3A_897 = vector.broadcast %add3A_896 : i32 to vector<16xi32>
      %add3A_898 = arith.addi %iota3A, %add3A_897 : vector<16xi32>
      %mul3A_899 = arith.constant 128 : i32
      %mul3A_900 = vector.broadcast %mul3A_899 : i32 to vector<16xi32>
      %mul3A_901 = arith.muli %add3A_898, %mul3A_900 : vector<16xi32>
      %and3A_902 = arith.constant 1 : i32
      %and3A_903 = vector.broadcast %and3A_902 : i32 to vector<16xi32>
      %and3A_904 = arith.andi %get3A_895, %and3A_903 : vector<16xi32>
      %mul3A_905 = arith.constant 64 : i32
      %mul3A_906 = vector.broadcast %mul3A_905 : i32 to vector<16xi32>
      %mul3A_907 = arith.muli %and3A_904, %mul3A_906 : vector<16xi32>
      %add3A_908 = arith.addi %mul3A_901, %mul3A_907 : vector<16xi32>
      %add3A_909 = arith.constant 0 : i32
      %add3A_910 = vector.broadcast %add3A_909 : i32 to vector<16xi32>
      %add3A_911 = arith.addi %iota3A, %add3A_910 : vector<16xi32>
      %add3A_912 = arith.constant 16 : i32
      %add3A_913 = vector.broadcast %add3A_912 : i32 to vector<16xi32>
      %add3A_914 = arith.addi %iota3A, %add3A_913 : vector<16xi32>
      %add3A_915 = arith.constant 32 : i32
      %add3A_916 = vector.broadcast %add3A_915 : i32 to vector<16xi32>
      %add3A_917 = arith.addi %iota3A, %add3A_916 : vector<16xi32>
      %add3A_918 = arith.constant 48 : i32
      %add3A_919 = vector.broadcast %add3A_918 : i32 to vector<16xi32>
      %add3A_920 = arith.addi %iota3A, %add3A_919 : vector<16xi32>
      %add3A_921 = arith.constant 64 : i32
      %add3A_922 = vector.broadcast %add3A_921 : i32 to vector<16xi32>
      %add3A_923 = arith.addi %iota3A, %add3A_922 : vector<16xi32>
      %add3A_924 = arith.constant 80 : i32
      %add3A_925 = vector.broadcast %add3A_924 : i32 to vector<16xi32>
      %add3A_926 = arith.addi %iota3A, %add3A_925 : vector<16xi32>
      %add3A_927 = arith.constant 96 : i32
      %add3A_928 = vector.broadcast %add3A_927 : i32 to vector<16xi32>
      %add3A_929 = arith.addi %iota3A, %add3A_928 : vector<16xi32>
      %add3A_930 = arith.constant 112 : i32
      %add3A_931 = vector.broadcast %add3A_930 : i32 to vector<16xi32>
      %add3A_932 = arith.addi %iota3A, %add3A_931 : vector<16xi32>
      %parallel_loop3A = arith.constant 0 : i32
      %parallel_loop3A_933 = arith.constant 64 : i32
      %parallel_loop3A_934 = arith.constant 1 : i32
      scf.for %parallel_loop3A_1577 = %parallel_loop3A to %parallel_loop3A_933 step %parallel_loop3A_934  : i32 {
        %parallel_loop3A_1578 = vector.broadcast %parallel_loop3A_1577 : i32 to vector<16xi32>
        %parallel_loop3A_1579 = arith.addi %add3A_911, %parallel_loop3A_1578 : vector<16xi32>
        %parallel_loop3A_1580 = arith.constant 63 : i32
        %parallel_loop3A_1581 = vector.broadcast %parallel_loop3A_1580 : i32 to vector<16xi32>
        %parallel_loop3A_1582 = arith.andi %parallel_loop3A_1579, %parallel_loop3A_1581 : vector<16xi32>
        %parallel_loop3A_1583 = arith.addi %add3A_796, %parallel_loop3A_1582 : vector<16xi32>
        %parallel_loop3A_1584 = tpu.vector_load_idx %arg10[%mul3A_781, %parallel_loop3A_1583] : memref<128x128xf32, #tpu.memory_space<vmem>>[vector<16xi32>, vector<16xi32>], vector<16xf32>,
        tpu.vector_store_idx %arg14[%parallel_loop3A_1582, %add3A_911], %parallel_loop3A_1584 : memref<64x128xf32, #tpu.memory_space<vmem>>[vector<16xi32>, vector<16xi32>], vector<16xf32>,
        %parallel_loop3A_1585 = vector.broadcast %parallel_loop3A_1577 : i32 to vector<16xi32>
        %parallel_loop3A_1586 = arith.addi %add3A_914, %parallel_loop3A_1585 : vector<16xi32>
        %parallel_loop3A_1587 = arith.constant 63 : i32
        %parallel_loop3A_1588 = vector.broadcast %parallel_loop3A_1587 : i32 to vector<16xi32>
        %parallel_loop3A_1589 = arith.andi %parallel_loop3A_1586, %parallel_loop3A_1588 : vector<16xi32>
        %parallel_loop3A_1590 = arith.addi %add3A_812, %parallel_loop3A_1589 : vector<16xi32>
        %parallel_loop3A_1591 = tpu.vector_load_idx %arg10[%mul3A_781, %parallel_loop3A_1590] : memref<128x128xf32, #tpu.memory_space<vmem>>[vector<16xi32>, vector<16xi32>], vector<16xf32>,
        tpu.vector_store_idx %arg14[%parallel_loop3A_1589, %add3A_914], %parallel_loop3A_1591 : memref<64x128xf32, #tpu.memory_space<vmem>>[vector<16xi32>, vector<16xi32>], vector<16xf32>,
        %parallel_loop3A_1592 = vector.broadcast %parallel_loop3A_1577 : i32 to vector<16xi32>
        %parallel_loop3A_1593 = arith.addi %add3A_917, %parallel_loop3A_1592 : vector<16xi32>
        %parallel_loop3A_1594 = arith.constant 63 : i32
        %parallel_loop3A_1595 = vector.broadcast %parallel_loop3A_1594 : i32 to vector<16xi32>
        %parallel_loop3A_1596 = arith.andi %parallel_loop3A_1593, %parallel_loop3A_1595 : vector<16xi32>
        %parallel_loop3A_1597 = arith.addi %add3A_828, %parallel_loop3A_1596 : vector<16xi32>
        %parallel_loop3A_1598 = tpu.vector_load_idx %arg10[%mul3A_781, %parallel_loop3A_1597] : memref<128x128xf32, #tpu.memory_space<vmem>>[vector<16xi32>, vector<16xi32>], vector<16xf32>,
        tpu.vector_store_idx %arg14[%parallel_loop3A_1596, %add3A_917], %parallel_loop3A_1598 : memref<64x128xf32, #tpu.memory_space<vmem>>[vector<16xi32>, vector<16xi32>], vector<16xf32>,
        %parallel_loop3A_1599 = vector.broadcast %parallel_loop3A_1577 : i32 to vector<16xi32>
        %parallel_loop3A_1600 = arith.addi %add3A_920, %parallel_loop3A_1599 : vector<16xi32>
        %parallel_loop3A_1601 = arith.constant 63 : i32
        %parallel_loop3A_1602 = vector.broadcast %parallel_loop3A_1601 : i32 to vector<16xi32>
        %parallel_loop3A_1603 = arith.andi %parallel_loop3A_1600, %parallel_loop3A_1602 : vector<16xi32>
        %parallel_loop3A_1604 = arith.addi %add3A_844, %parallel_loop3A_1603 : vector<16xi32>
        %parallel_loop3A_1605 = tpu.vector_load_idx %arg10[%mul3A_781, %parallel_loop3A_1604] : memref<128x128xf32, #tpu.memory_space<vmem>>[vector<16xi32>, vector<16xi32>], vector<16xf32>,
        tpu.vector_store_idx %arg14[%parallel_loop3A_1603, %add3A_920], %parallel_loop3A_1605 : memref<64x128xf32, #tpu.memory_space<vmem>>[vector<16xi32>, vector<16xi32>], vector<16xf32>,
        %parallel_loop3A_1606 = vector.broadcast %parallel_loop3A_1577 : i32 to vector<16xi32>
        %parallel_loop3A_1607 = arith.addi %add3A_923, %parallel_loop3A_1606 : vector<16xi32>
        %parallel_loop3A_1608 = arith.constant 63 : i32
        %parallel_loop3A_1609 = vector.broadcast %parallel_loop3A_1608 : i32 to vector<16xi32>
        %parallel_loop3A_1610 = arith.andi %parallel_loop3A_1607, %parallel_loop3A_1609 : vector<16xi32>
        %parallel_loop3A_1611 = arith.addi %add3A_860, %parallel_loop3A_1610 : vector<16xi32>
        %parallel_loop3A_1612 = tpu.vector_load_idx %arg10[%mul3A_781, %parallel_loop3A_1611] : memref<128x128xf32, #tpu.memory_space<vmem>>[vector<16xi32>, vector<16xi32>], vector<16xf32>,
        tpu.vector_store_idx %arg14[%parallel_loop3A_1610, %add3A_923], %parallel_loop3A_1612 : memref<64x128xf32, #tpu.memory_space<vmem>>[vector<16xi32>, vector<16xi32>], vector<16xf32>,
        %parallel_loop3A_1613 = vector.broadcast %parallel_loop3A_1577 : i32 to vector<16xi32>
        %parallel_loop3A_1614 = arith.addi %add3A_926, %parallel_loop3A_1613 : vector<16xi32>
        %parallel_loop3A_1615 = arith.constant 63 : i32
        %parallel_loop3A_1616 = vector.broadcast %parallel_loop3A_1615 : i32 to vector<16xi32>
        %parallel_loop3A_1617 = arith.andi %parallel_loop3A_1614, %parallel_loop3A_1616 : vector<16xi32>
        %parallel_loop3A_1618 = arith.addi %add3A_876, %parallel_loop3A_1617 : vector<16xi32>
        %parallel_loop3A_1619 = tpu.vector_load_idx %arg10[%mul3A_781, %parallel_loop3A_1618] : memref<128x128xf32, #tpu.memory_space<vmem>>[vector<16xi32>, vector<16xi32>], vector<16xf32>,
        tpu.vector_store_idx %arg14[%parallel_loop3A_1617, %add3A_926], %parallel_loop3A_1619 : memref<64x128xf32, #tpu.memory_space<vmem>>[vector<16xi32>, vector<16xi32>], vector<16xf32>,
        %parallel_loop3A_1620 = vector.broadcast %parallel_loop3A_1577 : i32 to vector<16xi32>
        %parallel_loop3A_1621 = arith.addi %add3A_929, %parallel_loop3A_1620 : vector<16xi32>
        %parallel_loop3A_1622 = arith.constant 63 : i32
        %parallel_loop3A_1623 = vector.broadcast %parallel_loop3A_1622 : i32 to vector<16xi32>
        %parallel_loop3A_1624 = arith.andi %parallel_loop3A_1621, %parallel_loop3A_1623 : vector<16xi32>
        %parallel_loop3A_1625 = arith.addi %add3A_892, %parallel_loop3A_1624 : vector<16xi32>
        %parallel_loop3A_1626 = tpu.vector_load_idx %arg10[%mul3A_781, %parallel_loop3A_1625] : memref<128x128xf32, #tpu.memory_space<vmem>>[vector<16xi32>, vector<16xi32>], vector<16xf32>,
        tpu.vector_store_idx %arg14[%parallel_loop3A_1624, %add3A_929], %parallel_loop3A_1626 : memref<64x128xf32, #tpu.memory_space<vmem>>[vector<16xi32>, vector<16xi32>], vector<16xf32>,
        %parallel_loop3A_1627 = vector.broadcast %parallel_loop3A_1577 : i32 to vector<16xi32>
        %parallel_loop3A_1628 = arith.addi %add3A_932, %parallel_loop3A_1627 : vector<16xi32>
        %parallel_loop3A_1629 = arith.constant 63 : i32
        %parallel_loop3A_1630 = vector.broadcast %parallel_loop3A_1629 : i32 to vector<16xi32>
        %parallel_loop3A_1631 = arith.andi %parallel_loop3A_1628, %parallel_loop3A_1630 : vector<16xi32>
        %parallel_loop3A_1632 = arith.addi %add3A_908, %parallel_loop3A_1631 : vector<16xi32>
        %parallel_loop3A_1633 = tpu.vector_load_idx %arg10[%mul3A_781, %parallel_loop3A_1632] : memref<128x128xf32, #tpu.memory_space<vmem>>[vector<16xi32>, vector<16xi32>], vector<16xf32>,
        tpu.vector_store_idx %arg14[%parallel_loop3A_1631, %add3A_932], %parallel_loop3A_1633 : memref<64x128xf32, #tpu.memory_space<vmem>>[vector<16xi32>, vector<16xi32>], vector<16xf32>,
      } {sc.loop_unroll_factor = 2 : i64, sc.parallel_access}
      %dma_start3A_935 = arith.constant 0 : i32
      %dma_start3A_936 = tpu.memref_slice %arg4[%add3A_744, %dma_start3A_935, %mul3A_2] : memref<200x64x4096xf32, #tpu.memory_space<hbm>> -> memref<1x64x128xf32, #tpu.memory_space<hbm>>
      %dma_start3A_937 = tpu.memref_squeeze %dma_start3A_936 : memref<1x64x128xf32, #tpu.memory_space<hbm>> -> memref<64x128xf32, #tpu.memory_space<hbm>>
      %dma_start3A_938 = arith.constant 0 : i32
      %dma_start3A_939 = tpu.memref_slice %arg4[%add3A_744, %dma_start3A_938, %mul3A_2] : memref<200x64x4096xf32, #tpu.memory_space<hbm>> -> memref<1x64x128xf32, #tpu.memory_space<hbm>>
      %dma_start3A_940 = tpu.memref_squeeze %dma_start3A_939 : memref<1x64x128xf32, #tpu.memory_space<hbm>> -> memref<64x128xf32, #tpu.memory_space<hbm>>
      tpu.enqueue_dma source(%arg14 : memref<64x128xf32, #tpu.memory_space<vmem>>) target(%dma_start3A_940 : memref<64x128xf32, #tpu.memory_space<hbm>>) target_semaphore(%arg22 : memref<!tpu.dma_semaphore, #tpu.memory_space<semaphore_mem>>)
      %add3A_941 = arith.constant 4 : i32
      %add3A_942 = arith.addi %add3A_744, %add3A_941 : i32
      %lt3A = arith.constant 200 : i32
      %lt3A_943 = arith.cmpi slt, %add3A_942, %lt3A : i32
      %convert_element_type3A_944 = arith.extui %lt3A_943 : i1 to i32
      %cond3A_945 = arith.constant 0 : i32
      %cond3A_946 = arith.cmpi ne, %convert_element_type3A_944, %cond3A_945 : i32
      scf.if %cond3A_946 {
        %scan3A_1577 = arith.constant 0 : i32
        %mul3A_1578 = arith.constant 1 : i32
        %mul3A_1579 = arith.muli %scan3A_1577, %mul3A_1578 : i32
        %add3A_1580 = arith.constant 0 : i32
        %add3A_1581 = arith.addi %add3A_1580, %mul3A_1579 : i32
        %mul3A_1582 = arith.constant 16 : i32
        %mul3A_1583 = arith.muli %add3A_1581, %mul3A_1582 : i32
        %get3A_1584 = arith.index_cast %add3A_942 : i32 to index
        %get3A_1585 = arith.index_cast %mul3A_1583 : i32 to index
        %get3A_1586 = tpu.vector_load %arg5[%get3A_1584, %get3A_1585] {strides = array<i32>} : memref<200x128xi32, #tpu.memory_space<vmem>>, vector<16xi32>,
        %shift_right_logical3A_1587 = arith.constant 1 : i32
        %shift_right_logical3A_1588 = vector.broadcast %shift_right_logical3A_1587 : i32 to vector<16xi32>
        %shift_right_logical3A_1589 = arith.shrui %get3A_1586, %shift_right_logical3A_1588 : vector<16xi32>
        %mul3A_1590 = arith.constant 16 : i32
        %mul3A_1591 = arith.muli %add3A_1581, %mul3A_1590 : i32
        %swap3A_1592 = arith.index_cast %mul3A_1591 : i32 to index
        %swap3A_1593 = tpu.vector_load %arg6[%swap3A_1592] {strides = array<i32>} : memref<128xi32, #tpu.memory_space<vmem>>, vector<16xi32>,
        tpu.vector_store %arg6[%swap3A_1592], %shift_right_logical3A_1589 {strides = array<i32>} : memref<128xi32, #tpu.memory_space<vmem>>, vector<16xi32>,
        %scan3A_1594 = arith.constant 1 : i32
        %mul3A_1595 = arith.constant 1 : i32
        %mul3A_1596 = arith.muli %scan3A_1594, %mul3A_1595 : i32
        %add3A_1597 = arith.constant 0 : i32
        %add3A_1598 = arith.addi %add3A_1597, %mul3A_1596 : i32
        %mul3A_1599 = arith.constant 16 : i32
        %mul3A_1600 = arith.muli %add3A_1598, %mul3A_1599 : i32
        %get3A_1601 = arith.index_cast %add3A_942 : i32 to index
        %get3A_1602 = arith.index_cast %mul3A_1600 : i32 to index
        %get3A_1603 = tpu.vector_load %arg5[%get3A_1601, %get3A_1602] {strides = array<i32>} : memref<200x128xi32, #tpu.memory_space<vmem>>, vector<16xi32>,
        %shift_right_logical3A_1604 = arith.constant 1 : i32
        %shift_right_logical3A_1605 = vector.broadcast %shift_right_logical3A_1604 : i32 to vector<16xi32>
        %shift_right_logical3A_1606 = arith.shrui %get3A_1603, %shift_right_logical3A_1605 : vector<16xi32>
        %mul3A_1607 = arith.constant 16 : i32
        %mul3A_1608 = arith.muli %add3A_1598, %mul3A_1607 : i32
        %swap3A_1609 = arith.index_cast %mul3A_1608 : i32 to index
        %swap3A_1610 = tpu.vector_load %arg6[%swap3A_1609] {strides = array<i32>} : memref<128xi32, #tpu.memory_space<vmem>>, vector<16xi32>,
        tpu.vector_store %arg6[%swap3A_1609], %shift_right_logical3A_1606 {strides = array<i32>} : memref<128xi32, #tpu.memory_space<vmem>>, vector<16xi32>,
        %scan3A_1611 = arith.constant 2 : i32
        %mul3A_1612 = arith.constant 1 : i32
        %mul3A_1613 = arith.muli %scan3A_1611, %mul3A_1612 : i32
        %add3A_1614 = arith.constant 0 : i32
        %add3A_1615 = arith.addi %add3A_1614, %mul3A_1613 : i32
        %mul3A_1616 = arith.constant 16 : i32
        %mul3A_1617 = arith.muli %add3A_1615, %mul3A_1616 : i32
        %get3A_1618 = arith.index_cast %add3A_942 : i32 to index
        %get3A_1619 = arith.index_cast %mul3A_1617 : i32 to index
        %get3A_1620 = tpu.vector_load %arg5[%get3A_1618, %get3A_1619] {strides = array<i32>} : memref<200x128xi32, #tpu.memory_space<vmem>>, vector<16xi32>,
        %shift_right_logical3A_1621 = arith.constant 1 : i32
        %shift_right_logical3A_1622 = vector.broadcast %shift_right_logical3A_1621 : i32 to vector<16xi32>
        %shift_right_logical3A_1623 = arith.shrui %get3A_1620, %shift_right_logical3A_1622 : vector<16xi32>
        %mul3A_1624 = arith.constant 16 : i32
        %mul3A_1625 = arith.muli %add3A_1615, %mul3A_1624 : i32
        %swap3A_1626 = arith.index_cast %mul3A_1625 : i32 to index
        %swap3A_1627 = tpu.vector_load %arg6[%swap3A_1626] {strides = array<i32>} : memref<128xi32, #tpu.memory_space<vmem>>, vector<16xi32>,
        tpu.vector_store %arg6[%swap3A_1626], %shift_right_logical3A_1623 {strides = array<i32>} : memref<128xi32, #tpu.memory_space<vmem>>, vector<16xi32>,
        %scan3A_1628 = arith.constant 3 : i32
        %mul3A_1629 = arith.constant 1 : i32
        %mul3A_1630 = arith.muli %scan3A_1628, %mul3A_1629 : i32
        %add3A_1631 = arith.constant 0 : i32
        %add3A_1632 = arith.addi %add3A_1631, %mul3A_1630 : i32
        %mul3A_1633 = arith.constant 16 : i32
        %mul3A_1634 = arith.muli %add3A_1632, %mul3A_1633 : i32
        %get3A_1635 = arith.index_cast %add3A_942 : i32 to index
        %get3A_1636 = arith.index_cast %mul3A_1634 : i32 to index
        %get3A_1637 = tpu.vector_load %arg5[%get3A_1635, %get3A_1636] {strides = array<i32>} : memref<200x128xi32, #tpu.memory_space<vmem>>, vector<16xi32>,
        %shift_right_logical3A_1638 = arith.constant 1 : i32
        %shift_right_logical3A_1639 = vector.broadcast %shift_right_logical3A_1638 : i32 to vector<16xi32>
        %shift_right_logical3A_1640 = arith.shrui %get3A_1637, %shift_right_logical3A_1639 : vector<16xi32>
        %mul3A_1641 = arith.constant 16 : i32
        %mul3A_1642 = arith.muli %add3A_1632, %mul3A_1641 : i32
        %swap3A_1643 = arith.index_cast %mul3A_1642 : i32 to index
        %swap3A_1644 = tpu.vector_load %arg6[%swap3A_1643] {strides = array<i32>} : memref<128xi32, #tpu.memory_space<vmem>>, vector<16xi32>,
        tpu.vector_store %arg6[%swap3A_1643], %shift_right_logical3A_1640 {strides = array<i32>} : memref<128xi32, #tpu.memory_space<vmem>>, vector<16xi32>,
        %scan3A_1645 = arith.constant 4 : i32
        %mul3A_1646 = arith.constant 1 : i32
        %mul3A_1647 = arith.muli %scan3A_1645, %mul3A_1646 : i32
        %add3A_1648 = arith.constant 0 : i32
        %add3A_1649 = arith.addi %add3A_1648, %mul3A_1647 : i32
        %mul3A_1650 = arith.constant 16 : i32
        %mul3A_1651 = arith.muli %add3A_1649, %mul3A_1650 : i32
        %get3A_1652 = arith.index_cast %add3A_942 : i32 to index
        %get3A_1653 = arith.index_cast %mul3A_1651 : i32 to index
        %get3A_1654 = tpu.vector_load %arg5[%get3A_1652, %get3A_1653] {strides = array<i32>} : memref<200x128xi32, #tpu.memory_space<vmem>>, vector<16xi32>,
        %shift_right_logical3A_1655 = arith.constant 1 : i32
        %shift_right_logical3A_1656 = vector.broadcast %shift_right_logical3A_1655 : i32 to vector<16xi32>
        %shift_right_logical3A_1657 = arith.shrui %get3A_1654, %shift_right_logical3A_1656 : vector<16xi32>
        %mul3A_1658 = arith.constant 16 : i32
        %mul3A_1659 = arith.muli %add3A_1649, %mul3A_1658 : i32
        %swap3A_1660 = arith.index_cast %mul3A_1659 : i32 to index
        %swap3A_1661 = tpu.vector_load %arg6[%swap3A_1660] {strides = array<i32>} : memref<128xi32, #tpu.memory_space<vmem>>, vector<16xi32>,
        tpu.vector_store %arg6[%swap3A_1660], %shift_right_logical3A_1657 {strides = array<i32>} : memref<128xi32, #tpu.memory_space<vmem>>, vector<16xi32>,
        %scan3A_1662 = arith.constant 5 : i32
        %mul3A_1663 = arith.constant 1 : i32
        %mul3A_1664 = arith.muli %scan3A_1662, %mul3A_1663 : i32
        %add3A_1665 = arith.constant 0 : i32
        %add3A_1666 = arith.addi %add3A_1665, %mul3A_1664 : i32
        %mul3A_1667 = arith.constant 16 : i32
        %mul3A_1668 = arith.muli %add3A_1666, %mul3A_1667 : i32
        %get3A_1669 = arith.index_cast %add3A_942 : i32 to index
        %get3A_1670 = arith.index_cast %mul3A_1668 : i32 to index
        %get3A_1671 = tpu.vector_load %arg5[%get3A_1669, %get3A_1670] {strides = array<i32>} : memref<200x128xi32, #tpu.memory_space<vmem>>, vector<16xi32>,
        %shift_right_logical3A_1672 = arith.constant 1 : i32
        %shift_right_logical3A_1673 = vector.broadcast %shift_right_logical3A_1672 : i32 to vector<16xi32>
        %shift_right_logical3A_1674 = arith.shrui %get3A_1671, %shift_right_logical3A_1673 : vector<16xi32>
        %mul3A_1675 = arith.constant 16 : i32
        %mul3A_1676 = arith.muli %add3A_1666, %mul3A_1675 : i32
        %swap3A_1677 = arith.index_cast %mul3A_1676 : i32 to index
        %swap3A_1678 = tpu.vector_load %arg6[%swap3A_1677] {strides = array<i32>} : memref<128xi32, #tpu.memory_space<vmem>>, vector<16xi32>,
        tpu.vector_store %arg6[%swap3A_1677], %shift_right_logical3A_1674 {strides = array<i32>} : memref<128xi32, #tpu.memory_space<vmem>>, vector<16xi32>,
        %scan3A_1679 = arith.constant 6 : i32
        %mul3A_1680 = arith.constant 1 : i32
        %mul3A_1681 = arith.muli %scan3A_1679, %mul3A_1680 : i32
        %add3A_1682 = arith.constant 0 : i32
        %add3A_1683 = arith.addi %add3A_1682, %mul3A_1681 : i32
        %mul3A_1684 = arith.constant 16 : i32
        %mul3A_1685 = arith.muli %add3A_1683, %mul3A_1684 : i32
        %get3A_1686 = arith.index_cast %add3A_942 : i32 to index
        %get3A_1687 = arith.index_cast %mul3A_1685 : i32 to index
        %get3A_1688 = tpu.vector_load %arg5[%get3A_1686, %get3A_1687] {strides = array<i32>} : memref<200x128xi32, #tpu.memory_space<vmem>>, vector<16xi32>,
        %shift_right_logical3A_1689 = arith.constant 1 : i32
        %shift_right_logical3A_1690 = vector.broadcast %shift_right_logical3A_1689 : i32 to vector<16xi32>
        %shift_right_logical3A_1691 = arith.shrui %get3A_1688, %shift_right_logical3A_1690 : vector<16xi32>
        %mul3A_1692 = arith.constant 16 : i32
        %mul3A_1693 = arith.muli %add3A_1683, %mul3A_1692 : i32
        %swap3A_1694 = arith.index_cast %mul3A_1693 : i32 to index
        %swap3A_1695 = tpu.vector_load %arg6[%swap3A_1694] {strides = array<i32>} : memref<128xi32, #tpu.memory_space<vmem>>, vector<16xi32>,
        tpu.vector_store %arg6[%swap3A_1694], %shift_right_logical3A_1691 {strides = array<i32>} : memref<128xi32, #tpu.memory_space<vmem>>, vector<16xi32>,
        %scan3A_1696 = arith.constant 7 : i32
        %mul3A_1697 = arith.constant 1 : i32
        %mul3A_1698 = arith.muli %scan3A_1696, %mul3A_1697 : i32
        %add3A_1699 = arith.constant 0 : i32
        %add3A_1700 = arith.addi %add3A_1699, %mul3A_1698 : i32
        %mul3A_1701 = arith.constant 16 : i32
        %mul3A_1702 = arith.muli %add3A_1700, %mul3A_1701 : i32
        %get3A_1703 = arith.index_cast %add3A_942 : i32 to index
        %get3A_1704 = arith.index_cast %mul3A_1702 : i32 to index
        %get3A_1705 = tpu.vector_load %arg5[%get3A_1703, %get3A_1704] {strides = array<i32>} : memref<200x128xi32, #tpu.memory_space<vmem>>, vector<16xi32>,
        %shift_right_logical3A_1706 = arith.constant 1 : i32
        %shift_right_logical3A_1707 = vector.broadcast %shift_right_logical3A_1706 : i32 to vector<16xi32>
        %shift_right_logical3A_1708 = arith.shrui %get3A_1705, %shift_right_logical3A_1707 : vector<16xi32>
        %mul3A_1709 = arith.constant 16 : i32
        %mul3A_1710 = arith.muli %add3A_1700, %mul3A_1709 : i32
        %swap3A_1711 = arith.index_cast %mul3A_1710 : i32 to index
        %swap3A_1712 = tpu.vector_load %arg6[%swap3A_1711] {strides = array<i32>} : memref<128xi32, #tpu.memory_space<vmem>>, vector<16xi32>,
        tpu.vector_store %arg6[%swap3A_1711], %shift_right_logical3A_1708 {strides = array<i32>} : memref<128xi32, #tpu.memory_space<vmem>>, vector<16xi32>,
        %scan3A_1713 = arith.constant 8 : i32
        %dma_start3A_1714 = arith.constant 0 : i32
        %dma_start3A_1715 = arith.constant 0 : i32
        %dma_start3A_1716 = tpu.memref_slice %arg10[%dma_start3A_1714, %dma_start3A_1715] : memref<128x128xf32, #tpu.memory_space<vmem>> -> memref<32x128xf32, #tpu.memory_space<vmem>>
        %dma_start3A_1717 = arith.constant 0 : i32
        %dma_start3A_1718 = tpu.memref_slice %arg6[%dma_start3A_1717] : memref<128xi32, #tpu.memory_space<vmem>> -> memref<32xi32, #tpu.memory_space<vmem>>
        %dma_start3A_1719 = arith.constant 0 : i32
        %dma_start3A_1720 = arith.constant 0 : i32
        %dma_start3A_1721 = tpu.memref_slice %arg3[%dma_start3A_1719, %dma_start3A_1720] : memref<500000x128xf32, #tpu.memory_space<hbm>> -> memref<500000x128xf32, #tpu.memory_space<hbm>>
        tpu.enqueue_indirect_dma source(%dma_start3A_1721 : memref<500000x128xf32, #tpu.memory_space<hbm>>) target(%dma_start3A_1716 : memref<32x128xf32, #tpu.memory_space<vmem>>) offsets(%dma_start3A_1718 : memref<32xi32, #tpu.memory_space<vmem>>) semaphore(%arg18 : memref<!tpu.dma_semaphore, #tpu.memory_space<semaphore_mem>>)
        %dma_start3A_1722 = arith.constant 32 : i32
        %dma_start3A_1723 = arith.constant 0 : i32
        %dma_start3A_1724 = tpu.memref_slice %arg10[%dma_start3A_1722, %dma_start3A_1723] : memref<128x128xf32, #tpu.memory_space<vmem>> -> memref<32x128xf32, #tpu.memory_space<vmem>>
        %dma_start3A_1725 = arith.constant 32 : i32
        %dma_start3A_1726 = tpu.memref_slice %arg6[%dma_start3A_1725] : memref<128xi32, #tpu.memory_space<vmem>> -> memref<32xi32, #tpu.memory_space<vmem>>
        %dma_start3A_1727 = arith.constant 0 : i32
        %dma_start3A_1728 = arith.constant 0 : i32
        %dma_start3A_1729 = tpu.memref_slice %arg3[%dma_start3A_1727, %dma_start3A_1728] : memref<500000x128xf32, #tpu.memory_space<hbm>> -> memref<500000x128xf32, #tpu.memory_space<hbm>>
        tpu.enqueue_indirect_dma source(%dma_start3A_1729 : memref<500000x128xf32, #tpu.memory_space<hbm>>) target(%dma_start3A_1724 : memref<32x128xf32, #tpu.memory_space<vmem>>) offsets(%dma_start3A_1726 : memref<32xi32, #tpu.memory_space<vmem>>) semaphore(%arg18 : memref<!tpu.dma_semaphore, #tpu.memory_space<semaphore_mem>>)
        %dma_start3A_1730 = arith.constant 64 : i32
        %dma_start3A_1731 = arith.constant 0 : i32
        %dma_start3A_1732 = tpu.memref_slice %arg10[%dma_start3A_1730, %dma_start3A_1731] : memref<128x128xf32, #tpu.memory_space<vmem>> -> memref<32x128xf32, #tpu.memory_space<vmem>>
        %dma_start3A_1733 = arith.constant 64 : i32
        %dma_start3A_1734 = tpu.memref_slice %arg6[%dma_start3A_1733] : memref<128xi32, #tpu.memory_space<vmem>> -> memref<32xi32, #tpu.memory_space<vmem>>
        %dma_start3A_1735 = arith.constant 0 : i32
        %dma_start3A_1736 = arith.constant 0 : i32
        %dma_start3A_1737 = tpu.memref_slice %arg3[%dma_start3A_1735, %dma_start3A_1736] : memref<500000x128xf32, #tpu.memory_space<hbm>> -> memref<500000x128xf32, #tpu.memory_space<hbm>>
        tpu.enqueue_indirect_dma source(%dma_start3A_1737 : memref<500000x128xf32, #tpu.memory_space<hbm>>) target(%dma_start3A_1732 : memref<32x128xf32, #tpu.memory_space<vmem>>) offsets(%dma_start3A_1734 : memref<32xi32, #tpu.memory_space<vmem>>) semaphore(%arg18 : memref<!tpu.dma_semaphore, #tpu.memory_space<semaphore_mem>>)
        %dma_start3A_1738 = arith.constant 96 : i32
        %dma_start3A_1739 = arith.constant 0 : i32
        %dma_start3A_1740 = tpu.memref_slice %arg10[%dma_start3A_1738, %dma_start3A_1739] : memref<128x128xf32, #tpu.memory_space<vmem>> -> memref<32x128xf32, #tpu.memory_space<vmem>>
        %dma_start3A_1741 = arith.constant 96 : i32
        %dma_start3A_1742 = tpu.memref_slice %arg6[%dma_start3A_1741] : memref<128xi32, #tpu.memory_space<vmem>> -> memref<32xi32, #tpu.memory_space<vmem>>
        %dma_start3A_1743 = arith.constant 0 : i32
        %dma_start3A_1744 = arith.constant 0 : i32
        %dma_start3A_1745 = tpu.memref_slice %arg3[%dma_start3A_1743, %dma_start3A_1744] : memref<500000x128xf32, #tpu.memory_space<hbm>> -> memref<500000x128xf32, #tpu.memory_space<hbm>>
        tpu.enqueue_indirect_dma source(%dma_start3A_1745 : memref<500000x128xf32, #tpu.memory_space<hbm>>) target(%dma_start3A_1740 : memref<32x128xf32, #tpu.memory_space<vmem>>) offsets(%dma_start3A_1742 : memref<32xi32, #tpu.memory_space<vmem>>) semaphore(%arg18 : memref<!tpu.dma_semaphore, #tpu.memory_space<semaphore_mem>>)
      } else {
      }
      %add3A_947 = arith.constant 1 : i32
      %add3A_948 = arith.addi %add3A_742, %add3A_947 : i32
      %dma_wait3A_949 = arith.constant 0 : i32
      %dma_wait3A_950 = arith.constant 0 : i32
      %dma_wait3A_951 = tpu.memref_slice %arg11[%dma_wait3A_949, %dma_wait3A_950] : memref<128x128xf32, #tpu.memory_space<vmem>> -> memref<32x128xf32, #tpu.memory_space<vmem>>
      %dma_wait3A_952 = arith.constant 0 : i32
      %dma_wait3A_953 = tpu.memref_slice %arg7[%dma_wait3A_952] : memref<128xi32, #tpu.memory_space<vmem>> -> memref<32xi32, #tpu.memory_space<vmem>>
      %dma_wait3A_954 = arith.constant 0 : i32
      %dma_wait3A_955 = arith.constant 0 : i32
      %dma_wait3A_956 = tpu.memref_slice %arg3[%dma_wait3A_954, %dma_wait3A_955] : memref<500000x128xf32, #tpu.memory_space<hbm>> -> memref<500000x128xf32, #tpu.memory_space<hbm>>
      tpu.wait_indirect_dma semaphore(%arg19 : memref<!tpu.dma_semaphore, #tpu.memory_space<semaphore_mem>>) src(%dma_wait3A_956 : memref<500000x128xf32, #tpu.memory_space<hbm>>) dst(%dma_wait3A_951 : memref<32x128xf32, #tpu.memory_space<vmem>>)
      %dma_wait3A_957 = arith.constant 32 : i32
      %dma_wait3A_958 = arith.constant 0 : i32
      %dma_wait3A_959 = tpu.memref_slice %arg11[%dma_wait3A_957, %dma_wait3A_958] : memref<128x128xf32, #tpu.memory_space<vmem>> -> memref<32x128xf32, #tpu.memory_space<vmem>>
      %dma_wait3A_960 = arith.constant 32 : i32
      %dma_wait3A_961 = tpu.memref_slice %arg7[%dma_wait3A_960] : memref<128xi32, #tpu.memory_space<vmem>> -> memref<32xi32, #tpu.memory_space<vmem>>
      %dma_wait3A_962 = arith.constant 0 : i32
      %dma_wait3A_963 = arith.constant 0 : i32
      %dma_wait3A_964 = tpu.memref_slice %arg3[%dma_wait3A_962, %dma_wait3A_963] : memref<500000x128xf32, #tpu.memory_space<hbm>> -> memref<500000x128xf32, #tpu.memory_space<hbm>>
      tpu.wait_indirect_dma semaphore(%arg19 : memref<!tpu.dma_semaphore, #tpu.memory_space<semaphore_mem>>) src(%dma_wait3A_964 : memref<500000x128xf32, #tpu.memory_space<hbm>>) dst(%dma_wait3A_959 : memref<32x128xf32, #tpu.memory_space<vmem>>)
      %dma_wait3A_965 = arith.constant 64 : i32
      %dma_wait3A_966 = arith.constant 0 : i32
      %dma_wait3A_967 = tpu.memref_slice %arg11[%dma_wait3A_965, %dma_wait3A_966] : memref<128x128xf32, #tpu.memory_space<vmem>> -> memref<32x128xf32, #tpu.memory_space<vmem>>
      %dma_wait3A_968 = arith.constant 64 : i32
      %dma_wait3A_969 = tpu.memref_slice %arg7[%dma_wait3A_968] : memref<128xi32, #tpu.memory_space<vmem>> -> memref<32xi32, #tpu.memory_space<vmem>>
      %dma_wait3A_970 = arith.constant 0 : i32
      %dma_wait3A_971 = arith.constant 0 : i32
      %dma_wait3A_972 = tpu.memref_slice %arg3[%dma_wait3A_970, %dma_wait3A_971] : memref<500000x128xf32, #tpu.memory_space<hbm>> -> memref<500000x128xf32, #tpu.memory_space<hbm>>
      tpu.wait_indirect_dma semaphore(%arg19 : memref<!tpu.dma_semaphore, #tpu.memory_space<semaphore_mem>>) src(%dma_wait3A_972 : memref<500000x128xf32, #tpu.memory_space<hbm>>) dst(%dma_wait3A_967 : memref<32x128xf32, #tpu.memory_space<vmem>>)
      %dma_wait3A_973 = arith.constant 96 : i32
      %dma_wait3A_974 = arith.constant 0 : i32
      %dma_wait3A_975 = tpu.memref_slice %arg11[%dma_wait3A_973, %dma_wait3A_974] : memref<128x128xf32, #tpu.memory_space<vmem>> -> memref<32x128xf32, #tpu.memory_space<vmem>>
      %dma_wait3A_976 = arith.constant 96 : i32
      %dma_wait3A_977 = tpu.memref_slice %arg7[%dma_wait3A_976] : memref<128xi32, #tpu.memory_space<vmem>> -> memref<32xi32, #tpu.memory_space<vmem>>
      %dma_wait3A_978 = arith.constant 0 : i32
      %dma_wait3A_979 = arith.constant 0 : i32
      %dma_wait3A_980 = tpu.memref_slice %arg3[%dma_wait3A_978, %dma_wait3A_979] : memref<500000x128xf32, #tpu.memory_space<hbm>> -> memref<500000x128xf32, #tpu.memory_space<hbm>>
      tpu.wait_indirect_dma semaphore(%arg19 : memref<!tpu.dma_semaphore, #tpu.memory_space<semaphore_mem>>) src(%dma_wait3A_980 : memref<500000x128xf32, #tpu.memory_space<hbm>>) dst(%dma_wait3A_975 : memref<32x128xf32, #tpu.memory_space<vmem>>)
      %ge3A_981 = arith.constant 4 : i32
      %ge3A_982 = arith.cmpi sge, %add3A_948, %ge3A_981 : i32
      %convert_element_type3A_983 = arith.extui %ge3A_982 : i1 to i32
      %cond3A_984 = arith.constant 0 : i32
      %cond3A_985 = arith.cmpi ne, %convert_element_type3A_983, %cond3A_984 : i32
      scf.if %cond3A_985 {
        %sub3A = arith.constant 4 : i32
        %sub3A_1577 = arith.subi %add3A_948, %sub3A : i32
        %dma_wait3A_1578 = arith.constant 0 : i32
        %dma_wait3A_1579 = tpu.memref_slice %arg4[%sub3A_1577, %dma_wait3A_1578, %mul3A_2] : memref<200x64x4096xf32, #tpu.memory_space<hbm>> -> memref<1x64x128xf32, #tpu.memory_space<hbm>>
        %dma_wait3A_1580 = tpu.memref_squeeze %dma_wait3A_1579 : memref<1x64x128xf32, #tpu.memory_space<hbm>> -> memref<64x128xf32, #tpu.memory_space<hbm>>
        %dma_wait3A_1581 = arith.constant 0 : i32
        %dma_wait3A_1582 = tpu.memref_slice %arg4[%sub3A_1577, %dma_wait3A_1581, %mul3A_2] : memref<200x64x4096xf32, #tpu.memory_space<hbm>> -> memref<1x64x128xf32, #tpu.memory_space<hbm>>
        %dma_wait3A_1583 = tpu.memref_squeeze %dma_wait3A_1582 : memref<1x64x128xf32, #tpu.memory_space<hbm>> -> memref<64x128xf32, #tpu.memory_space<hbm>>
        tpu.wait_dma2 semaphore(%arg23 : memref<!tpu.dma_semaphore, #tpu.memory_space<semaphore_mem>>) src(%arg15 : memref<64x128xf32, #tpu.memory_space<vmem>>) dst(%dma_wait3A_1583 : memref<64x128xf32, #tpu.memory_space<hbm>>)
      } else {
      }
      %mul3A_986 = arith.constant 0 : i32
      %mul3A_987 = vector.broadcast %mul3A_986 : i32 to vector<16xi32>
      %mul3A_988 = arith.muli %iota3A, %mul3A_987 : vector<16xi32>
      %get3A_989 = arith.index_cast %add3A_948 : i32 to index
      %get3A_990 = arith.constant 0 : index
      %get3A_991 = tpu.vector_load %arg5[%get3A_989, %get3A_990] {strides = array<i32>} : memref<200x128xi32, #tpu.memory_space<vmem>>, vector<16xi32>,
      %add3A_992 = arith.constant 0 : i32
      %add3A_993 = vector.broadcast %add3A_992 : i32 to vector<16xi32>
      %add3A_994 = arith.addi %iota3A, %add3A_993 : vector<16xi32>
      %mul3A_995 = arith.constant 128 : i32
      %mul3A_996 = vector.broadcast %mul3A_995 : i32 to vector<16xi32>
      %mul3A_997 = arith.muli %add3A_994, %mul3A_996 : vector<16xi32>
      %and3A_998 = arith.constant 1 : i32
      %and3A_999 = vector.broadcast %and3A_998 : i32 to vector<16xi32>
      %and3A_1000 = arith.andi %get3A_991, %and3A_999 : vector<16xi32>
      %mul3A_1001 = arith.constant 64 : i32
      %mul3A_1002 = vector.broadcast %mul3A_1001 : i32 to vector<16xi32>
      %mul3A_1003 = arith.muli %and3A_1000, %mul3A_1002 : vector<16xi32>
      %add3A_1004 = arith.addi %mul3A_997, %mul3A_1003 : vector<16xi32>
      %get3A_1005 = arith.index_cast %add3A_948 : i32 to index
      %get3A_1006 = arith.constant 16 : index
      %get3A_1007 = tpu.vector_load %arg5[%get3A_1005, %get3A_1006] {strides = array<i32>} : memref<200x128xi32, #tpu.memory_space<vmem>>, vector<16xi32>,
      %add3A_1008 = arith.constant 16 : i32
      %add3A_1009 = vector.broadcast %add3A_1008 : i32 to vector<16xi32>
      %add3A_1010 = arith.addi %iota3A, %add3A_1009 : vector<16xi32>
      %mul3A_1011 = arith.constant 128 : i32
      %mul3A_1012 = vector.broadcast %mul3A_1011 : i32 to vector<16xi32>
      %mul3A_1013 = arith.muli %add3A_1010, %mul3A_1012 : vector<16xi32>
      %and3A_1014 = arith.constant 1 : i32
      %and3A_1015 = vector.broadcast %and3A_1014 : i32 to vector<16xi32>
      %and3A_1016 = arith.andi %get3A_1007, %and3A_1015 : vector<16xi32>
      %mul3A_1017 = arith.constant 64 : i32
      %mul3A_1018 = vector.broadcast %mul3A_1017 : i32 to vector<16xi32>
      %mul3A_1019 = arith.muli %and3A_1016, %mul3A_1018 : vector<16xi32>
      %add3A_1020 = arith.addi %mul3A_1013, %mul3A_1019 : vector<16xi32>
      %get3A_1021 = arith.index_cast %add3A_948 : i32 to index
      %get3A_1022 = arith.constant 32 : index
      %get3A_1023 = tpu.vector_load %arg5[%get3A_1021, %get3A_1022] {strides = array<i32>} : memref<200x128xi32, #tpu.memory_space<vmem>>, vector<16xi32>,
      %add3A_1024 = arith.constant 32 : i32
      %add3A_1025 = vector.broadcast %add3A_1024 : i32 to vector<16xi32>
      %add3A_1026 = arith.addi %iota3A, %add3A_1025 : vector<16xi32>
      %mul3A_1027 = arith.constant 128 : i32
      %mul3A_1028 = vector.broadcast %mul3A_1027 : i32 to vector<16xi32>
      %mul3A_1029 = arith.muli %add3A_1026, %mul3A_1028 : vector<16xi32>
      %and3A_1030 = arith.constant 1 : i32
      %and3A_1031 = vector.broadcast %and3A_1030 : i32 to vector<16xi32>
      %and3A_1032 = arith.andi %get3A_1023, %and3A_1031 : vector<16xi32>
      %mul3A_1033 = arith.constant 64 : i32
      %mul3A_1034 = vector.broadcast %mul3A_1033 : i32 to vector<16xi32>
      %mul3A_1035 = arith.muli %and3A_1032, %mul3A_1034 : vector<16xi32>
      %add3A_1036 = arith.addi %mul3A_1029, %mul3A_1035 : vector<16xi32>
      %get3A_1037 = arith.index_cast %add3A_948 : i32 to index
      %get3A_1038 = arith.constant 48 : index
      %get3A_1039 = tpu.vector_load %arg5[%get3A_1037, %get3A_1038] {strides = array<i32>} : memref<200x128xi32, #tpu.memory_space<vmem>>, vector<16xi32>,
      %add3A_1040 = arith.constant 48 : i32
      %add3A_1041 = vector.broadcast %add3A_1040 : i32 to vector<16xi32>
      %add3A_1042 = arith.addi %iota3A, %add3A_1041 : vector<16xi32>
      %mul3A_1043 = arith.constant 128 : i32
      %mul3A_1044 = vector.broadcast %mul3A_1043 : i32 to vector<16xi32>
      %mul3A_1045 = arith.muli %add3A_1042, %mul3A_1044 : vector<16xi32>
      %and3A_1046 = arith.constant 1 : i32
      %and3A_1047 = vector.broadcast %and3A_1046 : i32 to vector<16xi32>
      %and3A_1048 = arith.andi %get3A_1039, %and3A_1047 : vector<16xi32>
      %mul3A_1049 = arith.constant 64 : i32
      %mul3A_1050 = vector.broadcast %mul3A_1049 : i32 to vector<16xi32>
      %mul3A_1051 = arith.muli %and3A_1048, %mul3A_1050 : vector<16xi32>
      %add3A_1052 = arith.addi %mul3A_1045, %mul3A_1051 : vector<16xi32>
      %get3A_1053 = arith.index_cast %add3A_948 : i32 to index
      %get3A_1054 = arith.constant 64 : index
      %get3A_1055 = tpu.vector_load %arg5[%get3A_1053, %get3A_1054] {strides = array<i32>} : memref<200x128xi32, #tpu.memory_space<vmem>>, vector<16xi32>,
      %add3A_1056 = arith.constant 64 : i32
      %add3A_1057 = vector.broadcast %add3A_1056 : i32 to vector<16xi32>
      %add3A_1058 = arith.addi %iota3A, %add3A_1057 : vector<16xi32>
      %mul3A_1059 = arith.constant 128 : i32
      %mul3A_1060 = vector.broadcast %mul3A_1059 : i32 to vector<16xi32>
      %mul3A_1061 = arith.muli %add3A_1058, %mul3A_1060 : vector<16xi32>
      %and3A_1062 = arith.constant 1 : i32
      %and3A_1063 = vector.broadcast %and3A_1062 : i32 to vector<16xi32>
      %and3A_1064 = arith.andi %get3A_1055, %and3A_1063 : vector<16xi32>
      %mul3A_1065 = arith.constant 64 : i32
      %mul3A_1066 = vector.broadcast %mul3A_1065 : i32 to vector<16xi32>
      %mul3A_1067 = arith.muli %and3A_1064, %mul3A_1066 : vector<16xi32>
      %add3A_1068 = arith.addi %mul3A_1061, %mul3A_1067 : vector<16xi32>
      %get3A_1069 = arith.index_cast %add3A_948 : i32 to index
      %get3A_1070 = arith.constant 80 : index
      %get3A_1071 = tpu.vector_load %arg5[%get3A_1069, %get3A_1070] {strides = array<i32>} : memref<200x128xi32, #tpu.memory_space<vmem>>, vector<16xi32>,
      %add3A_1072 = arith.constant 80 : i32
      %add3A_1073 = vector.broadcast %add3A_1072 : i32 to vector<16xi32>
      %add3A_1074 = arith.addi %iota3A, %add3A_1073 : vector<16xi32>
      %mul3A_1075 = arith.constant 128 : i32
      %mul3A_1076 = vector.broadcast %mul3A_1075 : i32 to vector<16xi32>
      %mul3A_1077 = arith.muli %add3A_1074, %mul3A_1076 : vector<16xi32>
      %and3A_1078 = arith.constant 1 : i32
      %and3A_1079 = vector.broadcast %and3A_1078 : i32 to vector<16xi32>
      %and3A_1080 = arith.andi %get3A_1071, %and3A_1079 : vector<16xi32>
      %mul3A_1081 = arith.constant 64 : i32
      %mul3A_1082 = vector.broadcast %mul3A_1081 : i32 to vector<16xi32>
      %mul3A_1083 = arith.muli %and3A_1080, %mul3A_1082 : vector<16xi32>
      %add3A_1084 = arith.addi %mul3A_1077, %mul3A_1083 : vector<16xi32>
      %get3A_1085 = arith.index_cast %add3A_948 : i32 to index
      %get3A_1086 = arith.constant 96 : index
      %get3A_1087 = tpu.vector_load %arg5[%get3A_1085, %get3A_1086] {strides = array<i32>} : memref<200x128xi32, #tpu.memory_space<vmem>>, vector<16xi32>,
      %add3A_1088 = arith.constant 96 : i32
      %add3A_1089 = vector.broadcast %add3A_1088 : i32 to vector<16xi32>
      %add3A_1090 = arith.addi %iota3A, %add3A_1089 : vector<16xi32>
      %mul3A_1091 = arith.constant 128 : i32
      %mul3A_1092 = vector.broadcast %mul3A_1091 : i32 to vector<16xi32>
      %mul3A_1093 = arith.muli %add3A_1090, %mul3A_1092 : vector<16xi32>
      %and3A_1094 = arith.constant 1 : i32
      %and3A_1095 = vector.broadcast %and3A_1094 : i32 to vector<16xi32>
      %and3A_1096 = arith.andi %get3A_1087, %and3A_1095 : vector<16xi32>
      %mul3A_1097 = arith.constant 64 : i32
      %mul3A_1098 = vector.broadcast %mul3A_1097 : i32 to vector<16xi32>
      %mul3A_1099 = arith.muli %and3A_1096, %mul3A_1098 : vector<16xi32>
      %add3A_1100 = arith.addi %mul3A_1093, %mul3A_1099 : vector<16xi32>
      %get3A_1101 = arith.index_cast %add3A_948 : i32 to index
      %get3A_1102 = arith.constant 112 : index
      %get3A_1103 = tpu.vector_load %arg5[%get3A_1101, %get3A_1102] {strides = array<i32>} : memref<200x128xi32, #tpu.memory_space<vmem>>, vector<16xi32>,
      %add3A_1104 = arith.constant 112 : i32
      %add3A_1105 = vector.broadcast %add3A_1104 : i32 to vector<16xi32>
      %add3A_1106 = arith.addi %iota3A, %add3A_1105 : vector<16xi32>
      %mul3A_1107 = arith.constant 128 : i32
      %mul3A_1108 = vector.broadcast %mul3A_1107 : i32 to vector<16xi32>
      %mul3A_1109 = arith.muli %add3A_1106, %mul3A_1108 : vector<16xi32>
      %and3A_1110 = arith.constant 1 : i32
      %and3A_1111 = vector.broadcast %and3A_1110 : i32 to vector<16xi32>
      %and3A_1112 = arith.andi %get3A_1103, %and3A_1111 : vector<16xi32>
      %mul3A_1113 = arith.constant 64 : i32
      %mul3A_1114 = vector.broadcast %mul3A_1113 : i32 to vector<16xi32>
      %mul3A_1115 = arith.muli %and3A_1112, %mul3A_1114 : vector<16xi32>
      %add3A_1116 = arith.addi %mul3A_1109, %mul3A_1115 : vector<16xi32>
      %add3A_1117 = arith.constant 0 : i32
      %add3A_1118 = vector.broadcast %add3A_1117 : i32 to vector<16xi32>
      %add3A_1119 = arith.addi %iota3A, %add3A_1118 : vector<16xi32>
      %add3A_1120 = arith.constant 16 : i32
      %add3A_1121 = vector.broadcast %add3A_1120 : i32 to vector<16xi32>
      %add3A_1122 = arith.addi %iota3A, %add3A_1121 : vector<16xi32>
      %add3A_1123 = arith.constant 32 : i32
      %add3A_1124 = vector.broadcast %add3A_1123 : i32 to vector<16xi32>
      %add3A_1125 = arith.addi %iota3A, %add3A_1124 : vector<16xi32>
      %add3A_1126 = arith.constant 48 : i32
      %add3A_1127 = vector.broadcast %add3A_1126 : i32 to vector<16xi32>
      %add3A_1128 = arith.addi %iota3A, %add3A_1127 : vector<16xi32>
      %add3A_1129 = arith.constant 64 : i32
      %add3A_1130 = vector.broadcast %add3A_1129 : i32 to vector<16xi32>
      %add3A_1131 = arith.addi %iota3A, %add3A_1130 : vector<16xi32>
      %add3A_1132 = arith.constant 80 : i32
      %add3A_1133 = vector.broadcast %add3A_1132 : i32 to vector<16xi32>
      %add3A_1134 = arith.addi %iota3A, %add3A_1133 : vector<16xi32>
      %add3A_1135 = arith.constant 96 : i32
      %add3A_1136 = vector.broadcast %add3A_1135 : i32 to vector<16xi32>
      %add3A_1137 = arith.addi %iota3A, %add3A_1136 : vector<16xi32>
      %add3A_1138 = arith.constant 112 : i32
      %add3A_1139 = vector.broadcast %add3A_1138 : i32 to vector<16xi32>
      %add3A_1140 = arith.addi %iota3A, %add3A_1139 : vector<16xi32>
      %parallel_loop3A_1141 = arith.constant 0 : i32
      %parallel_loop3A_1142 = arith.constant 64 : i32
      %parallel_loop3A_1143 = arith.constant 1 : i32
      scf.for %parallel_loop3A_1577 = %parallel_loop3A_1141 to %parallel_loop3A_1142 step %parallel_loop3A_1143  : i32 {
        %parallel_loop3A_1578 = vector.broadcast %parallel_loop3A_1577 : i32 to vector<16xi32>
        %parallel_loop3A_1579 = arith.addi %add3A_1119, %parallel_loop3A_1578 : vector<16xi32>
        %parallel_loop3A_1580 = arith.constant 63 : i32
        %parallel_loop3A_1581 = vector.broadcast %parallel_loop3A_1580 : i32 to vector<16xi32>
        %parallel_loop3A_1582 = arith.andi %parallel_loop3A_1579, %parallel_loop3A_1581 : vector<16xi32>
        %parallel_loop3A_1583 = arith.addi %add3A_1004, %parallel_loop3A_1582 : vector<16xi32>
        %parallel_loop3A_1584 = tpu.vector_load_idx %arg11[%mul3A_988, %parallel_loop3A_1583] : memref<128x128xf32, #tpu.memory_space<vmem>>[vector<16xi32>, vector<16xi32>], vector<16xf32>,
        tpu.vector_store_idx %arg15[%parallel_loop3A_1582, %add3A_1119], %parallel_loop3A_1584 : memref<64x128xf32, #tpu.memory_space<vmem>>[vector<16xi32>, vector<16xi32>], vector<16xf32>,
        %parallel_loop3A_1585 = vector.broadcast %parallel_loop3A_1577 : i32 to vector<16xi32>
        %parallel_loop3A_1586 = arith.addi %add3A_1122, %parallel_loop3A_1585 : vector<16xi32>
        %parallel_loop3A_1587 = arith.constant 63 : i32
        %parallel_loop3A_1588 = vector.broadcast %parallel_loop3A_1587 : i32 to vector<16xi32>
        %parallel_loop3A_1589 = arith.andi %parallel_loop3A_1586, %parallel_loop3A_1588 : vector<16xi32>
        %parallel_loop3A_1590 = arith.addi %add3A_1020, %parallel_loop3A_1589 : vector<16xi32>
        %parallel_loop3A_1591 = tpu.vector_load_idx %arg11[%mul3A_988, %parallel_loop3A_1590] : memref<128x128xf32, #tpu.memory_space<vmem>>[vector<16xi32>, vector<16xi32>], vector<16xf32>,
        tpu.vector_store_idx %arg15[%parallel_loop3A_1589, %add3A_1122], %parallel_loop3A_1591 : memref<64x128xf32, #tpu.memory_space<vmem>>[vector<16xi32>, vector<16xi32>], vector<16xf32>,
        %parallel_loop3A_1592 = vector.broadcast %parallel_loop3A_1577 : i32 to vector<16xi32>
        %parallel_loop3A_1593 = arith.addi %add3A_1125, %parallel_loop3A_1592 : vector<16xi32>
        %parallel_loop3A_1594 = arith.constant 63 : i32
        %parallel_loop3A_1595 = vector.broadcast %parallel_loop3A_1594 : i32 to vector<16xi32>
        %parallel_loop3A_1596 = arith.andi %parallel_loop3A_1593, %parallel_loop3A_1595 : vector<16xi32>
        %parallel_loop3A_1597 = arith.addi %add3A_1036, %parallel_loop3A_1596 : vector<16xi32>
        %parallel_loop3A_1598 = tpu.vector_load_idx %arg11[%mul3A_988, %parallel_loop3A_1597] : memref<128x128xf32, #tpu.memory_space<vmem>>[vector<16xi32>, vector<16xi32>], vector<16xf32>,
        tpu.vector_store_idx %arg15[%parallel_loop3A_1596, %add3A_1125], %parallel_loop3A_1598 : memref<64x128xf32, #tpu.memory_space<vmem>>[vector<16xi32>, vector<16xi32>], vector<16xf32>,
        %parallel_loop3A_1599 = vector.broadcast %parallel_loop3A_1577 : i32 to vector<16xi32>
        %parallel_loop3A_1600 = arith.addi %add3A_1128, %parallel_loop3A_1599 : vector<16xi32>
        %parallel_loop3A_1601 = arith.constant 63 : i32
        %parallel_loop3A_1602 = vector.broadcast %parallel_loop3A_1601 : i32 to vector<16xi32>
        %parallel_loop3A_1603 = arith.andi %parallel_loop3A_1600, %parallel_loop3A_1602 : vector<16xi32>
        %parallel_loop3A_1604 = arith.addi %add3A_1052, %parallel_loop3A_1603 : vector<16xi32>
        %parallel_loop3A_1605 = tpu.vector_load_idx %arg11[%mul3A_988, %parallel_loop3A_1604] : memref<128x128xf32, #tpu.memory_space<vmem>>[vector<16xi32>, vector<16xi32>], vector<16xf32>,
        tpu.vector_store_idx %arg15[%parallel_loop3A_1603, %add3A_1128], %parallel_loop3A_1605 : memref<64x128xf32, #tpu.memory_space<vmem>>[vector<16xi32>, vector<16xi32>], vector<16xf32>,
        %parallel_loop3A_1606 = vector.broadcast %parallel_loop3A_1577 : i32 to vector<16xi32>
        %parallel_loop3A_1607 = arith.addi %add3A_1131, %parallel_loop3A_1606 : vector<16xi32>
        %parallel_loop3A_1608 = arith.constant 63 : i32
        %parallel_loop3A_1609 = vector.broadcast %parallel_loop3A_1608 : i32 to vector<16xi32>
        %parallel_loop3A_1610 = arith.andi %parallel_loop3A_1607, %parallel_loop3A_1609 : vector<16xi32>
        %parallel_loop3A_1611 = arith.addi %add3A_1068, %parallel_loop3A_1610 : vector<16xi32>
        %parallel_loop3A_1612 = tpu.vector_load_idx %arg11[%mul3A_988, %parallel_loop3A_1611] : memref<128x128xf32, #tpu.memory_space<vmem>>[vector<16xi32>, vector<16xi32>], vector<16xf32>,
        tpu.vector_store_idx %arg15[%parallel_loop3A_1610, %add3A_1131], %parallel_loop3A_1612 : memref<64x128xf32, #tpu.memory_space<vmem>>[vector<16xi32>, vector<16xi32>], vector<16xf32>,
        %parallel_loop3A_1613 = vector.broadcast %parallel_loop3A_1577 : i32 to vector<16xi32>
        %parallel_loop3A_1614 = arith.addi %add3A_1134, %parallel_loop3A_1613 : vector<16xi32>
        %parallel_loop3A_1615 = arith.constant 63 : i32
        %parallel_loop3A_1616 = vector.broadcast %parallel_loop3A_1615 : i32 to vector<16xi32>
        %parallel_loop3A_1617 = arith.andi %parallel_loop3A_1614, %parallel_loop3A_1616 : vector<16xi32>
        %parallel_loop3A_1618 = arith.addi %add3A_1084, %parallel_loop3A_1617 : vector<16xi32>
        %parallel_loop3A_1619 = tpu.vector_load_idx %arg11[%mul3A_988, %parallel_loop3A_1618] : memref<128x128xf32, #tpu.memory_space<vmem>>[vector<16xi32>, vector<16xi32>], vector<16xf32>,
        tpu.vector_store_idx %arg15[%parallel_loop3A_1617, %add3A_1134], %parallel_loop3A_1619 : memref<64x128xf32, #tpu.memory_space<vmem>>[vector<16xi32>, vector<16xi32>], vector<16xf32>,
        %parallel_loop3A_1620 = vector.broadcast %parallel_loop3A_1577 : i32 to vector<16xi32>
        %parallel_loop3A_1621 = arith.addi %add3A_1137, %parallel_loop3A_1620 : vector<16xi32>
        %parallel_loop3A_1622 = arith.constant 63 : i32
        %parallel_loop3A_1623 = vector.broadcast %parallel_loop3A_1622 : i32 to vector<16xi32>
        %parallel_loop3A_1624 = arith.andi %parallel_loop3A_1621, %parallel_loop3A_1623 : vector<16xi32>
        %parallel_loop3A_1625 = arith.addi %add3A_1100, %parallel_loop3A_1624 : vector<16xi32>
        %parallel_loop3A_1626 = tpu.vector_load_idx %arg11[%mul3A_988, %parallel_loop3A_1625] : memref<128x128xf32, #tpu.memory_space<vmem>>[vector<16xi32>, vector<16xi32>], vector<16xf32>,
        tpu.vector_store_idx %arg15[%parallel_loop3A_1624, %add3A_1137], %parallel_loop3A_1626 : memref<64x128xf32, #tpu.memory_space<vmem>>[vector<16xi32>, vector<16xi32>], vector<16xf32>,
        %parallel_loop3A_1627 = vector.broadcast %parallel_loop3A_1577 : i32 to vector<16xi32>
        %parallel_loop3A_1628 = arith.addi %add3A_1140, %parallel_loop3A_1627 : vector<16xi32>
        %parallel_loop3A_1629 = arith.constant 63 : i32
        %parallel_loop3A_1630 = vector.broadcast %parallel_loop3A_1629 : i32 to vector<16xi32>
        %parallel_loop3A_1631 = arith.andi %parallel_loop3A_1628, %parallel_loop3A_1630 : vector<16xi32>
        %parallel_loop3A_1632 = arith.addi %add3A_1116, %parallel_loop3A_1631 : vector<16xi32>
        %parallel_loop3A_1633 = tpu.vector_load_idx %arg11[%mul3A_988, %parallel_loop3A_1632] : memref<128x128xf32, #tpu.memory_space<vmem>>[vector<16xi32>, vector<16xi32>], vector<16xf32>,
        tpu.vector_store_idx %arg15[%parallel_loop3A_1631, %add3A_1140], %parallel_loop3A_1633 : memref<64x128xf32, #tpu.memory_space<vmem>>[vector<16xi32>, vector<16xi32>], vector<16xf32>,
      } {sc.loop_unroll_factor = 2 : i64, sc.parallel_access}
      %dma_start3A_1144 = arith.constant 0 : i32
      %dma_start3A_1145 = tpu.memref_slice %arg4[%add3A_948, %dma_start3A_1144, %mul3A_2] : memref<200x64x4096xf32, #tpu.memory_space<hbm>> -> memref<1x64x128xf32, #tpu.memory_space<hbm>>
      %dma_start3A_1146 = tpu.memref_squeeze %dma_start3A_1145 : memref<1x64x128xf32, #tpu.memory_space<hbm>> -> memref<64x128xf32, #tpu.memory_space<hbm>>
      %dma_start3A_1147 = arith.constant 0 : i32
      %dma_start3A_1148 = tpu.memref_slice %arg4[%add3A_948, %dma_start3A_1147, %mul3A_2] : memref<200x64x4096xf32, #tpu.memory_space<hbm>> -> memref<1x64x128xf32, #tpu.memory_space<hbm>>
      %dma_start3A_1149 = tpu.memref_squeeze %dma_start3A_1148 : memref<1x64x128xf32, #tpu.memory_space<hbm>> -> memref<64x128xf32, #tpu.memory_space<hbm>>
      tpu.enqueue_dma source(%arg15 : memref<64x128xf32, #tpu.memory_space<vmem>>) target(%dma_start3A_1149 : memref<64x128xf32, #tpu.memory_space<hbm>>) target_semaphore(%arg23 : memref<!tpu.dma_semaphore, #tpu.memory_space<semaphore_mem>>)
      %add3A_1150 = arith.constant 4 : i32
      %add3A_1151 = arith.addi %add3A_948, %add3A_1150 : i32
      %lt3A_1152 = arith.constant 200 : i32
      %lt3A_1153 = arith.cmpi slt, %add3A_1151, %lt3A_1152 : i32
      %convert_element_type3A_1154 = arith.extui %lt3A_1153 : i1 to i32
      %cond3A_1155 = arith.constant 0 : i32
      %cond3A_1156 = arith.cmpi ne, %convert_element_type3A_1154, %cond3A_1155 : i32
      scf.if %cond3A_1156 {
        %scan3A_1577 = arith.constant 0 : i32
        %mul3A_1578 = arith.constant 1 : i32
        %mul3A_1579 = arith.muli %scan3A_1577, %mul3A_1578 : i32
        %add3A_1580 = arith.constant 0 : i32
        %add3A_1581 = arith.addi %add3A_1580, %mul3A_1579 : i32
        %mul3A_1582 = arith.constant 16 : i32
        %mul3A_1583 = arith.muli %add3A_1581, %mul3A_1582 : i32
        %get3A_1584 = arith.index_cast %add3A_1151 : i32 to index
        %get3A_1585 = arith.index_cast %mul3A_1583 : i32 to index
        %get3A_1586 = tpu.vector_load %arg5[%get3A_1584, %get3A_1585] {strides = array<i32>} : memref<200x128xi32, #tpu.memory_space<vmem>>, vector<16xi32>,
        %shift_right_logical3A_1587 = arith.constant 1 : i32
        %shift_right_logical3A_1588 = vector.broadcast %shift_right_logical3A_1587 : i32 to vector<16xi32>
        %shift_right_logical3A_1589 = arith.shrui %get3A_1586, %shift_right_logical3A_1588 : vector<16xi32>
        %mul3A_1590 = arith.constant 16 : i32
        %mul3A_1591 = arith.muli %add3A_1581, %mul3A_1590 : i32
        %swap3A_1592 = arith.index_cast %mul3A_1591 : i32 to index
        %swap3A_1593 = tpu.vector_load %arg7[%swap3A_1592] {strides = array<i32>} : memref<128xi32, #tpu.memory_space<vmem>>, vector<16xi32>,
        tpu.vector_store %arg7[%swap3A_1592], %shift_right_logical3A_1589 {strides = array<i32>} : memref<128xi32, #tpu.memory_space<vmem>>, vector<16xi32>,
        %scan3A_1594 = arith.constant 1 : i32
        %mul3A_1595 = arith.constant 1 : i32
        %mul3A_1596 = arith.muli %scan3A_1594, %mul3A_1595 : i32
        %add3A_1597 = arith.constant 0 : i32
        %add3A_1598 = arith.addi %add3A_1597, %mul3A_1596 : i32
        %mul3A_1599 = arith.constant 16 : i32
        %mul3A_1600 = arith.muli %add3A_1598, %mul3A_1599 : i32
        %get3A_1601 = arith.index_cast %add3A_1151 : i32 to index
        %get3A_1602 = arith.index_cast %mul3A_1600 : i32 to index
        %get3A_1603 = tpu.vector_load %arg5[%get3A_1601, %get3A_1602] {strides = array<i32>} : memref<200x128xi32, #tpu.memory_space<vmem>>, vector<16xi32>,
        %shift_right_logical3A_1604 = arith.constant 1 : i32
        %shift_right_logical3A_1605 = vector.broadcast %shift_right_logical3A_1604 : i32 to vector<16xi32>
        %shift_right_logical3A_1606 = arith.shrui %get3A_1603, %shift_right_logical3A_1605 : vector<16xi32>
        %mul3A_1607 = arith.constant 16 : i32
        %mul3A_1608 = arith.muli %add3A_1598, %mul3A_1607 : i32
        %swap3A_1609 = arith.index_cast %mul3A_1608 : i32 to index
        %swap3A_1610 = tpu.vector_load %arg7[%swap3A_1609] {strides = array<i32>} : memref<128xi32, #tpu.memory_space<vmem>>, vector<16xi32>,
        tpu.vector_store %arg7[%swap3A_1609], %shift_right_logical3A_1606 {strides = array<i32>} : memref<128xi32, #tpu.memory_space<vmem>>, vector<16xi32>,
        %scan3A_1611 = arith.constant 2 : i32
        %mul3A_1612 = arith.constant 1 : i32
        %mul3A_1613 = arith.muli %scan3A_1611, %mul3A_1612 : i32
        %add3A_1614 = arith.constant 0 : i32
        %add3A_1615 = arith.addi %add3A_1614, %mul3A_1613 : i32
        %mul3A_1616 = arith.constant 16 : i32
        %mul3A_1617 = arith.muli %add3A_1615, %mul3A_1616 : i32
        %get3A_1618 = arith.index_cast %add3A_1151 : i32 to index
        %get3A_1619 = arith.index_cast %mul3A_1617 : i32 to index
        %get3A_1620 = tpu.vector_load %arg5[%get3A_1618, %get3A_1619] {strides = array<i32>} : memref<200x128xi32, #tpu.memory_space<vmem>>, vector<16xi32>,
        %shift_right_logical3A_1621 = arith.constant 1 : i32
        %shift_right_logical3A_1622 = vector.broadcast %shift_right_logical3A_1621 : i32 to vector<16xi32>
        %shift_right_logical3A_1623 = arith.shrui %get3A_1620, %shift_right_logical3A_1622 : vector<16xi32>
        %mul3A_1624 = arith.constant 16 : i32
        %mul3A_1625 = arith.muli %add3A_1615, %mul3A_1624 : i32
        %swap3A_1626 = arith.index_cast %mul3A_1625 : i32 to index
        %swap3A_1627 = tpu.vector_load %arg7[%swap3A_1626] {strides = array<i32>} : memref<128xi32, #tpu.memory_space<vmem>>, vector<16xi32>,
        tpu.vector_store %arg7[%swap3A_1626], %shift_right_logical3A_1623 {strides = array<i32>} : memref<128xi32, #tpu.memory_space<vmem>>, vector<16xi32>,
        %scan3A_1628 = arith.constant 3 : i32
        %mul3A_1629 = arith.constant 1 : i32
        %mul3A_1630 = arith.muli %scan3A_1628, %mul3A_1629 : i32
        %add3A_1631 = arith.constant 0 : i32
        %add3A_1632 = arith.addi %add3A_1631, %mul3A_1630 : i32
        %mul3A_1633 = arith.constant 16 : i32
        %mul3A_1634 = arith.muli %add3A_1632, %mul3A_1633 : i32
        %get3A_1635 = arith.index_cast %add3A_1151 : i32 to index
        %get3A_1636 = arith.index_cast %mul3A_1634 : i32 to index
        %get3A_1637 = tpu.vector_load %arg5[%get3A_1635, %get3A_1636] {strides = array<i32>} : memref<200x128xi32, #tpu.memory_space<vmem>>, vector<16xi32>,
        %shift_right_logical3A_1638 = arith.constant 1 : i32
        %shift_right_logical3A_1639 = vector.broadcast %shift_right_logical3A_1638 : i32 to vector<16xi32>
        %shift_right_logical3A_1640 = arith.shrui %get3A_1637, %shift_right_logical3A_1639 : vector<16xi32>
        %mul3A_1641 = arith.constant 16 : i32
        %mul3A_1642 = arith.muli %add3A_1632, %mul3A_1641 : i32
        %swap3A_1643 = arith.index_cast %mul3A_1642 : i32 to index
        %swap3A_1644 = tpu.vector_load %arg7[%swap3A_1643] {strides = array<i32>} : memref<128xi32, #tpu.memory_space<vmem>>, vector<16xi32>,
        tpu.vector_store %arg7[%swap3A_1643], %shift_right_logical3A_1640 {strides = array<i32>} : memref<128xi32, #tpu.memory_space<vmem>>, vector<16xi32>,
        %scan3A_1645 = arith.constant 4 : i32
        %mul3A_1646 = arith.constant 1 : i32
        %mul3A_1647 = arith.muli %scan3A_1645, %mul3A_1646 : i32
        %add3A_1648 = arith.constant 0 : i32
        %add3A_1649 = arith.addi %add3A_1648, %mul3A_1647 : i32
        %mul3A_1650 = arith.constant 16 : i32
        %mul3A_1651 = arith.muli %add3A_1649, %mul3A_1650 : i32
        %get3A_1652 = arith.index_cast %add3A_1151 : i32 to index
        %get3A_1653 = arith.index_cast %mul3A_1651 : i32 to index
        %get3A_1654 = tpu.vector_load %arg5[%get3A_1652, %get3A_1653] {strides = array<i32>} : memref<200x128xi32, #tpu.memory_space<vmem>>, vector<16xi32>,
        %shift_right_logical3A_1655 = arith.constant 1 : i32
        %shift_right_logical3A_1656 = vector.broadcast %shift_right_logical3A_1655 : i32 to vector<16xi32>
        %shift_right_logical3A_1657 = arith.shrui %get3A_1654, %shift_right_logical3A_1656 : vector<16xi32>
        %mul3A_1658 = arith.constant 16 : i32
        %mul3A_1659 = arith.muli %add3A_1649, %mul3A_1658 : i32
        %swap3A_1660 = arith.index_cast %mul3A_1659 : i32 to index
        %swap3A_1661 = tpu.vector_load %arg7[%swap3A_1660] {strides = array<i32>} : memref<128xi32, #tpu.memory_space<vmem>>, vector<16xi32>,
        tpu.vector_store %arg7[%swap3A_1660], %shift_right_logical3A_1657 {strides = array<i32>} : memref<128xi32, #tpu.memory_space<vmem>>, vector<16xi32>,
        %scan3A_1662 = arith.constant 5 : i32
        %mul3A_1663 = arith.constant 1 : i32
        %mul3A_1664 = arith.muli %scan3A_1662, %mul3A_1663 : i32
        %add3A_1665 = arith.constant 0 : i32
        %add3A_1666 = arith.addi %add3A_1665, %mul3A_1664 : i32
        %mul3A_1667 = arith.constant 16 : i32
        %mul3A_1668 = arith.muli %add3A_1666, %mul3A_1667 : i32
        %get3A_1669 = arith.index_cast %add3A_1151 : i32 to index
        %get3A_1670 = arith.index_cast %mul3A_1668 : i32 to index
        %get3A_1671 = tpu.vector_load %arg5[%get3A_1669, %get3A_1670] {strides = array<i32>} : memref<200x128xi32, #tpu.memory_space<vmem>>, vector<16xi32>,
        %shift_right_logical3A_1672 = arith.constant 1 : i32
        %shift_right_logical3A_1673 = vector.broadcast %shift_right_logical3A_1672 : i32 to vector<16xi32>
        %shift_right_logical3A_1674 = arith.shrui %get3A_1671, %shift_right_logical3A_1673 : vector<16xi32>
        %mul3A_1675 = arith.constant 16 : i32
        %mul3A_1676 = arith.muli %add3A_1666, %mul3A_1675 : i32
        %swap3A_1677 = arith.index_cast %mul3A_1676 : i32 to index
        %swap3A_1678 = tpu.vector_load %arg7[%swap3A_1677] {strides = array<i32>} : memref<128xi32, #tpu.memory_space<vmem>>, vector<16xi32>,
        tpu.vector_store %arg7[%swap3A_1677], %shift_right_logical3A_1674 {strides = array<i32>} : memref<128xi32, #tpu.memory_space<vmem>>, vector<16xi32>,
        %scan3A_1679 = arith.constant 6 : i32
        %mul3A_1680 = arith.constant 1 : i32
        %mul3A_1681 = arith.muli %scan3A_1679, %mul3A_1680 : i32
        %add3A_1682 = arith.constant 0 : i32
        %add3A_1683 = arith.addi %add3A_1682, %mul3A_1681 : i32
        %mul3A_1684 = arith.constant 16 : i32
        %mul3A_1685 = arith.muli %add3A_1683, %mul3A_1684 : i32
        %get3A_1686 = arith.index_cast %add3A_1151 : i32 to index
        %get3A_1687 = arith.index_cast %mul3A_1685 : i32 to index
        %get3A_1688 = tpu.vector_load %arg5[%get3A_1686, %get3A_1687] {strides = array<i32>} : memref<200x128xi32, #tpu.memory_space<vmem>>, vector<16xi32>,
        %shift_right_logical3A_1689 = arith.constant 1 : i32
        %shift_right_logical3A_1690 = vector.broadcast %shift_right_logical3A_1689 : i32 to vector<16xi32>
        %shift_right_logical3A_1691 = arith.shrui %get3A_1688, %shift_right_logical3A_1690 : vector<16xi32>
        %mul3A_1692 = arith.constant 16 : i32
        %mul3A_1693 = arith.muli %add3A_1683, %mul3A_1692 : i32
        %swap3A_1694 = arith.index_cast %mul3A_1693 : i32 to index
        %swap3A_1695 = tpu.vector_load %arg7[%swap3A_1694] {strides = array<i32>} : memref<128xi32, #tpu.memory_space<vmem>>, vector<16xi32>,
        tpu.vector_store %arg7[%swap3A_1694], %shift_right_logical3A_1691 {strides = array<i32>} : memref<128xi32, #tpu.memory_space<vmem>>, vector<16xi32>,
        %scan3A_1696 = arith.constant 7 : i32
        %mul3A_1697 = arith.constant 1 : i32
        %mul3A_1698 = arith.muli %scan3A_1696, %mul3A_1697 : i32
        %add3A_1699 = arith.constant 0 : i32
        %add3A_1700 = arith.addi %add3A_1699, %mul3A_1698 : i32
        %mul3A_1701 = arith.constant 16 : i32
        %mul3A_1702 = arith.muli %add3A_1700, %mul3A_1701 : i32
        %get3A_1703 = arith.index_cast %add3A_1151 : i32 to index
        %get3A_1704 = arith.index_cast %mul3A_1702 : i32 to index
        %get3A_1705 = tpu.vector_load %arg5[%get3A_1703, %get3A_1704] {strides = array<i32>} : memref<200x128xi32, #tpu.memory_space<vmem>>, vector<16xi32>,
        %shift_right_logical3A_1706 = arith.constant 1 : i32
        %shift_right_logical3A_1707 = vector.broadcast %shift_right_logical3A_1706 : i32 to vector<16xi32>
        %shift_right_logical3A_1708 = arith.shrui %get3A_1705, %shift_right_logical3A_1707 : vector<16xi32>
        %mul3A_1709 = arith.constant 16 : i32
        %mul3A_1710 = arith.muli %add3A_1700, %mul3A_1709 : i32
        %swap3A_1711 = arith.index_cast %mul3A_1710 : i32 to index
        %swap3A_1712 = tpu.vector_load %arg7[%swap3A_1711] {strides = array<i32>} : memref<128xi32, #tpu.memory_space<vmem>>, vector<16xi32>,
        tpu.vector_store %arg7[%swap3A_1711], %shift_right_logical3A_1708 {strides = array<i32>} : memref<128xi32, #tpu.memory_space<vmem>>, vector<16xi32>,
        %scan3A_1713 = arith.constant 8 : i32
        %dma_start3A_1714 = arith.constant 0 : i32
        %dma_start3A_1715 = arith.constant 0 : i32
        %dma_start3A_1716 = tpu.memref_slice %arg11[%dma_start3A_1714, %dma_start3A_1715] : memref<128x128xf32, #tpu.memory_space<vmem>> -> memref<32x128xf32, #tpu.memory_space<vmem>>
        %dma_start3A_1717 = arith.constant 0 : i32
        %dma_start3A_1718 = tpu.memref_slice %arg7[%dma_start3A_1717] : memref<128xi32, #tpu.memory_space<vmem>> -> memref<32xi32, #tpu.memory_space<vmem>>
        %dma_start3A_1719 = arith.constant 0 : i32
        %dma_start3A_1720 = arith.constant 0 : i32
        %dma_start3A_1721 = tpu.memref_slice %arg3[%dma_start3A_1719, %dma_start3A_1720] : memref<500000x128xf32, #tpu.memory_space<hbm>> -> memref<500000x128xf32, #tpu.memory_space<hbm>>
        tpu.enqueue_indirect_dma source(%dma_start3A_1721 : memref<500000x128xf32, #tpu.memory_space<hbm>>) target(%dma_start3A_1716 : memref<32x128xf32, #tpu.memory_space<vmem>>) offsets(%dma_start3A_1718 : memref<32xi32, #tpu.memory_space<vmem>>) semaphore(%arg19 : memref<!tpu.dma_semaphore, #tpu.memory_space<semaphore_mem>>)
        %dma_start3A_1722 = arith.constant 32 : i32
        %dma_start3A_1723 = arith.constant 0 : i32
        %dma_start3A_1724 = tpu.memref_slice %arg11[%dma_start3A_1722, %dma_start3A_1723] : memref<128x128xf32, #tpu.memory_space<vmem>> -> memref<32x128xf32, #tpu.memory_space<vmem>>
        %dma_start3A_1725 = arith.constant 32 : i32
        %dma_start3A_1726 = tpu.memref_slice %arg7[%dma_start3A_1725] : memref<128xi32, #tpu.memory_space<vmem>> -> memref<32xi32, #tpu.memory_space<vmem>>
        %dma_start3A_1727 = arith.constant 0 : i32
        %dma_start3A_1728 = arith.constant 0 : i32
        %dma_start3A_1729 = tpu.memref_slice %arg3[%dma_start3A_1727, %dma_start3A_1728] : memref<500000x128xf32, #tpu.memory_space<hbm>> -> memref<500000x128xf32, #tpu.memory_space<hbm>>
        tpu.enqueue_indirect_dma source(%dma_start3A_1729 : memref<500000x128xf32, #tpu.memory_space<hbm>>) target(%dma_start3A_1724 : memref<32x128xf32, #tpu.memory_space<vmem>>) offsets(%dma_start3A_1726 : memref<32xi32, #tpu.memory_space<vmem>>) semaphore(%arg19 : memref<!tpu.dma_semaphore, #tpu.memory_space<semaphore_mem>>)
        %dma_start3A_1730 = arith.constant 64 : i32
        %dma_start3A_1731 = arith.constant 0 : i32
        %dma_start3A_1732 = tpu.memref_slice %arg11[%dma_start3A_1730, %dma_start3A_1731] : memref<128x128xf32, #tpu.memory_space<vmem>> -> memref<32x128xf32, #tpu.memory_space<vmem>>
        %dma_start3A_1733 = arith.constant 64 : i32
        %dma_start3A_1734 = tpu.memref_slice %arg7[%dma_start3A_1733] : memref<128xi32, #tpu.memory_space<vmem>> -> memref<32xi32, #tpu.memory_space<vmem>>
        %dma_start3A_1735 = arith.constant 0 : i32
        %dma_start3A_1736 = arith.constant 0 : i32
        %dma_start3A_1737 = tpu.memref_slice %arg3[%dma_start3A_1735, %dma_start3A_1736] : memref<500000x128xf32, #tpu.memory_space<hbm>> -> memref<500000x128xf32, #tpu.memory_space<hbm>>
        tpu.enqueue_indirect_dma source(%dma_start3A_1737 : memref<500000x128xf32, #tpu.memory_space<hbm>>) target(%dma_start3A_1732 : memref<32x128xf32, #tpu.memory_space<vmem>>) offsets(%dma_start3A_1734 : memref<32xi32, #tpu.memory_space<vmem>>) semaphore(%arg19 : memref<!tpu.dma_semaphore, #tpu.memory_space<semaphore_mem>>)
        %dma_start3A_1738 = arith.constant 96 : i32
        %dma_start3A_1739 = arith.constant 0 : i32
        %dma_start3A_1740 = tpu.memref_slice %arg11[%dma_start3A_1738, %dma_start3A_1739] : memref<128x128xf32, #tpu.memory_space<vmem>> -> memref<32x128xf32, #tpu.memory_space<vmem>>
        %dma_start3A_1741 = arith.constant 96 : i32
        %dma_start3A_1742 = tpu.memref_slice %arg7[%dma_start3A_1741] : memref<128xi32, #tpu.memory_space<vmem>> -> memref<32xi32, #tpu.memory_space<vmem>>
        %dma_start3A_1743 = arith.constant 0 : i32
        %dma_start3A_1744 = arith.constant 0 : i32
        %dma_start3A_1745 = tpu.memref_slice %arg3[%dma_start3A_1743, %dma_start3A_1744] : memref<500000x128xf32, #tpu.memory_space<hbm>> -> memref<500000x128xf32, #tpu.memory_space<hbm>>
        tpu.enqueue_indirect_dma source(%dma_start3A_1745 : memref<500000x128xf32, #tpu.memory_space<hbm>>) target(%dma_start3A_1740 : memref<32x128xf32, #tpu.memory_space<vmem>>) offsets(%dma_start3A_1742 : memref<32xi32, #tpu.memory_space<vmem>>) semaphore(%arg19 : memref<!tpu.dma_semaphore, #tpu.memory_space<semaphore_mem>>)
      } else {
      }
      %add3A_1157 = arith.constant 2 : i32
      %add3A_1158 = arith.addi %add3A_742, %add3A_1157 : i32
      %dma_wait3A_1159 = arith.constant 0 : i32
      %dma_wait3A_1160 = arith.constant 0 : i32
      %dma_wait3A_1161 = tpu.memref_slice %arg12[%dma_wait3A_1159, %dma_wait3A_1160] : memref<128x128xf32, #tpu.memory_space<vmem>> -> memref<32x128xf32, #tpu.memory_space<vmem>>
      %dma_wait3A_1162 = arith.constant 0 : i32
      %dma_wait3A_1163 = tpu.memref_slice %arg8[%dma_wait3A_1162] : memref<128xi32, #tpu.memory_space<vmem>> -> memref<32xi32, #tpu.memory_space<vmem>>
      %dma_wait3A_1164 = arith.constant 0 : i32
      %dma_wait3A_1165 = arith.constant 0 : i32
      %dma_wait3A_1166 = tpu.memref_slice %arg3[%dma_wait3A_1164, %dma_wait3A_1165] : memref<500000x128xf32, #tpu.memory_space<hbm>> -> memref<500000x128xf32, #tpu.memory_space<hbm>>
      tpu.wait_indirect_dma semaphore(%arg20 : memref<!tpu.dma_semaphore, #tpu.memory_space<semaphore_mem>>) src(%dma_wait3A_1166 : memref<500000x128xf32, #tpu.memory_space<hbm>>) dst(%dma_wait3A_1161 : memref<32x128xf32, #tpu.memory_space<vmem>>)
      %dma_wait3A_1167 = arith.constant 32 : i32
      %dma_wait3A_1168 = arith.constant 0 : i32
      %dma_wait3A_1169 = tpu.memref_slice %arg12[%dma_wait3A_1167, %dma_wait3A_1168] : memref<128x128xf32, #tpu.memory_space<vmem>> -> memref<32x128xf32, #tpu.memory_space<vmem>>
      %dma_wait3A_1170 = arith.constant 32 : i32
      %dma_wait3A_1171 = tpu.memref_slice %arg8[%dma_wait3A_1170] : memref<128xi32, #tpu.memory_space<vmem>> -> memref<32xi32, #tpu.memory_space<vmem>>
      %dma_wait3A_1172 = arith.constant 0 : i32
      %dma_wait3A_1173 = arith.constant 0 : i32
      %dma_wait3A_1174 = tpu.memref_slice %arg3[%dma_wait3A_1172, %dma_wait3A_1173] : memref<500000x128xf32, #tpu.memory_space<hbm>> -> memref<500000x128xf32, #tpu.memory_space<hbm>>
      tpu.wait_indirect_dma semaphore(%arg20 : memref<!tpu.dma_semaphore, #tpu.memory_space<semaphore_mem>>) src(%dma_wait3A_1174 : memref<500000x128xf32, #tpu.memory_space<hbm>>) dst(%dma_wait3A_1169 : memref<32x128xf32, #tpu.memory_space<vmem>>)
      %dma_wait3A_1175 = arith.constant 64 : i32
      %dma_wait3A_1176 = arith.constant 0 : i32
      %dma_wait3A_1177 = tpu.memref_slice %arg12[%dma_wait3A_1175, %dma_wait3A_1176] : memref<128x128xf32, #tpu.memory_space<vmem>> -> memref<32x128xf32, #tpu.memory_space<vmem>>
      %dma_wait3A_1178 = arith.constant 64 : i32
      %dma_wait3A_1179 = tpu.memref_slice %arg8[%dma_wait3A_1178] : memref<128xi32, #tpu.memory_space<vmem>> -> memref<32xi32, #tpu.memory_space<vmem>>
      %dma_wait3A_1180 = arith.constant 0 : i32
      %dma_wait3A_1181 = arith.constant 0 : i32
      %dma_wait3A_1182 = tpu.memref_slice %arg3[%dma_wait3A_1180, %dma_wait3A_1181] : memref<500000x128xf32, #tpu.memory_space<hbm>> -> memref<500000x128xf32, #tpu.memory_space<hbm>>
      tpu.wait_indirect_dma semaphore(%arg20 : memref<!tpu.dma_semaphore, #tpu.memory_space<semaphore_mem>>) src(%dma_wait3A_1182 : memref<500000x128xf32, #tpu.memory_space<hbm>>) dst(%dma_wait3A_1177 : memref<32x128xf32, #tpu.memory_space<vmem>>)
      %dma_wait3A_1183 = arith.constant 96 : i32
      %dma_wait3A_1184 = arith.constant 0 : i32
      %dma_wait3A_1185 = tpu.memref_slice %arg12[%dma_wait3A_1183, %dma_wait3A_1184] : memref<128x128xf32, #tpu.memory_space<vmem>> -> memref<32x128xf32, #tpu.memory_space<vmem>>
      %dma_wait3A_1186 = arith.constant 96 : i32
      %dma_wait3A_1187 = tpu.memref_slice %arg8[%dma_wait3A_1186] : memref<128xi32, #tpu.memory_space<vmem>> -> memref<32xi32, #tpu.memory_space<vmem>>
      %dma_wait3A_1188 = arith.constant 0 : i32
      %dma_wait3A_1189 = arith.constant 0 : i32
      %dma_wait3A_1190 = tpu.memref_slice %arg3[%dma_wait3A_1188, %dma_wait3A_1189] : memref<500000x128xf32, #tpu.memory_space<hbm>> -> memref<500000x128xf32, #tpu.memory_space<hbm>>
      tpu.wait_indirect_dma semaphore(%arg20 : memref<!tpu.dma_semaphore, #tpu.memory_space<semaphore_mem>>) src(%dma_wait3A_1190 : memref<500000x128xf32, #tpu.memory_space<hbm>>) dst(%dma_wait3A_1185 : memref<32x128xf32, #tpu.memory_space<vmem>>)
      %ge3A_1191 = arith.constant 4 : i32
      %ge3A_1192 = arith.cmpi sge, %add3A_1158, %ge3A_1191 : i32
      %convert_element_type3A_1193 = arith.extui %ge3A_1192 : i1 to i32
      %cond3A_1194 = arith.constant 0 : i32
      %cond3A_1195 = arith.cmpi ne, %convert_element_type3A_1193, %cond3A_1194 : i32
      scf.if %cond3A_1195 {
        %sub3A = arith.constant 4 : i32
        %sub3A_1577 = arith.subi %add3A_1158, %sub3A : i32
        %dma_wait3A_1578 = arith.constant 0 : i32
        %dma_wait3A_1579 = tpu.memref_slice %arg4[%sub3A_1577, %dma_wait3A_1578, %mul3A_2] : memref<200x64x4096xf32, #tpu.memory_space<hbm>> -> memref<1x64x128xf32, #tpu.memory_space<hbm>>
        %dma_wait3A_1580 = tpu.memref_squeeze %dma_wait3A_1579 : memref<1x64x128xf32, #tpu.memory_space<hbm>> -> memref<64x128xf32, #tpu.memory_space<hbm>>
        %dma_wait3A_1581 = arith.constant 0 : i32
        %dma_wait3A_1582 = tpu.memref_slice %arg4[%sub3A_1577, %dma_wait3A_1581, %mul3A_2] : memref<200x64x4096xf32, #tpu.memory_space<hbm>> -> memref<1x64x128xf32, #tpu.memory_space<hbm>>
        %dma_wait3A_1583 = tpu.memref_squeeze %dma_wait3A_1582 : memref<1x64x128xf32, #tpu.memory_space<hbm>> -> memref<64x128xf32, #tpu.memory_space<hbm>>
        tpu.wait_dma2 semaphore(%arg24 : memref<!tpu.dma_semaphore, #tpu.memory_space<semaphore_mem>>) src(%arg16 : memref<64x128xf32, #tpu.memory_space<vmem>>) dst(%dma_wait3A_1583 : memref<64x128xf32, #tpu.memory_space<hbm>>)
      } else {
      }
      %mul3A_1196 = arith.constant 0 : i32
      %mul3A_1197 = vector.broadcast %mul3A_1196 : i32 to vector<16xi32>
      %mul3A_1198 = arith.muli %iota3A, %mul3A_1197 : vector<16xi32>
      %get3A_1199 = arith.index_cast %add3A_1158 : i32 to index
      %get3A_1200 = arith.constant 0 : index
      %get3A_1201 = tpu.vector_load %arg5[%get3A_1199, %get3A_1200] {strides = array<i32>} : memref<200x128xi32, #tpu.memory_space<vmem>>, vector<16xi32>,
      %add3A_1202 = arith.constant 0 : i32
      %add3A_1203 = vector.broadcast %add3A_1202 : i32 to vector<16xi32>
      %add3A_1204 = arith.addi %iota3A, %add3A_1203 : vector<16xi32>
      %mul3A_1205 = arith.constant 128 : i32
      %mul3A_1206 = vector.broadcast %mul3A_1205 : i32 to vector<16xi32>
      %mul3A_1207 = arith.muli %add3A_1204, %mul3A_1206 : vector<16xi32>
      %and3A_1208 = arith.constant 1 : i32
      %and3A_1209 = vector.broadcast %and3A_1208 : i32 to vector<16xi32>
      %and3A_1210 = arith.andi %get3A_1201, %and3A_1209 : vector<16xi32>
      %mul3A_1211 = arith.constant 64 : i32
      %mul3A_1212 = vector.broadcast %mul3A_1211 : i32 to vector<16xi32>
      %mul3A_1213 = arith.muli %and3A_1210, %mul3A_1212 : vector<16xi32>
      %add3A_1214 = arith.addi %mul3A_1207, %mul3A_1213 : vector<16xi32>
      %get3A_1215 = arith.index_cast %add3A_1158 : i32 to index
      %get3A_1216 = arith.constant 16 : index
      %get3A_1217 = tpu.vector_load %arg5[%get3A_1215, %get3A_1216] {strides = array<i32>} : memref<200x128xi32, #tpu.memory_space<vmem>>, vector<16xi32>,
      %add3A_1218 = arith.constant 16 : i32
      %add3A_1219 = vector.broadcast %add3A_1218 : i32 to vector<16xi32>
      %add3A_1220 = arith.addi %iota3A, %add3A_1219 : vector<16xi32>
      %mul3A_1221 = arith.constant 128 : i32
      %mul3A_1222 = vector.broadcast %mul3A_1221 : i32 to vector<16xi32>
      %mul3A_1223 = arith.muli %add3A_1220, %mul3A_1222 : vector<16xi32>
      %and3A_1224 = arith.constant 1 : i32
      %and3A_1225 = vector.broadcast %and3A_1224 : i32 to vector<16xi32>
      %and3A_1226 = arith.andi %get3A_1217, %and3A_1225 : vector<16xi32>
      %mul3A_1227 = arith.constant 64 : i32
      %mul3A_1228 = vector.broadcast %mul3A_1227 : i32 to vector<16xi32>
      %mul3A_1229 = arith.muli %and3A_1226, %mul3A_1228 : vector<16xi32>
      %add3A_1230 = arith.addi %mul3A_1223, %mul3A_1229 : vector<16xi32>
      %get3A_1231 = arith.index_cast %add3A_1158 : i32 to index
      %get3A_1232 = arith.constant 32 : index
      %get3A_1233 = tpu.vector_load %arg5[%get3A_1231, %get3A_1232] {strides = array<i32>} : memref<200x128xi32, #tpu.memory_space<vmem>>, vector<16xi32>,
      %add3A_1234 = arith.constant 32 : i32
      %add3A_1235 = vector.broadcast %add3A_1234 : i32 to vector<16xi32>
      %add3A_1236 = arith.addi %iota3A, %add3A_1235 : vector<16xi32>
      %mul3A_1237 = arith.constant 128 : i32
      %mul3A_1238 = vector.broadcast %mul3A_1237 : i32 to vector<16xi32>
      %mul3A_1239 = arith.muli %add3A_1236, %mul3A_1238 : vector<16xi32>
      %and3A_1240 = arith.constant 1 : i32
      %and3A_1241 = vector.broadcast %and3A_1240 : i32 to vector<16xi32>
      %and3A_1242 = arith.andi %get3A_1233, %and3A_1241 : vector<16xi32>
      %mul3A_1243 = arith.constant 64 : i32
      %mul3A_1244 = vector.broadcast %mul3A_1243 : i32 to vector<16xi32>
      %mul3A_1245 = arith.muli %and3A_1242, %mul3A_1244 : vector<16xi32>
      %add3A_1246 = arith.addi %mul3A_1239, %mul3A_1245 : vector<16xi32>
      %get3A_1247 = arith.index_cast %add3A_1158 : i32 to index
      %get3A_1248 = arith.constant 48 : index
      %get3A_1249 = tpu.vector_load %arg5[%get3A_1247, %get3A_1248] {strides = array<i32>} : memref<200x128xi32, #tpu.memory_space<vmem>>, vector<16xi32>,
      %add3A_1250 = arith.constant 48 : i32
      %add3A_1251 = vector.broadcast %add3A_1250 : i32 to vector<16xi32>
      %add3A_1252 = arith.addi %iota3A, %add3A_1251 : vector<16xi32>
      %mul3A_1253 = arith.constant 128 : i32
      %mul3A_1254 = vector.broadcast %mul3A_1253 : i32 to vector<16xi32>
      %mul3A_1255 = arith.muli %add3A_1252, %mul3A_1254 : vector<16xi32>
      %and3A_1256 = arith.constant 1 : i32
      %and3A_1257 = vector.broadcast %and3A_1256 : i32 to vector<16xi32>
      %and3A_1258 = arith.andi %get3A_1249, %and3A_1257 : vector<16xi32>
      %mul3A_1259 = arith.constant 64 : i32
      %mul3A_1260 = vector.broadcast %mul3A_1259 : i32 to vector<16xi32>
      %mul3A_1261 = arith.muli %and3A_1258, %mul3A_1260 : vector<16xi32>
      %add3A_1262 = arith.addi %mul3A_1255, %mul3A_1261 : vector<16xi32>
      %get3A_1263 = arith.index_cast %add3A_1158 : i32 to index
      %get3A_1264 = arith.constant 64 : index
      %get3A_1265 = tpu.vector_load %arg5[%get3A_1263, %get3A_1264] {strides = array<i32>} : memref<200x128xi32, #tpu.memory_space<vmem>>, vector<16xi32>,
      %add3A_1266 = arith.constant 64 : i32
      %add3A_1267 = vector.broadcast %add3A_1266 : i32 to vector<16xi32>
      %add3A_1268 = arith.addi %iota3A, %add3A_1267 : vector<16xi32>
      %mul3A_1269 = arith.constant 128 : i32
      %mul3A_1270 = vector.broadcast %mul3A_1269 : i32 to vector<16xi32>
      %mul3A_1271 = arith.muli %add3A_1268, %mul3A_1270 : vector<16xi32>
      %and3A_1272 = arith.constant 1 : i32
      %and3A_1273 = vector.broadcast %and3A_1272 : i32 to vector<16xi32>
      %and3A_1274 = arith.andi %get3A_1265, %and3A_1273 : vector<16xi32>
      %mul3A_1275 = arith.constant 64 : i32
      %mul3A_1276 = vector.broadcast %mul3A_1275 : i32 to vector<16xi32>
      %mul3A_1277 = arith.muli %and3A_1274, %mul3A_1276 : vector<16xi32>
      %add3A_1278 = arith.addi %mul3A_1271, %mul3A_1277 : vector<16xi32>
      %get3A_1279 = arith.index_cast %add3A_1158 : i32 to index
      %get3A_1280 = arith.constant 80 : index
      %get3A_1281 = tpu.vector_load %arg5[%get3A_1279, %get3A_1280] {strides = array<i32>} : memref<200x128xi32, #tpu.memory_space<vmem>>, vector<16xi32>,
      %add3A_1282 = arith.constant 80 : i32
      %add3A_1283 = vector.broadcast %add3A_1282 : i32 to vector<16xi32>
      %add3A_1284 = arith.addi %iota3A, %add3A_1283 : vector<16xi32>
      %mul3A_1285 = arith.constant 128 : i32
      %mul3A_1286 = vector.broadcast %mul3A_1285 : i32 to vector<16xi32>
      %mul3A_1287 = arith.muli %add3A_1284, %mul3A_1286 : vector<16xi32>
      %and3A_1288 = arith.constant 1 : i32
      %and3A_1289 = vector.broadcast %and3A_1288 : i32 to vector<16xi32>
      %and3A_1290 = arith.andi %get3A_1281, %and3A_1289 : vector<16xi32>
      %mul3A_1291 = arith.constant 64 : i32
      %mul3A_1292 = vector.broadcast %mul3A_1291 : i32 to vector<16xi32>
      %mul3A_1293 = arith.muli %and3A_1290, %mul3A_1292 : vector<16xi32>
      %add3A_1294 = arith.addi %mul3A_1287, %mul3A_1293 : vector<16xi32>
      %get3A_1295 = arith.index_cast %add3A_1158 : i32 to index
      %get3A_1296 = arith.constant 96 : index
      %get3A_1297 = tpu.vector_load %arg5[%get3A_1295, %get3A_1296] {strides = array<i32>} : memref<200x128xi32, #tpu.memory_space<vmem>>, vector<16xi32>,
      %add3A_1298 = arith.constant 96 : i32
      %add3A_1299 = vector.broadcast %add3A_1298 : i32 to vector<16xi32>
      %add3A_1300 = arith.addi %iota3A, %add3A_1299 : vector<16xi32>
      %mul3A_1301 = arith.constant 128 : i32
      %mul3A_1302 = vector.broadcast %mul3A_1301 : i32 to vector<16xi32>
      %mul3A_1303 = arith.muli %add3A_1300, %mul3A_1302 : vector<16xi32>
      %and3A_1304 = arith.constant 1 : i32
      %and3A_1305 = vector.broadcast %and3A_1304 : i32 to vector<16xi32>
      %and3A_1306 = arith.andi %get3A_1297, %and3A_1305 : vector<16xi32>
      %mul3A_1307 = arith.constant 64 : i32
      %mul3A_1308 = vector.broadcast %mul3A_1307 : i32 to vector<16xi32>
      %mul3A_1309 = arith.muli %and3A_1306, %mul3A_1308 : vector<16xi32>
      %add3A_1310 = arith.addi %mul3A_1303, %mul3A_1309 : vector<16xi32>
      %get3A_1311 = arith.index_cast %add3A_1158 : i32 to index
      %get3A_1312 = arith.constant 112 : index
      %get3A_1313 = tpu.vector_load %arg5[%get3A_1311, %get3A_1312] {strides = array<i32>} : memref<200x128xi32, #tpu.memory_space<vmem>>, vector<16xi32>,
      %add3A_1314 = arith.constant 112 : i32
      %add3A_1315 = vector.broadcast %add3A_1314 : i32 to vector<16xi32>
      %add3A_1316 = arith.addi %iota3A, %add3A_1315 : vector<16xi32>
      %mul3A_1317 = arith.constant 128 : i32
      %mul3A_1318 = vector.broadcast %mul3A_1317 : i32 to vector<16xi32>
      %mul3A_1319 = arith.muli %add3A_1316, %mul3A_1318 : vector<16xi32>
      %and3A_1320 = arith.constant 1 : i32
      %and3A_1321 = vector.broadcast %and3A_1320 : i32 to vector<16xi32>
      %and3A_1322 = arith.andi %get3A_1313, %and3A_1321 : vector<16xi32>
      %mul3A_1323 = arith.constant 64 : i32
      %mul3A_1324 = vector.broadcast %mul3A_1323 : i32 to vector<16xi32>
      %mul3A_1325 = arith.muli %and3A_1322, %mul3A_1324 : vector<16xi32>
      %add3A_1326 = arith.addi %mul3A_1319, %mul3A_1325 : vector<16xi32>
      %add3A_1327 = arith.constant 0 : i32
      %add3A_1328 = vector.broadcast %add3A_1327 : i32 to vector<16xi32>
      %add3A_1329 = arith.addi %iota3A, %add3A_1328 : vector<16xi32>
      %add3A_1330 = arith.constant 16 : i32
      %add3A_1331 = vector.broadcast %add3A_1330 : i32 to vector<16xi32>
      %add3A_1332 = arith.addi %iota3A, %add3A_1331 : vector<16xi32>
      %add3A_1333 = arith.constant 32 : i32
      %add3A_1334 = vector.broadcast %add3A_1333 : i32 to vector<16xi32>
      %add3A_1335 = arith.addi %iota3A, %add3A_1334 : vector<16xi32>
      %add3A_1336 = arith.constant 48 : i32
      %add3A_1337 = vector.broadcast %add3A_1336 : i32 to vector<16xi32>
      %add3A_1338 = arith.addi %iota3A, %add3A_1337 : vector<16xi32>
      %add3A_1339 = arith.constant 64 : i32
      %add3A_1340 = vector.broadcast %add3A_1339 : i32 to vector<16xi32>
      %add3A_1341 = arith.addi %iota3A, %add3A_1340 : vector<16xi32>
      %add3A_1342 = arith.constant 80 : i32
      %add3A_1343 = vector.broadcast %add3A_1342 : i32 to vector<16xi32>
      %add3A_1344 = arith.addi %iota3A, %add3A_1343 : vector<16xi32>
      %add3A_1345 = arith.constant 96 : i32
      %add3A_1346 = vector.broadcast %add3A_1345 : i32 to vector<16xi32>
      %add3A_1347 = arith.addi %iota3A, %add3A_1346 : vector<16xi32>
      %add3A_1348 = arith.constant 112 : i32
      %add3A_1349 = vector.broadcast %add3A_1348 : i32 to vector<16xi32>
      %add3A_1350 = arith.addi %iota3A, %add3A_1349 : vector<16xi32>
      %parallel_loop3A_1351 = arith.constant 0 : i32
      %parallel_loop3A_1352 = arith.constant 64 : i32
      %parallel_loop3A_1353 = arith.constant 1 : i32
      scf.for %parallel_loop3A_1577 = %parallel_loop3A_1351 to %parallel_loop3A_1352 step %parallel_loop3A_1353  : i32 {
        %parallel_loop3A_1578 = vector.broadcast %parallel_loop3A_1577 : i32 to vector<16xi32>
        %parallel_loop3A_1579 = arith.addi %add3A_1329, %parallel_loop3A_1578 : vector<16xi32>
        %parallel_loop3A_1580 = arith.constant 63 : i32
        %parallel_loop3A_1581 = vector.broadcast %parallel_loop3A_1580 : i32 to vector<16xi32>
        %parallel_loop3A_1582 = arith.andi %parallel_loop3A_1579, %parallel_loop3A_1581 : vector<16xi32>
        %parallel_loop3A_1583 = arith.addi %add3A_1214, %parallel_loop3A_1582 : vector<16xi32>
        %parallel_loop3A_1584 = tpu.vector_load_idx %arg12[%mul3A_1198, %parallel_loop3A_1583] : memref<128x128xf32, #tpu.memory_space<vmem>>[vector<16xi32>, vector<16xi32>], vector<16xf32>,
        tpu.vector_store_idx %arg16[%parallel_loop3A_1582, %add3A_1329], %parallel_loop3A_1584 : memref<64x128xf32, #tpu.memory_space<vmem>>[vector<16xi32>, vector<16xi32>], vector<16xf32>,
        %parallel_loop3A_1585 = vector.broadcast %parallel_loop3A_1577 : i32 to vector<16xi32>
        %parallel_loop3A_1586 = arith.addi %add3A_1332, %parallel_loop3A_1585 : vector<16xi32>
        %parallel_loop3A_1587 = arith.constant 63 : i32
        %parallel_loop3A_1588 = vector.broadcast %parallel_loop3A_1587 : i32 to vector<16xi32>
        %parallel_loop3A_1589 = arith.andi %parallel_loop3A_1586, %parallel_loop3A_1588 : vector<16xi32>
        %parallel_loop3A_1590 = arith.addi %add3A_1230, %parallel_loop3A_1589 : vector<16xi32>
        %parallel_loop3A_1591 = tpu.vector_load_idx %arg12[%mul3A_1198, %parallel_loop3A_1590] : memref<128x128xf32, #tpu.memory_space<vmem>>[vector<16xi32>, vector<16xi32>], vector<16xf32>,
        tpu.vector_store_idx %arg16[%parallel_loop3A_1589, %add3A_1332], %parallel_loop3A_1591 : memref<64x128xf32, #tpu.memory_space<vmem>>[vector<16xi32>, vector<16xi32>], vector<16xf32>,
        %parallel_loop3A_1592 = vector.broadcast %parallel_loop3A_1577 : i32 to vector<16xi32>
        %parallel_loop3A_1593 = arith.addi %add3A_1335, %parallel_loop3A_1592 : vector<16xi32>
        %parallel_loop3A_1594 = arith.constant 63 : i32
        %parallel_loop3A_1595 = vector.broadcast %parallel_loop3A_1594 : i32 to vector<16xi32>
        %parallel_loop3A_1596 = arith.andi %parallel_loop3A_1593, %parallel_loop3A_1595 : vector<16xi32>
        %parallel_loop3A_1597 = arith.addi %add3A_1246, %parallel_loop3A_1596 : vector<16xi32>
        %parallel_loop3A_1598 = tpu.vector_load_idx %arg12[%mul3A_1198, %parallel_loop3A_1597] : memref<128x128xf32, #tpu.memory_space<vmem>>[vector<16xi32>, vector<16xi32>], vector<16xf32>,
        tpu.vector_store_idx %arg16[%parallel_loop3A_1596, %add3A_1335], %parallel_loop3A_1598 : memref<64x128xf32, #tpu.memory_space<vmem>>[vector<16xi32>, vector<16xi32>], vector<16xf32>,
        %parallel_loop3A_1599 = vector.broadcast %parallel_loop3A_1577 : i32 to vector<16xi32>
        %parallel_loop3A_1600 = arith.addi %add3A_1338, %parallel_loop3A_1599 : vector<16xi32>
        %parallel_loop3A_1601 = arith.constant 63 : i32
        %parallel_loop3A_1602 = vector.broadcast %parallel_loop3A_1601 : i32 to vector<16xi32>
        %parallel_loop3A_1603 = arith.andi %parallel_loop3A_1600, %parallel_loop3A_1602 : vector<16xi32>
        %parallel_loop3A_1604 = arith.addi %add3A_1262, %parallel_loop3A_1603 : vector<16xi32>
        %parallel_loop3A_1605 = tpu.vector_load_idx %arg12[%mul3A_1198, %parallel_loop3A_1604] : memref<128x128xf32, #tpu.memory_space<vmem>>[vector<16xi32>, vector<16xi32>], vector<16xf32>,
        tpu.vector_store_idx %arg16[%parallel_loop3A_1603, %add3A_1338], %parallel_loop3A_1605 : memref<64x128xf32, #tpu.memory_space<vmem>>[vector<16xi32>, vector<16xi32>], vector<16xf32>,
        %parallel_loop3A_1606 = vector.broadcast %parallel_loop3A_1577 : i32 to vector<16xi32>
        %parallel_loop3A_1607 = arith.addi %add3A_1341, %parallel_loop3A_1606 : vector<16xi32>
        %parallel_loop3A_1608 = arith.constant 63 : i32
        %parallel_loop3A_1609 = vector.broadcast %parallel_loop3A_1608 : i32 to vector<16xi32>
        %parallel_loop3A_1610 = arith.andi %parallel_loop3A_1607, %parallel_loop3A_1609 : vector<16xi32>
        %parallel_loop3A_1611 = arith.addi %add3A_1278, %parallel_loop3A_1610 : vector<16xi32>
        %parallel_loop3A_1612 = tpu.vector_load_idx %arg12[%mul3A_1198, %parallel_loop3A_1611] : memref<128x128xf32, #tpu.memory_space<vmem>>[vector<16xi32>, vector<16xi32>], vector<16xf32>,
        tpu.vector_store_idx %arg16[%parallel_loop3A_1610, %add3A_1341], %parallel_loop3A_1612 : memref<64x128xf32, #tpu.memory_space<vmem>>[vector<16xi32>, vector<16xi32>], vector<16xf32>,
        %parallel_loop3A_1613 = vector.broadcast %parallel_loop3A_1577 : i32 to vector<16xi32>
        %parallel_loop3A_1614 = arith.addi %add3A_1344, %parallel_loop3A_1613 : vector<16xi32>
        %parallel_loop3A_1615 = arith.constant 63 : i32
        %parallel_loop3A_1616 = vector.broadcast %parallel_loop3A_1615 : i32 to vector<16xi32>
        %parallel_loop3A_1617 = arith.andi %parallel_loop3A_1614, %parallel_loop3A_1616 : vector<16xi32>
        %parallel_loop3A_1618 = arith.addi %add3A_1294, %parallel_loop3A_1617 : vector<16xi32>
        %parallel_loop3A_1619 = tpu.vector_load_idx %arg12[%mul3A_1198, %parallel_loop3A_1618] : memref<128x128xf32, #tpu.memory_space<vmem>>[vector<16xi32>, vector<16xi32>], vector<16xf32>,
        tpu.vector_store_idx %arg16[%parallel_loop3A_1617, %add3A_1344], %parallel_loop3A_1619 : memref<64x128xf32, #tpu.memory_space<vmem>>[vector<16xi32>, vector<16xi32>], vector<16xf32>,
        %parallel_loop3A_1620 = vector.broadcast %parallel_loop3A_1577 : i32 to vector<16xi32>
        %parallel_loop3A_1621 = arith.addi %add3A_1347, %parallel_loop3A_1620 : vector<16xi32>
        %parallel_loop3A_1622 = arith.constant 63 : i32
        %parallel_loop3A_1623 = vector.broadcast %parallel_loop3A_1622 : i32 to vector<16xi32>
        %parallel_loop3A_1624 = arith.andi %parallel_loop3A_1621, %parallel_loop3A_1623 : vector<16xi32>
        %parallel_loop3A_1625 = arith.addi %add3A_1310, %parallel_loop3A_1624 : vector<16xi32>
        %parallel_loop3A_1626 = tpu.vector_load_idx %arg12[%mul3A_1198, %parallel_loop3A_1625] : memref<128x128xf32, #tpu.memory_space<vmem>>[vector<16xi32>, vector<16xi32>], vector<16xf32>,
        tpu.vector_store_idx %arg16[%parallel_loop3A_1624, %add3A_1347], %parallel_loop3A_1626 : memref<64x128xf32, #tpu.memory_space<vmem>>[vector<16xi32>, vector<16xi32>], vector<16xf32>,
        %parallel_loop3A_1627 = vector.broadcast %parallel_loop3A_1577 : i32 to vector<16xi32>
        %parallel_loop3A_1628 = arith.addi %add3A_1350, %parallel_loop3A_1627 : vector<16xi32>
        %parallel_loop3A_1629 = arith.constant 63 : i32
        %parallel_loop3A_1630 = vector.broadcast %parallel_loop3A_1629 : i32 to vector<16xi32>
        %parallel_loop3A_1631 = arith.andi %parallel_loop3A_1628, %parallel_loop3A_1630 : vector<16xi32>
        %parallel_loop3A_1632 = arith.addi %add3A_1326, %parallel_loop3A_1631 : vector<16xi32>
        %parallel_loop3A_1633 = tpu.vector_load_idx %arg12[%mul3A_1198, %parallel_loop3A_1632] : memref<128x128xf32, #tpu.memory_space<vmem>>[vector<16xi32>, vector<16xi32>], vector<16xf32>,
        tpu.vector_store_idx %arg16[%parallel_loop3A_1631, %add3A_1350], %parallel_loop3A_1633 : memref<64x128xf32, #tpu.memory_space<vmem>>[vector<16xi32>, vector<16xi32>], vector<16xf32>,
      } {sc.loop_unroll_factor = 2 : i64, sc.parallel_access}
      %dma_start3A_1354 = arith.constant 0 : i32
      %dma_start3A_1355 = tpu.memref_slice %arg4[%add3A_1158, %dma_start3A_1354, %mul3A_2] : memref<200x64x4096xf32, #tpu.memory_space<hbm>> -> memref<1x64x128xf32, #tpu.memory_space<hbm>>
      %dma_start3A_1356 = tpu.memref_squeeze %dma_start3A_1355 : memref<1x64x128xf32, #tpu.memory_space<hbm>> -> memref<64x128xf32, #tpu.memory_space<hbm>>
      %dma_start3A_1357 = arith.constant 0 : i32
      %dma_start3A_1358 = tpu.memref_slice %arg4[%add3A_1158, %dma_start3A_1357, %mul3A_2] : memref<200x64x4096xf32, #tpu.memory_space<hbm>> -> memref<1x64x128xf32, #tpu.memory_space<hbm>>
      %dma_start3A_1359 = tpu.memref_squeeze %dma_start3A_1358 : memref<1x64x128xf32, #tpu.memory_space<hbm>> -> memref<64x128xf32, #tpu.memory_space<hbm>>
      tpu.enqueue_dma source(%arg16 : memref<64x128xf32, #tpu.memory_space<vmem>>) target(%dma_start3A_1359 : memref<64x128xf32, #tpu.memory_space<hbm>>) target_semaphore(%arg24 : memref<!tpu.dma_semaphore, #tpu.memory_space<semaphore_mem>>)
      %add3A_1360 = arith.constant 4 : i32
      %add3A_1361 = arith.addi %add3A_1158, %add3A_1360 : i32
      %lt3A_1362 = arith.constant 200 : i32
      %lt3A_1363 = arith.cmpi slt, %add3A_1361, %lt3A_1362 : i32
      %convert_element_type3A_1364 = arith.extui %lt3A_1363 : i1 to i32
      %cond3A_1365 = arith.constant 0 : i32
      %cond3A_1366 = arith.cmpi ne, %convert_element_type3A_1364, %cond3A_1365 : i32
      scf.if %cond3A_1366 {
        %scan3A_1577 = arith.constant 0 : i32
        %mul3A_1578 = arith.constant 1 : i32
        %mul3A_1579 = arith.muli %scan3A_1577, %mul3A_1578 : i32
        %add3A_1580 = arith.constant 0 : i32
        %add3A_1581 = arith.addi %add3A_1580, %mul3A_1579 : i32
        %mul3A_1582 = arith.constant 16 : i32
        %mul3A_1583 = arith.muli %add3A_1581, %mul3A_1582 : i32
        %get3A_1584 = arith.index_cast %add3A_1361 : i32 to index
        %get3A_1585 = arith.index_cast %mul3A_1583 : i32 to index
        %get3A_1586 = tpu.vector_load %arg5[%get3A_1584, %get3A_1585] {strides = array<i32>} : memref<200x128xi32, #tpu.memory_space<vmem>>, vector<16xi32>,
        %shift_right_logical3A_1587 = arith.constant 1 : i32
        %shift_right_logical3A_1588 = vector.broadcast %shift_right_logical3A_1587 : i32 to vector<16xi32>
        %shift_right_logical3A_1589 = arith.shrui %get3A_1586, %shift_right_logical3A_1588 : vector<16xi32>
        %mul3A_1590 = arith.constant 16 : i32
        %mul3A_1591 = arith.muli %add3A_1581, %mul3A_1590 : i32
        %swap3A_1592 = arith.index_cast %mul3A_1591 : i32 to index
        %swap3A_1593 = tpu.vector_load %arg8[%swap3A_1592] {strides = array<i32>} : memref<128xi32, #tpu.memory_space<vmem>>, vector<16xi32>,
        tpu.vector_store %arg8[%swap3A_1592], %shift_right_logical3A_1589 {strides = array<i32>} : memref<128xi32, #tpu.memory_space<vmem>>, vector<16xi32>,
        %scan3A_1594 = arith.constant 1 : i32
        %mul3A_1595 = arith.constant 1 : i32
        %mul3A_1596 = arith.muli %scan3A_1594, %mul3A_1595 : i32
        %add3A_1597 = arith.constant 0 : i32
        %add3A_1598 = arith.addi %add3A_1597, %mul3A_1596 : i32
        %mul3A_1599 = arith.constant 16 : i32
        %mul3A_1600 = arith.muli %add3A_1598, %mul3A_1599 : i32
        %get3A_1601 = arith.index_cast %add3A_1361 : i32 to index
        %get3A_1602 = arith.index_cast %mul3A_1600 : i32 to index
        %get3A_1603 = tpu.vector_load %arg5[%get3A_1601, %get3A_1602] {strides = array<i32>} : memref<200x128xi32, #tpu.memory_space<vmem>>, vector<16xi32>,
        %shift_right_logical3A_1604 = arith.constant 1 : i32
        %shift_right_logical3A_1605 = vector.broadcast %shift_right_logical3A_1604 : i32 to vector<16xi32>
        %shift_right_logical3A_1606 = arith.shrui %get3A_1603, %shift_right_logical3A_1605 : vector<16xi32>
        %mul3A_1607 = arith.constant 16 : i32
        %mul3A_1608 = arith.muli %add3A_1598, %mul3A_1607 : i32
        %swap3A_1609 = arith.index_cast %mul3A_1608 : i32 to index
        %swap3A_1610 = tpu.vector_load %arg8[%swap3A_1609] {strides = array<i32>} : memref<128xi32, #tpu.memory_space<vmem>>, vector<16xi32>,
        tpu.vector_store %arg8[%swap3A_1609], %shift_right_logical3A_1606 {strides = array<i32>} : memref<128xi32, #tpu.memory_space<vmem>>, vector<16xi32>,
        %scan3A_1611 = arith.constant 2 : i32
        %mul3A_1612 = arith.constant 1 : i32
        %mul3A_1613 = arith.muli %scan3A_1611, %mul3A_1612 : i32
        %add3A_1614 = arith.constant 0 : i32
        %add3A_1615 = arith.addi %add3A_1614, %mul3A_1613 : i32
        %mul3A_1616 = arith.constant 16 : i32
        %mul3A_1617 = arith.muli %add3A_1615, %mul3A_1616 : i32
        %get3A_1618 = arith.index_cast %add3A_1361 : i32 to index
        %get3A_1619 = arith.index_cast %mul3A_1617 : i32 to index
        %get3A_1620 = tpu.vector_load %arg5[%get3A_1618, %get3A_1619] {strides = array<i32>} : memref<200x128xi32, #tpu.memory_space<vmem>>, vector<16xi32>,
        %shift_right_logical3A_1621 = arith.constant 1 : i32
        %shift_right_logical3A_1622 = vector.broadcast %shift_right_logical3A_1621 : i32 to vector<16xi32>
        %shift_right_logical3A_1623 = arith.shrui %get3A_1620, %shift_right_logical3A_1622 : vector<16xi32>
        %mul3A_1624 = arith.constant 16 : i32
        %mul3A_1625 = arith.muli %add3A_1615, %mul3A_1624 : i32
        %swap3A_1626 = arith.index_cast %mul3A_1625 : i32 to index
        %swap3A_1627 = tpu.vector_load %arg8[%swap3A_1626] {strides = array<i32>} : memref<128xi32, #tpu.memory_space<vmem>>, vector<16xi32>,
        tpu.vector_store %arg8[%swap3A_1626], %shift_right_logical3A_1623 {strides = array<i32>} : memref<128xi32, #tpu.memory_space<vmem>>, vector<16xi32>,
        %scan3A_1628 = arith.constant 3 : i32
        %mul3A_1629 = arith.constant 1 : i32
        %mul3A_1630 = arith.muli %scan3A_1628, %mul3A_1629 : i32
        %add3A_1631 = arith.constant 0 : i32
        %add3A_1632 = arith.addi %add3A_1631, %mul3A_1630 : i32
        %mul3A_1633 = arith.constant 16 : i32
        %mul3A_1634 = arith.muli %add3A_1632, %mul3A_1633 : i32
        %get3A_1635 = arith.index_cast %add3A_1361 : i32 to index
        %get3A_1636 = arith.index_cast %mul3A_1634 : i32 to index
        %get3A_1637 = tpu.vector_load %arg5[%get3A_1635, %get3A_1636] {strides = array<i32>} : memref<200x128xi32, #tpu.memory_space<vmem>>, vector<16xi32>,
        %shift_right_logical3A_1638 = arith.constant 1 : i32
        %shift_right_logical3A_1639 = vector.broadcast %shift_right_logical3A_1638 : i32 to vector<16xi32>
        %shift_right_logical3A_1640 = arith.shrui %get3A_1637, %shift_right_logical3A_1639 : vector<16xi32>
        %mul3A_1641 = arith.constant 16 : i32
        %mul3A_1642 = arith.muli %add3A_1632, %mul3A_1641 : i32
        %swap3A_1643 = arith.index_cast %mul3A_1642 : i32 to index
        %swap3A_1644 = tpu.vector_load %arg8[%swap3A_1643] {strides = array<i32>} : memref<128xi32, #tpu.memory_space<vmem>>, vector<16xi32>,
        tpu.vector_store %arg8[%swap3A_1643], %shift_right_logical3A_1640 {strides = array<i32>} : memref<128xi32, #tpu.memory_space<vmem>>, vector<16xi32>,
        %scan3A_1645 = arith.constant 4 : i32
        %mul3A_1646 = arith.constant 1 : i32
        %mul3A_1647 = arith.muli %scan3A_1645, %mul3A_1646 : i32
        %add3A_1648 = arith.constant 0 : i32
        %add3A_1649 = arith.addi %add3A_1648, %mul3A_1647 : i32
        %mul3A_1650 = arith.constant 16 : i32
        %mul3A_1651 = arith.muli %add3A_1649, %mul3A_1650 : i32
        %get3A_1652 = arith.index_cast %add3A_1361 : i32 to index
        %get3A_1653 = arith.index_cast %mul3A_1651 : i32 to index
        %get3A_1654 = tpu.vector_load %arg5[%get3A_1652, %get3A_1653] {strides = array<i32>} : memref<200x128xi32, #tpu.memory_space<vmem>>, vector<16xi32>,
        %shift_right_logical3A_1655 = arith.constant 1 : i32
        %shift_right_logical3A_1656 = vector.broadcast %shift_right_logical3A_1655 : i32 to vector<16xi32>
        %shift_right_logical3A_1657 = arith.shrui %get3A_1654, %shift_right_logical3A_1656 : vector<16xi32>
        %mul3A_1658 = arith.constant 16 : i32
        %mul3A_1659 = arith.muli %add3A_1649, %mul3A_1658 : i32
        %swap3A_1660 = arith.index_cast %mul3A_1659 : i32 to index
        %swap3A_1661 = tpu.vector_load %arg8[%swap3A_1660] {strides = array<i32>} : memref<128xi32, #tpu.memory_space<vmem>>, vector<16xi32>,
        tpu.vector_store %arg8[%swap3A_1660], %shift_right_logical3A_1657 {strides = array<i32>} : memref<128xi32, #tpu.memory_space<vmem>>, vector<16xi32>,
        %scan3A_1662 = arith.constant 5 : i32
        %mul3A_1663 = arith.constant 1 : i32
        %mul3A_1664 = arith.muli %scan3A_1662, %mul3A_1663 : i32
        %add3A_1665 = arith.constant 0 : i32
        %add3A_1666 = arith.addi %add3A_1665, %mul3A_1664 : i32
        %mul3A_1667 = arith.constant 16 : i32
        %mul3A_1668 = arith.muli %add3A_1666, %mul3A_1667 : i32
        %get3A_1669 = arith.index_cast %add3A_1361 : i32 to index
        %get3A_1670 = arith.index_cast %mul3A_1668 : i32 to index
        %get3A_1671 = tpu.vector_load %arg5[%get3A_1669, %get3A_1670] {strides = array<i32>} : memref<200x128xi32, #tpu.memory_space<vmem>>, vector<16xi32>,
        %shift_right_logical3A_1672 = arith.constant 1 : i32
        %shift_right_logical3A_1673 = vector.broadcast %shift_right_logical3A_1672 : i32 to vector<16xi32>
        %shift_right_logical3A_1674 = arith.shrui %get3A_1671, %shift_right_logical3A_1673 : vector<16xi32>
        %mul3A_1675 = arith.constant 16 : i32
        %mul3A_1676 = arith.muli %add3A_1666, %mul3A_1675 : i32
        %swap3A_1677 = arith.index_cast %mul3A_1676 : i32 to index
        %swap3A_1678 = tpu.vector_load %arg8[%swap3A_1677] {strides = array<i32>} : memref<128xi32, #tpu.memory_space<vmem>>, vector<16xi32>,
        tpu.vector_store %arg8[%swap3A_1677], %shift_right_logical3A_1674 {strides = array<i32>} : memref<128xi32, #tpu.memory_space<vmem>>, vector<16xi32>,
        %scan3A_1679 = arith.constant 6 : i32
        %mul3A_1680 = arith.constant 1 : i32
        %mul3A_1681 = arith.muli %scan3A_1679, %mul3A_1680 : i32
        %add3A_1682 = arith.constant 0 : i32
        %add3A_1683 = arith.addi %add3A_1682, %mul3A_1681 : i32
        %mul3A_1684 = arith.constant 16 : i32
        %mul3A_1685 = arith.muli %add3A_1683, %mul3A_1684 : i32
        %get3A_1686 = arith.index_cast %add3A_1361 : i32 to index
        %get3A_1687 = arith.index_cast %mul3A_1685 : i32 to index
        %get3A_1688 = tpu.vector_load %arg5[%get3A_1686, %get3A_1687] {strides = array<i32>} : memref<200x128xi32, #tpu.memory_space<vmem>>, vector<16xi32>,
        %shift_right_logical3A_1689 = arith.constant 1 : i32
        %shift_right_logical3A_1690 = vector.broadcast %shift_right_logical3A_1689 : i32 to vector<16xi32>
        %shift_right_logical3A_1691 = arith.shrui %get3A_1688, %shift_right_logical3A_1690 : vector<16xi32>
        %mul3A_1692 = arith.constant 16 : i32
        %mul3A_1693 = arith.muli %add3A_1683, %mul3A_1692 : i32
        %swap3A_1694 = arith.index_cast %mul3A_1693 : i32 to index
        %swap3A_1695 = tpu.vector_load %arg8[%swap3A_1694] {strides = array<i32>} : memref<128xi32, #tpu.memory_space<vmem>>, vector<16xi32>,
        tpu.vector_store %arg8[%swap3A_1694], %shift_right_logical3A_1691 {strides = array<i32>} : memref<128xi32, #tpu.memory_space<vmem>>, vector<16xi32>,
        %scan3A_1696 = arith.constant 7 : i32
        %mul3A_1697 = arith.constant 1 : i32
        %mul3A_1698 = arith.muli %scan3A_1696, %mul3A_1697 : i32
        %add3A_1699 = arith.constant 0 : i32
        %add3A_1700 = arith.addi %add3A_1699, %mul3A_1698 : i32
        %mul3A_1701 = arith.constant 16 : i32
        %mul3A_1702 = arith.muli %add3A_1700, %mul3A_1701 : i32
        %get3A_1703 = arith.index_cast %add3A_1361 : i32 to index
        %get3A_1704 = arith.index_cast %mul3A_1702 : i32 to index
        %get3A_1705 = tpu.vector_load %arg5[%get3A_1703, %get3A_1704] {strides = array<i32>} : memref<200x128xi32, #tpu.memory_space<vmem>>, vector<16xi32>,
        %shift_right_logical3A_1706 = arith.constant 1 : i32
        %shift_right_logical3A_1707 = vector.broadcast %shift_right_logical3A_1706 : i32 to vector<16xi32>
        %shift_right_logical3A_1708 = arith.shrui %get3A_1705, %shift_right_logical3A_1707 : vector<16xi32>
        %mul3A_1709 = arith.constant 16 : i32
        %mul3A_1710 = arith.muli %add3A_1700, %mul3A_1709 : i32
        %swap3A_1711 = arith.index_cast %mul3A_1710 : i32 to index
        %swap3A_1712 = tpu.vector_load %arg8[%swap3A_1711] {strides = array<i32>} : memref<128xi32, #tpu.memory_space<vmem>>, vector<16xi32>,
        tpu.vector_store %arg8[%swap3A_1711], %shift_right_logical3A_1708 {strides = array<i32>} : memref<128xi32, #tpu.memory_space<vmem>>, vector<16xi32>,
        %scan3A_1713 = arith.constant 8 : i32
        %dma_start3A_1714 = arith.constant 0 : i32
        %dma_start3A_1715 = arith.constant 0 : i32
        %dma_start3A_1716 = tpu.memref_slice %arg12[%dma_start3A_1714, %dma_start3A_1715] : memref<128x128xf32, #tpu.memory_space<vmem>> -> memref<32x128xf32, #tpu.memory_space<vmem>>
        %dma_start3A_1717 = arith.constant 0 : i32
        %dma_start3A_1718 = tpu.memref_slice %arg8[%dma_start3A_1717] : memref<128xi32, #tpu.memory_space<vmem>> -> memref<32xi32, #tpu.memory_space<vmem>>
        %dma_start3A_1719 = arith.constant 0 : i32
        %dma_start3A_1720 = arith.constant 0 : i32
        %dma_start3A_1721 = tpu.memref_slice %arg3[%dma_start3A_1719, %dma_start3A_1720] : memref<500000x128xf32, #tpu.memory_space<hbm>> -> memref<500000x128xf32, #tpu.memory_space<hbm>>
        tpu.enqueue_indirect_dma source(%dma_start3A_1721 : memref<500000x128xf32, #tpu.memory_space<hbm>>) target(%dma_start3A_1716 : memref<32x128xf32, #tpu.memory_space<vmem>>) offsets(%dma_start3A_1718 : memref<32xi32, #tpu.memory_space<vmem>>) semaphore(%arg20 : memref<!tpu.dma_semaphore, #tpu.memory_space<semaphore_mem>>)
        %dma_start3A_1722 = arith.constant 32 : i32
        %dma_start3A_1723 = arith.constant 0 : i32
        %dma_start3A_1724 = tpu.memref_slice %arg12[%dma_start3A_1722, %dma_start3A_1723] : memref<128x128xf32, #tpu.memory_space<vmem>> -> memref<32x128xf32, #tpu.memory_space<vmem>>
        %dma_start3A_1725 = arith.constant 32 : i32
        %dma_start3A_1726 = tpu.memref_slice %arg8[%dma_start3A_1725] : memref<128xi32, #tpu.memory_space<vmem>> -> memref<32xi32, #tpu.memory_space<vmem>>
        %dma_start3A_1727 = arith.constant 0 : i32
        %dma_start3A_1728 = arith.constant 0 : i32
        %dma_start3A_1729 = tpu.memref_slice %arg3[%dma_start3A_1727, %dma_start3A_1728] : memref<500000x128xf32, #tpu.memory_space<hbm>> -> memref<500000x128xf32, #tpu.memory_space<hbm>>
        tpu.enqueue_indirect_dma source(%dma_start3A_1729 : memref<500000x128xf32, #tpu.memory_space<hbm>>) target(%dma_start3A_1724 : memref<32x128xf32, #tpu.memory_space<vmem>>) offsets(%dma_start3A_1726 : memref<32xi32, #tpu.memory_space<vmem>>) semaphore(%arg20 : memref<!tpu.dma_semaphore, #tpu.memory_space<semaphore_mem>>)
        %dma_start3A_1730 = arith.constant 64 : i32
        %dma_start3A_1731 = arith.constant 0 : i32
        %dma_start3A_1732 = tpu.memref_slice %arg12[%dma_start3A_1730, %dma_start3A_1731] : memref<128x128xf32, #tpu.memory_space<vmem>> -> memref<32x128xf32, #tpu.memory_space<vmem>>
        %dma_start3A_1733 = arith.constant 64 : i32
        %dma_start3A_1734 = tpu.memref_slice %arg8[%dma_start3A_1733] : memref<128xi32, #tpu.memory_space<vmem>> -> memref<32xi32, #tpu.memory_space<vmem>>
        %dma_start3A_1735 = arith.constant 0 : i32
        %dma_start3A_1736 = arith.constant 0 : i32
        %dma_start3A_1737 = tpu.memref_slice %arg3[%dma_start3A_1735, %dma_start3A_1736] : memref<500000x128xf32, #tpu.memory_space<hbm>> -> memref<500000x128xf32, #tpu.memory_space<hbm>>
        tpu.enqueue_indirect_dma source(%dma_start3A_1737 : memref<500000x128xf32, #tpu.memory_space<hbm>>) target(%dma_start3A_1732 : memref<32x128xf32, #tpu.memory_space<vmem>>) offsets(%dma_start3A_1734 : memref<32xi32, #tpu.memory_space<vmem>>) semaphore(%arg20 : memref<!tpu.dma_semaphore, #tpu.memory_space<semaphore_mem>>)
        %dma_start3A_1738 = arith.constant 96 : i32
        %dma_start3A_1739 = arith.constant 0 : i32
        %dma_start3A_1740 = tpu.memref_slice %arg12[%dma_start3A_1738, %dma_start3A_1739] : memref<128x128xf32, #tpu.memory_space<vmem>> -> memref<32x128xf32, #tpu.memory_space<vmem>>
        %dma_start3A_1741 = arith.constant 96 : i32
        %dma_start3A_1742 = tpu.memref_slice %arg8[%dma_start3A_1741] : memref<128xi32, #tpu.memory_space<vmem>> -> memref<32xi32, #tpu.memory_space<vmem>>
        %dma_start3A_1743 = arith.constant 0 : i32
        %dma_start3A_1744 = arith.constant 0 : i32
        %dma_start3A_1745 = tpu.memref_slice %arg3[%dma_start3A_1743, %dma_start3A_1744] : memref<500000x128xf32, #tpu.memory_space<hbm>> -> memref<500000x128xf32, #tpu.memory_space<hbm>>
        tpu.enqueue_indirect_dma source(%dma_start3A_1745 : memref<500000x128xf32, #tpu.memory_space<hbm>>) target(%dma_start3A_1740 : memref<32x128xf32, #tpu.memory_space<vmem>>) offsets(%dma_start3A_1742 : memref<32xi32, #tpu.memory_space<vmem>>) semaphore(%arg20 : memref<!tpu.dma_semaphore, #tpu.memory_space<semaphore_mem>>)
      } else {
      }
      %add3A_1367 = arith.constant 3 : i32
      %add3A_1368 = arith.addi %add3A_742, %add3A_1367 : i32
      %dma_wait3A_1369 = arith.constant 0 : i32
      %dma_wait3A_1370 = arith.constant 0 : i32
      %dma_wait3A_1371 = tpu.memref_slice %arg13[%dma_wait3A_1369, %dma_wait3A_1370] : memref<128x128xf32, #tpu.memory_space<vmem>> -> memref<32x128xf32, #tpu.memory_space<vmem>>
      %dma_wait3A_1372 = arith.constant 0 : i32
      %dma_wait3A_1373 = tpu.memref_slice %arg9[%dma_wait3A_1372] : memref<128xi32, #tpu.memory_space<vmem>> -> memref<32xi32, #tpu.memory_space<vmem>>
      %dma_wait3A_1374 = arith.constant 0 : i32
      %dma_wait3A_1375 = arith.constant 0 : i32
      %dma_wait3A_1376 = tpu.memref_slice %arg3[%dma_wait3A_1374, %dma_wait3A_1375] : memref<500000x128xf32, #tpu.memory_space<hbm>> -> memref<500000x128xf32, #tpu.memory_space<hbm>>
      tpu.wait_indirect_dma semaphore(%arg21 : memref<!tpu.dma_semaphore, #tpu.memory_space<semaphore_mem>>) src(%dma_wait3A_1376 : memref<500000x128xf32, #tpu.memory_space<hbm>>) dst(%dma_wait3A_1371 : memref<32x128xf32, #tpu.memory_space<vmem>>)
      %dma_wait3A_1377 = arith.constant 32 : i32
      %dma_wait3A_1378 = arith.constant 0 : i32
      %dma_wait3A_1379 = tpu.memref_slice %arg13[%dma_wait3A_1377, %dma_wait3A_1378] : memref<128x128xf32, #tpu.memory_space<vmem>> -> memref<32x128xf32, #tpu.memory_space<vmem>>
      %dma_wait3A_1380 = arith.constant 32 : i32
      %dma_wait3A_1381 = tpu.memref_slice %arg9[%dma_wait3A_1380] : memref<128xi32, #tpu.memory_space<vmem>> -> memref<32xi32, #tpu.memory_space<vmem>>
      %dma_wait3A_1382 = arith.constant 0 : i32
      %dma_wait3A_1383 = arith.constant 0 : i32
      %dma_wait3A_1384 = tpu.memref_slice %arg3[%dma_wait3A_1382, %dma_wait3A_1383] : memref<500000x128xf32, #tpu.memory_space<hbm>> -> memref<500000x128xf32, #tpu.memory_space<hbm>>
      tpu.wait_indirect_dma semaphore(%arg21 : memref<!tpu.dma_semaphore, #tpu.memory_space<semaphore_mem>>) src(%dma_wait3A_1384 : memref<500000x128xf32, #tpu.memory_space<hbm>>) dst(%dma_wait3A_1379 : memref<32x128xf32, #tpu.memory_space<vmem>>)
      %dma_wait3A_1385 = arith.constant 64 : i32
      %dma_wait3A_1386 = arith.constant 0 : i32
      %dma_wait3A_1387 = tpu.memref_slice %arg13[%dma_wait3A_1385, %dma_wait3A_1386] : memref<128x128xf32, #tpu.memory_space<vmem>> -> memref<32x128xf32, #tpu.memory_space<vmem>>
      %dma_wait3A_1388 = arith.constant 64 : i32
      %dma_wait3A_1389 = tpu.memref_slice %arg9[%dma_wait3A_1388] : memref<128xi32, #tpu.memory_space<vmem>> -> memref<32xi32, #tpu.memory_space<vmem>>
      %dma_wait3A_1390 = arith.constant 0 : i32
      %dma_wait3A_1391 = arith.constant 0 : i32
      %dma_wait3A_1392 = tpu.memref_slice %arg3[%dma_wait3A_1390, %dma_wait3A_1391] : memref<500000x128xf32, #tpu.memory_space<hbm>> -> memref<500000x128xf32, #tpu.memory_space<hbm>>
      tpu.wait_indirect_dma semaphore(%arg21 : memref<!tpu.dma_semaphore, #tpu.memory_space<semaphore_mem>>) src(%dma_wait3A_1392 : memref<500000x128xf32, #tpu.memory_space<hbm>>) dst(%dma_wait3A_1387 : memref<32x128xf32, #tpu.memory_space<vmem>>)
      %dma_wait3A_1393 = arith.constant 96 : i32
      %dma_wait3A_1394 = arith.constant 0 : i32
      %dma_wait3A_1395 = tpu.memref_slice %arg13[%dma_wait3A_1393, %dma_wait3A_1394] : memref<128x128xf32, #tpu.memory_space<vmem>> -> memref<32x128xf32, #tpu.memory_space<vmem>>
      %dma_wait3A_1396 = arith.constant 96 : i32
      %dma_wait3A_1397 = tpu.memref_slice %arg9[%dma_wait3A_1396] : memref<128xi32, #tpu.memory_space<vmem>> -> memref<32xi32, #tpu.memory_space<vmem>>
      %dma_wait3A_1398 = arith.constant 0 : i32
      %dma_wait3A_1399 = arith.constant 0 : i32
      %dma_wait3A_1400 = tpu.memref_slice %arg3[%dma_wait3A_1398, %dma_wait3A_1399] : memref<500000x128xf32, #tpu.memory_space<hbm>> -> memref<500000x128xf32, #tpu.memory_space<hbm>>
      tpu.wait_indirect_dma semaphore(%arg21 : memref<!tpu.dma_semaphore, #tpu.memory_space<semaphore_mem>>) src(%dma_wait3A_1400 : memref<500000x128xf32, #tpu.memory_space<hbm>>) dst(%dma_wait3A_1395 : memref<32x128xf32, #tpu.memory_space<vmem>>)
      %ge3A_1401 = arith.constant 4 : i32
      %ge3A_1402 = arith.cmpi sge, %add3A_1368, %ge3A_1401 : i32
      %convert_element_type3A_1403 = arith.extui %ge3A_1402 : i1 to i32
      %cond3A_1404 = arith.constant 0 : i32
      %cond3A_1405 = arith.cmpi ne, %convert_element_type3A_1403, %cond3A_1404 : i32
      scf.if %cond3A_1405 {
        %sub3A = arith.constant 4 : i32
        %sub3A_1577 = arith.subi %add3A_1368, %sub3A : i32
        %dma_wait3A_1578 = arith.constant 0 : i32
        %dma_wait3A_1579 = tpu.memref_slice %arg4[%sub3A_1577, %dma_wait3A_1578, %mul3A_2] : memref<200x64x4096xf32, #tpu.memory_space<hbm>> -> memref<1x64x128xf32, #tpu.memory_space<hbm>>
        %dma_wait3A_1580 = tpu.memref_squeeze %dma_wait3A_1579 : memref<1x64x128xf32, #tpu.memory_space<hbm>> -> memref<64x128xf32, #tpu.memory_space<hbm>>
        %dma_wait3A_1581 = arith.constant 0 : i32
        %dma_wait3A_1582 = tpu.memref_slice %arg4[%sub3A_1577, %dma_wait3A_1581, %mul3A_2] : memref<200x64x4096xf32, #tpu.memory_space<hbm>> -> memref<1x64x128xf32, #tpu.memory_space<hbm>>
        %dma_wait3A_1583 = tpu.memref_squeeze %dma_wait3A_1582 : memref<1x64x128xf32, #tpu.memory_space<hbm>> -> memref<64x128xf32, #tpu.memory_space<hbm>>
        tpu.wait_dma2 semaphore(%arg25 : memref<!tpu.dma_semaphore, #tpu.memory_space<semaphore_mem>>) src(%arg17 : memref<64x128xf32, #tpu.memory_space<vmem>>) dst(%dma_wait3A_1583 : memref<64x128xf32, #tpu.memory_space<hbm>>)
      } else {
      }
      %mul3A_1406 = arith.constant 0 : i32
      %mul3A_1407 = vector.broadcast %mul3A_1406 : i32 to vector<16xi32>
      %mul3A_1408 = arith.muli %iota3A, %mul3A_1407 : vector<16xi32>
      %get3A_1409 = arith.index_cast %add3A_1368 : i32 to index
      %get3A_1410 = arith.constant 0 : index
      %get3A_1411 = tpu.vector_load %arg5[%get3A_1409, %get3A_1410] {strides = array<i32>} : memref<200x128xi32, #tpu.memory_space<vmem>>, vector<16xi32>,
      %add3A_1412 = arith.constant 0 : i32
      %add3A_1413 = vector.broadcast %add3A_1412 : i32 to vector<16xi32>
      %add3A_1414 = arith.addi %iota3A, %add3A_1413 : vector<16xi32>
      %mul3A_1415 = arith.constant 128 : i32
      %mul3A_1416 = vector.broadcast %mul3A_1415 : i32 to vector<16xi32>
      %mul3A_1417 = arith.muli %add3A_1414, %mul3A_1416 : vector<16xi32>
      %and3A_1418 = arith.constant 1 : i32
      %and3A_1419 = vector.broadcast %and3A_1418 : i32 to vector<16xi32>
      %and3A_1420 = arith.andi %get3A_1411, %and3A_1419 : vector<16xi32>
      %mul3A_1421 = arith.constant 64 : i32
      %mul3A_1422 = vector.broadcast %mul3A_1421 : i32 to vector<16xi32>
      %mul3A_1423 = arith.muli %and3A_1420, %mul3A_1422 : vector<16xi32>
      %add3A_1424 = arith.addi %mul3A_1417, %mul3A_1423 : vector<16xi32>
      %get3A_1425 = arith.index_cast %add3A_1368 : i32 to index
      %get3A_1426 = arith.constant 16 : index
      %get3A_1427 = tpu.vector_load %arg5[%get3A_1425, %get3A_1426] {strides = array<i32>} : memref<200x128xi32, #tpu.memory_space<vmem>>, vector<16xi32>,
      %add3A_1428 = arith.constant 16 : i32
      %add3A_1429 = vector.broadcast %add3A_1428 : i32 to vector<16xi32>
      %add3A_1430 = arith.addi %iota3A, %add3A_1429 : vector<16xi32>
      %mul3A_1431 = arith.constant 128 : i32
      %mul3A_1432 = vector.broadcast %mul3A_1431 : i32 to vector<16xi32>
      %mul3A_1433 = arith.muli %add3A_1430, %mul3A_1432 : vector<16xi32>
      %and3A_1434 = arith.constant 1 : i32
      %and3A_1435 = vector.broadcast %and3A_1434 : i32 to vector<16xi32>
      %and3A_1436 = arith.andi %get3A_1427, %and3A_1435 : vector<16xi32>
      %mul3A_1437 = arith.constant 64 : i32
      %mul3A_1438 = vector.broadcast %mul3A_1437 : i32 to vector<16xi32>
      %mul3A_1439 = arith.muli %and3A_1436, %mul3A_1438 : vector<16xi32>
      %add3A_1440 = arith.addi %mul3A_1433, %mul3A_1439 : vector<16xi32>
      %get3A_1441 = arith.index_cast %add3A_1368 : i32 to index
      %get3A_1442 = arith.constant 32 : index
      %get3A_1443 = tpu.vector_load %arg5[%get3A_1441, %get3A_1442] {strides = array<i32>} : memref<200x128xi32, #tpu.memory_space<vmem>>, vector<16xi32>,
      %add3A_1444 = arith.constant 32 : i32
      %add3A_1445 = vector.broadcast %add3A_1444 : i32 to vector<16xi32>
      %add3A_1446 = arith.addi %iota3A, %add3A_1445 : vector<16xi32>
      %mul3A_1447 = arith.constant 128 : i32
      %mul3A_1448 = vector.broadcast %mul3A_1447 : i32 to vector<16xi32>
      %mul3A_1449 = arith.muli %add3A_1446, %mul3A_1448 : vector<16xi32>
      %and3A_1450 = arith.constant 1 : i32
      %and3A_1451 = vector.broadcast %and3A_1450 : i32 to vector<16xi32>
      %and3A_1452 = arith.andi %get3A_1443, %and3A_1451 : vector<16xi32>
      %mul3A_1453 = arith.constant 64 : i32
      %mul3A_1454 = vector.broadcast %mul3A_1453 : i32 to vector<16xi32>
      %mul3A_1455 = arith.muli %and3A_1452, %mul3A_1454 : vector<16xi32>
      %add3A_1456 = arith.addi %mul3A_1449, %mul3A_1455 : vector<16xi32>
      %get3A_1457 = arith.index_cast %add3A_1368 : i32 to index
      %get3A_1458 = arith.constant 48 : index
      %get3A_1459 = tpu.vector_load %arg5[%get3A_1457, %get3A_1458] {strides = array<i32>} : memref<200x128xi32, #tpu.memory_space<vmem>>, vector<16xi32>,
      %add3A_1460 = arith.constant 48 : i32
      %add3A_1461 = vector.broadcast %add3A_1460 : i32 to vector<16xi32>
      %add3A_1462 = arith.addi %iota3A, %add3A_1461 : vector<16xi32>
      %mul3A_1463 = arith.constant 128 : i32
      %mul3A_1464 = vector.broadcast %mul3A_1463 : i32 to vector<16xi32>
      %mul3A_1465 = arith.muli %add3A_1462, %mul3A_1464 : vector<16xi32>
      %and3A_1466 = arith.constant 1 : i32
      %and3A_1467 = vector.broadcast %and3A_1466 : i32 to vector<16xi32>
      %and3A_1468 = arith.andi %get3A_1459, %and3A_1467 : vector<16xi32>
      %mul3A_1469 = arith.constant 64 : i32
      %mul3A_1470 = vector.broadcast %mul3A_1469 : i32 to vector<16xi32>
      %mul3A_1471 = arith.muli %and3A_1468, %mul3A_1470 : vector<16xi32>
      %add3A_1472 = arith.addi %mul3A_1465, %mul3A_1471 : vector<16xi32>
      %get3A_1473 = arith.index_cast %add3A_1368 : i32 to index
      %get3A_1474 = arith.constant 64 : index
      %get3A_1475 = tpu.vector_load %arg5[%get3A_1473, %get3A_1474] {strides = array<i32>} : memref<200x128xi32, #tpu.memory_space<vmem>>, vector<16xi32>,
      %add3A_1476 = arith.constant 64 : i32
      %add3A_1477 = vector.broadcast %add3A_1476 : i32 to vector<16xi32>
      %add3A_1478 = arith.addi %iota3A, %add3A_1477 : vector<16xi32>
      %mul3A_1479 = arith.constant 128 : i32
      %mul3A_1480 = vector.broadcast %mul3A_1479 : i32 to vector<16xi32>
      %mul3A_1481 = arith.muli %add3A_1478, %mul3A_1480 : vector<16xi32>
      %and3A_1482 = arith.constant 1 : i32
      %and3A_1483 = vector.broadcast %and3A_1482 : i32 to vector<16xi32>
      %and3A_1484 = arith.andi %get3A_1475, %and3A_1483 : vector<16xi32>
      %mul3A_1485 = arith.constant 64 : i32
      %mul3A_1486 = vector.broadcast %mul3A_1485 : i32 to vector<16xi32>
      %mul3A_1487 = arith.muli %and3A_1484, %mul3A_1486 : vector<16xi32>
      %add3A_1488 = arith.addi %mul3A_1481, %mul3A_1487 : vector<16xi32>
      %get3A_1489 = arith.index_cast %add3A_1368 : i32 to index
      %get3A_1490 = arith.constant 80 : index
      %get3A_1491 = tpu.vector_load %arg5[%get3A_1489, %get3A_1490] {strides = array<i32>} : memref<200x128xi32, #tpu.memory_space<vmem>>, vector<16xi32>,
      %add3A_1492 = arith.constant 80 : i32
      %add3A_1493 = vector.broadcast %add3A_1492 : i32 to vector<16xi32>
      %add3A_1494 = arith.addi %iota3A, %add3A_1493 : vector<16xi32>
      %mul3A_1495 = arith.constant 128 : i32
      %mul3A_1496 = vector.broadcast %mul3A_1495 : i32 to vector<16xi32>
      %mul3A_1497 = arith.muli %add3A_1494, %mul3A_1496 : vector<16xi32>
      %and3A_1498 = arith.constant 1 : i32
      %and3A_1499 = vector.broadcast %and3A_1498 : i32 to vector<16xi32>
      %and3A_1500 = arith.andi %get3A_1491, %and3A_1499 : vector<16xi32>
      %mul3A_1501 = arith.constant 64 : i32
      %mul3A_1502 = vector.broadcast %mul3A_1501 : i32 to vector<16xi32>
      %mul3A_1503 = arith.muli %and3A_1500, %mul3A_1502 : vector<16xi32>
      %add3A_1504 = arith.addi %mul3A_1497, %mul3A_1503 : vector<16xi32>
      %get3A_1505 = arith.index_cast %add3A_1368 : i32 to index
      %get3A_1506 = arith.constant 96 : index
      %get3A_1507 = tpu.vector_load %arg5[%get3A_1505, %get3A_1506] {strides = array<i32>} : memref<200x128xi32, #tpu.memory_space<vmem>>, vector<16xi32>,
      %add3A_1508 = arith.constant 96 : i32
      %add3A_1509 = vector.broadcast %add3A_1508 : i32 to vector<16xi32>
      %add3A_1510 = arith.addi %iota3A, %add3A_1509 : vector<16xi32>
      %mul3A_1511 = arith.constant 128 : i32
      %mul3A_1512 = vector.broadcast %mul3A_1511 : i32 to vector<16xi32>
      %mul3A_1513 = arith.muli %add3A_1510, %mul3A_1512 : vector<16xi32>
      %and3A_1514 = arith.constant 1 : i32
      %and3A_1515 = vector.broadcast %and3A_1514 : i32 to vector<16xi32>
      %and3A_1516 = arith.andi %get3A_1507, %and3A_1515 : vector<16xi32>
      %mul3A_1517 = arith.constant 64 : i32
      %mul3A_1518 = vector.broadcast %mul3A_1517 : i32 to vector<16xi32>
      %mul3A_1519 = arith.muli %and3A_1516, %mul3A_1518 : vector<16xi32>
      %add3A_1520 = arith.addi %mul3A_1513, %mul3A_1519 : vector<16xi32>
      %get3A_1521 = arith.index_cast %add3A_1368 : i32 to index
      %get3A_1522 = arith.constant 112 : index
      %get3A_1523 = tpu.vector_load %arg5[%get3A_1521, %get3A_1522] {strides = array<i32>} : memref<200x128xi32, #tpu.memory_space<vmem>>, vector<16xi32>,
      %add3A_1524 = arith.constant 112 : i32
      %add3A_1525 = vector.broadcast %add3A_1524 : i32 to vector<16xi32>
      %add3A_1526 = arith.addi %iota3A, %add3A_1525 : vector<16xi32>
      %mul3A_1527 = arith.constant 128 : i32
      %mul3A_1528 = vector.broadcast %mul3A_1527 : i32 to vector<16xi32>
      %mul3A_1529 = arith.muli %add3A_1526, %mul3A_1528 : vector<16xi32>
      %and3A_1530 = arith.constant 1 : i32
      %and3A_1531 = vector.broadcast %and3A_1530 : i32 to vector<16xi32>
      %and3A_1532 = arith.andi %get3A_1523, %and3A_1531 : vector<16xi32>
      %mul3A_1533 = arith.constant 64 : i32
      %mul3A_1534 = vector.broadcast %mul3A_1533 : i32 to vector<16xi32>
      %mul3A_1535 = arith.muli %and3A_1532, %mul3A_1534 : vector<16xi32>
      %add3A_1536 = arith.addi %mul3A_1529, %mul3A_1535 : vector<16xi32>
      %add3A_1537 = arith.constant 0 : i32
      %add3A_1538 = vector.broadcast %add3A_1537 : i32 to vector<16xi32>
      %add3A_1539 = arith.addi %iota3A, %add3A_1538 : vector<16xi32>
      %add3A_1540 = arith.constant 16 : i32
      %add3A_1541 = vector.broadcast %add3A_1540 : i32 to vector<16xi32>
      %add3A_1542 = arith.addi %iota3A, %add3A_1541 : vector<16xi32>
      %add3A_1543 = arith.constant 32 : i32
      %add3A_1544 = vector.broadcast %add3A_1543 : i32 to vector<16xi32>
      %add3A_1545 = arith.addi %iota3A, %add3A_1544 : vector<16xi32>
      %add3A_1546 = arith.constant 48 : i32
      %add3A_1547 = vector.broadcast %add3A_1546 : i32 to vector<16xi32>
      %add3A_1548 = arith.addi %iota3A, %add3A_1547 : vector<16xi32>
      %add3A_1549 = arith.constant 64 : i32
      %add3A_1550 = vector.broadcast %add3A_1549 : i32 to vector<16xi32>
      %add3A_1551 = arith.addi %iota3A, %add3A_1550 : vector<16xi32>
      %add3A_1552 = arith.constant 80 : i32
      %add3A_1553 = vector.broadcast %add3A_1552 : i32 to vector<16xi32>
      %add3A_1554 = arith.addi %iota3A, %add3A_1553 : vector<16xi32>
      %add3A_1555 = arith.constant 96 : i32
      %add3A_1556 = vector.broadcast %add3A_1555 : i32 to vector<16xi32>
      %add3A_1557 = arith.addi %iota3A, %add3A_1556 : vector<16xi32>
      %add3A_1558 = arith.constant 112 : i32
      %add3A_1559 = vector.broadcast %add3A_1558 : i32 to vector<16xi32>
      %add3A_1560 = arith.addi %iota3A, %add3A_1559 : vector<16xi32>
      %parallel_loop3A_1561 = arith.constant 0 : i32
      %parallel_loop3A_1562 = arith.constant 64 : i32
      %parallel_loop3A_1563 = arith.constant 1 : i32
      scf.for %parallel_loop3A_1577 = %parallel_loop3A_1561 to %parallel_loop3A_1562 step %parallel_loop3A_1563  : i32 {
        %parallel_loop3A_1578 = vector.broadcast %parallel_loop3A_1577 : i32 to vector<16xi32>
        %parallel_loop3A_1579 = arith.addi %add3A_1539, %parallel_loop3A_1578 : vector<16xi32>
        %parallel_loop3A_1580 = arith.constant 63 : i32
        %parallel_loop3A_1581 = vector.broadcast %parallel_loop3A_1580 : i32 to vector<16xi32>
        %parallel_loop3A_1582 = arith.andi %parallel_loop3A_1579, %parallel_loop3A_1581 : vector<16xi32>
        %parallel_loop3A_1583 = arith.addi %add3A_1424, %parallel_loop3A_1582 : vector<16xi32>
        %parallel_loop3A_1584 = tpu.vector_load_idx %arg13[%mul3A_1408, %parallel_loop3A_1583] : memref<128x128xf32, #tpu.memory_space<vmem>>[vector<16xi32>, vector<16xi32>], vector<16xf32>,
        tpu.vector_store_idx %arg17[%parallel_loop3A_1582, %add3A_1539], %parallel_loop3A_1584 : memref<64x128xf32, #tpu.memory_space<vmem>>[vector<16xi32>, vector<16xi32>], vector<16xf32>,
        %parallel_loop3A_1585 = vector.broadcast %parallel_loop3A_1577 : i32 to vector<16xi32>
        %parallel_loop3A_1586 = arith.addi %add3A_1542, %parallel_loop3A_1585 : vector<16xi32>
        %parallel_loop3A_1587 = arith.constant 63 : i32
        %parallel_loop3A_1588 = vector.broadcast %parallel_loop3A_1587 : i32 to vector<16xi32>
        %parallel_loop3A_1589 = arith.andi %parallel_loop3A_1586, %parallel_loop3A_1588 : vector<16xi32>
        %parallel_loop3A_1590 = arith.addi %add3A_1440, %parallel_loop3A_1589 : vector<16xi32>
        %parallel_loop3A_1591 = tpu.vector_load_idx %arg13[%mul3A_1408, %parallel_loop3A_1590] : memref<128x128xf32, #tpu.memory_space<vmem>>[vector<16xi32>, vector<16xi32>], vector<16xf32>,
        tpu.vector_store_idx %arg17[%parallel_loop3A_1589, %add3A_1542], %parallel_loop3A_1591 : memref<64x128xf32, #tpu.memory_space<vmem>>[vector<16xi32>, vector<16xi32>], vector<16xf32>,
        %parallel_loop3A_1592 = vector.broadcast %parallel_loop3A_1577 : i32 to vector<16xi32>
        %parallel_loop3A_1593 = arith.addi %add3A_1545, %parallel_loop3A_1592 : vector<16xi32>
        %parallel_loop3A_1594 = arith.constant 63 : i32
        %parallel_loop3A_1595 = vector.broadcast %parallel_loop3A_1594 : i32 to vector<16xi32>
        %parallel_loop3A_1596 = arith.andi %parallel_loop3A_1593, %parallel_loop3A_1595 : vector<16xi32>
        %parallel_loop3A_1597 = arith.addi %add3A_1456, %parallel_loop3A_1596 : vector<16xi32>
        %parallel_loop3A_1598 = tpu.vector_load_idx %arg13[%mul3A_1408, %parallel_loop3A_1597] : memref<128x128xf32, #tpu.memory_space<vmem>>[vector<16xi32>, vector<16xi32>], vector<16xf32>,
        tpu.vector_store_idx %arg17[%parallel_loop3A_1596, %add3A_1545], %parallel_loop3A_1598 : memref<64x128xf32, #tpu.memory_space<vmem>>[vector<16xi32>, vector<16xi32>], vector<16xf32>,
        %parallel_loop3A_1599 = vector.broadcast %parallel_loop3A_1577 : i32 to vector<16xi32>
        %parallel_loop3A_1600 = arith.addi %add3A_1548, %parallel_loop3A_1599 : vector<16xi32>
        %parallel_loop3A_1601 = arith.constant 63 : i32
        %parallel_loop3A_1602 = vector.broadcast %parallel_loop3A_1601 : i32 to vector<16xi32>
        %parallel_loop3A_1603 = arith.andi %parallel_loop3A_1600, %parallel_loop3A_1602 : vector<16xi32>
        %parallel_loop3A_1604 = arith.addi %add3A_1472, %parallel_loop3A_1603 : vector<16xi32>
        %parallel_loop3A_1605 = tpu.vector_load_idx %arg13[%mul3A_1408, %parallel_loop3A_1604] : memref<128x128xf32, #tpu.memory_space<vmem>>[vector<16xi32>, vector<16xi32>], vector<16xf32>,
        tpu.vector_store_idx %arg17[%parallel_loop3A_1603, %add3A_1548], %parallel_loop3A_1605 : memref<64x128xf32, #tpu.memory_space<vmem>>[vector<16xi32>, vector<16xi32>], vector<16xf32>,
        %parallel_loop3A_1606 = vector.broadcast %parallel_loop3A_1577 : i32 to vector<16xi32>
        %parallel_loop3A_1607 = arith.addi %add3A_1551, %parallel_loop3A_1606 : vector<16xi32>
        %parallel_loop3A_1608 = arith.constant 63 : i32
        %parallel_loop3A_1609 = vector.broadcast %parallel_loop3A_1608 : i32 to vector<16xi32>
        %parallel_loop3A_1610 = arith.andi %parallel_loop3A_1607, %parallel_loop3A_1609 : vector<16xi32>
        %parallel_loop3A_1611 = arith.addi %add3A_1488, %parallel_loop3A_1610 : vector<16xi32>
        %parallel_loop3A_1612 = tpu.vector_load_idx %arg13[%mul3A_1408, %parallel_loop3A_1611] : memref<128x128xf32, #tpu.memory_space<vmem>>[vector<16xi32>, vector<16xi32>], vector<16xf32>,
        tpu.vector_store_idx %arg17[%parallel_loop3A_1610, %add3A_1551], %parallel_loop3A_1612 : memref<64x128xf32, #tpu.memory_space<vmem>>[vector<16xi32>, vector<16xi32>], vector<16xf32>,
        %parallel_loop3A_1613 = vector.broadcast %parallel_loop3A_1577 : i32 to vector<16xi32>
        %parallel_loop3A_1614 = arith.addi %add3A_1554, %parallel_loop3A_1613 : vector<16xi32>
        %parallel_loop3A_1615 = arith.constant 63 : i32
        %parallel_loop3A_1616 = vector.broadcast %parallel_loop3A_1615 : i32 to vector<16xi32>
        %parallel_loop3A_1617 = arith.andi %parallel_loop3A_1614, %parallel_loop3A_1616 : vector<16xi32>
        %parallel_loop3A_1618 = arith.addi %add3A_1504, %parallel_loop3A_1617 : vector<16xi32>
        %parallel_loop3A_1619 = tpu.vector_load_idx %arg13[%mul3A_1408, %parallel_loop3A_1618] : memref<128x128xf32, #tpu.memory_space<vmem>>[vector<16xi32>, vector<16xi32>], vector<16xf32>,
        tpu.vector_store_idx %arg17[%parallel_loop3A_1617, %add3A_1554], %parallel_loop3A_1619 : memref<64x128xf32, #tpu.memory_space<vmem>>[vector<16xi32>, vector<16xi32>], vector<16xf32>,
        %parallel_loop3A_1620 = vector.broadcast %parallel_loop3A_1577 : i32 to vector<16xi32>
        %parallel_loop3A_1621 = arith.addi %add3A_1557, %parallel_loop3A_1620 : vector<16xi32>
        %parallel_loop3A_1622 = arith.constant 63 : i32
        %parallel_loop3A_1623 = vector.broadcast %parallel_loop3A_1622 : i32 to vector<16xi32>
        %parallel_loop3A_1624 = arith.andi %parallel_loop3A_1621, %parallel_loop3A_1623 : vector<16xi32>
        %parallel_loop3A_1625 = arith.addi %add3A_1520, %parallel_loop3A_1624 : vector<16xi32>
        %parallel_loop3A_1626 = tpu.vector_load_idx %arg13[%mul3A_1408, %parallel_loop3A_1625] : memref<128x128xf32, #tpu.memory_space<vmem>>[vector<16xi32>, vector<16xi32>], vector<16xf32>,
        tpu.vector_store_idx %arg17[%parallel_loop3A_1624, %add3A_1557], %parallel_loop3A_1626 : memref<64x128xf32, #tpu.memory_space<vmem>>[vector<16xi32>, vector<16xi32>], vector<16xf32>,
        %parallel_loop3A_1627 = vector.broadcast %parallel_loop3A_1577 : i32 to vector<16xi32>
        %parallel_loop3A_1628 = arith.addi %add3A_1560, %parallel_loop3A_1627 : vector<16xi32>
        %parallel_loop3A_1629 = arith.constant 63 : i32
        %parallel_loop3A_1630 = vector.broadcast %parallel_loop3A_1629 : i32 to vector<16xi32>
        %parallel_loop3A_1631 = arith.andi %parallel_loop3A_1628, %parallel_loop3A_1630 : vector<16xi32>
        %parallel_loop3A_1632 = arith.addi %add3A_1536, %parallel_loop3A_1631 : vector<16xi32>
        %parallel_loop3A_1633 = tpu.vector_load_idx %arg13[%mul3A_1408, %parallel_loop3A_1632] : memref<128x128xf32, #tpu.memory_space<vmem>>[vector<16xi32>, vector<16xi32>], vector<16xf32>,
        tpu.vector_store_idx %arg17[%parallel_loop3A_1631, %add3A_1560], %parallel_loop3A_1633 : memref<64x128xf32, #tpu.memory_space<vmem>>[vector<16xi32>, vector<16xi32>], vector<16xf32>,
      } {sc.loop_unroll_factor = 2 : i64, sc.parallel_access}
      %dma_start3A_1564 = arith.constant 0 : i32
      %dma_start3A_1565 = tpu.memref_slice %arg4[%add3A_1368, %dma_start3A_1564, %mul3A_2] : memref<200x64x4096xf32, #tpu.memory_space<hbm>> -> memref<1x64x128xf32, #tpu.memory_space<hbm>>
      %dma_start3A_1566 = tpu.memref_squeeze %dma_start3A_1565 : memref<1x64x128xf32, #tpu.memory_space<hbm>> -> memref<64x128xf32, #tpu.memory_space<hbm>>
      %dma_start3A_1567 = arith.constant 0 : i32
      %dma_start3A_1568 = tpu.memref_slice %arg4[%add3A_1368, %dma_start3A_1567, %mul3A_2] : memref<200x64x4096xf32, #tpu.memory_space<hbm>> -> memref<1x64x128xf32, #tpu.memory_space<hbm>>
      %dma_start3A_1569 = tpu.memref_squeeze %dma_start3A_1568 : memref<1x64x128xf32, #tpu.memory_space<hbm>> -> memref<64x128xf32, #tpu.memory_space<hbm>>
      tpu.enqueue_dma source(%arg17 : memref<64x128xf32, #tpu.memory_space<vmem>>) target(%dma_start3A_1569 : memref<64x128xf32, #tpu.memory_space<hbm>>) target_semaphore(%arg25 : memref<!tpu.dma_semaphore, #tpu.memory_space<semaphore_mem>>)
      %add3A_1570 = arith.constant 4 : i32
      %add3A_1571 = arith.addi %add3A_1368, %add3A_1570 : i32
      %lt3A_1572 = arith.constant 200 : i32
      %lt3A_1573 = arith.cmpi slt, %add3A_1571, %lt3A_1572 : i32
      %convert_element_type3A_1574 = arith.extui %lt3A_1573 : i1 to i32
      %cond3A_1575 = arith.constant 0 : i32
      %cond3A_1576 = arith.cmpi ne, %convert_element_type3A_1574, %cond3A_1575 : i32
      scf.if %cond3A_1576 {
        %scan3A_1577 = arith.constant 0 : i32
        %mul3A_1578 = arith.constant 1 : i32
        %mul3A_1579 = arith.muli %scan3A_1577, %mul3A_1578 : i32
        %add3A_1580 = arith.constant 0 : i32
        %add3A_1581 = arith.addi %add3A_1580, %mul3A_1579 : i32
        %mul3A_1582 = arith.constant 16 : i32
        %mul3A_1583 = arith.muli %add3A_1581, %mul3A_1582 : i32
        %get3A_1584 = arith.index_cast %add3A_1571 : i32 to index
        %get3A_1585 = arith.index_cast %mul3A_1583 : i32 to index
        %get3A_1586 = tpu.vector_load %arg5[%get3A_1584, %get3A_1585] {strides = array<i32>} : memref<200x128xi32, #tpu.memory_space<vmem>>, vector<16xi32>,
        %shift_right_logical3A_1587 = arith.constant 1 : i32
        %shift_right_logical3A_1588 = vector.broadcast %shift_right_logical3A_1587 : i32 to vector<16xi32>
        %shift_right_logical3A_1589 = arith.shrui %get3A_1586, %shift_right_logical3A_1588 : vector<16xi32>
        %mul3A_1590 = arith.constant 16 : i32
        %mul3A_1591 = arith.muli %add3A_1581, %mul3A_1590 : i32
        %swap3A_1592 = arith.index_cast %mul3A_1591 : i32 to index
        %swap3A_1593 = tpu.vector_load %arg9[%swap3A_1592] {strides = array<i32>} : memref<128xi32, #tpu.memory_space<vmem>>, vector<16xi32>,
        tpu.vector_store %arg9[%swap3A_1592], %shift_right_logical3A_1589 {strides = array<i32>} : memref<128xi32, #tpu.memory_space<vmem>>, vector<16xi32>,
        %scan3A_1594 = arith.constant 1 : i32
        %mul3A_1595 = arith.constant 1 : i32
        %mul3A_1596 = arith.muli %scan3A_1594, %mul3A_1595 : i32
        %add3A_1597 = arith.constant 0 : i32
        %add3A_1598 = arith.addi %add3A_1597, %mul3A_1596 : i32
        %mul3A_1599 = arith.constant 16 : i32
        %mul3A_1600 = arith.muli %add3A_1598, %mul3A_1599 : i32
        %get3A_1601 = arith.index_cast %add3A_1571 : i32 to index
        %get3A_1602 = arith.index_cast %mul3A_1600 : i32 to index
        %get3A_1603 = tpu.vector_load %arg5[%get3A_1601, %get3A_1602] {strides = array<i32>} : memref<200x128xi32, #tpu.memory_space<vmem>>, vector<16xi32>,
        %shift_right_logical3A_1604 = arith.constant 1 : i32
        %shift_right_logical3A_1605 = vector.broadcast %shift_right_logical3A_1604 : i32 to vector<16xi32>
        %shift_right_logical3A_1606 = arith.shrui %get3A_1603, %shift_right_logical3A_1605 : vector<16xi32>
        %mul3A_1607 = arith.constant 16 : i32
        %mul3A_1608 = arith.muli %add3A_1598, %mul3A_1607 : i32
        %swap3A_1609 = arith.index_cast %mul3A_1608 : i32 to index
        %swap3A_1610 = tpu.vector_load %arg9[%swap3A_1609] {strides = array<i32>} : memref<128xi32, #tpu.memory_space<vmem>>, vector<16xi32>,
        tpu.vector_store %arg9[%swap3A_1609], %shift_right_logical3A_1606 {strides = array<i32>} : memref<128xi32, #tpu.memory_space<vmem>>, vector<16xi32>,
        %scan3A_1611 = arith.constant 2 : i32
        %mul3A_1612 = arith.constant 1 : i32
        %mul3A_1613 = arith.muli %scan3A_1611, %mul3A_1612 : i32
        %add3A_1614 = arith.constant 0 : i32
        %add3A_1615 = arith.addi %add3A_1614, %mul3A_1613 : i32
        %mul3A_1616 = arith.constant 16 : i32
        %mul3A_1617 = arith.muli %add3A_1615, %mul3A_1616 : i32
        %get3A_1618 = arith.index_cast %add3A_1571 : i32 to index
        %get3A_1619 = arith.index_cast %mul3A_1617 : i32 to index
        %get3A_1620 = tpu.vector_load %arg5[%get3A_1618, %get3A_1619] {strides = array<i32>} : memref<200x128xi32, #tpu.memory_space<vmem>>, vector<16xi32>,
        %shift_right_logical3A_1621 = arith.constant 1 : i32
        %shift_right_logical3A_1622 = vector.broadcast %shift_right_logical3A_1621 : i32 to vector<16xi32>
        %shift_right_logical3A_1623 = arith.shrui %get3A_1620, %shift_right_logical3A_1622 : vector<16xi32>
        %mul3A_1624 = arith.constant 16 : i32
        %mul3A_1625 = arith.muli %add3A_1615, %mul3A_1624 : i32
        %swap3A_1626 = arith.index_cast %mul3A_1625 : i32 to index
        %swap3A_1627 = tpu.vector_load %arg9[%swap3A_1626] {strides = array<i32>} : memref<128xi32, #tpu.memory_space<vmem>>, vector<16xi32>,
        tpu.vector_store %arg9[%swap3A_1626], %shift_right_logical3A_1623 {strides = array<i32>} : memref<128xi32, #tpu.memory_space<vmem>>, vector<16xi32>,
        %scan3A_1628 = arith.constant 3 : i32
        %mul3A_1629 = arith.constant 1 : i32
        %mul3A_1630 = arith.muli %scan3A_1628, %mul3A_1629 : i32
        %add3A_1631 = arith.constant 0 : i32
        %add3A_1632 = arith.addi %add3A_1631, %mul3A_1630 : i32
        %mul3A_1633 = arith.constant 16 : i32
        %mul3A_1634 = arith.muli %add3A_1632, %mul3A_1633 : i32
        %get3A_1635 = arith.index_cast %add3A_1571 : i32 to index
        %get3A_1636 = arith.index_cast %mul3A_1634 : i32 to index
        %get3A_1637 = tpu.vector_load %arg5[%get3A_1635, %get3A_1636] {strides = array<i32>} : memref<200x128xi32, #tpu.memory_space<vmem>>, vector<16xi32>,
        %shift_right_logical3A_1638 = arith.constant 1 : i32
        %shift_right_logical3A_1639 = vector.broadcast %shift_right_logical3A_1638 : i32 to vector<16xi32>
        %shift_right_logical3A_1640 = arith.shrui %get3A_1637, %shift_right_logical3A_1639 : vector<16xi32>
        %mul3A_1641 = arith.constant 16 : i32
        %mul3A_1642 = arith.muli %add3A_1632, %mul3A_1641 : i32
        %swap3A_1643 = arith.index_cast %mul3A_1642 : i32 to index
        %swap3A_1644 = tpu.vector_load %arg9[%swap3A_1643] {strides = array<i32>} : memref<128xi32, #tpu.memory_space<vmem>>, vector<16xi32>,
        tpu.vector_store %arg9[%swap3A_1643], %shift_right_logical3A_1640 {strides = array<i32>} : memref<128xi32, #tpu.memory_space<vmem>>, vector<16xi32>,
        %scan3A_1645 = arith.constant 4 : i32
        %mul3A_1646 = arith.constant 1 : i32
        %mul3A_1647 = arith.muli %scan3A_1645, %mul3A_1646 : i32
        %add3A_1648 = arith.constant 0 : i32
        %add3A_1649 = arith.addi %add3A_1648, %mul3A_1647 : i32
        %mul3A_1650 = arith.constant 16 : i32
        %mul3A_1651 = arith.muli %add3A_1649, %mul3A_1650 : i32
        %get3A_1652 = arith.index_cast %add3A_1571 : i32 to index
        %get3A_1653 = arith.index_cast %mul3A_1651 : i32 to index
        %get3A_1654 = tpu.vector_load %arg5[%get3A_1652, %get3A_1653] {strides = array<i32>} : memref<200x128xi32, #tpu.memory_space<vmem>>, vector<16xi32>,
        %shift_right_logical3A_1655 = arith.constant 1 : i32
        %shift_right_logical3A_1656 = vector.broadcast %shift_right_logical3A_1655 : i32 to vector<16xi32>
        %shift_right_logical3A_1657 = arith.shrui %get3A_1654, %shift_right_logical3A_1656 : vector<16xi32>
        %mul3A_1658 = arith.constant 16 : i32
        %mul3A_1659 = arith.muli %add3A_1649, %mul3A_1658 : i32
        %swap3A_1660 = arith.index_cast %mul3A_1659 : i32 to index
        %swap3A_1661 = tpu.vector_load %arg9[%swap3A_1660] {strides = array<i32>} : memref<128xi32, #tpu.memory_space<vmem>>, vector<16xi32>,
        tpu.vector_store %arg9[%swap3A_1660], %shift_right_logical3A_1657 {strides = array<i32>} : memref<128xi32, #tpu.memory_space<vmem>>, vector<16xi32>,
        %scan3A_1662 = arith.constant 5 : i32
        %mul3A_1663 = arith.constant 1 : i32
        %mul3A_1664 = arith.muli %scan3A_1662, %mul3A_1663 : i32
        %add3A_1665 = arith.constant 0 : i32
        %add3A_1666 = arith.addi %add3A_1665, %mul3A_1664 : i32
        %mul3A_1667 = arith.constant 16 : i32
        %mul3A_1668 = arith.muli %add3A_1666, %mul3A_1667 : i32
        %get3A_1669 = arith.index_cast %add3A_1571 : i32 to index
        %get3A_1670 = arith.index_cast %mul3A_1668 : i32 to index
        %get3A_1671 = tpu.vector_load %arg5[%get3A_1669, %get3A_1670] {strides = array<i32>} : memref<200x128xi32, #tpu.memory_space<vmem>>, vector<16xi32>,
        %shift_right_logical3A_1672 = arith.constant 1 : i32
        %shift_right_logical3A_1673 = vector.broadcast %shift_right_logical3A_1672 : i32 to vector<16xi32>
        %shift_right_logical3A_1674 = arith.shrui %get3A_1671, %shift_right_logical3A_1673 : vector<16xi32>
        %mul3A_1675 = arith.constant 16 : i32
        %mul3A_1676 = arith.muli %add3A_1666, %mul3A_1675 : i32
        %swap3A_1677 = arith.index_cast %mul3A_1676 : i32 to index
        %swap3A_1678 = tpu.vector_load %arg9[%swap3A_1677] {strides = array<i32>} : memref<128xi32, #tpu.memory_space<vmem>>, vector<16xi32>,
        tpu.vector_store %arg9[%swap3A_1677], %shift_right_logical3A_1674 {strides = array<i32>} : memref<128xi32, #tpu.memory_space<vmem>>, vector<16xi32>,
        %scan3A_1679 = arith.constant 6 : i32
        %mul3A_1680 = arith.constant 1 : i32
        %mul3A_1681 = arith.muli %scan3A_1679, %mul3A_1680 : i32
        %add3A_1682 = arith.constant 0 : i32
        %add3A_1683 = arith.addi %add3A_1682, %mul3A_1681 : i32
        %mul3A_1684 = arith.constant 16 : i32
        %mul3A_1685 = arith.muli %add3A_1683, %mul3A_1684 : i32
        %get3A_1686 = arith.index_cast %add3A_1571 : i32 to index
        %get3A_1687 = arith.index_cast %mul3A_1685 : i32 to index
        %get3A_1688 = tpu.vector_load %arg5[%get3A_1686, %get3A_1687] {strides = array<i32>} : memref<200x128xi32, #tpu.memory_space<vmem>>, vector<16xi32>,
        %shift_right_logical3A_1689 = arith.constant 1 : i32
        %shift_right_logical3A_1690 = vector.broadcast %shift_right_logical3A_1689 : i32 to vector<16xi32>
        %shift_right_logical3A_1691 = arith.shrui %get3A_1688, %shift_right_logical3A_1690 : vector<16xi32>
        %mul3A_1692 = arith.constant 16 : i32
        %mul3A_1693 = arith.muli %add3A_1683, %mul3A_1692 : i32
        %swap3A_1694 = arith.index_cast %mul3A_1693 : i32 to index
        %swap3A_1695 = tpu.vector_load %arg9[%swap3A_1694] {strides = array<i32>} : memref<128xi32, #tpu.memory_space<vmem>>, vector<16xi32>,
        tpu.vector_store %arg9[%swap3A_1694], %shift_right_logical3A_1691 {strides = array<i32>} : memref<128xi32, #tpu.memory_space<vmem>>, vector<16xi32>,
        %scan3A_1696 = arith.constant 7 : i32
        %mul3A_1697 = arith.constant 1 : i32
        %mul3A_1698 = arith.muli %scan3A_1696, %mul3A_1697 : i32
        %add3A_1699 = arith.constant 0 : i32
        %add3A_1700 = arith.addi %add3A_1699, %mul3A_1698 : i32
        %mul3A_1701 = arith.constant 16 : i32
        %mul3A_1702 = arith.muli %add3A_1700, %mul3A_1701 : i32
        %get3A_1703 = arith.index_cast %add3A_1571 : i32 to index
        %get3A_1704 = arith.index_cast %mul3A_1702 : i32 to index
        %get3A_1705 = tpu.vector_load %arg5[%get3A_1703, %get3A_1704] {strides = array<i32>} : memref<200x128xi32, #tpu.memory_space<vmem>>, vector<16xi32>,
        %shift_right_logical3A_1706 = arith.constant 1 : i32
        %shift_right_logical3A_1707 = vector.broadcast %shift_right_logical3A_1706 : i32 to vector<16xi32>
        %shift_right_logical3A_1708 = arith.shrui %get3A_1705, %shift_right_logical3A_1707 : vector<16xi32>
        %mul3A_1709 = arith.constant 16 : i32
        %mul3A_1710 = arith.muli %add3A_1700, %mul3A_1709 : i32
        %swap3A_1711 = arith.index_cast %mul3A_1710 : i32 to index
        %swap3A_1712 = tpu.vector_load %arg9[%swap3A_1711] {strides = array<i32>} : memref<128xi32, #tpu.memory_space<vmem>>, vector<16xi32>,
        tpu.vector_store %arg9[%swap3A_1711], %shift_right_logical3A_1708 {strides = array<i32>} : memref<128xi32, #tpu.memory_space<vmem>>, vector<16xi32>,
        %scan3A_1713 = arith.constant 8 : i32
        %dma_start3A_1714 = arith.constant 0 : i32
        %dma_start3A_1715 = arith.constant 0 : i32
        %dma_start3A_1716 = tpu.memref_slice %arg13[%dma_start3A_1714, %dma_start3A_1715] : memref<128x128xf32, #tpu.memory_space<vmem>> -> memref<32x128xf32, #tpu.memory_space<vmem>>
        %dma_start3A_1717 = arith.constant 0 : i32
        %dma_start3A_1718 = tpu.memref_slice %arg9[%dma_start3A_1717] : memref<128xi32, #tpu.memory_space<vmem>> -> memref<32xi32, #tpu.memory_space<vmem>>
        %dma_start3A_1719 = arith.constant 0 : i32
        %dma_start3A_1720 = arith.constant 0 : i32
        %dma_start3A_1721 = tpu.memref_slice %arg3[%dma_start3A_1719, %dma_start3A_1720] : memref<500000x128xf32, #tpu.memory_space<hbm>> -> memref<500000x128xf32, #tpu.memory_space<hbm>>
        tpu.enqueue_indirect_dma source(%dma_start3A_1721 : memref<500000x128xf32, #tpu.memory_space<hbm>>) target(%dma_start3A_1716 : memref<32x128xf32, #tpu.memory_space<vmem>>) offsets(%dma_start3A_1718 : memref<32xi32, #tpu.memory_space<vmem>>) semaphore(%arg21 : memref<!tpu.dma_semaphore, #tpu.memory_space<semaphore_mem>>)
        %dma_start3A_1722 = arith.constant 32 : i32
        %dma_start3A_1723 = arith.constant 0 : i32
        %dma_start3A_1724 = tpu.memref_slice %arg13[%dma_start3A_1722, %dma_start3A_1723] : memref<128x128xf32, #tpu.memory_space<vmem>> -> memref<32x128xf32, #tpu.memory_space<vmem>>
        %dma_start3A_1725 = arith.constant 32 : i32
        %dma_start3A_1726 = tpu.memref_slice %arg9[%dma_start3A_1725] : memref<128xi32, #tpu.memory_space<vmem>> -> memref<32xi32, #tpu.memory_space<vmem>>
        %dma_start3A_1727 = arith.constant 0 : i32
        %dma_start3A_1728 = arith.constant 0 : i32
        %dma_start3A_1729 = tpu.memref_slice %arg3[%dma_start3A_1727, %dma_start3A_1728] : memref<500000x128xf32, #tpu.memory_space<hbm>> -> memref<500000x128xf32, #tpu.memory_space<hbm>>
        tpu.enqueue_indirect_dma source(%dma_start3A_1729 : memref<500000x128xf32, #tpu.memory_space<hbm>>) target(%dma_start3A_1724 : memref<32x128xf32, #tpu.memory_space<vmem>>) offsets(%dma_start3A_1726 : memref<32xi32, #tpu.memory_space<vmem>>) semaphore(%arg21 : memref<!tpu.dma_semaphore, #tpu.memory_space<semaphore_mem>>)
        %dma_start3A_1730 = arith.constant 64 : i32
        %dma_start3A_1731 = arith.constant 0 : i32
        %dma_start3A_1732 = tpu.memref_slice %arg13[%dma_start3A_1730, %dma_start3A_1731] : memref<128x128xf32, #tpu.memory_space<vmem>> -> memref<32x128xf32, #tpu.memory_space<vmem>>
        %dma_start3A_1733 = arith.constant 64 : i32
        %dma_start3A_1734 = tpu.memref_slice %arg9[%dma_start3A_1733] : memref<128xi32, #tpu.memory_space<vmem>> -> memref<32xi32, #tpu.memory_space<vmem>>
        %dma_start3A_1735 = arith.constant 0 : i32
        %dma_start3A_1736 = arith.constant 0 : i32
        %dma_start3A_1737 = tpu.memref_slice %arg3[%dma_start3A_1735, %dma_start3A_1736] : memref<500000x128xf32, #tpu.memory_space<hbm>> -> memref<500000x128xf32, #tpu.memory_space<hbm>>
        tpu.enqueue_indirect_dma source(%dma_start3A_1737 : memref<500000x128xf32, #tpu.memory_space<hbm>>) target(%dma_start3A_1732 : memref<32x128xf32, #tpu.memory_space<vmem>>) offsets(%dma_start3A_1734 : memref<32xi32, #tpu.memory_space<vmem>>) semaphore(%arg21 : memref<!tpu.dma_semaphore, #tpu.memory_space<semaphore_mem>>)
        %dma_start3A_1738 = arith.constant 96 : i32
        %dma_start3A_1739 = arith.constant 0 : i32
        %dma_start3A_1740 = tpu.memref_slice %arg13[%dma_start3A_1738, %dma_start3A_1739] : memref<128x128xf32, #tpu.memory_space<vmem>> -> memref<32x128xf32, #tpu.memory_space<vmem>>
        %dma_start3A_1741 = arith.constant 96 : i32
        %dma_start3A_1742 = tpu.memref_slice %arg9[%dma_start3A_1741] : memref<128xi32, #tpu.memory_space<vmem>> -> memref<32xi32, #tpu.memory_space<vmem>>
        %dma_start3A_1743 = arith.constant 0 : i32
        %dma_start3A_1744 = arith.constant 0 : i32
        %dma_start3A_1745 = tpu.memref_slice %arg3[%dma_start3A_1743, %dma_start3A_1744] : memref<500000x128xf32, #tpu.memory_space<hbm>> -> memref<500000x128xf32, #tpu.memory_space<hbm>>
        tpu.enqueue_indirect_dma source(%dma_start3A_1745 : memref<500000x128xf32, #tpu.memory_space<hbm>>) target(%dma_start3A_1740 : memref<32x128xf32, #tpu.memory_space<vmem>>) offsets(%dma_start3A_1742 : memref<32xi32, #tpu.memory_space<vmem>>) semaphore(%arg21 : memref<!tpu.dma_semaphore, #tpu.memory_space<semaphore_mem>>)
      } else {
      }
    }
    %scan3A_710 = arith.constant 50 : i32
    %dma_wait3A = arith.constant 196 : i32
    %dma_wait3A_711 = arith.constant 0 : i32
    %dma_wait3A_712 = tpu.memref_slice %arg4[%dma_wait3A, %dma_wait3A_711, %mul3A_2] : memref<200x64x4096xf32, #tpu.memory_space<hbm>> -> memref<1x64x128xf32, #tpu.memory_space<hbm>>
    %dma_wait3A_713 = tpu.memref_squeeze %dma_wait3A_712 : memref<1x64x128xf32, #tpu.memory_space<hbm>> -> memref<64x128xf32, #tpu.memory_space<hbm>>
    %dma_wait3A_714 = arith.constant 0 : i32
    %dma_wait3A_715 = tpu.memref_slice %arg4[%dma_wait3A, %dma_wait3A_714, %mul3A_2] : memref<200x64x4096xf32, #tpu.memory_space<hbm>> -> memref<1x64x128xf32, #tpu.memory_space<hbm>>
    %dma_wait3A_716 = tpu.memref_squeeze %dma_wait3A_715 : memref<1x64x128xf32, #tpu.memory_space<hbm>> -> memref<64x128xf32, #tpu.memory_space<hbm>>
    tpu.wait_dma2 semaphore(%arg22 : memref<!tpu.dma_semaphore, #tpu.memory_space<semaphore_mem>>) src(%arg14 : memref<64x128xf32, #tpu.memory_space<vmem>>) dst(%dma_wait3A_716 : memref<64x128xf32, #tpu.memory_space<hbm>>)
    %dma_wait3A_717 = arith.constant 197 : i32
    %dma_wait3A_718 = arith.constant 0 : i32
    %dma_wait3A_719 = tpu.memref_slice %arg4[%dma_wait3A_717, %dma_wait3A_718, %mul3A_2] : memref<200x64x4096xf32, #tpu.memory_space<hbm>> -> memref<1x64x128xf32, #tpu.memory_space<hbm>>
    %dma_wait3A_720 = tpu.memref_squeeze %dma_wait3A_719 : memref<1x64x128xf32, #tpu.memory_space<hbm>> -> memref<64x128xf32, #tpu.memory_space<hbm>>
    %dma_wait3A_721 = arith.constant 0 : i32
    %dma_wait3A_722 = tpu.memref_slice %arg4[%dma_wait3A_717, %dma_wait3A_721, %mul3A_2] : memref<200x64x4096xf32, #tpu.memory_space<hbm>> -> memref<1x64x128xf32, #tpu.memory_space<hbm>>
    %dma_wait3A_723 = tpu.memref_squeeze %dma_wait3A_722 : memref<1x64x128xf32, #tpu.memory_space<hbm>> -> memref<64x128xf32, #tpu.memory_space<hbm>>
    tpu.wait_dma2 semaphore(%arg23 : memref<!tpu.dma_semaphore, #tpu.memory_space<semaphore_mem>>) src(%arg15 : memref<64x128xf32, #tpu.memory_space<vmem>>) dst(%dma_wait3A_723 : memref<64x128xf32, #tpu.memory_space<hbm>>)
    %dma_wait3A_724 = arith.constant 198 : i32
    %dma_wait3A_725 = arith.constant 0 : i32
    %dma_wait3A_726 = tpu.memref_slice %arg4[%dma_wait3A_724, %dma_wait3A_725, %mul3A_2] : memref<200x64x4096xf32, #tpu.memory_space<hbm>> -> memref<1x64x128xf32, #tpu.memory_space<hbm>>
    %dma_wait3A_727 = tpu.memref_squeeze %dma_wait3A_726 : memref<1x64x128xf32, #tpu.memory_space<hbm>> -> memref<64x128xf32, #tpu.memory_space<hbm>>
    %dma_wait3A_728 = arith.constant 0 : i32
    %dma_wait3A_729 = tpu.memref_slice %arg4[%dma_wait3A_724, %dma_wait3A_728, %mul3A_2] : memref<200x64x4096xf32, #tpu.memory_space<hbm>> -> memref<1x64x128xf32, #tpu.memory_space<hbm>>
    %dma_wait3A_730 = tpu.memref_squeeze %dma_wait3A_729 : memref<1x64x128xf32, #tpu.memory_space<hbm>> -> memref<64x128xf32, #tpu.memory_space<hbm>>
    tpu.wait_dma2 semaphore(%arg24 : memref<!tpu.dma_semaphore, #tpu.memory_space<semaphore_mem>>) src(%arg16 : memref<64x128xf32, #tpu.memory_space<vmem>>) dst(%dma_wait3A_730 : memref<64x128xf32, #tpu.memory_space<hbm>>)
    %dma_wait3A_731 = arith.constant 199 : i32
    %dma_wait3A_732 = arith.constant 0 : i32
    %dma_wait3A_733 = tpu.memref_slice %arg4[%dma_wait3A_731, %dma_wait3A_732, %mul3A_2] : memref<200x64x4096xf32, #tpu.memory_space<hbm>> -> memref<1x64x128xf32, #tpu.memory_space<hbm>>
    %dma_wait3A_734 = tpu.memref_squeeze %dma_wait3A_733 : memref<1x64x128xf32, #tpu.memory_space<hbm>> -> memref<64x128xf32, #tpu.memory_space<hbm>>
    %dma_wait3A_735 = arith.constant 0 : i32
    %dma_wait3A_736 = tpu.memref_slice %arg4[%dma_wait3A_731, %dma_wait3A_735, %mul3A_2] : memref<200x64x4096xf32, #tpu.memory_space<hbm>> -> memref<1x64x128xf32, #tpu.memory_space<hbm>>
    %dma_wait3A_737 = tpu.memref_squeeze %dma_wait3A_736 : memref<1x64x128xf32, #tpu.memory_space<hbm>> -> memref<64x128xf32, #tpu.memory_space<hbm>>
    tpu.wait_dma2 semaphore(%arg25 : memref<!tpu.dma_semaphore, #tpu.memory_space<semaphore_mem>>) src(%arg17 : memref<64x128xf32, #tpu.memory_space<vmem>>) dst(%dma_wait3A_737 : memref<64x128xf32, #tpu.memory_space<hbm>>)
    return
  }
}

</mosaic_0001>

<sc_bundles>
// kernel: kernel.3.cloned.1.call-start
scs
__scs_entry_jumppad:
0x0: {  	(pc) =	sbr.rel $0x88, $3  }
0x1: {  	(tag) =	ssettag $0x0;
	lr =	simm.s32 $0x1  }
0x2: {  	[smem:$0x3F9F] =	sst lr;
	_ =	strace $0xD0000000  }
0x3: {  	_ = 	snop  }
0x4: {  	_ = 	snop  }
0x5: {  	_ = 	snop  }
0x6: {  	_ = 	snop  }
0x7: {  	_ = 	snop  }
__scs_overlays_trampoline_lowered:
0x8: {  	[smem:$0x3FAE] =	sst s0  }
0x9: {  	[smem:$0x3FAF] =	sst s1  }
0xa: {  	[smem:$0x3FB0] =	sst s2  }
0xb: {  	[smem:$0x3FB1] =	sst s3  }
0xc: {  	[smem:$0x3FB2] =	sst s4  }
0xd: {  	[smem:$0x3FB3] =	sst s5  }
0xe: {  	[smem:$0x3FB4] =	sst s6  }
0xf: {  	[smem:$0x3FB5] =	sst s7  }
0x10: {  	[smem:$0x3FB6] =	sst s8  }
0x11: {  	[smem:$0x3FB7] =	sst s9;
	s0 =	simm.s32 @!p0 $0x0  }
0x12: {  	s1 =	sld [smem:$0x3F9D];
	s0 =	simm.s32 @p0 $0x1  }
0x13: {  	[smem:$0x3FB8] =	sst s0;
	s0 =	simm.s32 @!p1 $0x0  }
0x14: {  	s2 =	sld [smem:$0x3F9C];
	s0 =	simm.s32 @p1 $0x1  }
0x15: {  	[smem:$0x3FB9] =	sst s0;
	s0 =	simm.s32 @!p2 $0x0  }
0x16: {  	s3 =	sld [smem:$0x3FDB];
	s0 =	simm.s32 @p2 $0x1  }
0x17: {  	s4 =	simm.s32 $0x1BF5;
	[smem:$0x3FBB] =	sst s0  }
0x18: {  	s0 =	sld [smem:$0x3F9E];
	_ =	swait.ge [sflag:s4], $0x0  }
0x19: {  	s7 =	sld [smem:$0x3F9F]  }
0x1a: {  	s8 =	sadd.s32 $0xFFFFE003, lr  }
0x1b: {  	s9 =	sadd.s32 $0xFFFFFEF7, lr;
	s5 =	simm.s32 $0xFFFFFFFF;
	p2 =	slt.u32 s8, $0xFFFFF086  }
0x1c: {  	p1 =	slt.u32 s9, $0xF7A;
	s5 =	simm.s32 @!p2 $0x0  }
0x1d: {  	s5 =	simm.s32 @p1 $0x1;
	p0 =	seq.s32 s7, s2  }
0x1e: {  	s7 =	smul.u32 @!p0 $0xF7A, s2;
	p2 =	seq.s32 @!p0 s5, $0x0  }
0x1f: {  	s9 =	smul.u32 $0xF7A, s1;
	s8 =	simm.s32 @!p0 $0x1BF5;
	p2 =	por !p2, p0  }
0x20: {  	[sflag:s8] =	ssyncset.s32 @!p0 $0xFFFFF086;
	s6 =	sadd.s32 @!p0 s3, s7;
	s7 =	simm.s32 @!p0 $0x108  }
0x21: {  	s3 =	sadd.s32 s3, s9;
	s6 =	sadd.s32 @!p0 $0x88, s6;
	s7 =	simm.s32 @p2 $0x1082  }
0x22: {  	[simem:s7], [sflag:s8] =	dma.local @!p0 [hbm:s6], $0xF7A  }
0x23: {  	s9 =	sor.u32 $0xD0000000, s2;
	s6 =	simm.s32 $0x108;
	_ =	swait.ge @!p0 [sflag:s8], $0x0  }
0x24: {  	s3 =	sadd.s32 $0x88, s3;
	s6 =	simm.s32 @!p1 $0x1082;
	[sflag:s4] =	ssyncset.s32 $0xFFFFF086  }
0x25: {  	[simem:s6], [sflag:s4] =	dma.local [hbm:s3], $0xF7A  }
0x26: {  	[smem:$0x3F9F] =	sst s1;
	(tag) =	ssettag s2;
	_ =	strace s9  }
0x27: {  	s1 =	sld [smem:$0x3FAF]  }
0x28: {  	s2 =	sld [smem:$0x3FB0]  }
0x29: {  	s4 =	sld [smem:$0x3FB2]  }
0x2a: {  	p0 =	seq.s32 s5, $0x0;
	s5 =	sld [smem:$0x3FB3]  }
0x2b: {  	s6 =	sld [smem:$0x3FB4]  }
0x2c: {  	s7 =	sld [smem:$0x3FB5]  }
0x2d: {  	s3 =	simm.s32 $0x108;
	s8 =	sld [smem:$0x3FB6]  }
0x2e: {  	s3 =	simm.s32 @!p0 $0x1082;
	s9 =	sld [smem:$0x3FB7]  }
0x2f: {  	lr =	sadd.s32 s0, s3;
	s0 =	sld [smem:$0x3FAE]  }
0x30: {  	s3 =	sld [smem:$0x3FB1]  }
0x31: {  	[smem:$0x3FBA] =	sst s10  }
0x32: {  	s10 =	sld [smem:$0x3FB8];
	_ =	sdelay $0x3  }
0x33: {  	p0 =	seq.s32 s10, $0x1;
	s10 =	sld [smem:$0x3FBA];
	_ =	sdelay $0x3  }
0x34: {  	[smem:$0x3FBA] =	sst s10  }
0x35: {  	s10 =	sld [smem:$0x3FB9];
	_ =	sdelay $0x3  }
0x36: {  	p1 =	seq.s32 s10, $0x1;
	s10 =	sld [smem:$0x3FBA];
	_ =	sdelay $0x3  }
0x37: {  	[smem:$0x3FBA] =	sst s10  }
0x38: {  	s10 =	sld [smem:$0x3FBB]  }
0x39: {  	_ = 	snop;
	(pc) =	sbr.ind lr, $3  }
0x3a: {  	_ = 	snop  }
0x3b: {  	_ = 	snop  }
0x3c: {  	p2 =	seq.s32 s10, $0x1;
	s10 =	sld [smem:$0x3FBA]  }
0x3d: {  	_ =	shalt  }
0x3e: {  	_ =	shalt  }
0x3f: {  	_ =	shalt  }
0x40: {  	_ =	shalt  }
0x41: {  	_ =	shalt  }
0x42: {  	_ =	shalt  }
0x43: {  	_ =	shalt  }
0x44: {  	_ =	shalt  }
0x45: {  	_ =	shalt  }
0x46: {  	_ =	shalt  }
0x47: {  	_ =	shalt  }
0x48: {  	_ =	shalt  }
0x49: {  	_ =	shalt  }
0x4a: {  	_ =	shalt  }
0x4b: {  	_ =	shalt  }
0x4c: {  	_ =	shalt  }
0x4d: {  	_ =	shalt  }
0x4e: {  	_ =	shalt  }
0x4f: {  	_ =	shalt  }
0x50: {  	_ =	shalt  }
0x51: {  	_ =	shalt  }
0x52: {  	_ =	shalt  }
0x53: {  	_ =	shalt  }
0x54: {  	_ =	shalt  }
0x55: {  	_ =	shalt  }
0x56: {  	_ =	shalt  }
0x57: {  	_ =	shalt  }
0x58: {  	_ =	shalt  }
0x59: {  	_ =	shalt  }
0x5a: {  	_ =	shalt  }
0x5b: {  	_ =	shalt  }
0x5c: {  	_ =	shalt  }
0x5d: {  	_ =	shalt  }
0x5e: {  	_ =	shalt  }
0x5f: {  	_ =	shalt  }
0x60: {  	_ =	shalt  }
0x61: {  	_ =	shalt  }
0x62: {  	_ =	shalt  }
0x63: {  	_ =	shalt  }
0x64: {  	_ =	shalt  }
0x65: {  	_ =	shalt  }
0x66: {  	_ =	shalt  }
0x67: {  	_ =	shalt  }
0x68: {  	_ =	shalt  }
0x69: {  	_ =	shalt  }
0x6a: {  	_ =	shalt  }
0x6b: {  	_ =	shalt  }
0x6c: {  	_ =	shalt  }
0x6d: {  	_ =	shalt  }
0x6e: {  	_ =	shalt  }
0x6f: {  	_ =	shalt  }
0x70: {  	_ =	shalt  }
0x71: {  	_ =	shalt  }
0x72: {  	_ =	shalt  }
0x73: {  	_ =	shalt  }
0x74: {  	_ =	shalt  }
0x75: {  	_ =	shalt  }
0x76: {  	_ =	shalt  }
0x77: {  	_ =	shalt  }
0x78: {  	_ =	shalt  }
0x79: {  	_ =	shalt  }
0x7a: {  	_ =	shalt  }
0x7b: {  	_ =	shalt  }
0x7c: {  	_ =	shalt  }
0x7d: {  	_ =	shalt  }
0x7e: {  	_ =	shalt  }
0x7f: {  	_ =	shalt  }
0x80: {  	_ =	shalt  }
0x81: {  	_ =	shalt  }
0x82: {  	_ =	shalt  }
0x83: {  	_ =	shalt  }
0x84: {  	_ =	shalt  }
0x85: {  	_ =	shalt  }
0x86: {  	_ =	shalt  }
0x87: {  	_ =	shalt  }
.Lfunc_end0:
.L_simem_size_0:
called_computation_lowered:
.L_overlay_start_0:
0x88: {  	s2 =	sld [smem:$0x3FD9]  }
0x89: {  	s3 =	sld [smem:$0x3FFE];
	_ =	sdelay $0x1  }
0x8a: {  	s1 =	srdreg.scid  }
0x8b: {  	s0 =	sand.u32 $0x1, s1  }
0x8c: {  	s17 =	sshll.u32 s0, $0xA;
	s2 =	sadd.s32 s3, s2  }
0x8d: {  	s2 =	sadd.s32 s2, s17  }
0x8e: {  	[smem:$0x3FC6] =	sst s2  }
0x8f: {  	_ = 	snop  }
0x90: {  	s2 =	sld [smem:$0x3FC9]  }
0x91: {  	s18 =	sld [smem:$0x3FD0];
	(tm) =	ssettm $0x1  }
0x92: {  	s4 =	sld [smem:$0x3FFB];
	_ =	sdelay $0x3  }
0x93: {  	_ =	strace s4  }
0x94: {  	s4 =	sld [smem:$0x3FFC];
	_ =	sdelay $0x3  }
0x95: {  	_ =	strace s4  }
0x96: {  	s4 =	sld [smem:$0x3FFD];
	_ =	sdelay $0x3  }
0x97: {  	_ =	strace s4  }
0x98: {  	_ =	strace $0x8FFFFFFF  }
0x99: {  	s19 =	sld [smem:$0x3FDB];
	_ =	sdelay $0x1  }
0x9a: {  	s5 =	simm.s32 $_scs_section_size  }
0x9b: {  	s6 =	simm.s32 $_size__tile_overlayer_lowered;
	s7 =	simm.s32 $_tile_overlayer_lowered  }
0x9c: {  	s22 =	simm.s32 $0x1BFF;
	s21 =	sshll.u32 s7, $0x1;
	s4 =	sadd.s32 s5, s19  }
0x9d: {  	s8 =	simm.s32 $0x0;
	s20 =	sshll.u32 s6, $0x1;
	s6 =	sadd.s32 s21, s4  }
0x9e: {  	[timem:s8], [sflag:s22] =	dma.local [hbm:s6], s20  }
0x9f: {  	_ =	swait.ge [sflag:s22], s20  }
0xa0: {  	s5 =	ssub.s32 $0x0, s20;
	[sflag:s22] =	ssyncset.done $0x0  }
0xa1: {  	[sflag:s22] =	ssyncadd.s32 s5;
	_ =	sdelay $0x1  }
0xa2: {  	s23 =	simm.s32 $0x1B8B  }
0xa3: {  	_ =	swait.ge [sflag:s23], $0x1  }
0xa4: {  	[sflag:s23] =	ssyncset.done $0x0  }
0xa5: {  	s25 =	simm.s32 $0x1B8E;
	s24 =	sld [smem:$0x3FFE];
	[sflag:s23] =	ssyncadd.s32 $0xFFFFFFFF  }
0xa6: {  	s26 =	simm.s32 $execute0_lowered;
	[smem:$0x3FD2] =	sst s25  }
0xa7: {  	s6 =	sshll.u32 s26, $0x1;
	_ =	strace $0x80000046;
	[dreg:$0x1] =	wrdreg $0xFFFFFFFF  }
0xa8: {  	s28 =	simm.s32 $_size_execute0_lowered;
	s4 =	sadd.s32 s4, s6;
	[dreg:$0x0] =	wrdreg $0x0  }
0xa9: {  	s6 =	sshll.u32 s28, $0x1;
	[dreg:$0x2] =	wrdreg s4  }
0xaa: {  	[dreg:$0x3] =	wrdreg s6  }
0xab: {  	[dreg:$0x4] =	wrdreg $0xC0  }
0xac: {  	_ =	task [dreg:s8], $0x5FFFF  }
0xad: {  	[dreg:$0x1] =	wrdreg $0xFFFFFFFF  }
0xae: {  	[dreg:$0x0] =	wrdreg $0x60  }
0xaf: {  	[dreg:$0x2] =	wrdreg s2  }
0xb0: {  	[dreg:$0x3] =	wrdreg s24  }
0xb1: {  	[dreg:$0x4] =	wrdreg s18  }
0xb2: {  	[dreg:$0x5] =	wrdreg $0x9  }
0xb3: {  	_ =	task.clear_ibuf [dreg:s8], $0x6FFFF;
	_ =	strace $0x90000046  }
0xb4: {  	s29 =	simm.s32 $0x9;
	_ =	strace $0x80000048  }
0xb5: {  	_ =	swait.ge [sflag:s29], $0x1  }
0xb6: {  	[sflag:s29] =	ssyncadd.s32 $0xFFFFFFFF  }
0xb7: {  	_ =	strace $0x90000048  }
0xb8: {  	_ =	sfence  }
0xb9: {  	s30 =	sld [smem:$0x0];
	_ =	sdelay $0x2  }
0xba: {  	s31 =	sshll.u32 s1, $0xD;
	s1 =	sshrl.u32 s1, $0x2  }
0xbb: {  	s3 =	sand.u32 $0x4000, s31;
	s1 =	sadd.s32 s1, s30  }
0xbc: {  	s0 =	sor.u32 s3, s0;
	s1 =	sshll.u32 s1, $0x11  }
0xbd: {  	s0 =	sor.u32 s1, s0  }
0xbe: {  	s0 =	sadd.s32 $0x8F2B, s0  }
0xbf: {  	[sflag:s0] =	ssyncadd.remote.s32 $0x1  }
0xc0: {  	_ =	sfence.sel $0xFFFF  }
0xc1: {  	[dreg:$0x0] =	wrdreg $0xFFFFFFFF;
	(pc) =	sbr.abs _section_cstart, $3  }
0xc2: {  	[dreg:$0x1] =	wrdreg $0xFFFFFFFF  }
0xc3: {  	_ =	task.clear_ibuf [dreg:s8], $0x2FFFF;
	_ =	strace $0x9FFFFFFF  }
0xc4: {  	(tm) =	ssettm $0x7FFFFFFF  }
0xc5: {  	_ =	shalt  }
tec
execute0_lowered:
.L_overlay_start_1:
0x0: {  	(tag) =	ssettag $0x1  }
0x1: {  	s0 =	rddreg [dreg:$0x0]  }
0x2: {  	s2 =	rddreg [dreg:$0x1]  }
0x3: {  	s1 =	rddreg [dreg:$0x2]  }
0x4: {  	s4 =	simm.s32 $0x0;
	s3 =	srdreg.scid;
	s24 =	stileid.u32  }
0x5: {  	s8 =	simm.s32 $0x400;
	s9 =	simm.s32 $0x8000;
	s11 =	simm.s32 $0x20  }
0x6: {  	s13 =	simm.s32 $0x6600;
	s21 =	simm.s32 $0xA600;
	s30 =	simm.s32 $0xE600  }
0x7: {  	s17 =	simm.s32 $0x12600;
	s20 =	simm.s32 $0x65C0;
	s22 =	simm.s32 $0x14600  }
0x8: {  	s23 =	simm.s32 $0x65E0;
	s28 =	simm.s32 $0x2;
	s29 =	simm.s32 $0x18600  }
0x9: {  	s31 =	simm.s32 $0x3;
	s12 =	simm.s32 $0x1C600;
	[smem:$0x7FF] =	sst s4  }
0xa: {  	s3 =	sand.u32 $0x1, s3;
	s4 =	sshll.u32 s24, $0xB;
	s5 =	sadd.s32 $0xF42800, s2  }
0xb: {  	v0 =	vlaneseq.u32;
	s24 =	simm.s32 $0x15600;
	s6 =	ssub.s32 $0x2, s3;
	s3 =	sshll.u32 s3, $0xA  }
.Ltmp0:
0xc: {  	v1 =	vmul.u32 $0x80, v0;
	v9 =	vor.u32 $0x10, v0;
	s2 =	simm.s32 $0x4;
	v10 =	vor.u32 $0x20, v0;
	s4 =	sor.u32 s3, s4;
	(pc) =	sbr.rel .LBB2_1-.Ltmp0, $4  }
0xd: {  	v11 =	vor.u32 $0x30, v0;
	v12 =	vor.u32 $0x40, v0;
	v13 =	vor.u32 $0x50, v0;
	_ =	strace $0x80000047;
	s7 =	sshrl.u32 s6, $0x1;
	s3 =	sshrl.u32 s4, $0x3  }
0xe: {  	v14 =	vor.u32 $0x60, v0;
	v15 =	vor.u32 $0x70, v0;
	v2 =	vor.u32 $0x800, v1;
	s25 =	ssub.s32 s6, s7;
	s7 =	simm.s32 $0x0;
	s0 =	sadd.s32 s0, s3  }
0xf: {  	v3 =	vor.u32 $0x1000, v1;
	v4 =	vor.u32 $0x1800, v1;
	v5 =	vor.u32 $0x2000, v1;
	s26 =	smax.u32 s25, $0x1;
	s25 =	simm.s32 $0x1;
	[dreg:$0x4] =	wrdreg s0  }
0x10: {  	v6 =	vor.u32 $0x2800, v1;
	v7 =	vor.u32 $0x3000, v1;
	v8 =	vor.u32 $0x3800, v1;
	[dreg:$0x5] =	wrdreg s26;
	s26 =	simm.s32 $0x16600;
	s0 =	simm.s32 $0x1A600  }
.LBB2_12:
0x11: {  	s3 =	simm.s32 $0x5  }
0x12: {  	_ =	swait.ge [sflag:s3], $0x2000  }
0x13: {  	[sflag:s3] =	ssyncset.done $0x0  }
0x14: {  	s16 =	simm.s32 $0x6;
	[sflag:s3] =	ssyncadd.s32 $0xFFFFE000  }
0x15: {  	_ =	swait.ge [sflag:s16], $0x2000  }
0x16: {  	[sflag:s16] =	ssyncset.done $0x0  }
0x17: {  	s18 =	simm.s32 $0x7;
	[sflag:s16] =	ssyncadd.s32 $0xFFFFE000  }
0x18: {  	_ =	swait.ge [sflag:s18], $0x2000  }
0x19: {  	[sflag:s18] =	ssyncset.done $0x0  }
0x1a: {  	s6 =	simm.s32 $0x8;
	[sflag:s18] =	ssyncadd.s32 $0xFFFFE000  }
0x1b: {  	_ =	swait.ge [sflag:s6], $0x2000  }
0x1c: {  	s7 =	rddreg [dreg:$0x6]  }
0x1d: {  	s19 =	rddreg [dreg:$0x5];
	s7 =	sadd.s32 $0x1, s7  }
0x1e: {  	p0 =	sne.s32 s7, s19  }
.Ltmp1:
0x1f: {  	_ = 	snop;
	(pc) =	sbr.rel @!p0 .LBB2_13-.Ltmp1, $3  }
0x20: {  	_ =	sdelay $0x1  }
0x21: {  	[sflag:s6] =	ssyncset.done $0x0  }
0x22: {  	[sflag:s6] =	ssyncadd.s32 $0xFFFFE000  }
.LBB2_1:
0x23: {  	[dreg:$0x6] =	wrdreg s7  }
0x24: {  	s3 =	simm.s32 $0x0;
	s6 =	rddreg [dreg:$0x4];
	s15 =	simm.s32 $0x9  }
0x25: {  	[tilespmem:s3], [sflag:$0x9] =	stream.strided.gather [hbm4b:s6+s8], $0x6400, s9, s8, $0x38;
	[tilespmem:$0x1E600] =	vst v63  }
0x26: {  	_ =	swait.ge [sflag:s15], $0x6400  }
0x27: {  	[sflag:s15] =	ssyncset.done $0x0  }
0x28: {  	[sflag:s15] =	ssyncadd.s32 $0xFFFF9C00  }
0x29: {  	v16 =	vld [tilespmem:$0x0]  }
0x2a: {  	v17 =	vld [tilespmem:$0x10]  }
0x2b: {  	v18 =	vld [tilespmem:$0x20]  }
0x2c: {  	v19 =	vld [tilespmem:$0x30]  }
0x2d: {  	v20 =	vld [tilespmem:$0x40]  }
0x2e: {  	v21 =	vld [tilespmem:$0x50];
	v16 =	vshrl.u32 v16, $0x1  }
0x2f: {  	[tilespmem:$0x6400] =	vst v16;
	v16 =	vshrl.u32 v17, $0x1;
	v17 =	vld [tilespmem:$0x60]  }
0x30: {  	v48 =	vld [tilespmem:$0x70];
	[tilespmem:$0x6410] =	vst v16;
	v16 =	vshrl.u32 v18, $0x1  }
0x31: {  	[tilespmem:$0x6420] =	vst v16;
	v16 =	vshrl.u32 v19, $0x1  }
0x32: {  	[tilespmem:$0x6430] =	vst v16;
	v16 =	vshrl.u32 v20, $0x1  }
0x33: {  	[tilespmem:$0x6440] =	vst v16;
	v16 =	vshrl.u32 v21, $0x1  }
0x34: {  	[tilespmem:$0x6450] =	vst v16;
	v16 =	vshrl.u32 v17, $0x1  }
0x35: {  	[tilespmem:$0x6460] =	vst v16;
	v16 =	vshrl.u32 v48, $0x1  }
0x36: {  	s16 =	simm.s32 $0x6400;
	[tilespmem:$0x6470] =	vst v16  }
0x37: {  	[tilespmem:s13], [sflag:$0x1] =	stream.indirect.gather [hbm4b:s5+s11], $0x80, s16, s11, $0xb8;
	[tilespmem:$0x1E600] =	vst v63  }
0x38: {  	s18 =	simm.s32 $0x6420;
	s19 =	simm.s32 $0x7600  }
0x39: {  	[tilespmem:s19], [sflag:$0x1] =	stream.indirect.gather [hbm4b:s5+s11], $0x80, s18, s11, $0xb8;
	[tilespmem:$0x1E600] =	vst v63  }
0x3a: {  	s7 =	simm.s32 $0x6440;
	s10 =	simm.s32 $0x8600  }
0x3b: {  	[tilespmem:s10], [sflag:$0x1] =	stream.indirect.gather [hbm4b:s5+s11], $0x80, s7, s11, $0xb8;
	[tilespmem:$0x1E600] =	vst v63  }
0x3c: {  	s14 =	simm.s32 $0x6460;
	s15 =	simm.s32 $0x9600  }
0x3d: {  	[tilespmem:s15], [sflag:$0x1] =	stream.indirect.gather [hbm4b:s5+s11], $0x80, s14, s11, $0xb8;
	[tilespmem:$0x1E600] =	vst v63  }
0x3e: {  	v16 =	vld [tilespmem:$0x80]  }
0x3f: {  	v17 =	vld [tilespmem:$0x90]  }
0x40: {  	v49 =	vld [tilespmem:$0xA0]  }
0x41: {  	v50 =	vld [tilespmem:$0xB0]  }
0x42: {  	v51 =	vld [tilespmem:$0xC0]  }
0x43: {  	v52 =	vld [tilespmem:$0xD0];
	v16 =	vshrl.u32 v16, $0x1  }
0x44: {  	[tilespmem:$0x6480] =	vst v16;
	v16 =	vshrl.u32 v17, $0x1;
	v17 =	vld [tilespmem:$0xE0]  }
0x45: {  	v53 =	vld [tilespmem:$0xF0];
	[tilespmem:$0x6490] =	vst v16;
	v16 =	vshrl.u32 v49, $0x1  }
0x46: {  	[tilespmem:$0x64A0] =	vst v16;
	v16 =	vshrl.u32 v50, $0x1  }
0x47: {  	[tilespmem:$0x64B0] =	vst v16;
	v16 =	vshrl.u32 v51, $0x1  }
0x48: {  	[tilespmem:$0x64C0] =	vst v16;
	v16 =	vshrl.u32 v52, $0x1  }
0x49: {  	[tilespmem:$0x64D0] =	vst v16;
	v16 =	vshrl.u32 v17, $0x1  }
0x4a: {  	[tilespmem:$0x64E0] =	vst v16;
	v16 =	vshrl.u32 v53, $0x1  }
0x4b: {  	s16 =	simm.s32 $0x6480;
	[tilespmem:$0x64F0] =	vst v16  }
0x4c: {  	[tilespmem:s21], [sflag:$0x2] =	stream.indirect.gather [hbm4b:s5+s11], $0x80, s16, s11, $0xb8;
	[tilespmem:$0x1E600] =	vst v63  }
0x4d: {  	s18 =	simm.s32 $0x64A0;
	s19 =	simm.s32 $0xB600  }
0x4e: {  	[tilespmem:s19], [sflag:$0x2] =	stream.indirect.gather [hbm4b:s5+s11], $0x80, s18, s11, $0xb8;
	[tilespmem:$0x1E600] =	vst v63  }
0x4f: {  	s7 =	simm.s32 $0x64C0;
	s10 =	simm.s32 $0xC600  }
0x50: {  	[tilespmem:s10], [sflag:$0x2] =	stream.indirect.gather [hbm4b:s5+s11], $0x80, s7, s11, $0xb8;
	[tilespmem:$0x1E600] =	vst v63  }
0x51: {  	s14 =	simm.s32 $0x64E0;
	s15 =	simm.s32 $0xD600  }
0x52: {  	[tilespmem:s15], [sflag:$0x2] =	stream.indirect.gather [hbm4b:s5+s11], $0x80, s14, s11, $0xb8;
	[tilespmem:$0x1E600] =	vst v63  }
0x53: {  	v16 =	vld [tilespmem:$0x100]  }
0x54: {  	v17 =	vld [tilespmem:$0x110]  }
0x55: {  	v54 =	vld [tilespmem:$0x120]  }
0x56: {  	v55 =	vld [tilespmem:$0x130]  }
0x57: {  	v56 =	vld [tilespmem:$0x140]  }
0x58: {  	v57 =	vld [tilespmem:$0x150];
	v16 =	vshrl.u32 v16, $0x1  }
0x59: {  	[tilespmem:$0x6500] =	vst v16;
	v16 =	vshrl.u32 v17, $0x1;
	v17 =	vld [tilespmem:$0x160]  }
0x5a: {  	v58 =	vld [tilespmem:$0x170];
	[tilespmem:$0x6510] =	vst v16;
	v16 =	vshrl.u32 v54, $0x1  }
0x5b: {  	[tilespmem:$0x6520] =	vst v16;
	v16 =	vshrl.u32 v55, $0x1  }
0x5c: {  	[tilespmem:$0x6530] =	vst v16;
	v16 =	vshrl.u32 v56, $0x1  }
0x5d: {  	[tilespmem:$0x6540] =	vst v16;
	v16 =	vshrl.u32 v57, $0x1  }
0x5e: {  	[tilespmem:$0x6550] =	vst v16;
	v16 =	vshrl.u32 v17, $0x1  }
0x5f: {  	[tilespmem:$0x6560] =	vst v16;
	v16 =	vshrl.u32 v58, $0x1  }
0x60: {  	s16 =	simm.s32 $0x6500;
	[tilespmem:$0x6570] =	vst v16  }
0x61: {  	[tilespmem:s30], [sflag:$0x3] =	stream.indirect.gather [hbm4b:s5+s11], $0x80, s16, s11, $0xb8;
	[tilespmem:$0x1E600] =	vst v63  }
0x62: {  	s18 =	simm.s32 $0x6520;
	s19 =	simm.s32 $0xF600  }
0x63: {  	[tilespmem:s19], [sflag:$0x3] =	stream.indirect.gather [hbm4b:s5+s11], $0x80, s18, s11, $0xb8;
	[tilespmem:$0x1E600] =	vst v63  }
0x64: {  	s7 =	simm.s32 $0x6540;
	s10 =	simm.s32 $0x10600  }
0x65: {  	[tilespmem:s10], [sflag:$0x3] =	stream.indirect.gather [hbm4b:s5+s11], $0x80, s7, s11, $0xb8;
	[tilespmem:$0x1E600] =	vst v63  }
0x66: {  	s14 =	simm.s32 $0x6560;
	s15 =	simm.s32 $0x11600  }
0x67: {  	[tilespmem:s15], [sflag:$0x3] =	stream.indirect.gather [hbm4b:s5+s11], $0x80, s14, s11, $0xb8;
	[tilespmem:$0x1E600] =	vst v63  }
0x68: {  	v16 =	vld [tilespmem:$0x180]  }
0x69: {  	v17 =	vld [tilespmem:$0x190]  }
0x6a: {  	v59 =	vld [tilespmem:$0x1A0]  }
0x6b: {  	v60 =	vld [tilespmem:$0x1B0]  }
0x6c: {  	v61 =	vld [tilespmem:$0x1C0]  }
0x6d: {  	v62 =	vld [tilespmem:$0x1D0];
	v16 =	vshrl.u32 v16, $0x1  }
0x6e: {  	[tilespmem:$0x6580] =	vst v16;
	v16 =	vshrl.u32 v17, $0x1;
	v17 =	vld [tilespmem:$0x1E0]  }
0x6f: {  	v63 =	vld [tilespmem:$0x1F0];
	[tilespmem:$0x6590] =	vst v16;
	v16 =	vshrl.u32 v59, $0x1  }
0x70: {  	[tilespmem:$0x65A0] =	vst v16;
	v16 =	vshrl.u32 v60, $0x1  }
0x71: {  	[tilespmem:$0x65B0] =	vst v16;
	v16 =	vshrl.u32 v61, $0x1  }
0x72: {  	[tilespmem:$0x65C0] =	vst v16;
	v16 =	vshrl.u32 v62, $0x1  }
0x73: {  	[tilespmem:$0x65D0] =	vst v16;
	v16 =	vshrl.u32 v17, $0x1  }
0x74: {  	[tilespmem:$0x65E0] =	vst v16;
	v16 =	vshrl.u32 v63, $0x1  }
0x75: {  	s16 =	simm.s32 $0x6580;
	[tilespmem:$0x65F0] =	vst v16  }
0x76: {  	[tilespmem:s17], [sflag:$0x4] =	stream.indirect.gather [hbm4b:s5+s11], $0x80, s16, s11, $0xb8;
	[tilespmem:$0x1E600] =	vst v63  }
0x77: {  	s18 =	simm.s32 $0x65A0;
	s19 =	simm.s32 $0x13600  }
0x78: {  	[tilespmem:s19], [sflag:$0x4] =	stream.indirect.gather [hbm4b:s5+s11], $0x80, s18, s11, $0xb8;
	[tilespmem:$0x1E600] =	vst v63  }
0x79: {  	_ = 	snop  }
0x7a: {  	[tilespmem:s22], [sflag:$0x4] =	stream.indirect.gather [hbm4b:s5+s11], $0x80, s20, s11, $0xb8;
	[tilespmem:$0x1E600] =	vst v63  }
0x7b: {  	s10 =	simm.s32 $0x0  }
0x7c: {  	[tilespmem:s24], [sflag:$0x4] =	stream.indirect.gather [hbm4b:s5+s11], $0x80, s23, s11, $0xb8;
	[tilespmem:$0x1E600] =	vst v63  }
.LBB2_2:
0x7d: {  	_ =	swait.ge [sflag:s25], $0x1000  }
0x7e: {  	[sflag:s25] =	ssyncset.done $0x0  }
0x7f: {  	[sflag:s25] =	ssyncadd.s32 $0xFFFFF000  }
0x80: {  	_ =	swait.ge [sflag:s25], $0x1000  }
0x81: {  	[sflag:s25] =	ssyncset.done $0x0  }
0x82: {  	[sflag:s25] =	ssyncadd.s32 $0xFFFFF000  }
0x83: {  	_ =	swait.ge [sflag:s25], $0x1000  }
0x84: {  	[sflag:s25] =	ssyncset.done $0x0  }
0x85: {  	[sflag:s25] =	ssyncadd.s32 $0xFFFFF000  }
0x86: {  	_ =	swait.ge [sflag:s25], $0x1000  }
0x87: {  	p0 =	seq.s32 s10, $0x0;
	[sflag:s25] =	ssyncset.done $0x0  }
0x88: {  	s3 =	simm.s32 @!p0 $0x5;
	[sflag:s25] =	ssyncadd.s32 $0xFFFFF000  }
0x89: {  	_ =	swait.ge @!p0 [sflag:s3], $0x2000  }
0x8a: {  	s6 =	sshll.u32 s10, $0xB;
	[sflag:s3] =	ssyncset.done @!p0 $0x0  }
0x8b: {  	s14 =	sshra.s32 s6, $0x2;
	[sflag:s3] =	ssyncadd.s32 @!p0 $0xFFFFE000  }
0x8c: {  	v16 =	vld [tilespmem:s14+$0x0];
	_ =	sdelay $0x4  }
0x8d: {  	s16 =	simm.s32 $0x0;
	v17 =	vld [tilespmem:s14+$0x10];
	v16 =	vshll.u32 v16, $0x6  }
0x8e: {  	s15 =	simm.s32 $0x1;
	v18 =	vadd.s32 s16, v0;
	v16 =	vand.u32 $0x40, v16  }
0x8f: {  	v24 =	vand.u32 $0x3F, v18;
	v20 =	vor.u32 v1, v16;
	v16 =	vadd.s32 s15, v0  }
0x90: {  	v18 =	vor.u32 v24, v20;
	v26 =	vand.u32 $0x3F, v16  }
0x91: {  	v16 =	vor.u32 v26, v20  }
0x92: {  	v23 =	vadd.s32 s16, v9;
	v17 =	vshll.u32 v17, $0x6  }
0x93: {  	v27 =	vadd.s32 s15, v9;
	v37 =	vadd.s32 s16, v10;
	v19 =	vld [tilespmem:s14+$0x20];
	v17 =	vand.u32 $0x40, v17  }
0x94: {  	v39 =	vadd.s32 s16, v13;
	v28 =	vshll.u32 v24, $0x7;
	v22 =	vld [tilespmem:s14+$0x30];
	v21 =	vor.u32 v2, v17  }
0x95: {  	v17 =	vand.u32 $0x3F, v23;
	v23 =	vor.u32 v0, v28;
	v29 =	vshll.u32 v26, $0x7;
	v18 =	vld.idx.msk [tilespmem:v18+s13+$0x0], $0xffff  }
0x96: {  	v27 =	vand.u32 $0x3F, v27;
	v30 =	vor.u32 v17, v21;
	v31 =	vor.u32 v0, v29;
	v16 =	vld.idx.msk [tilespmem:v16+s13+$0x0], $0xffff  }
0x97: {  	s6 =	simm.s32 $0x2;
	v50 =	vadd.s32 s15, v13;
	v46 =	vadd.s32 s16, v14;
	s3 =	simm.s32 $0x3;
	v25 =	vld [tilespmem:s14+$0x40];
	v33 =	vor.u32 v27, v21  }
0x98: {  	v37 =	vand.u32 $0x3F, v37;
	v43 =	vadd.s32 s6, v10;
	v34 =	vld [tilespmem:s14+$0x60];
	v42 =	vadd.s32 s3, v9  }
0x99: {  	v49 =	vand.u32 $0x3F, v39;
	v36 =	vld [tilespmem:s14+$0x70];
	v59 =	vadd.s32 s3, v0;
	v42 =	vand.u32 $0x3F, v42  }
0x9a: {  	v32 =	vld [tilespmem:s14+$0x50];
	v19 =	vshll.u32 v19, $0x6;
	v35 =	vshll.u32 v22, $0x6;
	v17 =	vshll.u32 v17, $0x7;
	[tilespmem:v23+s26+$0x0] =	vst.idx.msk $0xffff, v18  }
0x9b: {  	v19 =	vand.u32 $0x40, v19;
	v18 =	vld.idx.msk [tilespmem:v30+s13+$0x0], $0xffff;
	[tilespmem:v31+s26+$0x0] =	vst.idx.msk $0xffff, v16;
	v16 =	vor.u32 v9, v17;
	v17 =	vshll.u32 v27, $0x7  }
0x9c: {  	v22 =	vor.u32 v3, v19;
	v19 =	vadd.s32 s15, v10;
	v30 =	vld.idx.msk [tilespmem:v33+s13+$0x0], $0xffff;
	v17 =	vor.u32 v9, v17  }
0x9d: {  	v25 =	vshll.u32 v25, $0x6;
	v27 =	vor.u32 v37, v22;
	v31 =	vand.u32 $0x3F, v19  }
0x9e: {  	v52 =	vshll.u32 v34, $0x6;
	v53 =	vshll.u32 v36, $0x6;
	v51 =	vor.u32 v31, v22  }
0x9f: {  	v25 =	vand.u32 $0x40, v25;
	v23 =	vshll.u32 v32, $0x6;
	v19 =	vand.u32 $0x40, v35  }
0xa0: {  	v54 =	vand.u32 $0x40, v23;
	v23 =	vor.u32 v4, v19;
	[tilespmem:v16+s26+$0x0] =	vst.idx.msk $0xffff, v18;
	v16 =	vshll.u32 v37, $0x7  }
0xa1: {  	v19 =	vor.u32 v5, v25;
	v18 =	vadd.s32 s16, v11;
	[tilespmem:v17+s26+$0x0] =	vst.idx.msk $0xffff, v30;
	v30 =	vor.u32 v10, v16  }
0xa2: {  	v25 =	vld.idx.msk [tilespmem:v27+s13+$0x0], $0xffff;
	v16 =	vshll.u32 v31, $0x7;
	v31 =	vand.u32 $0x3F, v18;
	v17 =	vadd.s32 s15, v11  }
0xa3: {  	v33 =	vld.idx.msk [tilespmem:v51+s13+$0x0], $0xffff;
	v55 =	vor.u32 v10, v16;
	v56 =	vor.u32 v31, v23;
	v38 =	vand.u32 $0x3F, v17  }
0xa4: {  	v34 =	vand.u32 $0x40, v53;
	v53 =	vand.u32 $0x3F, v43;
	v57 =	vor.u32 v38, v23  }
0xa5: {  	v28 =	vor.u32 v12, v28;
	v45 =	vor.u32 v53, v22;
	v16 =	vadd.s32 s6, v0  }
0xa6: {  	v29 =	vor.u32 v12, v29;
	v27 =	vand.u32 $0x3F, v16;
	v60 =	vshll.u32 v38, $0x7  }
0xa7: {  	v58 =	vor.u32 v27, v20;
	[tilespmem:v30+s26+$0x0] =	vst.idx.msk $0xffff, v25;
	v30 =	vshll.u32 v31, $0x7;
	v25 =	vand.u32 $0x3F, v59  }
0xa8: {  	v30 =	vor.u32 v11, v30;
	[tilespmem:v55+s26+$0x0] =	vst.idx.msk $0xffff, v33;
	v61 =	vld.idx.msk [tilespmem:v56+s13+$0x0], $0xffff;
	v62 =	vor.u32 v25, v20  }
0xa9: {  	v32 =	vand.u32 $0x40, v52;
	v63 =	vor.u32 v24, v19;
	v33 =	vor.u32 v11, v60;
	v35 =	vld.idx.msk [tilespmem:v57+s13+$0x0], $0xffff  }
0xaa: {  	v52 =	vand.u32 $0x3F, v50;
	v48 =	vor.u32 v26, v19;
	v18 =	vor.u32 v6, v54  }
0xab: {  	v17 =	vor.u32 v7, v32;
	v26 =	vshll.u32 v27, $0x7;
	v31 =	vadd.s32 s6, v9  }
0xac: {  	v41 =	vor.u32 v0, v26;
	v31 =	vand.u32 $0x3F, v31;
	v24 =	vshll.u32 v25, $0x7;
	v32 =	vld.idx.msk [tilespmem:v58+s13+$0x0], $0xffff  }
0xad: {  	v40 =	vor.u32 v31, v21;
	v44 =	vor.u32 v0, v24;
	v36 =	vld.idx.msk [tilespmem:v62+s13+$0x0], $0xffff;
	[tilespmem:v30+s26+$0x0] =	vst.idx.msk $0xffff, v61  }
0xae: {  	v51 =	vor.u32 v49, v18;
	v30 =	vor.u32 v42, v21;
	[tilespmem:v33+s26+$0x0] =	vst.idx.msk $0xffff, v35;
	v37 =	vld.idx.msk [tilespmem:v63+s13+$0x0], $0xffff  }
0xaf: {  	s7 =	simm.s32 $0x4;
	v54 =	vor.u32 v52, v18;
	v16 =	vor.u32 v8, v34;
	v34 =	vshll.u32 v49, $0x7;
	v38 =	vld.idx.msk [tilespmem:v48+s13+$0x0], $0xffff  }
0xb0: {  	v49 =	vadd.s32 s7, v0;
	v34 =	vor.u32 v13, v34;
	v56 =	vadd.s32 s3, v10  }
0xb1: {  	v31 =	vshll.u32 v31, $0x7;
	v57 =	vshll.u32 v42, $0x7;
	v58 =	vand.u32 $0x3F, v46;
	[tilespmem:v41+s26+$0x0] =	vst.idx.msk $0xffff, v32  }
0xb2: {  	v31 =	vor.u32 v9, v31;
	v47 =	vor.u32 v58, v17;
	v40 =	vld.idx.msk [tilespmem:v40+s13+$0x0], $0xffff;
	[tilespmem:v44+s26+$0x0] =	vst.idx.msk $0xffff, v36  }
0xb3: {  	v55 =	vadd.s32 s6, v11;
	v42 =	vor.u32 v9, v57;
	v41 =	vand.u32 $0x3F, v56;
	v30 =	vld.idx.msk [tilespmem:v30+s13+$0x0], $0xffff;
	[tilespmem:v28+s26+$0x0] =	vst.idx.msk $0xffff, v37  }
0xb4: {  	v60 =	vadd.s32 s15, v14;
	v59 =	vor.u32 v41, v22;
	v28 =	vshll.u32 v52, $0x7;
	v33 =	vld.idx.msk [tilespmem:v51+s13+$0x0], $0xffff;
	[tilespmem:v29+s26+$0x0] =	vst.idx.msk $0xffff, v38  }
0xb5: {  	v61 =	vshll.u32 v58, $0x7;
	v28 =	vor.u32 v13, v28;
	v29 =	vand.u32 $0x3F, v60;
	v38 =	vld.idx.msk [tilespmem:v54+s13+$0x0], $0xffff  }
0xb6: {  	v62 =	vshll.u32 v53, $0x7;
	v63 =	vadd.s32 s3, v11;
	v48 =	vor.u32 v29, v17  }
0xb7: {  	v32 =	vor.u32 v14, v61;
	v36 =	vand.u32 $0x3F, v55;
	v44 =	vor.u32 v10, v62;
	[tilespmem:v31+s26+$0x0] =	vst.idx.msk $0xffff, v40  }
0xb8: {  	v35 =	vor.u32 v36, v23;
	v31 =	vadd.s32 s16, v15;
	v43 =	vld.idx.msk [tilespmem:v45+s13+$0x0], $0xffff;
	[tilespmem:v42+s26+$0x0] =	vst.idx.msk $0xffff, v30;
	v30 =	vshll.u32 v41, $0x7  }
0xb9: {  	v40 =	vand.u32 $0x3F, v63;
	v37 =	vand.u32 $0x3F, v31;
	v41 =	vor.u32 v10, v30;
	v39 =	vld.idx.msk [tilespmem:v59+s13+$0x0], $0xffff;
	[tilespmem:v34+s26+$0x0] =	vst.idx.msk $0xffff, v33  }
0xba: {  	v31 =	vshll.u32 v29, $0x7;
	v42 =	vor.u32 v40, v23;
	v30 =	vadd.s32 s15, v15;
	v33 =	vld.idx.msk [tilespmem:v47+s13+$0x0], $0xffff;
	[tilespmem:v28+s26+$0x0] =	vst.idx.msk $0xffff, v38  }
0xbb: {  	v34 =	vor.u32 v37, v16;
	v28 =	vand.u32 $0x3F, v30;
	v30 =	vor.u32 v14, v31;
	v29 =	vld.idx.msk [tilespmem:v48+s13+$0x0], $0xffff  }
0xbc: {  	s18 =	simm.s32 $0x6;
	s16 =	simm.s32 $0x5;
	s15 =	sshll.u32 s10, $0x2;
	v38 =	vand.u32 $0x3F, v49;
	v31 =	vor.u32 v28, v16  }
.LBB2_3:
0xbd: {  	p1 =	slt.u32 s18, $0x3E;
	v45 =	vor.u32 v38, v20;
	v46 =	vadd.s32 s16, v0;
	[tilespmem:v44+s26+$0x0] =	vst.idx.msk $0xffff, v43;
	v36 =	vshll.u32 v36, $0x7  }
0xbe: {  	v43 =	vadd.s32 s7, v9;
	v44 =	vand.u32 $0x3F, v46;
	v35 =	vld.idx.msk [tilespmem:v35+s13+$0x0], $0xffff;
	v36 =	vor.u32 v11, v36;
	[tilespmem:v41+s26+$0x0] =	vst.idx.msk $0xffff, v39  }
0xbf: {  	v40 =	vshll.u32 v40, $0x7;
	v39 =	vor.u32 v44, v20;
	v41 =	vld.idx.msk [tilespmem:v42+s13+$0x0], $0xffff;
	[tilespmem:v32+s26+$0x0] =	vst.idx.msk $0xffff, v33;
	v32 =	vshll.u32 v37, $0x7  }
0xc0: {  	v33 =	vor.u32 v27, v19;
	v37 =	vor.u32 v11, v40;
	v34 =	vld.idx.msk [tilespmem:v34+s13+$0x0], $0xffff;
	[tilespmem:v30+s26+$0x0] =	vst.idx.msk $0xffff, v29  }
0xc1: {  	v42 =	vshll.u32 v28, $0x7;
	v29 =	vor.u32 v25, v19;
	v30 =	vor.u32 v15, v32;
	v25 =	vmovc v44;
	v31 =	vld.idx.msk [tilespmem:v31+s13+$0x0], $0xffff  }
0xc2: {  	v28 =	vand.u32 $0x3F, v43;
	v27 =	vmovc v38;
	v32 =	vadd.s32 s6, v13;
	v40 =	vor.u32 v15, v42  }
0xc3: {  	v43 =	vor.u32 v12, v26;
	v42 =	vor.u32 v28, v21;
	v26 =	vshll.u32 v27, $0x7;
	v38 =	vld.idx.msk [tilespmem:v45+s13+$0x0], $0xffff  }
0xc4: {  	v46 =	vadd.s32 s16, v9;
	v44 =	vor.u32 v0, v26;
	v45 =	vshll.u32 v25, $0x7;
	v39 =	vld.idx.msk [tilespmem:v39+s13+$0x0], $0xffff;
	[tilespmem:v36+s26+$0x0] =	vst.idx.msk $0xffff, v35  }
0xc5: {  	v46 =	vand.u32 $0x3F, v46;
	v35 =	vadd.s32 s7, v10;
	v36 =	vor.u32 v0, v45;
	v33 =	vld.idx.msk [tilespmem:v33+s13+$0x0], $0xffff;
	[tilespmem:v37+s26+$0x0] =	vst.idx.msk $0xffff, v41  }
0xc6: {  	v32 =	vand.u32 $0x3F, v32;
	v37 =	vor.u32 v46, v21;
	v41 =	vadd.s32 s3, v13;
	v29 =	vld.idx.msk [tilespmem:v29+s13+$0x0], $0xffff;
	[tilespmem:v30+s26+$0x0] =	vst.idx.msk $0xffff, v34  }
0xc7: {  	v30 =	vor.u32 v32, v18;
	v34 =	vor.u32 v12, v24;
	v41 =	vand.u32 $0x3F, v41;
	[tilespmem:v40+s26+$0x0] =	vst.idx.msk $0xffff, v31  }
0xc8: {  	v24 =	vmov v45;
	v31 =	vand.u32 $0x3F, v35;
	v35 =	vor.u32 v41, v18  }
0xc9: {  	v32 =	vshll.u32 v32, $0x7;
	v40 =	vadd.s32 s6, v14;
	[tilespmem:v44+s26+$0x0] =	vst.idx.msk $0xffff, v38;
	v38 =	vor.u32 v31, v22  }
0xca: {  	v28 =	vshll.u32 v28, $0x7;
	v45 =	vor.u32 v13, v32;
	v44 =	vadd.s32 s7, v11;
	v42 =	vld.idx.msk [tilespmem:v42+s13+$0x0], $0xffff;
	[tilespmem:v36+s26+$0x0] =	vst.idx.msk $0xffff, v39  }
0xcb: {  	v28 =	vor.u32 v9, v28;
	v36 =	vshll.u32 v46, $0x7;
	v32 =	vld.idx.msk [tilespmem:v37+s13+$0x0], $0xffff;
	v37 =	vadd.s32 s16, v10;
	[tilespmem:v43+s26+$0x0] =	vst.idx.msk $0xffff, v33  }
0xcc: {  	v39 =	vand.u32 $0x3F, v40;
	v33 =	vor.u32 v9, v36;
	v37 =	vand.u32 $0x3F, v37;
	v30 =	vld.idx.msk [tilespmem:v30+s13+$0x0], $0xffff;
	[tilespmem:v34+s26+$0x0] =	vst.idx.msk $0xffff, v29  }
0xcd: {  	v36 =	vadd.s32 s3, v14;
	v29 =	vor.u32 v37, v22;
	v34 =	vld.idx.msk [tilespmem:v35+s13+$0x0], $0xffff;
	v35 =	vshll.u32 v41, $0x7  }
0xce: {  	v46 =	vor.u32 v39, v17;
	v48 =	vand.u32 $0x3F, v36;
	v47 =	vor.u32 v13, v35  }
0xcf: {  	v36 =	vand.u32 $0x3F, v44;
	v49 =	vor.u32 v48, v17  }
0xd0: {  	v35 =	vor.u32 v36, v23;
	[tilespmem:v28+s26+$0x0] =	vst.idx.msk $0xffff, v42;
	v28 =	vshll.u32 v39, $0x7;
	v42 =	vadd.s32 s6, v15;
	s6 =	smov.u32 s7;
	s7 =	smov.u32 s18  }
0xd1: {  	v50 =	vadd.s32 s18, v0;
	v31 =	vshll.u32 v31, $0x7;
	v43 =	vld.idx.msk [tilespmem:v38+s13+$0x0], $0xffff;
	[tilespmem:v33+s26+$0x0] =	vst.idx.msk $0xffff, v32;
	v32 =	vor.u32 v14, v28  }
.Ltmp2:
0xd2: {  	v44 =	vor.u32 v10, v31;
	v28 =	vshll.u32 v37, $0x7;
	v39 =	vld.idx.msk [tilespmem:v29+s13+$0x0], $0xffff;
	v29 =	vadd.s32 s16, v11;
	[tilespmem:v45+s26+$0x0] =	vst.idx.msk $0xffff, v30;
	(pc) =	sbr.rel @p1 .LBB2_3-.Ltmp2, $4  }
0xd3: {  	v37 =	vand.u32 $0x3F, v42;
	v41 =	vor.u32 v10, v28;
	v40 =	vand.u32 $0x3F, v29;
	v33 =	vld.idx.msk [tilespmem:v46+s13+$0x0], $0xffff;
	[tilespmem:v47+s26+$0x0] =	vst.idx.msk $0xffff, v34  }
0xd4: {  	v31 =	vadd.s32 s3, v15;
	s3 =	smov.u32 s16;
	v28 =	vshll.u32 v48, $0x7;
	v42 =	vor.u32 v40, v23;
	v29 =	vld.idx.msk [tilespmem:v49+s13+$0x0], $0xffff  }
0xd5: {  	v34 =	vor.u32 v37, v16;
	v30 =	vor.u32 v14, v28;
	v28 =	vand.u32 $0x3F, v31  }
0xd6: {  	s18 =	sadd.s32 $0x2, s18;
	v38 =	vand.u32 $0x3F, v50;
	s16 =	sadd.s32 $0x1, s7;
	v31 =	vor.u32 v28, v16  }
0xd7: {  	v45 =	vadd.s32 s16, v0  }
0xd8: {  	v46 =	vor.u32 v38, v20;
	v45 =	vand.u32 $0x3F, v45  }
0xd9: {  	v20 =	vor.u32 v45, v20;
	_ =	sdelay $0x2  }
0xda: {  	v47 =	vadd.s32 s7, v9;
	v48 =	vshll.u32 v38, $0x7;
	v51 =	vadd.s32 s16, v9  }
0xdb: {  	v47 =	vand.u32 $0x3F, v47;
	v49 =	vor.u32 v0, v48;
	v50 =	vshll.u32 v45, $0x7;
	v46 =	vld.idx.msk [tilespmem:v46+s13+$0x0], $0xffff  }
0xdc: {  	v51 =	vand.u32 $0x3F, v51;
	v52 =	vor.u32 v47, v21;
	v53 =	vor.u32 v0, v50;
	v20 =	vld.idx.msk [tilespmem:v20+s13+$0x0], $0xffff  }
0xdd: {  	v21 =	vor.u32 v51, v21;
	_ =	sdelay $0x2  }
0xde: {  	v54 =	vadd.s32 s7, v10;
	v62 =	vadd.s32 s16, v10;
	v47 =	vshll.u32 v47, $0x7;
	[tilespmem:v49+s26+$0x0] =	vst.idx.msk $0xffff, v46  }
0xdf: {  	v60 =	vand.u32 $0x3F, v54;
	v61 =	vshll.u32 v51, $0x7;
	v49 =	vld.idx.msk [tilespmem:v52+s13+$0x0], $0xffff;
	[tilespmem:v53+s26+$0x0] =	vst.idx.msk $0xffff, v20;
	v20 =	vor.u32 v9, v47  }
0xe0: {  	v63 =	vor.u32 v60, v22;
	v51 =	vand.u32 $0x3F, v62;
	v47 =	vor.u32 v9, v61;
	v21 =	vld.idx.msk [tilespmem:v21+s13+$0x0], $0xffff  }
0xe1: {  	v22 =	vor.u32 v51, v22;
	_ =	sdelay $0x1  }
0xe2: {  	v36 =	vshll.u32 v36, $0x7;
	[tilespmem:v44+s26+$0x0] =	vst.idx.msk $0xffff, v43;
	v55 =	vadd.s32 s7, v11  }
0xe3: {  	v36 =	vor.u32 v11, v36;
	v56 =	vand.u32 $0x3F, v55;
	v57 =	vshll.u32 v60, $0x7;
	[tilespmem:v20+s26+$0x0] =	vst.idx.msk $0xffff, v49;
	v20 =	vld.idx.msk [tilespmem:v35+s13+$0x0], $0xffff  }
0xe4: {  	v60 =	vadd.s32 s16, v11;
	v59 =	vshll.u32 v51, $0x7;
	v58 =	vld.idx.msk [tilespmem:v63+s13+$0x0], $0xffff;
	[tilespmem:v47+s26+$0x0] =	vst.idx.msk $0xffff, v21;
	v21 =	vor.u32 v10, v57  }
0xe5: {  	v43 =	vor.u32 v10, v59;
	v46 =	vand.u32 $0x3F, v60;
	v61 =	vor.u32 v56, v23;
	v22 =	vld.idx.msk [tilespmem:v22+s13+$0x0], $0xffff  }
0xe6: {  	v27 =	vor.u32 v27, v19;
	v23 =	vor.u32 v46, v23  }
0xe7: {  	[tilespmem:v41+s26+$0x0] =	vst.idx.msk $0xffff, v39;
	v25 =	vor.u32 v25, v19;
	v26 =	vor.u32 v12, v26  }
0xe8: {  	v24 =	vor.u32 v12, v24;
	v62 =	vshll.u32 v40, $0x7;
	v55 =	vor.u32 v12, v50;
	[tilespmem:v36+s26+$0x0] =	vst.idx.msk $0xffff, v20  }
0xe9: {  	v28 =	vshll.u32 v28, $0x7;
	v63 =	vor.u32 v11, v62;
	v20 =	vld.idx.msk [tilespmem:v42+s13+$0x0], $0xffff;
	[tilespmem:v21+s26+$0x0] =	vst.idx.msk $0xffff, v58;
	v21 =	vshll.u32 v56, $0x7  }
0xea: {  	v60 =	vadd.s32 s6, v15;
	v44 =	vld.idx.msk [tilespmem:v61+s13+$0x0], $0xffff;
	v21 =	vor.u32 v11, v21;
	[tilespmem:v43+s26+$0x0] =	vst.idx.msk $0xffff, v22;
	v22 =	vshll.u32 v46, $0x7  }
0xeb: {  	v52 =	vadd.s32 s6, v14;
	v47 =	vor.u32 v38, v19;
	v23 =	vld.idx.msk [tilespmem:v23+s13+$0x0], $0xffff;
	v22 =	vor.u32 v11, v22  }
0xec: {  	v53 =	vadd.s32 s7, v13;
	v49 =	vadd.s32 s3, v13;
	v19 =	vor.u32 v45, v19  }
0xed: {  	v35 =	vshll.u32 v37, $0x7;
	v51 =	vand.u32 $0x3F, v49;
	v46 =	vadd.s32 s6, v13  }
0xee: {  	v45 =	vadd.s32 s7, v15;
	v40 =	vor.u32 v51, v18;
	v27 =	vld.idx.msk [tilespmem:v27+s13+$0x0], $0xffff;
	v39 =	vand.u32 $0x3F, v46;
	[tilespmem:v63+s26+$0x0] =	vst.idx.msk $0xffff, v20  }
0xef: {  	v36 =	vshll.u32 v51, $0x7;
	v56 =	vadd.s32 s3, v14;
	v20 =	vor.u32 v39, v18;
	v25 =	vld.idx.msk [tilespmem:v25+s13+$0x0], $0xffff;
	[tilespmem:v21+s26+$0x0] =	vst.idx.msk $0xffff, v44  }
0xf0: {  	v21 =	vor.u32 v12, v48;
	v37 =	vld.idx.msk [tilespmem:v47+s13+$0x0], $0xffff;
	[tilespmem:v22+s26+$0x0] =	vst.idx.msk $0xffff, v23;
	v22 =	vand.u32 $0x3F, v53;
	v23 =	vadd.s32 s16, v13  }
0xf1: {  	v61 =	vadd.s32 s7, v14;
	v19 =	vld.idx.msk [tilespmem:v19+s13+$0x0], $0xffff;
	v54 =	vor.u32 v22, v18;
	v23 =	vand.u32 $0x3F, v23  }
0xf2: {  	[tilespmem:v32+s26+$0x0] =	vst.idx.msk $0xffff, v33;
	v57 =	vand.u32 $0x3F, v56;
	v62 =	vand.u32 $0x3F, v61;
	v18 =	vor.u32 v23, v18  }
0xf3: {  	v59 =	vor.u32 v57, v17;
	v43 =	vshll.u32 v62, $0x7;
	v39 =	vshll.u32 v39, $0x7;
	[tilespmem:v26+s26+$0x0] =	vst.idx.msk $0xffff, v27  }
0xf4: {  	v26 =	vor.u32 v13, v39;
	v27 =	vand.u32 $0x3F, v52;
	v22 =	vshll.u32 v22, $0x7;
	v20 =	vld.idx.msk [tilespmem:v20+s13+$0x0], $0xffff;
	[tilespmem:v24+s26+$0x0] =	vst.idx.msk $0xffff, v25  }
0xf5: {  	v24 =	vor.u32 v27, v17;
	v25 =	vor.u32 v13, v36;
	v58 =	vld.idx.msk [tilespmem:v40+s13+$0x0], $0xffff;
	[tilespmem:v21+s26+$0x0] =	vst.idx.msk $0xffff, v37  }
0xf6: {  	v22 =	vor.u32 v13, v22;
	v21 =	vld.idx.msk [tilespmem:v54+s13+$0x0], $0xffff;
	[tilespmem:v55+s26+$0x0] =	vst.idx.msk $0xffff, v19;
	v19 =	vshll.u32 v23, $0x7;
	v23 =	vadd.s32 s16, v14  }
0xf7: {  	v63 =	vor.u32 v62, v17;
	v18 =	vld.idx.msk [tilespmem:v18+s13+$0x0], $0xffff;
	v19 =	vor.u32 v13, v19;
	v23 =	vand.u32 $0x3F, v23  }
0xf8: {  	[tilespmem:v30+s26+$0x0] =	vst.idx.msk $0xffff, v29;
	v27 =	vshll.u32 v27, $0x7;
	v36 =	vor.u32 v14, v43;
	v17 =	vor.u32 v23, v17  }
0xf9: {  	v27 =	vor.u32 v14, v27;
	[tilespmem:v26+s26+$0x0] =	vst.idx.msk $0xffff, v20;
	v20 =	vand.u32 $0x3F, v60;
	v26 =	vadd.s32 s3, v15  }
0xfa: {  	v24 =	vld.idx.msk [tilespmem:v24+s13+$0x0], $0xffff;
	v42 =	vor.u32 v20, v16;
	v26 =	vand.u32 $0x3F, v26;
	[tilespmem:v25+s26+$0x0] =	vst.idx.msk $0xffff, v58;
	v25 =	vshll.u32 v57, $0x7  }
0xfb: {  	v44 =	vor.u32 v26, v16;
	v33 =	vld.idx.msk [tilespmem:v59+s13+$0x0], $0xffff;
	v25 =	vor.u32 v14, v25;
	[tilespmem:v22+s26+$0x0] =	vst.idx.msk $0xffff, v21  }
0xfc: {  	v22 =	vand.u32 $0x3F, v45;
	v21 =	vld.idx.msk [tilespmem:v63+s13+$0x0], $0xffff;
	[tilespmem:v19+s26+$0x0] =	vst.idx.msk $0xffff, v18;
	v18 =	vshll.u32 v23, $0x7;
	v19 =	vadd.s32 s16, v15  }
0xfd: {  	v23 =	vor.u32 v22, v16;
	v17 =	vld.idx.msk [tilespmem:v17+s13+$0x0], $0xffff;
	v18 =	vor.u32 v14, v18;
	v19 =	vand.u32 $0x3F, v19  }
0xfe: {  	v28 =	vor.u32 v15, v28;
	v30 =	vld.idx.msk [tilespmem:v31+s13+$0x0], $0xffff;
	v16 =	vor.u32 v19, v16  }
0xff: {  	v34 =	vld.idx.msk [tilespmem:v34+s13+$0x0], $0xffff;
	v29 =	vor.u32 v15, v35;
	v20 =	vshll.u32 v20, $0x7;
	[tilespmem:v27+s26+$0x0] =	vst.idx.msk $0xffff, v24  }
0x100: {  	v20 =	vor.u32 v15, v20;
	v24 =	vld.idx.msk [tilespmem:v42+s13+$0x0], $0xffff;
	[tilespmem:v25+s26+$0x0] =	vst.idx.msk $0xffff, v33;
	v25 =	vshll.u32 v26, $0x7  }
0x101: {  	v26 =	vld.idx.msk [tilespmem:v44+s13+$0x0], $0xffff;
	v25 =	vor.u32 v15, v25;
	[tilespmem:v36+s26+$0x0] =	vst.idx.msk $0xffff, v21;
	v21 =	vshll.u32 v22, $0x7  }
0x102: {  	v22 =	vld.idx.msk [tilespmem:v23+s13+$0x0], $0xffff;
	[tilespmem:v18+s26+$0x0] =	vst.idx.msk $0xffff, v17;
	v17 =	vor.u32 v15, v21;
	v18 =	vshll.u32 v19, $0x7  }
0x103: {  	[tilespmem:v28+s26+$0x0] =	vst.idx.msk $0xffff, v30;
	v16 =	vld.idx.msk [tilespmem:v16+s13+$0x0], $0xffff;
	v18 =	vor.u32 v15, v18  }
0x104: {  	[tilespmem:v29+s26+$0x0] =	vst.idx.msk $0xffff, v34  }
0x105: {  	s18 =	sshll.u32 s10, $0x14;
	[tilespmem:v20+s26+$0x0] =	vst.idx.msk $0xffff, v24  }
0x106: {  	s3 =	sor.u32 s4, s18;
	[tilespmem:v25+s26+$0x0] =	vst.idx.msk $0xffff, v26  }
0x107: {  	s3 =	sshrl.u32 s3, $0x3;
	[tilespmem:v17+s26+$0x0] =	vst.idx.msk $0xffff, v22  }
0x108: {  	p1 =	seq.s32 s10, $0x31;
	s3 =	sadd.s32 s1, s3;
	[tilespmem:v18+s26+$0x0] =	vst.idx.msk $0xffff, v16  }
0x109: {  	[hbm4b:s3+s8] =	stream.strided.scatter [tilespmem:s26], [sflag:$0x5], $0x2000, s9, s8, $0x38;
	[tilespmem:$0x1E600] =	vst v63  }
0x10a: {  	v16 =	vld @!p1 [tilespmem:s14+$0x200];
	_ =	sdelay $0x4  }
0x10b: {  	v16 =	vshrl.u32 @!p1 v16, $0x1  }
0x10c: {  	[tilespmem:$0x6400] =	vst @!p1 v16  }
0x10d: {  	v16 =	vld @!p1 [tilespmem:s14+$0x210];
	_ =	sdelay $0x4  }
0x10e: {  	v16 =	vshrl.u32 @!p1 v16, $0x1  }
0x10f: {  	[tilespmem:$0x6410] =	vst @!p1 v16  }
0x110: {  	v16 =	vld @!p1 [tilespmem:s14+$0x220];
	_ =	sdelay $0x4  }
0x111: {  	v16 =	vshrl.u32 @!p1 v16, $0x1  }
0x112: {  	[tilespmem:$0x6420] =	vst @!p1 v16  }
0x113: {  	v16 =	vld @!p1 [tilespmem:s14+$0x230];
	_ =	sdelay $0x4  }
0x114: {  	v16 =	vshrl.u32 @!p1 v16, $0x1  }
0x115: {  	[tilespmem:$0x6430] =	vst @!p1 v16  }
0x116: {  	v16 =	vld @!p1 [tilespmem:s14+$0x240];
	_ =	sdelay $0x4  }
0x117: {  	v16 =	vshrl.u32 @!p1 v16, $0x1  }
0x118: {  	[tilespmem:$0x6440] =	vst @!p1 v16  }
0x119: {  	v16 =	vld @!p1 [tilespmem:s14+$0x250];
	_ =	sdelay $0x4  }
0x11a: {  	v16 =	vshrl.u32 @!p1 v16, $0x1  }
0x11b: {  	[tilespmem:$0x6450] =	vst @!p1 v16  }
0x11c: {  	v16 =	vld @!p1 [tilespmem:s14+$0x260];
	_ =	sdelay $0x4  }
0x11d: {  	v16 =	vshrl.u32 @!p1 v16, $0x1  }
0x11e: {  	[tilespmem:$0x6460] =	vst @!p1 v16  }
0x11f: {  	v16 =	vld @!p1 [tilespmem:s14+$0x270];
	_ =	sdelay $0x4  }
0x120: {  	v16 =	vshrl.u32 @!p1 v16, $0x1  }
0x121: {  	s6 =	simm.s32 @!p1 $0x6400;
	s7 =	simm.s32 @!p1 $0x6600;
	s3 =	simm.s32 @!p1 $0x20;
	[tilespmem:$0x6470] =	vst @!p1 v16  }
0x122: {  	[tilespmem:s7], [sflag:$0x1] =	stream.indirect.gather @!p1 [hbm4b:s5+s3], $0x80, s6, s3, $0xb8;
	[tilespmem:$0x1E600] =	vst v63  }
0x123: {  	s6 =	simm.s32 @!p1 $0x6420;
	s7 =	simm.s32 @!p1 $0x7600  }
0x124: {  	[tilespmem:s7], [sflag:$0x1] =	stream.indirect.gather @!p1 [hbm4b:s5+s3], $0x80, s6, s3, $0xb8;
	[tilespmem:$0x1E600] =	vst v63  }
0x125: {  	s6 =	simm.s32 @!p1 $0x6440;
	s7 =	simm.s32 @!p1 $0x8600  }
0x126: {  	[tilespmem:s7], [sflag:$0x1] =	stream.indirect.gather @!p1 [hbm4b:s5+s3], $0x80, s6, s3, $0xb8;
	[tilespmem:$0x1E600] =	vst v63  }
0x127: {  	s6 =	simm.s32 @!p1 $0x6460;
	s7 =	simm.s32 @!p1 $0x9600  }
0x128: {  	[tilespmem:s7], [sflag:$0x1] =	stream.indirect.gather @!p1 [hbm4b:s5+s3], $0x80, s6, s3, $0xb8;
	[tilespmem:$0x1E600] =	vst v63  }
0x129: {  	_ =	swait.ge [sflag:s28], $0x1000  }
0x12a: {  	[sflag:s28] =	ssyncset.done $0x0  }
0x12b: {  	[sflag:s28] =	ssyncadd.s32 $0xFFFFF000  }
0x12c: {  	_ =	swait.ge [sflag:s28], $0x1000  }
0x12d: {  	[sflag:s28] =	ssyncset.done $0x0  }
0x12e: {  	[sflag:s28] =	ssyncadd.s32 $0xFFFFF000  }
0x12f: {  	_ =	swait.ge [sflag:s28], $0x1000  }
0x130: {  	[sflag:s28] =	ssyncset.done $0x0  }
0x131: {  	[sflag:s28] =	ssyncadd.s32 $0xFFFFF000  }
0x132: {  	_ =	swait.ge [sflag:s28], $0x1000  }
0x133: {  	[sflag:s28] =	ssyncset.done $0x0  }
0x134: {  	s6 =	simm.s32 @!p0 $0x6;
	[sflag:s28] =	ssyncadd.s32 $0xFFFFF000  }
0x135: {  	s3 =	sor.u32 $0x1, s15;
	_ =	swait.ge @!p0 [sflag:s6], $0x2000  }
0x136: {  	s19 =	sshll.u32 s3, $0x7;
	[sflag:s6] =	ssyncset.done @!p0 $0x0  }
0x137: {  	s16 =	sand.u32 $0x3FFFFF80, s19;
	[sflag:s6] =	ssyncadd.s32 @!p0 $0xFFFFE000  }
0x138: {  	v16 =	vld [tilespmem:s16+$0x0];
	_ =	sdelay $0x4  }
0x139: {  	s19 =	simm.s32 $0x0;
	v17 =	vld [tilespmem:s16+$0x10];
	v16 =	vshll.u32 v16, $0x6  }
0x13a: {  	s18 =	simm.s32 $0x1;
	v18 =	vadd.s32 s19, v0;
	v16 =	vand.u32 $0x40, v16  }
0x13b: {  	v24 =	vand.u32 $0x3F, v18;
	v20 =	vor.u32 v1, v16;
	v16 =	vadd.s32 s18, v0  }
0x13c: {  	v19 =	vld [tilespmem:s16+$0x20];
	v18 =	vor.u32 v24, v20;
	v26 =	vand.u32 $0x3F, v16  }
0x13d: {  	v22 =	vld [tilespmem:s16+$0x30];
	v16 =	vor.u32 v26, v20  }
0x13e: {  	v27 =	vadd.s32 s18, v9;
	v25 =	vld [tilespmem:s16+$0x40];
	v17 =	vshll.u32 v17, $0x6  }
0x13f: {  	v27 =	vand.u32 $0x3F, v27;
	v48 =	vld [tilespmem:s16+$0x60];
	v17 =	vand.u32 $0x40, v17  }
0x140: {  	v23 =	vadd.s32 s19, v9;
	v28 =	vshll.u32 v24, $0x7;
	v50 =	vld [tilespmem:s16+$0x70];
	v21 =	vor.u32 v2, v17  }
0x141: {  	v17 =	vand.u32 $0x3F, v23;
	v23 =	vor.u32 v0, v28;
	v29 =	vshll.u32 v26, $0x7;
	v18 =	vld.idx.msk [tilespmem:v18+s21+$0x0], $0xffff  }
0x142: {  	v51 =	vadd.s32 s19, v10;
	s6 =	simm.s32 $0x3;
	v30 =	vor.u32 v17, v21;
	v31 =	vor.u32 v0, v29;
	v16 =	vld.idx.msk [tilespmem:v16+s21+$0x0], $0xffff  }
0x143: {  	v37 =	vand.u32 $0x3F, v51;
	v61 =	vadd.s32 s6, v0;
	v47 =	vor.u32 v27, v21  }
0x144: {  	v19 =	vshll.u32 v19, $0x6;
	v49 =	vshll.u32 v22, $0x6;
	v25 =	vshll.u32 v25, $0x6  }
0x145: {  	v53 =	vshll.u32 v48, $0x6;
	v54 =	vshll.u32 v50, $0x6;
	v48 =	vadd.s32 s19, v13  }
0x146: {  	v46 =	vld [tilespmem:s16+$0x50];
	v19 =	vand.u32 $0x40, v19;
	v25 =	vand.u32 $0x40, v25;
	v17 =	vshll.u32 v17, $0x7;
	[tilespmem:v23+s29+$0x0] =	vst.idx.msk $0xffff, v18  }
0x147: {  	v32 =	vand.u32 $0x40, v53;
	v18 =	vld.idx.msk [tilespmem:v30+s21+$0x0], $0xffff;
	[tilespmem:v31+s29+$0x0] =	vst.idx.msk $0xffff, v16;
	v16 =	vor.u32 v9, v17;
	v17 =	vshll.u32 v27, $0x7  }
0x148: {  	v22 =	vor.u32 v3, v19;
	v19 =	vadd.s32 s18, v10;
	v30 =	vld.idx.msk [tilespmem:v47+s21+$0x0], $0xffff;
	v17 =	vor.u32 v9, v17  }
0x149: {  	v34 =	vand.u32 $0x40, v54;
	v27 =	vor.u32 v37, v22;
	v31 =	vand.u32 $0x3F, v19  }
0x14a: {  	v54 =	vadd.s32 s6, v9;
	v28 =	vor.u32 v12, v28;
	v52 =	vor.u32 v31, v22  }
0x14b: {  	v42 =	vand.u32 $0x3F, v54;
	v23 =	vshll.u32 v46, $0x6;
	v19 =	vand.u32 $0x40, v49  }
0x14c: {  	v55 =	vand.u32 $0x40, v23;
	v23 =	vor.u32 v4, v19;
	[tilespmem:v16+s29+$0x0] =	vst.idx.msk $0xffff, v18;
	v16 =	vshll.u32 v37, $0x7  }
0x14d: {  	v19 =	vor.u32 v5, v25;
	v18 =	vadd.s32 s19, v11;
	[tilespmem:v17+s29+$0x0] =	vst.idx.msk $0xffff, v30;
	v30 =	vor.u32 v10, v16  }
0x14e: {  	v25 =	vld.idx.msk [tilespmem:v27+s21+$0x0], $0xffff;
	v16 =	vshll.u32 v31, $0x7;
	v31 =	vand.u32 $0x3F, v18;
	v17 =	vadd.s32 s18, v11  }
0x14f: {  	v33 =	vld.idx.msk [tilespmem:v52+s21+$0x0], $0xffff;
	v56 =	vor.u32 v10, v16;
	v57 =	vor.u32 v31, v23;
	v58 =	vand.u32 $0x3F, v17  }
0x150: {  	s7 =	simm.s32 $0x2;
	v29 =	vor.u32 v12, v29;
	v51 =	vor.u32 v24, v19;
	v59 =	vor.u32 v58, v23  }
0x151: {  	v18 =	vor.u32 v6, v55;
	v55 =	vadd.s32 s7, v10;
	v16 =	vadd.s32 s7, v0  }
0x152: {  	v17 =	vor.u32 v7, v32;
	v27 =	vand.u32 $0x3F, v16;
	v62 =	vshll.u32 v58, $0x7  }
0x153: {  	v60 =	vor.u32 v27, v20;
	[tilespmem:v30+s29+$0x0] =	vst.idx.msk $0xffff, v25;
	v30 =	vshll.u32 v31, $0x7;
	v25 =	vand.u32 $0x3F, v61  }
0x154: {  	v30 =	vor.u32 v11, v30;
	[tilespmem:v56+s29+$0x0] =	vst.idx.msk $0xffff, v33;
	v63 =	vld.idx.msk [tilespmem:v57+s21+$0x0], $0xffff;
	v50 =	vor.u32 v25, v20  }
0x155: {  	v52 =	vor.u32 v26, v19;
	v26 =	vshll.u32 v27, $0x7;
	v33 =	vor.u32 v11, v62;
	v35 =	vld.idx.msk [tilespmem:v59+s21+$0x0], $0xffff  }
0x156: {  	v16 =	vor.u32 v8, v34;
	v58 =	vadd.s32 s18, v13;
	v53 =	vor.u32 v0, v26  }
0x157: {  	v31 =	vadd.s32 s7, v9;
	v61 =	vand.u32 $0x3F, v55;
	v55 =	vadd.s32 s18, v14  }
0x158: {  	v31 =	vand.u32 $0x3F, v31;
	v24 =	vshll.u32 v25, $0x7;
	v57 =	vand.u32 $0x3F, v48;
	v32 =	vld.idx.msk [tilespmem:v60+s21+$0x0], $0xffff  }
0x159: {  	v49 =	vor.u32 v31, v21;
	v56 =	vor.u32 v0, v24;
	[tilespmem:v30+s29+$0x0] =	vst.idx.msk $0xffff, v63;
	v36 =	vld.idx.msk [tilespmem:v50+s21+$0x0], $0xffff  }
0x15a: {  	v59 =	vor.u32 v57, v18;
	v30 =	vor.u32 v42, v21;
	[tilespmem:v33+s29+$0x0] =	vst.idx.msk $0xffff, v35;
	v37 =	vld.idx.msk [tilespmem:v51+s21+$0x0], $0xffff  }
0x15b: {  	v34 =	vshll.u32 v57, $0x7;
	v31 =	vshll.u32 v31, $0x7;
	v60 =	vand.u32 $0x3F, v58;
	v38 =	vld.idx.msk [tilespmem:v52+s21+$0x0], $0xffff  }
0x15c: {  	v34 =	vor.u32 v13, v34;
	v31 =	vor.u32 v9, v31;
	v62 =	vor.u32 v60, v18  }
0x15d: {  	v63 =	vor.u32 v61, v22;
	v42 =	vshll.u32 v42, $0x7;
	[tilespmem:v53+s29+$0x0] =	vst.idx.msk $0xffff, v32;
	v52 =	vadd.s32 s6, v10  }
0x15e: {  	v50 =	vadd.s32 s19, v14;
	v42 =	vor.u32 v9, v42;
	v40 =	vld.idx.msk [tilespmem:v49+s21+$0x0], $0xffff;
	v41 =	vand.u32 $0x3F, v52;
	[tilespmem:v56+s29+$0x0] =	vst.idx.msk $0xffff, v36  }
0x15f: {  	v61 =	vshll.u32 v61, $0x7;
	v53 =	vand.u32 $0x3F, v50;
	v54 =	vor.u32 v41, v22;
	v30 =	vld.idx.msk [tilespmem:v30+s21+$0x0], $0xffff;
	[tilespmem:v28+s29+$0x0] =	vst.idx.msk $0xffff, v37  }
0x160: {  	v51 =	vadd.s32 s7, v11;
	v56 =	vor.u32 v53, v17;
	v28 =	vshll.u32 v60, $0x7;
	v33 =	vld.idx.msk [tilespmem:v59+s21+$0x0], $0xffff;
	[tilespmem:v29+s29+$0x0] =	vst.idx.msk $0xffff, v38  }
0x161: {  	v36 =	vand.u32 $0x3F, v51;
	v28 =	vor.u32 v13, v28;
	v29 =	vand.u32 $0x3F, v55;
	v57 =	vld.idx.msk [tilespmem:v62+s21+$0x0], $0xffff  }
0x162: {  	s16 =	simm.s32 $0x4;
	v44 =	vor.u32 v10, v61;
	v35 =	vor.u32 v36, v23;
	v58 =	vor.u32 v29, v17  }
0x163: {  	v60 =	vadd.s32 s16, v0;
	v59 =	vshll.u32 v53, $0x7;
	[tilespmem:v31+s29+$0x0] =	vst.idx.msk $0xffff, v40;
	v31 =	vadd.s32 s19, v15  }
0x164: {  	v32 =	vor.u32 v14, v59;
	v62 =	vshll.u32 v41, $0x7;
	v43 =	vld.idx.msk [tilespmem:v63+s21+$0x0], $0xffff;
	v63 =	vadd.s32 s6, v11;
	[tilespmem:v42+s29+$0x0] =	vst.idx.msk $0xffff, v30  }
0x165: {  	v41 =	vor.u32 v10, v62;
	v38 =	vand.u32 $0x3F, v31;
	v40 =	vand.u32 $0x3F, v63;
	v39 =	vld.idx.msk [tilespmem:v54+s21+$0x0], $0xffff;
	[tilespmem:v34+s29+$0x0] =	vst.idx.msk $0xffff, v33  }
0x166: {  	v31 =	vshll.u32 v29, $0x7;
	v42 =	vor.u32 v40, v23;
	v30 =	vadd.s32 s18, v15;
	v33 =	vld.idx.msk [tilespmem:v56+s21+$0x0], $0xffff;
	[tilespmem:v28+s29+$0x0] =	vst.idx.msk $0xffff, v57  }
0x167: {  	v34 =	vor.u32 v38, v16;
	v28 =	vand.u32 $0x3F, v30;
	v30 =	vor.u32 v14, v31;
	v29 =	vld.idx.msk [tilespmem:v58+s21+$0x0], $0xffff  }
0x168: {  	v37 =	vand.u32 $0x3F, v60;
	s19 =	simm.s32 $0x6;
	s18 =	simm.s32 $0x5;
	v31 =	vor.u32 v28, v16  }
.LBB2_5:
0x169: {  	p2 =	slt.u32 s19, $0x3E;
	v45 =	vor.u32 v37, v20;
	v46 =	vadd.s32 s18, v0;
	[tilespmem:v44+s29+$0x0] =	vst.idx.msk $0xffff, v43;
	v36 =	vshll.u32 v36, $0x7  }
0x16a: {  	v43 =	vadd.s32 s16, v9;
	v44 =	vand.u32 $0x3F, v46;
	v35 =	vld.idx.msk [tilespmem:v35+s21+$0x0], $0xffff;
	v36 =	vor.u32 v11, v36;
	[tilespmem:v41+s29+$0x0] =	vst.idx.msk $0xffff, v39  }
0x16b: {  	v40 =	vshll.u32 v40, $0x7;
	v39 =	vor.u32 v44, v20;
	v41 =	vld.idx.msk [tilespmem:v42+s21+$0x0], $0xffff;
	[tilespmem:v32+s29+$0x0] =	vst.idx.msk $0xffff, v33;
	v32 =	vshll.u32 v38, $0x7  }
0x16c: {  	v33 =	vor.u32 v27, v19;
	v38 =	vor.u32 v11, v40;
	v34 =	vld.idx.msk [tilespmem:v34+s21+$0x0], $0xffff;
	[tilespmem:v30+s29+$0x0] =	vst.idx.msk $0xffff, v29  }
0x16d: {  	v42 =	vshll.u32 v28, $0x7;
	v29 =	vor.u32 v25, v19;
	v30 =	vor.u32 v15, v32;
	v25 =	vmovc v44;
	v31 =	vld.idx.msk [tilespmem:v31+s21+$0x0], $0xffff  }
0x16e: {  	v28 =	vand.u32 $0x3F, v43;
	v27 =	vmovc v37;
	v32 =	vadd.s32 s7, v13;
	v40 =	vor.u32 v15, v42  }
0x16f: {  	v43 =	vor.u32 v12, v26;
	v42 =	vor.u32 v28, v21;
	v26 =	vshll.u32 v27, $0x7;
	v37 =	vld.idx.msk [tilespmem:v45+s21+$0x0], $0xffff  }
0x170: {  	v46 =	vadd.s32 s18, v9;
	v44 =	vor.u32 v0, v26;
	v45 =	vshll.u32 v25, $0x7;
	v39 =	vld.idx.msk [tilespmem:v39+s21+$0x0], $0xffff;
	[tilespmem:v36+s29+$0x0] =	vst.idx.msk $0xffff, v35  }
0x171: {  	v46 =	vand.u32 $0x3F, v46;
	v35 =	vadd.s32 s16, v10;
	v36 =	vor.u32 v0, v45;
	v33 =	vld.idx.msk [tilespmem:v33+s21+$0x0], $0xffff;
	[tilespmem:v38+s29+$0x0] =	vst.idx.msk $0xffff, v41  }
0x172: {  	v32 =	vand.u32 $0x3F, v32;
	v38 =	vor.u32 v46, v21;
	v41 =	vadd.s32 s6, v13;
	v29 =	vld.idx.msk [tilespmem:v29+s21+$0x0], $0xffff;
	[tilespmem:v30+s29+$0x0] =	vst.idx.msk $0xffff, v34  }
0x173: {  	v30 =	vor.u32 v32, v18;
	v34 =	vor.u32 v12, v24;
	v41 =	vand.u32 $0x3F, v41;
	[tilespmem:v40+s29+$0x0] =	vst.idx.msk $0xffff, v31  }
0x174: {  	v24 =	vmov v45;
	v31 =	vand.u32 $0x3F, v35;
	v35 =	vor.u32 v41, v18  }
0x175: {  	v32 =	vshll.u32 v32, $0x7;
	v40 =	vadd.s32 s7, v14;
	[tilespmem:v44+s29+$0x0] =	vst.idx.msk $0xffff, v37;
	v37 =	vor.u32 v31, v22  }
0x176: {  	v28 =	vshll.u32 v28, $0x7;
	v45 =	vor.u32 v13, v32;
	v44 =	vadd.s32 s16, v11;
	v42 =	vld.idx.msk [tilespmem:v42+s21+$0x0], $0xffff;
	[tilespmem:v36+s29+$0x0] =	vst.idx.msk $0xffff, v39  }
0x177: {  	v28 =	vor.u32 v9, v28;
	v36 =	vshll.u32 v46, $0x7;
	v32 =	vld.idx.msk [tilespmem:v38+s21+$0x0], $0xffff;
	v38 =	vadd.s32 s18, v10;
	[tilespmem:v43+s29+$0x0] =	vst.idx.msk $0xffff, v33  }
0x178: {  	v39 =	vand.u32 $0x3F, v40;
	v33 =	vor.u32 v9, v36;
	v38 =	vand.u32 $0x3F, v38;
	v30 =	vld.idx.msk [tilespmem:v30+s21+$0x0], $0xffff;
	[tilespmem:v34+s29+$0x0] =	vst.idx.msk $0xffff, v29  }
0x179: {  	v36 =	vadd.s32 s6, v14;
	v29 =	vor.u32 v38, v22;
	v34 =	vld.idx.msk [tilespmem:v35+s21+$0x0], $0xffff;
	v35 =	vshll.u32 v41, $0x7  }
0x17a: {  	v46 =	vor.u32 v39, v17;
	v48 =	vand.u32 $0x3F, v36;
	v47 =	vor.u32 v13, v35  }
0x17b: {  	v36 =	vand.u32 $0x3F, v44;
	v49 =	vor.u32 v48, v17  }
0x17c: {  	v35 =	vor.u32 v36, v23;
	[tilespmem:v28+s29+$0x0] =	vst.idx.msk $0xffff, v42;
	v28 =	vshll.u32 v39, $0x7;
	v42 =	vadd.s32 s7, v15;
	s7 =	smov.u32 s16;
	s16 =	smov.u32 s19  }
0x17d: {  	v50 =	vadd.s32 s19, v0;
	v31 =	vshll.u32 v31, $0x7;
	v43 =	vld.idx.msk [tilespmem:v37+s21+$0x0], $0xffff;
	[tilespmem:v33+s29+$0x0] =	vst.idx.msk $0xffff, v32;
	v32 =	vor.u32 v14, v28  }
.Ltmp3:
0x17e: {  	v44 =	vor.u32 v10, v31;
	v28 =	vshll.u32 v38, $0x7;
	v39 =	vld.idx.msk [tilespmem:v29+s21+$0x0], $0xffff;
	v29 =	vadd.s32 s18, v11;
	[tilespmem:v45+s29+$0x0] =	vst.idx.msk $0xffff, v30;
	(pc) =	sbr.rel @p2 .LBB2_5-.Ltmp3, $4  }
0x17f: {  	v38 =	vand.u32 $0x3F, v42;
	v41 =	vor.u32 v10, v28;
	v40 =	vand.u32 $0x3F, v29;
	v33 =	vld.idx.msk [tilespmem:v46+s21+$0x0], $0xffff;
	[tilespmem:v47+s29+$0x0] =	vst.idx.msk $0xffff, v34  }
0x180: {  	v31 =	vadd.s32 s6, v15;
	s6 =	smov.u32 s18;
	v28 =	vshll.u32 v48, $0x7;
	v42 =	vor.u32 v40, v23;
	v29 =	vld.idx.msk [tilespmem:v49+s21+$0x0], $0xffff  }
0x181: {  	v34 =	vor.u32 v38, v16;
	v30 =	vor.u32 v14, v28;
	v28 =	vand.u32 $0x3F, v31  }
0x182: {  	s19 =	sadd.s32 $0x2, s19;
	v37 =	vand.u32 $0x3F, v50;
	s18 =	sadd.s32 $0x1, s16;
	v31 =	vor.u32 v28, v16  }
0x183: {  	v45 =	vadd.s32 s18, v0  }
0x184: {  	v46 =	vor.u32 v37, v20;
	v45 =	vand.u32 $0x3F, v45  }
0x185: {  	v20 =	vor.u32 v45, v20;
	_ =	sdelay $0x2  }
0x186: {  	v47 =	vadd.s32 s16, v9;
	v48 =	vshll.u32 v37, $0x7;
	v51 =	vadd.s32 s18, v9  }
0x187: {  	v47 =	vand.u32 $0x3F, v47;
	v49 =	vor.u32 v0, v48;
	v50 =	vshll.u32 v45, $0x7;
	v46 =	vld.idx.msk [tilespmem:v46+s21+$0x0], $0xffff  }
0x188: {  	v51 =	vand.u32 $0x3F, v51;
	v52 =	vor.u32 v47, v21;
	v53 =	vor.u32 v0, v50;
	v20 =	vld.idx.msk [tilespmem:v20+s21+$0x0], $0xffff  }
0x189: {  	v21 =	vor.u32 v51, v21;
	_ =	sdelay $0x2  }
0x18a: {  	v54 =	vadd.s32 s16, v10;
	v62 =	vadd.s32 s18, v10;
	v47 =	vshll.u32 v47, $0x7;
	[tilespmem:v49+s29+$0x0] =	vst.idx.msk $0xffff, v46  }
0x18b: {  	v60 =	vand.u32 $0x3F, v54;
	v61 =	vshll.u32 v51, $0x7;
	v49 =	vld.idx.msk [tilespmem:v52+s21+$0x0], $0xffff;
	[tilespmem:v53+s29+$0x0] =	vst.idx.msk $0xffff, v20;
	v20 =	vor.u32 v9, v47  }
0x18c: {  	v63 =	vor.u32 v60, v22;
	v51 =	vand.u32 $0x3F, v62;
	v47 =	vor.u32 v9, v61;
	v21 =	vld.idx.msk [tilespmem:v21+s21+$0x0], $0xffff  }
0x18d: {  	v22 =	vor.u32 v51, v22;
	_ =	sdelay $0x1  }
0x18e: {  	v36 =	vshll.u32 v36, $0x7;
	[tilespmem:v44+s29+$0x0] =	vst.idx.msk $0xffff, v43;
	v55 =	vadd.s32 s16, v11  }
0x18f: {  	v36 =	vor.u32 v11, v36;
	v56 =	vand.u32 $0x3F, v55;
	v57 =	vshll.u32 v60, $0x7;
	[tilespmem:v20+s29+$0x0] =	vst.idx.msk $0xffff, v49;
	v20 =	vld.idx.msk [tilespmem:v35+s21+$0x0], $0xffff  }
0x190: {  	v60 =	vadd.s32 s18, v11;
	v59 =	vshll.u32 v51, $0x7;
	v58 =	vld.idx.msk [tilespmem:v63+s21+$0x0], $0xffff;
	[tilespmem:v47+s29+$0x0] =	vst.idx.msk $0xffff, v21;
	v21 =	vor.u32 v10, v57  }
0x191: {  	v43 =	vor.u32 v10, v59;
	v46 =	vand.u32 $0x3F, v60;
	v61 =	vor.u32 v56, v23;
	v22 =	vld.idx.msk [tilespmem:v22+s21+$0x0], $0xffff  }
0x192: {  	v27 =	vor.u32 v27, v19;
	v23 =	vor.u32 v46, v23  }
0x193: {  	[tilespmem:v41+s29+$0x0] =	vst.idx.msk $0xffff, v39;
	v25 =	vor.u32 v25, v19;
	v26 =	vor.u32 v12, v26  }
0x194: {  	v24 =	vor.u32 v12, v24;
	v62 =	vshll.u32 v40, $0x7;
	v55 =	vor.u32 v12, v50;
	[tilespmem:v36+s29+$0x0] =	vst.idx.msk $0xffff, v20  }
0x195: {  	v63 =	vor.u32 v11, v62;
	v20 =	vld.idx.msk [tilespmem:v42+s21+$0x0], $0xffff;
	[tilespmem:v21+s29+$0x0] =	vst.idx.msk $0xffff, v58;
	v21 =	vshll.u32 v56, $0x7  }
0x196: {  	v28 =	vshll.u32 v28, $0x7;
	v44 =	vld.idx.msk [tilespmem:v61+s21+$0x0], $0xffff;
	v21 =	vor.u32 v11, v21;
	[tilespmem:v43+s29+$0x0] =	vst.idx.msk $0xffff, v22;
	v22 =	vshll.u32 v46, $0x7  }
0x197: {  	v60 =	vadd.s32 s7, v15;
	v47 =	vor.u32 v37, v19;
	v23 =	vld.idx.msk [tilespmem:v23+s21+$0x0], $0xffff;
	v22 =	vor.u32 v11, v22  }
0x198: {  	v52 =	vadd.s32 s7, v14;
	v49 =	vadd.s32 s6, v13;
	v19 =	vor.u32 v45, v19  }
0x199: {  	v53 =	vadd.s32 s16, v13;
	v51 =	vand.u32 $0x3F, v49;
	v46 =	vadd.s32 s7, v13  }
0x19a: {  	v45 =	vadd.s32 s16, v15;
	v40 =	vor.u32 v51, v18;
	v27 =	vld.idx.msk [tilespmem:v27+s21+$0x0], $0xffff;
	v39 =	vand.u32 $0x3F, v46;
	[tilespmem:v63+s29+$0x0] =	vst.idx.msk $0xffff, v20  }
0x19b: {  	v36 =	vshll.u32 v51, $0x7;
	v56 =	vadd.s32 s6, v14;
	v20 =	vor.u32 v39, v18;
	v25 =	vld.idx.msk [tilespmem:v25+s21+$0x0], $0xffff;
	[tilespmem:v21+s29+$0x0] =	vst.idx.msk $0xffff, v44  }
0x19c: {  	v21 =	vor.u32 v12, v48;
	v37 =	vld.idx.msk [tilespmem:v47+s21+$0x0], $0xffff;
	[tilespmem:v22+s29+$0x0] =	vst.idx.msk $0xffff, v23;
	v22 =	vand.u32 $0x3F, v53;
	v23 =	vadd.s32 s18, v13  }
0x19d: {  	v61 =	vadd.s32 s16, v14;
	v19 =	vld.idx.msk [tilespmem:v19+s21+$0x0], $0xffff;
	v54 =	vor.u32 v22, v18;
	v23 =	vand.u32 $0x3F, v23  }
0x19e: {  	[tilespmem:v32+s29+$0x0] =	vst.idx.msk $0xffff, v33;
	v57 =	vand.u32 $0x3F, v56;
	v62 =	vand.u32 $0x3F, v61;
	v18 =	vor.u32 v23, v18  }
0x19f: {  	v59 =	vor.u32 v57, v17;
	v43 =	vshll.u32 v62, $0x7;
	v39 =	vshll.u32 v39, $0x7;
	[tilespmem:v26+s29+$0x0] =	vst.idx.msk $0xffff, v27  }
0x1a0: {  	v26 =	vor.u32 v13, v39;
	v27 =	vand.u32 $0x3F, v52;
	v22 =	vshll.u32 v22, $0x7;
	v20 =	vld.idx.msk [tilespmem:v20+s21+$0x0], $0xffff;
	[tilespmem:v24+s29+$0x0] =	vst.idx.msk $0xffff, v25  }
0x1a1: {  	v24 =	vor.u32 v27, v17;
	v25 =	vor.u32 v13, v36;
	v58 =	vld.idx.msk [tilespmem:v40+s21+$0x0], $0xffff;
	[tilespmem:v21+s29+$0x0] =	vst.idx.msk $0xffff, v37  }
0x1a2: {  	v22 =	vor.u32 v13, v22;
	v21 =	vld.idx.msk [tilespmem:v54+s21+$0x0], $0xffff;
	[tilespmem:v55+s29+$0x0] =	vst.idx.msk $0xffff, v19;
	v19 =	vshll.u32 v23, $0x7;
	v23 =	vadd.s32 s18, v14  }
0x1a3: {  	v63 =	vor.u32 v62, v17;
	v18 =	vld.idx.msk [tilespmem:v18+s21+$0x0], $0xffff;
	v19 =	vor.u32 v13, v19;
	v23 =	vand.u32 $0x3F, v23  }
0x1a4: {  	[tilespmem:v30+s29+$0x0] =	vst.idx.msk $0xffff, v29;
	v27 =	vshll.u32 v27, $0x7;
	v36 =	vor.u32 v14, v43;
	v17 =	vor.u32 v23, v17  }
0x1a5: {  	v27 =	vor.u32 v14, v27;
	[tilespmem:v26+s29+$0x0] =	vst.idx.msk $0xffff, v20;
	v20 =	vand.u32 $0x3F, v60;
	v26 =	vadd.s32 s6, v15  }
0x1a6: {  	v24 =	vld.idx.msk [tilespmem:v24+s21+$0x0], $0xffff;
	v42 =	vor.u32 v20, v16;
	v26 =	vand.u32 $0x3F, v26;
	[tilespmem:v25+s29+$0x0] =	vst.idx.msk $0xffff, v58;
	v25 =	vshll.u32 v57, $0x7  }
0x1a7: {  	v44 =	vor.u32 v26, v16;
	v33 =	vld.idx.msk [tilespmem:v59+s21+$0x0], $0xffff;
	v25 =	vor.u32 v14, v25;
	[tilespmem:v22+s29+$0x0] =	vst.idx.msk $0xffff, v21  }
0x1a8: {  	v22 =	vand.u32 $0x3F, v45;
	v21 =	vld.idx.msk [tilespmem:v63+s21+$0x0], $0xffff;
	[tilespmem:v19+s29+$0x0] =	vst.idx.msk $0xffff, v18;
	v18 =	vshll.u32 v23, $0x7;
	v19 =	vadd.s32 s18, v15  }
0x1a9: {  	v23 =	vor.u32 v22, v16;
	v17 =	vld.idx.msk [tilespmem:v17+s21+$0x0], $0xffff;
	v18 =	vor.u32 v14, v18;
	v19 =	vand.u32 $0x3F, v19  }
0x1aa: {  	v28 =	vor.u32 v15, v28;
	v30 =	vld.idx.msk [tilespmem:v31+s21+$0x0], $0xffff;
	v35 =	vshll.u32 v38, $0x7;
	v16 =	vor.u32 v19, v16  }
0x1ab: {  	v34 =	vld.idx.msk [tilespmem:v34+s21+$0x0], $0xffff;
	v29 =	vor.u32 v15, v35;
	v20 =	vshll.u32 v20, $0x7;
	[tilespmem:v27+s29+$0x0] =	vst.idx.msk $0xffff, v24  }
0x1ac: {  	v20 =	vor.u32 v15, v20;
	v24 =	vld.idx.msk [tilespmem:v42+s21+$0x0], $0xffff;
	[tilespmem:v25+s29+$0x0] =	vst.idx.msk $0xffff, v33;
	v25 =	vshll.u32 v26, $0x7  }
0x1ad: {  	v26 =	vld.idx.msk [tilespmem:v44+s21+$0x0], $0xffff;
	v25 =	vor.u32 v15, v25;
	[tilespmem:v36+s29+$0x0] =	vst.idx.msk $0xffff, v21;
	v21 =	vshll.u32 v22, $0x7  }
0x1ae: {  	v22 =	vld.idx.msk [tilespmem:v23+s21+$0x0], $0xffff;
	[tilespmem:v18+s29+$0x0] =	vst.idx.msk $0xffff, v17;
	v17 =	vor.u32 v15, v21;
	v18 =	vshll.u32 v19, $0x7  }
0x1af: {  	[tilespmem:v28+s29+$0x0] =	vst.idx.msk $0xffff, v30;
	v16 =	vld.idx.msk [tilespmem:v16+s21+$0x0], $0xffff;
	v18 =	vor.u32 v15, v18  }
0x1b0: {  	[tilespmem:v29+s29+$0x0] =	vst.idx.msk $0xffff, v34  }
0x1b1: {  	s3 =	sshll.u32 s3, $0x12;
	[tilespmem:v20+s29+$0x0] =	vst.idx.msk $0xffff, v24  }
0x1b2: {  	s3 =	sor.u32 s4, s3;
	[tilespmem:v25+s29+$0x0] =	vst.idx.msk $0xffff, v26  }
0x1b3: {  	s3 =	sshrl.u32 s3, $0x3;
	[tilespmem:v17+s29+$0x0] =	vst.idx.msk $0xffff, v22  }
0x1b4: {  	s3 =	sadd.s32 s1, s3;
	[tilespmem:v18+s29+$0x0] =	vst.idx.msk $0xffff, v16  }
0x1b5: {  	[hbm4b:s3+s8] =	stream.strided.scatter [tilespmem:s29], [sflag:$0x6], $0x2000, s9, s8, $0x38;
	[tilespmem:$0x1E600] =	vst v63  }
0x1b6: {  	v16 =	vld @!p1 [tilespmem:s14+$0x280];
	_ =	sdelay $0x4  }
0x1b7: {  	v16 =	vshrl.u32 @!p1 v16, $0x1  }
0x1b8: {  	[tilespmem:$0x6480] =	vst @!p1 v16  }
0x1b9: {  	v16 =	vld @!p1 [tilespmem:s14+$0x290];
	_ =	sdelay $0x4  }
0x1ba: {  	v16 =	vshrl.u32 @!p1 v16, $0x1  }
0x1bb: {  	[tilespmem:$0x6490] =	vst @!p1 v16  }
0x1bc: {  	v16 =	vld @!p1 [tilespmem:s14+$0x2A0];
	_ =	sdelay $0x4  }
0x1bd: {  	v16 =	vshrl.u32 @!p1 v16, $0x1  }
0x1be: {  	[tilespmem:$0x64A0] =	vst @!p1 v16  }
0x1bf: {  	v16 =	vld @!p1 [tilespmem:s14+$0x2B0];
	_ =	sdelay $0x4  }
0x1c0: {  	v16 =	vshrl.u32 @!p1 v16, $0x1  }
0x1c1: {  	[tilespmem:$0x64B0] =	vst @!p1 v16  }
0x1c2: {  	v16 =	vld @!p1 [tilespmem:s14+$0x2C0];
	_ =	sdelay $0x4  }
0x1c3: {  	v16 =	vshrl.u32 @!p1 v16, $0x1  }
0x1c4: {  	[tilespmem:$0x64C0] =	vst @!p1 v16  }
0x1c5: {  	v16 =	vld @!p1 [tilespmem:s14+$0x2D0];
	_ =	sdelay $0x4  }
0x1c6: {  	v16 =	vshrl.u32 @!p1 v16, $0x1  }
0x1c7: {  	[tilespmem:$0x64D0] =	vst @!p1 v16  }
0x1c8: {  	v16 =	vld @!p1 [tilespmem:s14+$0x2E0];
	_ =	sdelay $0x4  }
0x1c9: {  	v16 =	vshrl.u32 @!p1 v16, $0x1  }
0x1ca: {  	[tilespmem:$0x64E0] =	vst @!p1 v16  }
0x1cb: {  	v16 =	vld @!p1 [tilespmem:s14+$0x2F0];
	_ =	sdelay $0x4  }
0x1cc: {  	v16 =	vshrl.u32 @!p1 v16, $0x1  }
0x1cd: {  	s7 =	simm.s32 @!p1 $0xA600;
	s6 =	simm.s32 @!p1 $0x6480;
	s3 =	simm.s32 @!p1 $0x20;
	[tilespmem:$0x64F0] =	vst @!p1 v16  }
0x1ce: {  	[tilespmem:s7], [sflag:$0x2] =	stream.indirect.gather @!p1 [hbm4b:s5+s3], $0x80, s6, s3, $0xb8;
	[tilespmem:$0x1E600] =	vst v63  }
0x1cf: {  	s6 =	simm.s32 @!p1 $0x64A0;
	s7 =	simm.s32 @!p1 $0xB600  }
0x1d0: {  	[tilespmem:s7], [sflag:$0x2] =	stream.indirect.gather @!p1 [hbm4b:s5+s3], $0x80, s6, s3, $0xb8;
	[tilespmem:$0x1E600] =	vst v63  }
0x1d1: {  	s6 =	simm.s32 @!p1 $0x64C0;
	s7 =	simm.s32 @!p1 $0xC600  }
0x1d2: {  	[tilespmem:s7], [sflag:$0x2] =	stream.indirect.gather @!p1 [hbm4b:s5+s3], $0x80, s6, s3, $0xb8;
	[tilespmem:$0x1E600] =	vst v63  }
0x1d3: {  	s6 =	simm.s32 @!p1 $0x64E0;
	s7 =	simm.s32 @!p1 $0xD600  }
0x1d4: {  	[tilespmem:s7], [sflag:$0x2] =	stream.indirect.gather @!p1 [hbm4b:s5+s3], $0x80, s6, s3, $0xb8;
	[tilespmem:$0x1E600] =	vst v63  }
0x1d5: {  	_ =	swait.ge [sflag:s31], $0x1000  }
0x1d6: {  	[sflag:s31] =	ssyncset.done $0x0  }
0x1d7: {  	[sflag:s31] =	ssyncadd.s32 $0xFFFFF000  }
0x1d8: {  	_ =	swait.ge [sflag:s31], $0x1000  }
0x1d9: {  	[sflag:s31] =	ssyncset.done $0x0  }
0x1da: {  	[sflag:s31] =	ssyncadd.s32 $0xFFFFF000  }
0x1db: {  	_ =	swait.ge [sflag:s31], $0x1000  }
0x1dc: {  	[sflag:s31] =	ssyncset.done $0x0  }
0x1dd: {  	[sflag:s31] =	ssyncadd.s32 $0xFFFFF000  }
0x1de: {  	_ =	swait.ge [sflag:s31], $0x1000  }
0x1df: {  	[sflag:s31] =	ssyncset.done $0x0  }
0x1e0: {  	s6 =	simm.s32 @!p0 $0x7;
	[sflag:s31] =	ssyncadd.s32 $0xFFFFF000  }
0x1e1: {  	s3 =	sor.u32 $0x2, s15;
	_ =	swait.ge @!p0 [sflag:s6], $0x2000  }
0x1e2: {  	s19 =	sshll.u32 s3, $0x7;
	[sflag:s6] =	ssyncset.done @!p0 $0x0  }
0x1e3: {  	s16 =	sand.u32 $0x3FFFFF80, s19;
	[sflag:s6] =	ssyncadd.s32 @!p0 $0xFFFFE000  }
0x1e4: {  	v16 =	vld [tilespmem:s16+$0x0];
	_ =	sdelay $0x4  }
0x1e5: {  	s19 =	simm.s32 $0x0;
	v17 =	vld [tilespmem:s16+$0x10];
	v16 =	vshll.u32 v16, $0x6  }
0x1e6: {  	s18 =	simm.s32 $0x1;
	v18 =	vadd.s32 s19, v0;
	v16 =	vand.u32 $0x40, v16  }
0x1e7: {  	v24 =	vand.u32 $0x3F, v18;
	v20 =	vor.u32 v1, v16;
	v16 =	vadd.s32 s18, v0  }
0x1e8: {  	v19 =	vld [tilespmem:s16+$0x20];
	v18 =	vor.u32 v24, v20;
	v26 =	vand.u32 $0x3F, v16  }
0x1e9: {  	v22 =	vld [tilespmem:s16+$0x30];
	v16 =	vor.u32 v26, v20  }
0x1ea: {  	v27 =	vadd.s32 s18, v9;
	v25 =	vld [tilespmem:s16+$0x40];
	v17 =	vshll.u32 v17, $0x6  }
0x1eb: {  	v27 =	vand.u32 $0x3F, v27;
	v48 =	vld [tilespmem:s16+$0x60];
	v17 =	vand.u32 $0x40, v17  }
0x1ec: {  	v23 =	vadd.s32 s19, v9;
	v28 =	vshll.u32 v24, $0x7;
	v50 =	vld [tilespmem:s16+$0x70];
	v21 =	vor.u32 v2, v17  }
0x1ed: {  	v17 =	vand.u32 $0x3F, v23;
	v23 =	vor.u32 v0, v28;
	v29 =	vshll.u32 v26, $0x7;
	v18 =	vld.idx.msk [tilespmem:v18+s30+$0x0], $0xffff  }
0x1ee: {  	v51 =	vadd.s32 s19, v10;
	s6 =	simm.s32 $0x3;
	v30 =	vor.u32 v17, v21;
	v31 =	vor.u32 v0, v29;
	v16 =	vld.idx.msk [tilespmem:v16+s30+$0x0], $0xffff  }
0x1ef: {  	v37 =	vand.u32 $0x3F, v51;
	v61 =	vadd.s32 s6, v0;
	v47 =	vor.u32 v27, v21  }
0x1f0: {  	v19 =	vshll.u32 v19, $0x6;
	v49 =	vshll.u32 v22, $0x6;
	v25 =	vshll.u32 v25, $0x6  }
0x1f1: {  	v53 =	vshll.u32 v48, $0x6;
	v54 =	vshll.u32 v50, $0x6;
	v48 =	vadd.s32 s19, v13  }
0x1f2: {  	v46 =	vld [tilespmem:s16+$0x50];
	v19 =	vand.u32 $0x40, v19;
	v25 =	vand.u32 $0x40, v25;
	v17 =	vshll.u32 v17, $0x7;
	[tilespmem:v23+s0+$0x0] =	vst.idx.msk $0xffff, v18  }
0x1f3: {  	v32 =	vand.u32 $0x40, v53;
	v18 =	vld.idx.msk [tilespmem:v30+s30+$0x0], $0xffff;
	[tilespmem:v31+s0+$0x0] =	vst.idx.msk $0xffff, v16;
	v16 =	vor.u32 v9, v17;
	v17 =	vshll.u32 v27, $0x7  }
0x1f4: {  	v22 =	vor.u32 v3, v19;
	v19 =	vadd.s32 s18, v10;
	v30 =	vld.idx.msk [tilespmem:v47+s30+$0x0], $0xffff;
	v17 =	vor.u32 v9, v17  }
0x1f5: {  	v34 =	vand.u32 $0x40, v54;
	v27 =	vor.u32 v37, v22;
	v31 =	vand.u32 $0x3F, v19  }
0x1f6: {  	v54 =	vadd.s32 s6, v9;
	v28 =	vor.u32 v12, v28;
	v52 =	vor.u32 v31, v22  }
0x1f7: {  	v42 =	vand.u32 $0x3F, v54;
	v23 =	vshll.u32 v46, $0x6;
	v19 =	vand.u32 $0x40, v49  }
0x1f8: {  	v55 =	vand.u32 $0x40, v23;
	v23 =	vor.u32 v4, v19;
	[tilespmem:v16+s0+$0x0] =	vst.idx.msk $0xffff, v18;
	v16 =	vshll.u32 v37, $0x7  }
0x1f9: {  	v19 =	vor.u32 v5, v25;
	v18 =	vadd.s32 s19, v11;
	[tilespmem:v17+s0+$0x0] =	vst.idx.msk $0xffff, v30;
	v30 =	vor.u32 v10, v16  }
0x1fa: {  	v25 =	vld.idx.msk [tilespmem:v27+s30+$0x0], $0xffff;
	v16 =	vshll.u32 v31, $0x7;
	v31 =	vand.u32 $0x3F, v18;
	v17 =	vadd.s32 s18, v11  }
0x1fb: {  	v33 =	vld.idx.msk [tilespmem:v52+s30+$0x0], $0xffff;
	v56 =	vor.u32 v10, v16;
	v57 =	vor.u32 v31, v23;
	v58 =	vand.u32 $0x3F, v17  }
0x1fc: {  	s7 =	simm.s32 $0x2;
	v29 =	vor.u32 v12, v29;
	v51 =	vor.u32 v24, v19;
	v59 =	vor.u32 v58, v23  }
0x1fd: {  	v18 =	vor.u32 v6, v55;
	v55 =	vadd.s32 s7, v10;
	v16 =	vadd.s32 s7, v0  }
0x1fe: {  	v17 =	vor.u32 v7, v32;
	v27 =	vand.u32 $0x3F, v16;
	v62 =	vshll.u32 v58, $0x7  }
0x1ff: {  	v60 =	vor.u32 v27, v20;
	[tilespmem:v30+s0+$0x0] =	vst.idx.msk $0xffff, v25;
	v30 =	vshll.u32 v31, $0x7;
	v25 =	vand.u32 $0x3F, v61  }
0x200: {  	v30 =	vor.u32 v11, v30;
	[tilespmem:v56+s0+$0x0] =	vst.idx.msk $0xffff, v33;
	v63 =	vld.idx.msk [tilespmem:v57+s30+$0x0], $0xffff;
	v50 =	vor.u32 v25, v20  }
0x201: {  	v52 =	vor.u32 v26, v19;
	v26 =	vshll.u32 v27, $0x7;
	v33 =	vor.u32 v11, v62;
	v35 =	vld.idx.msk [tilespmem:v59+s30+$0x0], $0xffff  }
0x202: {  	v16 =	vor.u32 v8, v34;
	v58 =	vadd.s32 s18, v13;
	v53 =	vor.u32 v0, v26  }
0x203: {  	v31 =	vadd.s32 s7, v9;
	v61 =	vand.u32 $0x3F, v55;
	v55 =	vadd.s32 s18, v14  }
0x204: {  	v31 =	vand.u32 $0x3F, v31;
	v24 =	vshll.u32 v25, $0x7;
	v57 =	vand.u32 $0x3F, v48;
	v32 =	vld.idx.msk [tilespmem:v60+s30+$0x0], $0xffff  }
0x205: {  	v49 =	vor.u32 v31, v21;
	v56 =	vor.u32 v0, v24;
	[tilespmem:v30+s0+$0x0] =	vst.idx.msk $0xffff, v63;
	v36 =	vld.idx.msk [tilespmem:v50+s30+$0x0], $0xffff  }
0x206: {  	v59 =	vor.u32 v57, v18;
	v30 =	vor.u32 v42, v21;
	[tilespmem:v33+s0+$0x0] =	vst.idx.msk $0xffff, v35;
	v37 =	vld.idx.msk [tilespmem:v51+s30+$0x0], $0xffff  }
0x207: {  	v34 =	vshll.u32 v57, $0x7;
	v31 =	vshll.u32 v31, $0x7;
	v60 =	vand.u32 $0x3F, v58;
	v38 =	vld.idx.msk [tilespmem:v52+s30+$0x0], $0xffff  }
0x208: {  	v34 =	vor.u32 v13, v34;
	v31 =	vor.u32 v9, v31;
	v62 =	vor.u32 v60, v18  }
0x209: {  	v63 =	vor.u32 v61, v22;
	v42 =	vshll.u32 v42, $0x7;
	[tilespmem:v53+s0+$0x0] =	vst.idx.msk $0xffff, v32;
	v52 =	vadd.s32 s6, v10  }
0x20a: {  	v50 =	vadd.s32 s19, v14;
	v42 =	vor.u32 v9, v42;
	v40 =	vld.idx.msk [tilespmem:v49+s30+$0x0], $0xffff;
	v41 =	vand.u32 $0x3F, v52;
	[tilespmem:v56+s0+$0x0] =	vst.idx.msk $0xffff, v36  }
0x20b: {  	v61 =	vshll.u32 v61, $0x7;
	v53 =	vand.u32 $0x3F, v50;
	v54 =	vor.u32 v41, v22;
	v30 =	vld.idx.msk [tilespmem:v30+s30+$0x0], $0xffff;
	[tilespmem:v28+s0+$0x0] =	vst.idx.msk $0xffff, v37  }
0x20c: {  	v51 =	vadd.s32 s7, v11;
	v56 =	vor.u32 v53, v17;
	v28 =	vshll.u32 v60, $0x7;
	v33 =	vld.idx.msk [tilespmem:v59+s30+$0x0], $0xffff;
	[tilespmem:v29+s0+$0x0] =	vst.idx.msk $0xffff, v38  }
0x20d: {  	v36 =	vand.u32 $0x3F, v51;
	v28 =	vor.u32 v13, v28;
	v29 =	vand.u32 $0x3F, v55;
	v57 =	vld.idx.msk [tilespmem:v62+s30+$0x0], $0xffff  }
0x20e: {  	s16 =	simm.s32 $0x4;
	v44 =	vor.u32 v10, v61;
	v35 =	vor.u32 v36, v23;
	v58 =	vor.u32 v29, v17  }
0x20f: {  	v60 =	vadd.s32 s16, v0;
	v59 =	vshll.u32 v53, $0x7;
	[tilespmem:v31+s0+$0x0] =	vst.idx.msk $0xffff, v40;
	v31 =	vadd.s32 s19, v15  }
0x210: {  	v32 =	vor.u32 v14, v59;
	v62 =	vshll.u32 v41, $0x7;
	v43 =	vld.idx.msk [tilespmem:v63+s30+$0x0], $0xffff;
	v63 =	vadd.s32 s6, v11;
	[tilespmem:v42+s0+$0x0] =	vst.idx.msk $0xffff, v30  }
0x211: {  	v41 =	vor.u32 v10, v62;
	v38 =	vand.u32 $0x3F, v31;
	v40 =	vand.u32 $0x3F, v63;
	v39 =	vld.idx.msk [tilespmem:v54+s30+$0x0], $0xffff;
	[tilespmem:v34+s0+$0x0] =	vst.idx.msk $0xffff, v33  }
0x212: {  	v31 =	vshll.u32 v29, $0x7;
	v42 =	vor.u32 v40, v23;
	v30 =	vadd.s32 s18, v15;
	v33 =	vld.idx.msk [tilespmem:v56+s30+$0x0], $0xffff;
	[tilespmem:v28+s0+$0x0] =	vst.idx.msk $0xffff, v57  }
0x213: {  	v34 =	vor.u32 v38, v16;
	v28 =	vand.u32 $0x3F, v30;
	v30 =	vor.u32 v14, v31;
	v29 =	vld.idx.msk [tilespmem:v58+s30+$0x0], $0xffff  }
0x214: {  	v37 =	vand.u32 $0x3F, v60;
	s19 =	simm.s32 $0x6;
	s18 =	simm.s32 $0x5;
	v31 =	vor.u32 v28, v16  }
.LBB2_7:
0x215: {  	p2 =	slt.u32 s19, $0x3E;
	v45 =	vor.u32 v37, v20;
	v46 =	vadd.s32 s18, v0;
	[tilespmem:v44+s0+$0x0] =	vst.idx.msk $0xffff, v43;
	v36 =	vshll.u32 v36, $0x7  }
0x216: {  	v43 =	vadd.s32 s16, v9;
	v44 =	vand.u32 $0x3F, v46;
	v35 =	vld.idx.msk [tilespmem:v35+s30+$0x0], $0xffff;
	v36 =	vor.u32 v11, v36;
	[tilespmem:v41+s0+$0x0] =	vst.idx.msk $0xffff, v39  }
0x217: {  	v40 =	vshll.u32 v40, $0x7;
	v39 =	vor.u32 v44, v20;
	v41 =	vld.idx.msk [tilespmem:v42+s30+$0x0], $0xffff;
	[tilespmem:v32+s0+$0x0] =	vst.idx.msk $0xffff, v33;
	v32 =	vshll.u32 v38, $0x7  }
0x218: {  	v33 =	vor.u32 v27, v19;
	v38 =	vor.u32 v11, v40;
	v34 =	vld.idx.msk [tilespmem:v34+s30+$0x0], $0xffff;
	[tilespmem:v30+s0+$0x0] =	vst.idx.msk $0xffff, v29  }
0x219: {  	v42 =	vshll.u32 v28, $0x7;
	v29 =	vor.u32 v25, v19;
	v30 =	vor.u32 v15, v32;
	v25 =	vmovc v44;
	v31 =	vld.idx.msk [tilespmem:v31+s30+$0x0], $0xffff  }
0x21a: {  	v28 =	vand.u32 $0x3F, v43;
	v27 =	vmovc v37;
	v32 =	vadd.s32 s7, v13;
	v40 =	vor.u32 v15, v42  }
0x21b: {  	v43 =	vor.u32 v12, v26;
	v42 =	vor.u32 v28, v21;
	v26 =	vshll.u32 v27, $0x7;
	v37 =	vld.idx.msk [tilespmem:v45+s30+$0x0], $0xffff  }
0x21c: {  	v46 =	vadd.s32 s18, v9;
	v44 =	vor.u32 v0, v26;
	v45 =	vshll.u32 v25, $0x7;
	v39 =	vld.idx.msk [tilespmem:v39+s30+$0x0], $0xffff;
	[tilespmem:v36+s0+$0x0] =	vst.idx.msk $0xffff, v35  }
0x21d: {  	v46 =	vand.u32 $0x3F, v46;
	v35 =	vadd.s32 s16, v10;
	v36 =	vor.u32 v0, v45;
	v33 =	vld.idx.msk [tilespmem:v33+s30+$0x0], $0xffff;
	[tilespmem:v38+s0+$0x0] =	vst.idx.msk $0xffff, v41  }
0x21e: {  	v32 =	vand.u32 $0x3F, v32;
	v38 =	vor.u32 v46, v21;
	v41 =	vadd.s32 s6, v13;
	v29 =	vld.idx.msk [tilespmem:v29+s30+$0x0], $0xffff;
	[tilespmem:v30+s0+$0x0] =	vst.idx.msk $0xffff, v34  }
0x21f: {  	v30 =	vor.u32 v32, v18;
	v34 =	vor.u32 v12, v24;
	v41 =	vand.u32 $0x3F, v41;
	[tilespmem:v40+s0+$0x0] =	vst.idx.msk $0xffff, v31  }
0x220: {  	v24 =	vmov v45;
	v31 =	vand.u32 $0x3F, v35;
	v35 =	vor.u32 v41, v18  }
0x221: {  	v32 =	vshll.u32 v32, $0x7;
	v40 =	vadd.s32 s7, v14;
	[tilespmem:v44+s0+$0x0] =	vst.idx.msk $0xffff, v37;
	v37 =	vor.u32 v31, v22  }
0x222: {  	v28 =	vshll.u32 v28, $0x7;
	v45 =	vor.u32 v13, v32;
	v44 =	vadd.s32 s16, v11;
	v42 =	vld.idx.msk [tilespmem:v42+s30+$0x0], $0xffff;
	[tilespmem:v36+s0+$0x0] =	vst.idx.msk $0xffff, v39  }
0x223: {  	v28 =	vor.u32 v9, v28;
	v36 =	vshll.u32 v46, $0x7;
	v32 =	vld.idx.msk [tilespmem:v38+s30+$0x0], $0xffff;
	v38 =	vadd.s32 s18, v10;
	[tilespmem:v43+s0+$0x0] =	vst.idx.msk $0xffff, v33  }
0x224: {  	v39 =	vand.u32 $0x3F, v40;
	v33 =	vor.u32 v9, v36;
	v38 =	vand.u32 $0x3F, v38;
	v30 =	vld.idx.msk [tilespmem:v30+s30+$0x0], $0xffff;
	[tilespmem:v34+s0+$0x0] =	vst.idx.msk $0xffff, v29  }
0x225: {  	v36 =	vadd.s32 s6, v14;
	v29 =	vor.u32 v38, v22;
	v34 =	vld.idx.msk [tilespmem:v35+s30+$0x0], $0xffff;
	v35 =	vshll.u32 v41, $0x7  }
0x226: {  	v46 =	vor.u32 v39, v17;
	v48 =	vand.u32 $0x3F, v36;
	v47 =	vor.u32 v13, v35  }
0x227: {  	v36 =	vand.u32 $0x3F, v44;
	v49 =	vor.u32 v48, v17  }
0x228: {  	v35 =	vor.u32 v36, v23;
	[tilespmem:v28+s0+$0x0] =	vst.idx.msk $0xffff, v42;
	v28 =	vshll.u32 v39, $0x7;
	v42 =	vadd.s32 s7, v15;
	s7 =	smov.u32 s16;
	s16 =	smov.u32 s19  }
0x229: {  	v50 =	vadd.s32 s19, v0;
	v31 =	vshll.u32 v31, $0x7;
	v43 =	vld.idx.msk [tilespmem:v37+s30+$0x0], $0xffff;
	[tilespmem:v33+s0+$0x0] =	vst.idx.msk $0xffff, v32;
	v32 =	vor.u32 v14, v28  }
.Ltmp4:
0x22a: {  	v44 =	vor.u32 v10, v31;
	v28 =	vshll.u32 v38, $0x7;
	v39 =	vld.idx.msk [tilespmem:v29+s30+$0x0], $0xffff;
	v29 =	vadd.s32 s18, v11;
	[tilespmem:v45+s0+$0x0] =	vst.idx.msk $0xffff, v30;
	(pc) =	sbr.rel @p2 .LBB2_7-.Ltmp4, $4  }
0x22b: {  	v38 =	vand.u32 $0x3F, v42;
	v41 =	vor.u32 v10, v28;
	v40 =	vand.u32 $0x3F, v29;
	v33 =	vld.idx.msk [tilespmem:v46+s30+$0x0], $0xffff;
	[tilespmem:v47+s0+$0x0] =	vst.idx.msk $0xffff, v34  }
0x22c: {  	v31 =	vadd.s32 s6, v15;
	s6 =	smov.u32 s18;
	v28 =	vshll.u32 v48, $0x7;
	v42 =	vor.u32 v40, v23;
	v29 =	vld.idx.msk [tilespmem:v49+s30+$0x0], $0xffff  }
0x22d: {  	v34 =	vor.u32 v38, v16;
	v30 =	vor.u32 v14, v28;
	v28 =	vand.u32 $0x3F, v31  }
0x22e: {  	s19 =	sadd.s32 $0x2, s19;
	v37 =	vand.u32 $0x3F, v50;
	s18 =	sadd.s32 $0x1, s16;
	v31 =	vor.u32 v28, v16  }
0x22f: {  	v45 =	vadd.s32 s18, v0  }
0x230: {  	v46 =	vor.u32 v37, v20;
	v45 =	vand.u32 $0x3F, v45  }
0x231: {  	v20 =	vor.u32 v45, v20;
	_ =	sdelay $0x2  }
0x232: {  	v47 =	vadd.s32 s16, v9;
	v48 =	vshll.u32 v37, $0x7;
	v51 =	vadd.s32 s18, v9  }
0x233: {  	v47 =	vand.u32 $0x3F, v47;
	v49 =	vor.u32 v0, v48;
	v50 =	vshll.u32 v45, $0x7;
	v46 =	vld.idx.msk [tilespmem:v46+s30+$0x0], $0xffff  }
0x234: {  	v51 =	vand.u32 $0x3F, v51;
	v52 =	vor.u32 v47, v21;
	v53 =	vor.u32 v0, v50;
	v20 =	vld.idx.msk [tilespmem:v20+s30+$0x0], $0xffff  }
0x235: {  	v21 =	vor.u32 v51, v21;
	_ =	sdelay $0x2  }
0x236: {  	v54 =	vadd.s32 s16, v10;
	v62 =	vadd.s32 s18, v10;
	v47 =	vshll.u32 v47, $0x7;
	[tilespmem:v49+s0+$0x0] =	vst.idx.msk $0xffff, v46  }
0x237: {  	v60 =	vand.u32 $0x3F, v54;
	v61 =	vshll.u32 v51, $0x7;
	v49 =	vld.idx.msk [tilespmem:v52+s30+$0x0], $0xffff;
	[tilespmem:v53+s0+$0x0] =	vst.idx.msk $0xffff, v20;
	v20 =	vor.u32 v9, v47  }
0x238: {  	v63 =	vor.u32 v60, v22;
	v51 =	vand.u32 $0x3F, v62;
	v47 =	vor.u32 v9, v61;
	v21 =	vld.idx.msk [tilespmem:v21+s30+$0x0], $0xffff  }
0x239: {  	v22 =	vor.u32 v51, v22;
	_ =	sdelay $0x1  }
0x23a: {  	v36 =	vshll.u32 v36, $0x7;
	[tilespmem:v44+s0+$0x0] =	vst.idx.msk $0xffff, v43;
	v55 =	vadd.s32 s16, v11  }
0x23b: {  	v36 =	vor.u32 v11, v36;
	v56 =	vand.u32 $0x3F, v55;
	v57 =	vshll.u32 v60, $0x7;
	[tilespmem:v20+s0+$0x0] =	vst.idx.msk $0xffff, v49;
	v20 =	vld.idx.msk [tilespmem:v35+s30+$0x0], $0xffff  }
0x23c: {  	v60 =	vadd.s32 s18, v11;
	v59 =	vshll.u32 v51, $0x7;
	v58 =	vld.idx.msk [tilespmem:v63+s30+$0x0], $0xffff;
	[tilespmem:v47+s0+$0x0] =	vst.idx.msk $0xffff, v21;
	v21 =	vor.u32 v10, v57  }
0x23d: {  	v43 =	vor.u32 v10, v59;
	v46 =	vand.u32 $0x3F, v60;
	v61 =	vor.u32 v56, v23;
	v22 =	vld.idx.msk [tilespmem:v22+s30+$0x0], $0xffff  }
0x23e: {  	v27 =	vor.u32 v27, v19;
	v23 =	vor.u32 v46, v23  }
0x23f: {  	[tilespmem:v41+s0+$0x0] =	vst.idx.msk $0xffff, v39;
	v25 =	vor.u32 v25, v19;
	v26 =	vor.u32 v12, v26  }
0x240: {  	v24 =	vor.u32 v12, v24;
	v62 =	vshll.u32 v40, $0x7;
	v55 =	vor.u32 v12, v50;
	[tilespmem:v36+s0+$0x0] =	vst.idx.msk $0xffff, v20  }
0x241: {  	v63 =	vor.u32 v11, v62;
	v20 =	vld.idx.msk [tilespmem:v42+s30+$0x0], $0xffff;
	[tilespmem:v21+s0+$0x0] =	vst.idx.msk $0xffff, v58;
	v21 =	vshll.u32 v56, $0x7  }
0x242: {  	v28 =	vshll.u32 v28, $0x7;
	v44 =	vld.idx.msk [tilespmem:v61+s30+$0x0], $0xffff;
	v21 =	vor.u32 v11, v21;
	[tilespmem:v43+s0+$0x0] =	vst.idx.msk $0xffff, v22;
	v22 =	vshll.u32 v46, $0x7  }
0x243: {  	v60 =	vadd.s32 s7, v15;
	v47 =	vor.u32 v37, v19;
	v23 =	vld.idx.msk [tilespmem:v23+s30+$0x0], $0xffff;
	v22 =	vor.u32 v11, v22  }
0x244: {  	v52 =	vadd.s32 s7, v14;
	v49 =	vadd.s32 s6, v13;
	v19 =	vor.u32 v45, v19  }
0x245: {  	v53 =	vadd.s32 s16, v13;
	v51 =	vand.u32 $0x3F, v49;
	v46 =	vadd.s32 s7, v13  }
0x246: {  	v45 =	vadd.s32 s16, v15;
	v40 =	vor.u32 v51, v18;
	v27 =	vld.idx.msk [tilespmem:v27+s30+$0x0], $0xffff;
	v39 =	vand.u32 $0x3F, v46;
	[tilespmem:v63+s0+$0x0] =	vst.idx.msk $0xffff, v20  }
0x247: {  	v36 =	vshll.u32 v51, $0x7;
	v56 =	vadd.s32 s6, v14;
	v20 =	vor.u32 v39, v18;
	v25 =	vld.idx.msk [tilespmem:v25+s30+$0x0], $0xffff;
	[tilespmem:v21+s0+$0x0] =	vst.idx.msk $0xffff, v44  }
0x248: {  	v21 =	vor.u32 v12, v48;
	v37 =	vld.idx.msk [tilespmem:v47+s30+$0x0], $0xffff;
	[tilespmem:v22+s0+$0x0] =	vst.idx.msk $0xffff, v23;
	v22 =	vand.u32 $0x3F, v53;
	v23 =	vadd.s32 s18, v13  }
0x249: {  	v61 =	vadd.s32 s16, v14;
	v19 =	vld.idx.msk [tilespmem:v19+s30+$0x0], $0xffff;
	v54 =	vor.u32 v22, v18;
	v23 =	vand.u32 $0x3F, v23  }
0x24a: {  	[tilespmem:v32+s0+$0x0] =	vst.idx.msk $0xffff, v33;
	v57 =	vand.u32 $0x3F, v56;
	v62 =	vand.u32 $0x3F, v61;
	v18 =	vor.u32 v23, v18  }
0x24b: {  	v59 =	vor.u32 v57, v17;
	v43 =	vshll.u32 v62, $0x7;
	v39 =	vshll.u32 v39, $0x7;
	[tilespmem:v26+s0+$0x0] =	vst.idx.msk $0xffff, v27  }
0x24c: {  	v26 =	vor.u32 v13, v39;
	v27 =	vand.u32 $0x3F, v52;
	v22 =	vshll.u32 v22, $0x7;
	v20 =	vld.idx.msk [tilespmem:v20+s30+$0x0], $0xffff;
	[tilespmem:v24+s0+$0x0] =	vst.idx.msk $0xffff, v25  }
0x24d: {  	v24 =	vor.u32 v27, v17;
	v25 =	vor.u32 v13, v36;
	v58 =	vld.idx.msk [tilespmem:v40+s30+$0x0], $0xffff;
	[tilespmem:v21+s0+$0x0] =	vst.idx.msk $0xffff, v37  }
0x24e: {  	v22 =	vor.u32 v13, v22;
	v21 =	vld.idx.msk [tilespmem:v54+s30+$0x0], $0xffff;
	[tilespmem:v55+s0+$0x0] =	vst.idx.msk $0xffff, v19;
	v19 =	vshll.u32 v23, $0x7;
	v23 =	vadd.s32 s18, v14  }
0x24f: {  	v63 =	vor.u32 v62, v17;
	v18 =	vld.idx.msk [tilespmem:v18+s30+$0x0], $0xffff;
	v19 =	vor.u32 v13, v19;
	v23 =	vand.u32 $0x3F, v23  }
0x250: {  	[tilespmem:v30+s0+$0x0] =	vst.idx.msk $0xffff, v29;
	v27 =	vshll.u32 v27, $0x7;
	v36 =	vor.u32 v14, v43;
	v17 =	vor.u32 v23, v17  }
0x251: {  	v27 =	vor.u32 v14, v27;
	[tilespmem:v26+s0+$0x0] =	vst.idx.msk $0xffff, v20;
	v20 =	vand.u32 $0x3F, v60;
	v26 =	vadd.s32 s6, v15  }
0x252: {  	v24 =	vld.idx.msk [tilespmem:v24+s30+$0x0], $0xffff;
	v42 =	vor.u32 v20, v16;
	v26 =	vand.u32 $0x3F, v26;
	[tilespmem:v25+s0+$0x0] =	vst.idx.msk $0xffff, v58;
	v25 =	vshll.u32 v57, $0x7  }
0x253: {  	v44 =	vor.u32 v26, v16;
	v33 =	vld.idx.msk [tilespmem:v59+s30+$0x0], $0xffff;
	v25 =	vor.u32 v14, v25;
	[tilespmem:v22+s0+$0x0] =	vst.idx.msk $0xffff, v21  }
0x254: {  	v22 =	vand.u32 $0x3F, v45;
	v21 =	vld.idx.msk [tilespmem:v63+s30+$0x0], $0xffff;
	[tilespmem:v19+s0+$0x0] =	vst.idx.msk $0xffff, v18;
	v18 =	vshll.u32 v23, $0x7;
	v19 =	vadd.s32 s18, v15  }
0x255: {  	v23 =	vor.u32 v22, v16;
	v17 =	vld.idx.msk [tilespmem:v17+s30+$0x0], $0xffff;
	v18 =	vor.u32 v14, v18;
	v19 =	vand.u32 $0x3F, v19  }
0x256: {  	v28 =	vor.u32 v15, v28;
	v30 =	vld.idx.msk [tilespmem:v31+s30+$0x0], $0xffff;
	v35 =	vshll.u32 v38, $0x7;
	v16 =	vor.u32 v19, v16  }
0x257: {  	v34 =	vld.idx.msk [tilespmem:v34+s30+$0x0], $0xffff;
	v29 =	vor.u32 v15, v35;
	v20 =	vshll.u32 v20, $0x7;
	[tilespmem:v27+s0+$0x0] =	vst.idx.msk $0xffff, v24  }
0x258: {  	v20 =	vor.u32 v15, v20;
	v24 =	vld.idx.msk [tilespmem:v42+s30+$0x0], $0xffff;
	[tilespmem:v25+s0+$0x0] =	vst.idx.msk $0xffff, v33;
	v25 =	vshll.u32 v26, $0x7  }
0x259: {  	v26 =	vld.idx.msk [tilespmem:v44+s30+$0x0], $0xffff;
	v25 =	vor.u32 v15, v25;
	[tilespmem:v36+s0+$0x0] =	vst.idx.msk $0xffff, v21;
	v21 =	vshll.u32 v22, $0x7  }
0x25a: {  	v22 =	vld.idx.msk [tilespmem:v23+s30+$0x0], $0xffff;
	[tilespmem:v18+s0+$0x0] =	vst.idx.msk $0xffff, v17;
	v17 =	vor.u32 v15, v21;
	v18 =	vshll.u32 v19, $0x7  }
0x25b: {  	[tilespmem:v28+s0+$0x0] =	vst.idx.msk $0xffff, v30;
	v16 =	vld.idx.msk [tilespmem:v16+s30+$0x0], $0xffff;
	v18 =	vor.u32 v15, v18  }
0x25c: {  	[tilespmem:v29+s0+$0x0] =	vst.idx.msk $0xffff, v34  }
0x25d: {  	s3 =	sshll.u32 s3, $0x12;
	[tilespmem:v20+s0+$0x0] =	vst.idx.msk $0xffff, v24  }
0x25e: {  	s3 =	sor.u32 s4, s3;
	[tilespmem:v25+s0+$0x0] =	vst.idx.msk $0xffff, v26  }
0x25f: {  	s3 =	sshrl.u32 s3, $0x3;
	[tilespmem:v17+s0+$0x0] =	vst.idx.msk $0xffff, v22  }
0x260: {  	s3 =	sadd.s32 s1, s3;
	[tilespmem:v18+s0+$0x0] =	vst.idx.msk $0xffff, v16  }
0x261: {  	[hbm4b:s3+s8] =	stream.strided.scatter [tilespmem:s0], [sflag:$0x7], $0x2000, s9, s8, $0x38;
	[tilespmem:$0x1E600] =	vst v63  }
0x262: {  	v16 =	vld @!p1 [tilespmem:s14+$0x300];
	_ =	sdelay $0x4  }
0x263: {  	v16 =	vshrl.u32 @!p1 v16, $0x1  }
0x264: {  	[tilespmem:$0x6500] =	vst @!p1 v16  }
0x265: {  	v16 =	vld @!p1 [tilespmem:s14+$0x310];
	_ =	sdelay $0x4  }
0x266: {  	v16 =	vshrl.u32 @!p1 v16, $0x1  }
0x267: {  	[tilespmem:$0x6510] =	vst @!p1 v16  }
0x268: {  	v16 =	vld @!p1 [tilespmem:s14+$0x320];
	_ =	sdelay $0x4  }
0x269: {  	v16 =	vshrl.u32 @!p1 v16, $0x1  }
0x26a: {  	[tilespmem:$0x6520] =	vst @!p1 v16  }
0x26b: {  	v16 =	vld @!p1 [tilespmem:s14+$0x330];
	_ =	sdelay $0x4  }
0x26c: {  	v16 =	vshrl.u32 @!p1 v16, $0x1  }
0x26d: {  	[tilespmem:$0x6530] =	vst @!p1 v16  }
0x26e: {  	v16 =	vld @!p1 [tilespmem:s14+$0x340];
	_ =	sdelay $0x4  }
0x26f: {  	v16 =	vshrl.u32 @!p1 v16, $0x1  }
0x270: {  	[tilespmem:$0x6540] =	vst @!p1 v16  }
0x271: {  	v16 =	vld @!p1 [tilespmem:s14+$0x350];
	_ =	sdelay $0x4  }
0x272: {  	v16 =	vshrl.u32 @!p1 v16, $0x1  }
0x273: {  	[tilespmem:$0x6550] =	vst @!p1 v16  }
0x274: {  	v16 =	vld @!p1 [tilespmem:s14+$0x360];
	_ =	sdelay $0x4  }
0x275: {  	v16 =	vshrl.u32 @!p1 v16, $0x1  }
0x276: {  	[tilespmem:$0x6560] =	vst @!p1 v16  }
0x277: {  	v16 =	vld @!p1 [tilespmem:s14+$0x370];
	_ =	sdelay $0x4  }
0x278: {  	v16 =	vshrl.u32 @!p1 v16, $0x1  }
0x279: {  	s7 =	simm.s32 @!p1 $0xE600;
	s6 =	simm.s32 @!p1 $0x6500;
	s3 =	simm.s32 @!p1 $0x20;
	[tilespmem:$0x6570] =	vst @!p1 v16  }
0x27a: {  	[tilespmem:s7], [sflag:$0x3] =	stream.indirect.gather @!p1 [hbm4b:s5+s3], $0x80, s6, s3, $0xb8;
	[tilespmem:$0x1E600] =	vst v63  }
0x27b: {  	s6 =	simm.s32 @!p1 $0x6520;
	s7 =	simm.s32 @!p1 $0xF600  }
0x27c: {  	[tilespmem:s7], [sflag:$0x3] =	stream.indirect.gather @!p1 [hbm4b:s5+s3], $0x80, s6, s3, $0xb8;
	[tilespmem:$0x1E600] =	vst v63  }
0x27d: {  	s6 =	simm.s32 @!p1 $0x6540;
	s7 =	simm.s32 @!p1 $0x10600  }
0x27e: {  	[tilespmem:s7], [sflag:$0x3] =	stream.indirect.gather @!p1 [hbm4b:s5+s3], $0x80, s6, s3, $0xb8;
	[tilespmem:$0x1E600] =	vst v63  }
0x27f: {  	s6 =	simm.s32 @!p1 $0x6560;
	s7 =	simm.s32 @!p1 $0x11600  }
0x280: {  	[tilespmem:s7], [sflag:$0x3] =	stream.indirect.gather @!p1 [hbm4b:s5+s3], $0x80, s6, s3, $0xb8;
	[tilespmem:$0x1E600] =	vst v63  }
0x281: {  	_ =	swait.ge [sflag:s2], $0x1000  }
0x282: {  	[sflag:s2] =	ssyncset.done $0x0  }
0x283: {  	[sflag:s2] =	ssyncadd.s32 $0xFFFFF000  }
0x284: {  	_ =	swait.ge [sflag:s2], $0x1000  }
0x285: {  	[sflag:s2] =	ssyncset.done $0x0  }
0x286: {  	[sflag:s2] =	ssyncadd.s32 $0xFFFFF000  }
0x287: {  	_ =	swait.ge [sflag:s2], $0x1000  }
0x288: {  	[sflag:s2] =	ssyncset.done $0x0  }
0x289: {  	[sflag:s2] =	ssyncadd.s32 $0xFFFFF000  }
0x28a: {  	_ =	swait.ge [sflag:s2], $0x1000  }
0x28b: {  	[sflag:s2] =	ssyncset.done $0x0  }
0x28c: {  	s6 =	simm.s32 @!p0 $0x8;
	[sflag:s2] =	ssyncadd.s32 $0xFFFFF000  }
0x28d: {  	s3 =	sor.u32 $0x3, s15;
	_ =	swait.ge @!p0 [sflag:s6], $0x2000  }
0x28e: {  	s19 =	sshll.u32 s3, $0x7;
	[sflag:s6] =	ssyncset.done @!p0 $0x0  }
0x28f: {  	s15 =	sand.u32 $0x3FFFFF80, s19;
	[sflag:s6] =	ssyncadd.s32 @!p0 $0xFFFFE000  }
0x290: {  	v16 =	vld [tilespmem:s15+$0x0];
	_ =	sdelay $0x4  }
0x291: {  	s16 =	simm.s32 $0x0;
	v17 =	vld [tilespmem:s15+$0x10];
	v16 =	vshll.u32 v16, $0x6  }
0x292: {  	v18 =	vadd.s32 s16, v0;
	s19 =	simm.s32 $0x1;
	v16 =	vand.u32 $0x40, v16  }
0x293: {  	v24 =	vand.u32 $0x3F, v18;
	v20 =	vor.u32 v1, v16;
	v16 =	vadd.s32 s19, v0  }
0x294: {  	v19 =	vld [tilespmem:s15+$0x20];
	v18 =	vor.u32 v24, v20;
	v26 =	vand.u32 $0x3F, v16  }
0x295: {  	v22 =	vld [tilespmem:s15+$0x30];
	v16 =	vor.u32 v26, v20  }
0x296: {  	v25 =	vld [tilespmem:s15+$0x40];
	v17 =	vshll.u32 v17, $0x6  }
0x297: {  	v51 =	vadd.s32 s16, v10;
	v23 =	vadd.s32 s16, v9;
	v48 =	vld [tilespmem:s15+$0x60];
	v17 =	vand.u32 $0x40, v17  }
0x298: {  	v28 =	vshll.u32 v24, $0x7;
	v27 =	vadd.s32 s19, v9;
	v50 =	vld [tilespmem:s15+$0x70];
	v21 =	vor.u32 v2, v17  }
0x299: {  	v17 =	vand.u32 $0x3F, v23;
	v23 =	vor.u32 v0, v28;
	v29 =	vshll.u32 v26, $0x7;
	v18 =	vld.idx.msk [tilespmem:v18+s17+$0x0], $0xffff  }
0x29a: {  	v27 =	vand.u32 $0x3F, v27;
	s6 =	simm.s32 $0x3;
	v30 =	vor.u32 v17, v21;
	v31 =	vor.u32 v0, v29;
	v16 =	vld.idx.msk [tilespmem:v16+s17+$0x0], $0xffff  }
0x29b: {  	v37 =	vand.u32 $0x3F, v51;
	v61 =	vadd.s32 s6, v0;
	v47 =	vor.u32 v27, v21  }
0x29c: {  	v19 =	vshll.u32 v19, $0x6;
	v49 =	vshll.u32 v22, $0x6;
	v25 =	vshll.u32 v25, $0x6  }
0x29d: {  	v53 =	vshll.u32 v48, $0x6;
	v54 =	vshll.u32 v50, $0x6;
	v48 =	vadd.s32 s16, v13  }
0x29e: {  	v46 =	vld [tilespmem:s15+$0x50];
	v19 =	vand.u32 $0x40, v19;
	v25 =	vand.u32 $0x40, v25;
	v17 =	vshll.u32 v17, $0x7;
	[tilespmem:v23+s12+$0x0] =	vst.idx.msk $0xffff, v18  }
0x29f: {  	v32 =	vand.u32 $0x40, v53;
	v18 =	vld.idx.msk [tilespmem:v30+s17+$0x0], $0xffff;
	[tilespmem:v31+s12+$0x0] =	vst.idx.msk $0xffff, v16;
	v16 =	vor.u32 v9, v17;
	v17 =	vshll.u32 v27, $0x7  }
0x2a0: {  	v22 =	vor.u32 v3, v19;
	v19 =	vadd.s32 s19, v10;
	v30 =	vld.idx.msk [tilespmem:v47+s17+$0x0], $0xffff;
	v17 =	vor.u32 v9, v17  }
0x2a1: {  	v34 =	vand.u32 $0x40, v54;
	v27 =	vor.u32 v37, v22;
	v31 =	vand.u32 $0x3F, v19  }
0x2a2: {  	v54 =	vadd.s32 s6, v9;
	v28 =	vor.u32 v12, v28;
	v52 =	vor.u32 v31, v22  }
0x2a3: {  	v42 =	vand.u32 $0x3F, v54;
	v23 =	vshll.u32 v46, $0x6;
	v19 =	vand.u32 $0x40, v49  }
0x2a4: {  	v55 =	vand.u32 $0x40, v23;
	v23 =	vor.u32 v4, v19;
	[tilespmem:v16+s12+$0x0] =	vst.idx.msk $0xffff, v18;
	v16 =	vshll.u32 v37, $0x7  }
0x2a5: {  	v19 =	vor.u32 v5, v25;
	v18 =	vadd.s32 s16, v11;
	[tilespmem:v17+s12+$0x0] =	vst.idx.msk $0xffff, v30;
	v30 =	vor.u32 v10, v16  }
0x2a6: {  	v25 =	vld.idx.msk [tilespmem:v27+s17+$0x0], $0xffff;
	v16 =	vshll.u32 v31, $0x7;
	v31 =	vand.u32 $0x3F, v18;
	v17 =	vadd.s32 s19, v11  }
0x2a7: {  	v33 =	vld.idx.msk [tilespmem:v52+s17+$0x0], $0xffff;
	v56 =	vor.u32 v10, v16;
	v57 =	vor.u32 v31, v23;
	v58 =	vand.u32 $0x3F, v17  }
0x2a8: {  	s7 =	simm.s32 $0x2;
	v29 =	vor.u32 v12, v29;
	v51 =	vor.u32 v24, v19;
	v59 =	vor.u32 v58, v23  }
0x2a9: {  	v18 =	vor.u32 v6, v55;
	v55 =	vadd.s32 s7, v10;
	v16 =	vadd.s32 s7, v0  }
0x2aa: {  	v17 =	vor.u32 v7, v32;
	v27 =	vand.u32 $0x3F, v16;
	v62 =	vshll.u32 v58, $0x7  }
0x2ab: {  	v60 =	vor.u32 v27, v20;
	[tilespmem:v30+s12+$0x0] =	vst.idx.msk $0xffff, v25;
	v30 =	vshll.u32 v31, $0x7;
	v25 =	vand.u32 $0x3F, v61  }
0x2ac: {  	v30 =	vor.u32 v11, v30;
	[tilespmem:v56+s12+$0x0] =	vst.idx.msk $0xffff, v33;
	v63 =	vld.idx.msk [tilespmem:v57+s17+$0x0], $0xffff;
	v50 =	vor.u32 v25, v20  }
0x2ad: {  	v52 =	vor.u32 v26, v19;
	v26 =	vshll.u32 v27, $0x7;
	v33 =	vor.u32 v11, v62;
	v35 =	vld.idx.msk [tilespmem:v59+s17+$0x0], $0xffff  }
0x2ae: {  	v16 =	vor.u32 v8, v34;
	v58 =	vadd.s32 s19, v13;
	v53 =	vor.u32 v0, v26  }
0x2af: {  	v31 =	vadd.s32 s7, v9;
	v61 =	vand.u32 $0x3F, v55;
	v55 =	vadd.s32 s19, v14  }
0x2b0: {  	v31 =	vand.u32 $0x3F, v31;
	v24 =	vshll.u32 v25, $0x7;
	v57 =	vand.u32 $0x3F, v48;
	v32 =	vld.idx.msk [tilespmem:v60+s17+$0x0], $0xffff  }
0x2b1: {  	v49 =	vor.u32 v31, v21;
	v56 =	vor.u32 v0, v24;
	[tilespmem:v30+s12+$0x0] =	vst.idx.msk $0xffff, v63;
	v36 =	vld.idx.msk [tilespmem:v50+s17+$0x0], $0xffff  }
0x2b2: {  	v59 =	vor.u32 v57, v18;
	v30 =	vor.u32 v42, v21;
	[tilespmem:v33+s12+$0x0] =	vst.idx.msk $0xffff, v35;
	v37 =	vld.idx.msk [tilespmem:v51+s17+$0x0], $0xffff  }
0x2b3: {  	v34 =	vshll.u32 v57, $0x7;
	v31 =	vshll.u32 v31, $0x7;
	v60 =	vand.u32 $0x3F, v58;
	v38 =	vld.idx.msk [tilespmem:v52+s17+$0x0], $0xffff  }
0x2b4: {  	v34 =	vor.u32 v13, v34;
	v31 =	vor.u32 v9, v31;
	v62 =	vor.u32 v60, v18  }
0x2b5: {  	v63 =	vor.u32 v61, v22;
	v42 =	vshll.u32 v42, $0x7;
	[tilespmem:v53+s12+$0x0] =	vst.idx.msk $0xffff, v32;
	v52 =	vadd.s32 s6, v10  }
0x2b6: {  	v50 =	vadd.s32 s16, v14;
	v42 =	vor.u32 v9, v42;
	v40 =	vld.idx.msk [tilespmem:v49+s17+$0x0], $0xffff;
	v41 =	vand.u32 $0x3F, v52;
	[tilespmem:v56+s12+$0x0] =	vst.idx.msk $0xffff, v36  }
0x2b7: {  	v61 =	vshll.u32 v61, $0x7;
	v53 =	vand.u32 $0x3F, v50;
	v54 =	vor.u32 v41, v22;
	v30 =	vld.idx.msk [tilespmem:v30+s17+$0x0], $0xffff;
	[tilespmem:v28+s12+$0x0] =	vst.idx.msk $0xffff, v37  }
0x2b8: {  	v51 =	vadd.s32 s7, v11;
	v56 =	vor.u32 v53, v17;
	v28 =	vshll.u32 v60, $0x7;
	v33 =	vld.idx.msk [tilespmem:v59+s17+$0x0], $0xffff;
	[tilespmem:v29+s12+$0x0] =	vst.idx.msk $0xffff, v38  }
0x2b9: {  	v36 =	vand.u32 $0x3F, v51;
	v28 =	vor.u32 v13, v28;
	v29 =	vand.u32 $0x3F, v55;
	v57 =	vld.idx.msk [tilespmem:v62+s17+$0x0], $0xffff  }
0x2ba: {  	s15 =	simm.s32 $0x4;
	v44 =	vor.u32 v10, v61;
	v35 =	vor.u32 v36, v23;
	v58 =	vor.u32 v29, v17  }
0x2bb: {  	v60 =	vadd.s32 s15, v0;
	v59 =	vshll.u32 v53, $0x7;
	[tilespmem:v31+s12+$0x0] =	vst.idx.msk $0xffff, v40;
	v31 =	vadd.s32 s16, v15  }
0x2bc: {  	v32 =	vor.u32 v14, v59;
	v62 =	vshll.u32 v41, $0x7;
	v43 =	vld.idx.msk [tilespmem:v63+s17+$0x0], $0xffff;
	v63 =	vadd.s32 s6, v11;
	[tilespmem:v42+s12+$0x0] =	vst.idx.msk $0xffff, v30  }
0x2bd: {  	v41 =	vor.u32 v10, v62;
	v38 =	vand.u32 $0x3F, v31;
	v40 =	vand.u32 $0x3F, v63;
	v39 =	vld.idx.msk [tilespmem:v54+s17+$0x0], $0xffff;
	[tilespmem:v34+s12+$0x0] =	vst.idx.msk $0xffff, v33  }
0x2be: {  	v31 =	vshll.u32 v29, $0x7;
	v42 =	vor.u32 v40, v23;
	v30 =	vadd.s32 s19, v15;
	v33 =	vld.idx.msk [tilespmem:v56+s17+$0x0], $0xffff;
	[tilespmem:v28+s12+$0x0] =	vst.idx.msk $0xffff, v57  }
0x2bf: {  	v34 =	vor.u32 v38, v16;
	v28 =	vand.u32 $0x3F, v30;
	v30 =	vor.u32 v14, v31;
	v29 =	vld.idx.msk [tilespmem:v58+s17+$0x0], $0xffff  }
0x2c0: {  	s18 =	simm.s32 $0x6;
	v37 =	vand.u32 $0x3F, v60;
	s16 =	simm.s32 $0x5;
	v31 =	vor.u32 v28, v16  }
.LBB2_9:
0x2c1: {  	p0 =	slt.u32 s18, $0x3E;
	v45 =	vor.u32 v37, v20;
	v46 =	vadd.s32 s16, v0;
	[tilespmem:v44+s12+$0x0] =	vst.idx.msk $0xffff, v43;
	v36 =	vshll.u32 v36, $0x7  }
0x2c2: {  	v43 =	vadd.s32 s15, v9;
	v44 =	vand.u32 $0x3F, v46;
	v35 =	vld.idx.msk [tilespmem:v35+s17+$0x0], $0xffff;
	v36 =	vor.u32 v11, v36;
	[tilespmem:v41+s12+$0x0] =	vst.idx.msk $0xffff, v39  }
0x2c3: {  	v40 =	vshll.u32 v40, $0x7;
	v39 =	vor.u32 v44, v20;
	v41 =	vld.idx.msk [tilespmem:v42+s17+$0x0], $0xffff;
	[tilespmem:v32+s12+$0x0] =	vst.idx.msk $0xffff, v33;
	v32 =	vshll.u32 v38, $0x7  }
0x2c4: {  	v33 =	vor.u32 v27, v19;
	v38 =	vor.u32 v11, v40;
	v34 =	vld.idx.msk [tilespmem:v34+s17+$0x0], $0xffff;
	[tilespmem:v30+s12+$0x0] =	vst.idx.msk $0xffff, v29  }
0x2c5: {  	v42 =	vshll.u32 v28, $0x7;
	v29 =	vor.u32 v25, v19;
	v30 =	vor.u32 v15, v32;
	v25 =	vmovc v44;
	v31 =	vld.idx.msk [tilespmem:v31+s17+$0x0], $0xffff  }
0x2c6: {  	v28 =	vand.u32 $0x3F, v43;
	v27 =	vmovc v37;
	v32 =	vadd.s32 s7, v13;
	v40 =	vor.u32 v15, v42  }
0x2c7: {  	v43 =	vor.u32 v12, v26;
	v42 =	vor.u32 v28, v21;
	v26 =	vshll.u32 v27, $0x7;
	v37 =	vld.idx.msk [tilespmem:v45+s17+$0x0], $0xffff  }
0x2c8: {  	v46 =	vadd.s32 s16, v9;
	v44 =	vor.u32 v0, v26;
	v45 =	vshll.u32 v25, $0x7;
	v39 =	vld.idx.msk [tilespmem:v39+s17+$0x0], $0xffff;
	[tilespmem:v36+s12+$0x0] =	vst.idx.msk $0xffff, v35  }
0x2c9: {  	v46 =	vand.u32 $0x3F, v46;
	v35 =	vadd.s32 s15, v10;
	v36 =	vor.u32 v0, v45;
	v33 =	vld.idx.msk [tilespmem:v33+s17+$0x0], $0xffff;
	[tilespmem:v38+s12+$0x0] =	vst.idx.msk $0xffff, v41  }
0x2ca: {  	v32 =	vand.u32 $0x3F, v32;
	v38 =	vor.u32 v46, v21;
	v41 =	vadd.s32 s6, v13;
	v29 =	vld.idx.msk [tilespmem:v29+s17+$0x0], $0xffff;
	[tilespmem:v30+s12+$0x0] =	vst.idx.msk $0xffff, v34  }
0x2cb: {  	v30 =	vor.u32 v32, v18;
	v34 =	vor.u32 v12, v24;
	v41 =	vand.u32 $0x3F, v41;
	[tilespmem:v40+s12+$0x0] =	vst.idx.msk $0xffff, v31  }
0x2cc: {  	v24 =	vmov v45;
	v31 =	vand.u32 $0x3F, v35;
	v35 =	vor.u32 v41, v18  }
0x2cd: {  	v32 =	vshll.u32 v32, $0x7;
	v40 =	vadd.s32 s7, v14;
	[tilespmem:v44+s12+$0x0] =	vst.idx.msk $0xffff, v37;
	v37 =	vor.u32 v31, v22  }
0x2ce: {  	v28 =	vshll.u32 v28, $0x7;
	v45 =	vor.u32 v13, v32;
	v44 =	vadd.s32 s15, v11;
	v42 =	vld.idx.msk [tilespmem:v42+s17+$0x0], $0xffff;
	[tilespmem:v36+s12+$0x0] =	vst.idx.msk $0xffff, v39  }
0x2cf: {  	v28 =	vor.u32 v9, v28;
	v36 =	vshll.u32 v46, $0x7;
	v32 =	vld.idx.msk [tilespmem:v38+s17+$0x0], $0xffff;
	v38 =	vadd.s32 s16, v10;
	[tilespmem:v43+s12+$0x0] =	vst.idx.msk $0xffff, v33  }
0x2d0: {  	v39 =	vand.u32 $0x3F, v40;
	v33 =	vor.u32 v9, v36;
	v38 =	vand.u32 $0x3F, v38;
	v30 =	vld.idx.msk [tilespmem:v30+s17+$0x0], $0xffff;
	[tilespmem:v34+s12+$0x0] =	vst.idx.msk $0xffff, v29  }
0x2d1: {  	v36 =	vadd.s32 s6, v14;
	v29 =	vor.u32 v38, v22;
	v34 =	vld.idx.msk [tilespmem:v35+s17+$0x0], $0xffff;
	v35 =	vshll.u32 v41, $0x7  }
0x2d2: {  	v46 =	vor.u32 v39, v17;
	v48 =	vand.u32 $0x3F, v36;
	v47 =	vor.u32 v13, v35  }
0x2d3: {  	v36 =	vand.u32 $0x3F, v44;
	v49 =	vor.u32 v48, v17  }
0x2d4: {  	v35 =	vor.u32 v36, v23;
	[tilespmem:v28+s12+$0x0] =	vst.idx.msk $0xffff, v42;
	v28 =	vshll.u32 v39, $0x7;
	v42 =	vadd.s32 s7, v15;
	s7 =	smov.u32 s15;
	s15 =	smov.u32 s18  }
0x2d5: {  	v50 =	vadd.s32 s18, v0;
	v31 =	vshll.u32 v31, $0x7;
	v43 =	vld.idx.msk [tilespmem:v37+s17+$0x0], $0xffff;
	[tilespmem:v33+s12+$0x0] =	vst.idx.msk $0xffff, v32;
	v32 =	vor.u32 v14, v28  }
.Ltmp5:
0x2d6: {  	v44 =	vor.u32 v10, v31;
	v28 =	vshll.u32 v38, $0x7;
	v39 =	vld.idx.msk [tilespmem:v29+s17+$0x0], $0xffff;
	v29 =	vadd.s32 s16, v11;
	[tilespmem:v45+s12+$0x0] =	vst.idx.msk $0xffff, v30;
	(pc) =	sbr.rel @p0 .LBB2_9-.Ltmp5, $4  }
0x2d7: {  	v38 =	vand.u32 $0x3F, v42;
	v41 =	vor.u32 v10, v28;
	v40 =	vand.u32 $0x3F, v29;
	v33 =	vld.idx.msk [tilespmem:v46+s17+$0x0], $0xffff;
	[tilespmem:v47+s12+$0x0] =	vst.idx.msk $0xffff, v34  }
0x2d8: {  	v31 =	vadd.s32 s6, v15;
	s6 =	smov.u32 s16;
	v28 =	vshll.u32 v48, $0x7;
	v42 =	vor.u32 v40, v23;
	v29 =	vld.idx.msk [tilespmem:v49+s17+$0x0], $0xffff  }
0x2d9: {  	v34 =	vor.u32 v38, v16;
	v30 =	vor.u32 v14, v28;
	v28 =	vand.u32 $0x3F, v31  }
0x2da: {  	s18 =	sadd.s32 $0x2, s18;
	v37 =	vand.u32 $0x3F, v50;
	s16 =	sadd.s32 $0x1, s15;
	v31 =	vor.u32 v28, v16  }
0x2db: {  	v45 =	vadd.s32 s16, v0  }
0x2dc: {  	v46 =	vor.u32 v37, v20;
	v45 =	vand.u32 $0x3F, v45  }
0x2dd: {  	v58 =	vor.u32 v45, v20;
	_ =	sdelay $0x2  }
0x2de: {  	v47 =	vadd.s32 s15, v9;
	v48 =	vshll.u32 v37, $0x7;
	v51 =	vadd.s32 s16, v9  }
0x2df: {  	v47 =	vand.u32 $0x3F, v47;
	v49 =	vor.u32 v0, v48;
	v50 =	vshll.u32 v45, $0x7;
	v46 =	vld.idx.msk [tilespmem:v46+s17+$0x0], $0xffff  }
0x2e0: {  	v51 =	vand.u32 $0x3F, v51;
	v52 =	vor.u32 v47, v21;
	v53 =	vor.u32 v0, v50;
	v20 =	vld.idx.msk [tilespmem:v58+s17+$0x0], $0xffff  }
0x2e1: {  	v59 =	vor.u32 v51, v21;
	_ =	sdelay $0x2  }
0x2e2: {  	v54 =	vadd.s32 s15, v10;
	v62 =	vadd.s32 s16, v10;
	v47 =	vshll.u32 v47, $0x7;
	[tilespmem:v49+s12+$0x0] =	vst.idx.msk $0xffff, v46  }
0x2e3: {  	v61 =	vshll.u32 v51, $0x7;
	v60 =	vor.u32 v9, v47;
	v46 =	vand.u32 $0x3F, v54;
	v49 =	vld.idx.msk [tilespmem:v52+s17+$0x0], $0xffff;
	[tilespmem:v53+s12+$0x0] =	vst.idx.msk $0xffff, v20  }
0x2e4: {  	v51 =	vand.u32 $0x3F, v62;
	v47 =	vor.u32 v9, v61;
	v63 =	vor.u32 v46, v22;
	v21 =	vld.idx.msk [tilespmem:v59+s17+$0x0], $0xffff  }
0x2e5: {  	v56 =	vor.u32 v51, v22;
	_ =	sdelay $0x1  }
0x2e6: {  	v36 =	vshll.u32 v36, $0x7;
	[tilespmem:v44+s12+$0x0] =	vst.idx.msk $0xffff, v43;
	v57 =	vadd.s32 s15, v11  }
0x2e7: {  	v36 =	vor.u32 v11, v36;
	v58 =	vld.idx.msk [tilespmem:v35+s17+$0x0], $0xffff;
	v59 =	vand.u32 $0x3F, v57;
	[tilespmem:v60+s12+$0x0] =	vst.idx.msk $0xffff, v49;
	v60 =	vshll.u32 v46, $0x7  }
0x2e8: {  	v49 =	vadd.s32 s16, v11;
	v61 =	vld.idx.msk [tilespmem:v63+s17+$0x0], $0xffff;
	v62 =	vor.u32 v10, v60;
	v63 =	vshll.u32 v51, $0x7;
	[tilespmem:v47+s12+$0x0] =	vst.idx.msk $0xffff, v21  }
0x2e9: {  	v51 =	vor.u32 v59, v23;
	v46 =	vand.u32 $0x3F, v49;
	v43 =	vor.u32 v10, v63;
	v22 =	vld.idx.msk [tilespmem:v56+s17+$0x0], $0xffff  }
0x2ea: {  	v52 =	vor.u32 v46, v23  }
0x2eb: {  	v27 =	vor.u32 v27, v19;
	[tilespmem:v41+s12+$0x0] =	vst.idx.msk $0xffff, v39;
	v53 =	vshll.u32 v40, $0x7  }
0x2ec: {  	v25 =	vor.u32 v25, v19;
	v54 =	vld.idx.msk [tilespmem:v42+s17+$0x0], $0xffff;
	[tilespmem:v36+s12+$0x0] =	vst.idx.msk $0xffff, v58;
	v55 =	vor.u32 v11, v53  }
0x2ed: {  	v26 =	vor.u32 v12, v26;
	v24 =	vor.u32 v12, v24;
	v56 =	vshll.u32 v59, $0x7;
	[tilespmem:v62+s12+$0x0] =	vst.idx.msk $0xffff, v61  }
0x2ee: {  	v58 =	vshll.u32 v46, $0x7;
	v21 =	vor.u32 v11, v56;
	v57 =	vld.idx.msk [tilespmem:v51+s17+$0x0], $0xffff;
	[tilespmem:v43+s12+$0x0] =	vst.idx.msk $0xffff, v22  }
0x2ef: {  	v28 =	vshll.u32 v28, $0x7;
	v60 =	vor.u32 v37, v19;
	v22 =	vor.u32 v11, v58;
	v23 =	vld.idx.msk [tilespmem:v52+s17+$0x0], $0xffff  }
0x2f0: {  	v49 =	vor.u32 v12, v48;
	v47 =	vadd.s32 s15, v13;
	v62 =	vor.u32 v45, v19  }
0x2f1: {  	v27 =	vld.idx.msk [tilespmem:v27+s17+$0x0], $0xffff;
	[tilespmem:v55+s12+$0x0] =	vst.idx.msk $0xffff, v54;
	v54 =	vor.u32 v12, v50;
	v55 =	vadd.s32 s6, v14;
	v59 =	vadd.s32 s7, v13  }
0x2f2: {  	v39 =	vand.u32 $0x3F, v59;
	v59 =	vand.u32 $0x3F, v55;
	v61 =	vadd.s32 s6, v13  }
0x2f3: {  	v25 =	vld.idx.msk [tilespmem:v25+s17+$0x0], $0xffff;
	v63 =	vor.u32 v39, v18;
	v39 =	vshll.u32 v39, $0x7;
	v44 =	vand.u32 $0x3F, v61;
	[tilespmem:v21+s12+$0x0] =	vst.idx.msk $0xffff, v57  }
0x2f4: {  	v51 =	vand.u32 $0x3F, v47;
	v40 =	vor.u32 v44, v18;
	v52 =	vadd.s32 s16, v13;
	v37 =	vld.idx.msk [tilespmem:v60+s17+$0x0], $0xffff;
	[tilespmem:v22+s12+$0x0] =	vst.idx.msk $0xffff, v23  }
0x2f5: {  	v48 =	vshll.u32 v59, $0x7;
	v53 =	vor.u32 v51, v18;
	v23 =	vand.u32 $0x3F, v52;
	v19 =	vld.idx.msk [tilespmem:v62+s17+$0x0], $0xffff  }
0x2f6: {  	[tilespmem:v26+s12+$0x0] =	vst.idx.msk $0xffff, v27;
	v45 =	vadd.s32 s7, v14;
	v26 =	vor.u32 v13, v39;
	v56 =	vor.u32 v23, v18  }
0x2f7: {  	[tilespmem:v32+s12+$0x0] =	vst.idx.msk $0xffff, v33;
	v46 =	vand.u32 $0x3F, v45;
	v61 =	vor.u32 v59, v17;
	v36 =	vshll.u32 v44, $0x7  }
0x2f8: {  	v45 =	vadd.s32 s16, v14;
	[tilespmem:v24+s12+$0x0] =	vst.idx.msk $0xffff, v25;
	v27 =	vshll.u32 v46, $0x7;
	v58 =	vor.u32 v13, v36;
	v20 =	vld.idx.msk [tilespmem:v63+s17+$0x0], $0xffff  }
0x2f9: {  	v63 =	vadd.s32 s15, v14;
	v57 =	vor.u32 v46, v17;
	v60 =	vld.idx.msk [tilespmem:v40+s17+$0x0], $0xffff;
	v22 =	vshll.u32 v51, $0x7;
	[tilespmem:v49+s12+$0x0] =	vst.idx.msk $0xffff, v37  }
0x2fa: {  	v43 =	vand.u32 $0x3F, v63;
	v22 =	vor.u32 v13, v22;
	v44 =	vshll.u32 v23, $0x7;
	v21 =	vld.idx.msk [tilespmem:v53+s17+$0x0], $0xffff;
	[tilespmem:v54+s12+$0x0] =	vst.idx.msk $0xffff, v19  }
0x2fb: {  	v46 =	vor.u32 v43, v17;
	v23 =	vand.u32 $0x3F, v45;
	v19 =	vor.u32 v13, v44;
	v18 =	vld.idx.msk [tilespmem:v56+s17+$0x0], $0xffff  }
0x2fc: {  	[tilespmem:v30+s12+$0x0] =	vst.idx.msk $0xffff, v29;
	v25 =	vor.u32 v14, v48;
	v51 =	vshll.u32 v43, $0x7;
	v17 =	vor.u32 v23, v17  }
0x2fd: {  	v27 =	vor.u32 v14, v27;
	v62 =	vadd.s32 s7, v15;
	[tilespmem:v26+s12+$0x0] =	vst.idx.msk $0xffff, v20;
	v36 =	vor.u32 v14, v51  }
0x2fe: {  	v47 =	vand.u32 $0x3F, v62;
	v55 =	vshll.u32 v23, $0x7;
	v24 =	vld.idx.msk [tilespmem:v57+s17+$0x0], $0xffff;
	[tilespmem:v58+s12+$0x0] =	vst.idx.msk $0xffff, v60;
	v49 =	vadd.s32 s6, v15  }
0x2ff: {  	v50 =	vor.u32 v47, v16;
	v33 =	vld.idx.msk [tilespmem:v61+s17+$0x0], $0xffff;
	v26 =	vand.u32 $0x3F, v49;
	v53 =	vadd.s32 s15, v15;
	[tilespmem:v22+s12+$0x0] =	vst.idx.msk $0xffff, v21  }
0x300: {  	v52 =	vor.u32 v26, v16;
	v54 =	vand.u32 $0x3F, v53;
	v56 =	vadd.s32 s16, v15;
	v21 =	vld.idx.msk [tilespmem:v46+s17+$0x0], $0xffff;
	[tilespmem:v19+s12+$0x0] =	vst.idx.msk $0xffff, v18  }
0x301: {  	v57 =	vor.u32 v54, v16;
	v18 =	vor.u32 v14, v55;
	v19 =	vand.u32 $0x3F, v56;
	v17 =	vld.idx.msk [tilespmem:v17+s17+$0x0], $0xffff  }
0x302: {  	v28 =	vor.u32 v15, v28;
	v30 =	vld.idx.msk [tilespmem:v31+s17+$0x0], $0xffff;
	v35 =	vshll.u32 v38, $0x7;
	v16 =	vor.u32 v19, v16  }
0x303: {  	v34 =	vld.idx.msk [tilespmem:v34+s17+$0x0], $0xffff;
	v20 =	vshll.u32 v47, $0x7;
	v58 =	vor.u32 v15, v35;
	[tilespmem:v27+s12+$0x0] =	vst.idx.msk $0xffff, v24  }
0x304: {  	v20 =	vor.u32 v15, v20;
	v59 =	vshll.u32 v26, $0x7;
	v24 =	vld.idx.msk [tilespmem:v50+s17+$0x0], $0xffff;
	[tilespmem:v25+s12+$0x0] =	vst.idx.msk $0xffff, v33  }
0x305: {  	v61 =	vshll.u32 v54, $0x7;
	v25 =	vor.u32 v15, v59;
	v60 =	vld.idx.msk [tilespmem:v52+s17+$0x0], $0xffff;
	[tilespmem:v36+s12+$0x0] =	vst.idx.msk $0xffff, v21  }
0x306: {  	v63 =	vshll.u32 v19, $0x7;
	v62 =	vld.idx.msk [tilespmem:v57+s17+$0x0], $0xffff;
	[tilespmem:v18+s12+$0x0] =	vst.idx.msk $0xffff, v17;
	v17 =	vor.u32 v15, v61  }
0x307: {  	[tilespmem:v28+s12+$0x0] =	vst.idx.msk $0xffff, v30;
	v18 =	vor.u32 v15, v63;
	v16 =	vld.idx.msk [tilespmem:v16+s17+$0x0], $0xffff  }
0x308: {  	[tilespmem:v58+s12+$0x0] =	vst.idx.msk $0xffff, v34  }
.Ltmp6:
0x309: {  	s3 =	sshll.u32 s3, $0x12;
	[tilespmem:v20+s12+$0x0] =	vst.idx.msk $0xffff, v24;
	(pc) =	sbr.rel @p1 .LBB2_12-.Ltmp6, $4  }
0x30a: {  	s3 =	sor.u32 s4, s3;
	[tilespmem:v25+s12+$0x0] =	vst.idx.msk $0xffff, v60  }
0x30b: {  	s3 =	sshrl.u32 s3, $0x3;
	[tilespmem:v17+s12+$0x0] =	vst.idx.msk $0xffff, v62  }
0x30c: {  	s3 =	sadd.s32 s1, s3;
	[tilespmem:v18+s12+$0x0] =	vst.idx.msk $0xffff, v16  }
0x30d: {  	[hbm4b:s3+s8] =	stream.strided.scatter [tilespmem:s12], [sflag:$0x8], $0x2000, s9, s8, $0x38;
	[tilespmem:$0x1E600] =	vst v63  }
0x30e: {  	v16 =	vld [tilespmem:s14+$0x380];
	_ =	sdelay $0x4  }
0x30f: {  	v16 =	vshrl.u32 v16, $0x1  }
0x310: {  	[tilespmem:$0x6580] =	vst v16  }
0x311: {  	v16 =	vld [tilespmem:s14+$0x390];
	_ =	sdelay $0x4  }
0x312: {  	v16 =	vshrl.u32 v16, $0x1  }
0x313: {  	[tilespmem:$0x6590] =	vst v16  }
0x314: {  	v16 =	vld [tilespmem:s14+$0x3A0];
	_ =	sdelay $0x4  }
0x315: {  	v16 =	vshrl.u32 v16, $0x1  }
0x316: {  	[tilespmem:$0x65A0] =	vst v16  }
0x317: {  	v16 =	vld [tilespmem:s14+$0x3B0];
	_ =	sdelay $0x4  }
0x318: {  	v16 =	vshrl.u32 v16, $0x1  }
0x319: {  	[tilespmem:$0x65B0] =	vst v16  }
0x31a: {  	v16 =	vld [tilespmem:s14+$0x3C0];
	_ =	sdelay $0x4  }
0x31b: {  	v16 =	vshrl.u32 v16, $0x1  }
0x31c: {  	[tilespmem:$0x65C0] =	vst v16  }
0x31d: {  	v16 =	vld [tilespmem:s14+$0x3D0];
	_ =	sdelay $0x4  }
0x31e: {  	v16 =	vshrl.u32 v16, $0x1  }
0x31f: {  	[tilespmem:$0x65D0] =	vst v16  }
0x320: {  	v16 =	vld [tilespmem:s14+$0x3E0];
	_ =	sdelay $0x4  }
0x321: {  	v16 =	vshrl.u32 v16, $0x1  }
0x322: {  	[tilespmem:$0x65E0] =	vst v16  }
0x323: {  	v16 =	vld [tilespmem:s14+$0x3F0];
	_ =	sdelay $0x4  }
0x324: {  	v16 =	vshrl.u32 v16, $0x1  }
0x325: {  	s3 =	simm.s32 $0x6580;
	[tilespmem:$0x65F0] =	vst v16  }
0x326: {  	[tilespmem:s17], [sflag:$0x4] =	stream.indirect.gather [hbm4b:s5+s11], $0x80, s3, s11, $0xb8;
	[tilespmem:$0x1E600] =	vst v63  }
0x327: {  	s19 =	simm.s32 $0x65A0;
	s6 =	simm.s32 $0x13600  }
0x328: {  	[tilespmem:s6], [sflag:$0x4] =	stream.indirect.gather [hbm4b:s5+s11], $0x80, s19, s11, $0xb8;
	[tilespmem:$0x1E600] =	vst v63  }
.Ltmp7:
0x329: {  	_ = 	snop;
	(pc) =	sbr.rel .LBB2_2-.Ltmp7, $4  }
0x32a: {  	_ = 	snop  }
0x32b: {  	[tilespmem:s22], [sflag:$0x4] =	stream.indirect.gather [hbm4b:s5+s11], $0x80, s20, s11, $0xb8;
	[tilespmem:$0x1E600] =	vst v63  }
0x32c: {  	s10 =	sadd.s32 $0x1, s10  }
0x32d: {  	[tilespmem:s24], [sflag:$0x4] =	stream.indirect.gather [hbm4b:s5+s11], $0x80, s23, s11, $0xb8;
	[tilespmem:$0x1E600] =	vst v63  }
.LBB2_13:
0x32e: {  	_ =	sfence.sel $0x180000  }
0x32f: {  	[bflag:$0x0] =	sbarrier.arrive $0xFFFF  }
0x330: {  	_ =	strace $0x90000047  }
0x331: {  	s0 =	stileid.u32;
	[bflag:$0x2] =	sbarrier.arrive $0xFFFF  }
0x332: {  	p0 =	sne.s32 s0, $0x0;
	s0 =	rddreg [dreg:$0x3]  }
0x333: {  	s0 =	sadd.s32 @!p0 $0x100000, s0  }
0x334: {  	[sflag:s0] =	ssyncadd.tile.s32 @!p0 $0x1;
	_ =	shalt  }
.Lfunc_end2:
_tile_overlayer_lowered:
.L_overlay_start_2:
0x335: {  	(tag) =	ssettag $0x2  }
0x336: {  	s0 =	rddreg [dreg:$0x0];
	s2 =	stileid.u32  }
0x337: {  	s1 =	rddreg [dreg:$0x1];
	p0 =	sne.s32 s2, $0x0  }
0x338: {  	s3 =	rddreg [dreg:$0x2];
	[bflag:$0x3] =	sbarrier.arrive $0xFFFF;
	s2 =	simm.s32 @!p0 $0x1C09  }
0x339: {  	[timem:s3], [sflag:s2] =	dma.local @!p0 [hbm:s0], s1  }
0x33a: {  	s0 =	simm.s32 @!p0 $0x9  }
0x33b: {  	_ =	swait.ge @!p0 [sflag:s0], s1  }
0x33c: {  	s1 =	ssub.s32 @!p0 $0x0, s1;
	[sflag:s0] =	ssyncset.done @!p0 $0x0  }
0x33d: {  	[sflag:s0] =	ssyncadd.s32 @!p0 s1  }
0x33e: {  	[bflag:$0x3] =	sbarrier.arrive $0xFFFF  }
0x33f: {  	_ =	shalt  }

</sc_bundles>
